<compile_context>
chip_gen: v7x
topology: tpu7x:2x2x1
jax: 0.10.2.dev20260603
libtpu: 0.0.44.dev20260713+nightly
codegen_flags: <defaults>
</compile_context>

<pallas_src>
import functools

import jax
import jax.numpy as jnp
from jax import lax
from jax.experimental import pallas as pl
from jax.experimental.pallas import tpu as pltpu
from jax.experimental.pallas import tpu_sc as plsc

POOL = 7
NSAMP = 2 * POOL
NC, NS = 2, 16
NW = NC * NS
LANES = 16
ROWS_PER_PI = 4 * 2 * NSAMP


def _precompute(rois, img_metas, sizes):
    n = rois.shape[0]
    H = img_metas[0, 6]
    W = img_metas[0, 7]
    y1r, x1r, y2r, x2r = rois[:, 0], rois[:, 1], rois[:, 2], rois[:, 3]
    h = jnp.maximum(0.0, y2r - y1r)
    w = jnp.maximum(0.0, x2r - x1r)
    areas = jnp.sqrt(w * h + 1e-08)
    lvf = jnp.clip(jnp.floor(4.0 + jnp.log(areas / 224.0) / jnp.log(2.0)), 2.0, 5.0)
    lv = lvf.astype(jnp.int32) - 2

    S = jnp.asarray(sizes, jnp.int32)[lv]
    Sf = S.astype(jnp.float32)
    Sm1 = Sf - 1.0
    ln = rois / jnp.stack([H, W, H, W])
    y1n, x1n, y2n, x2n = ln[:, 0], ln[:, 1], ln[:, 2], ln[:, 3]
    i = jnp.arange(NSAMP, dtype=jnp.float32)
    ys = y1n[:, None] * Sm1[:, None] + (i[None, :] / (NSAMP - 1)) * ((y2n - y1n) * Sm1)[:, None]
    xs = x1n[:, None] * Sm1[:, None] + (i[None, :] / (NSAMP - 1)) * ((x2n - x1n) * Sm1)[:, None]
    vy = ((ys >= 0) & (ys <= Sm1[:, None])).astype(jnp.float32)
    vx = ((xs >= 0) & (xs <= Sm1[:, None])).astype(jnp.float32)
    y0f = jnp.clip(jnp.floor(ys), 0, Sm1[:, None])
    x0f = jnp.clip(jnp.floor(xs), 0, Sm1[:, None])
    y0 = y0f.astype(jnp.int32)
    x0 = x0f.astype(jnp.int32)
    y1i = jnp.clip(y0 + 1, 0, S[:, None] - 1)
    x1i = jnp.clip(x0 + 1, 0, S[:, None] - 1)
    ly = ys - y0f
    lx = xs - x0f
    WY = jnp.stack([vy * (1.0 - ly), vy * ly], -1).reshape(n, 2 * NSAMP)
    WX = jnp.stack([vx * (1.0 - lx), vx * lx], -1).reshape(n, 2 * NSAMP)
    ycorn = jnp.stack([y0, y1i], -1).reshape(n, 2 * NSAMP)
    xcorn = jnp.stack([x0, x1i], -1).reshape(n, 2 * NSAMP)
    yt = ycorn.reshape(n, POOL, 4)
    idx = yt[:, :, :, None] * S[:, None, None, None] + xcorn[:, None, None, :]
    idx = idx.reshape(n, POOL, ROWS_PER_PI)
    return lv, idx, WY, WX


def _make_sc_call(n, npad, C, out_dtype):
    rpw = npad // NW

    def body(t2, t3, t4, t5, idx_hbm, wy_hbm, wx_hbm, lv_hbm, out_hbm,
             idx_roi, rows_v, out_full, wy_c, wx_c, lv_c, gsem, osem):
        wid = lax.axis_index("s") * NC + lax.axis_index("c")
        base = wid * rpw
        pltpu.sync_copy(lv_hbm.at[pl.ds(base, rpw)], lv_c.at[pl.ds(0, rpw)])
        pltpu.sync_copy(wy_hbm.at[pl.ds(base, rpw)], wy_c)
        pltpu.sync_copy(wx_hbm.at[pl.ds(base, rpw)], wx_c)

        def issue_gather(lvr, pi, b):
            for li, tref in enumerate((t2, t3, t4, t5)):
                @pl.when(lvr == li)
                def _():
                    pltpu.async_copy(tref.at[idx_roi.at[pi]], rows_v.at[b], gsem)

        def wait_gather(b):
            pltpu.make_async_copy(
                t2.at[idx_roi.at[0]], rows_v.at[b], gsem).wait()

        def wait_out(r):
            pltpu.make_async_copy(out_full, out_hbm.at[r], osem).wait()

        def roi_body(rl, carry):
            r = jnp.minimum(base + rl, n - 1)
            pltpu.sync_copy(idx_hbm.at[r], idx_roi)
            lvr = lv_c[pl.ds(rl, LANES)][0]

            @pl.when(rl >= 1)
            def _():
                wait_out(r)

            issue_gather(lvr, 0, 0)

            def pi_body(pi, carry2):
                b = lax.rem(pi, 2)
                wait_gather(b)

                @pl.when(pi < POOL - 1)
                def _():
                    issue_gather(lvr, pi + 1, 1 - b)

                wyv = wy_c[rl, pl.ds(4 * pi, LANES)]
                wys = [wyv[t] for t in range(4)]

                for pj in range(POOL):
                    wxv = wx_c[rl, pl.ds(4 * pj, LANES)]
                    wxs = [wxv[u] for u in range(4)]
                    wp = [[wys[t] * wxs[u] for u in range(4)] for t in range(4)]

                    @plsc.parallel_loop(0, C // 2 // LANES, unroll=4)
                    def c_body(c, _pj=pj, _wp=wp):
                        sl = pl.ds(c * LANES, LANES)
                        accA = [None, None, None, None]
                        accB = [None, None, None, None]
                        for ty in range(4):
                            for u in range(4):
                                v = rows_v[b, ty * (2 * NSAMP) + 4 * _pj + u, sl]
                                fa = lax.bitcast_convert_type(
                                    lax.shift_left(v, 16), jnp.float32)
                                fb = lax.bitcast_convert_type(v, jnp.float32)
                                ta = fa * _wp[ty][u]
                                tb = fb * _wp[ty][u]
                                s = 2 * (ty >> 1) + (u >> 1)
                                accA[s] = ta if accA[s] is None else accA[s] + ta
                                accB[s] = tb if accB[s] is None else accB[s] + tb
                        mA = jnp.maximum(jnp.maximum(accA[0], accA[1]),
                                         jnp.maximum(accA[2], accA[3]))
                        mB = jnp.maximum(jnp.maximum(accB[0], accB[1]),
                                         jnp.maximum(accB[2], accB[3]))
                        out_full[pi, _pj, sl] = mA
                        out_full[pi, _pj, pl.ds(C // 2 + c * LANES, LANES)] = mB

                return carry2

            lax.fori_loop(0, POOL, pi_body, 0)
            pltpu.async_copy(out_full, out_hbm.at[r], osem)
            return carry

        lax.fori_loop(0, rpw, roi_body, 0)
        wait_out(0)

    return pl.kernel(
        body,
        out_type=jax.ShapeDtypeStruct((n, POOL, POOL, C), out_dtype),
        mesh=plsc.VectorSubcoreMesh(
            core_axis_name="c", subcore_axis_name="s",
            num_cores=NC, num_subcores=NS,
        ),
        scratch_types=[
            pltpu.VMEM((POOL, ROWS_PER_PI), jnp.int32),
            pltpu.VMEM((2, ROWS_PER_PI, C // 2), jnp.int32),
            pltpu.VMEM((POOL, POOL, C), jnp.float32),
            pltpu.VMEM((npad // NW, 48), jnp.float32),
            pltpu.VMEM((npad // NW, 48), jnp.float32),
            pltpu.VMEM((npad // NW + LANES,), jnp.int32),
            pltpu.SemaphoreType.DMA,
            pltpu.SemaphoreType.DMA,
        ],
    )


def kernel(rois, feat_p2, feat_p3, feat_p4, feat_p5, img_metas):
    n = rois.shape[0]
    C = feat_p2.shape[-1]
    feats = (feat_p2[0], feat_p3[0], feat_p4[0], feat_p5[0])
    sizes = [f.shape[0] for f in feats]
    def _pack(f):
        u = lax.bitcast_convert_type(f.reshape(-1, C), jnp.uint32)
        u = u + jnp.uint32(0x8000)
        lo = lax.shift_right_logical(u[:, : C // 2], jnp.uint32(16))
        hi = jnp.bitwise_and(u[:, C // 2:], jnp.uint32(0xFFFF0000))
        return lax.bitcast_convert_type(jnp.bitwise_or(lo, hi), jnp.int32)

    tables = [_pack(f) for f in feats]

    lv, idx, WY, WX = _precompute(rois, img_metas, sizes)

    npad = ((n + 8 * NW - 1) // (8 * NW)) * (8 * NW)
    pad = npad - n
    idx_p = jnp.pad(idx, ((0, pad), (0, 0), (0, 0)), mode="edge")
    wy_p = jnp.pad(jnp.pad(WY, ((0, 0), (0, 48 - WY.shape[1]))),
                   ((0, pad), (0, 0)), mode="edge")
    wx_p = jnp.pad(jnp.pad(WX, ((0, 0), (0, 48 - WX.shape[1]))),
                   ((0, pad), (0, 0)), mode="edge")
    lv_p = jnp.pad(lv, ((0, pad),), mode="edge")

    call = _make_sc_call(n, npad, C, feat_p2.dtype)
    return call(tables[0], tables[1], tables[2], tables[3],
                idx_p, wy_p, wx_p, lv_p)

# --- scband reference (transcript-rebuilt; emitter-appended) ---
"""Pipeline reference for scband-pyramid-roialign-23656679867535 (READ-ONLY COPY).

The authoritative reference and input builder live on the scoring server;
editing this copy changes nothing except your own understanding.
"""

import jax, jax.numpy as jnp
import numpy as np

POOL_H, POOL_W = 7, 7
PRE_H, PRE_W = 14, 14


def _crop_and_resize(feat, boxes, crop_h, crop_w):
    # feat: [H, W, C]; boxes: [n, 4] normalized y1,x1,y2,x2 (TF crop_and_resize semantics)
    H, W, C = feat.shape
    y1 = boxes[:, 0]; x1 = boxes[:, 1]; y2 = boxes[:, 2]; x2 = boxes[:, 3]
    i = jnp.arange(crop_h, dtype=jnp.float32)
    j = jnp.arange(crop_w, dtype=jnp.float32)
    ys = y1[:, None] * (H - 1) + (i[None, :] / (crop_h - 1)) * ((y2 - y1)[:, None] * (H - 1))
    xs = x1[:, None] * (W - 1) + (j[None, :] / (crop_w - 1)) * ((x2 - x1)[:, None] * (W - 1))
    vy = (ys >= 0) & (ys <= H - 1)
    vx = (xs >= 0) & (xs <= W - 1)
    y0f = jnp.clip(jnp.floor(ys), 0, H - 1)
    x0f = jnp.clip(jnp.floor(xs), 0, W - 1)
    y0 = y0f.astype(jnp.int32); y1i = jnp.clip(y0 + 1, 0, H - 1)
    x0 = x0f.astype(jnp.int32); x1i = jnp.clip(x0 + 1, 0, W - 1)
    ly = (ys - y0f)[:, :, None, None]
    lx = (xs - x0f)[:, None, :, None]
    tl = feat[y0[:, :, None], x0[:, None, :]]
    tr = feat[y0[:, :, None], x1i[:, None, :]]
    bl = feat[y1i[:, :, None], x0[:, None, :]]
    br = feat[y1i[:, :, None], x1i[:, None, :]]
    top = tl + (tr - tl) * lx
    bot = bl + (br - bl) * lx
    out = top + (bot - top) * ly
    mask = (vy[:, :, None] & vx[:, None, :])[..., None].astype(feat.dtype)
    return out * mask


def _roi_levels(rois):
    y1 = rois[:, 0]; x1 = rois[:, 1]; y2 = rois[:, 2]; x2 = rois[:, 3]
    h = jnp.maximum(0.0, y2 - y1)
    w = jnp.maximum(0.0, x2 - x1)
    areas = jnp.sqrt(w * h + 1e-08)
    lv = jnp.floor(4.0 + jnp.log(areas / 224.0) / jnp.log(2.0))
    return jnp.clip(lv, 2.0, 5.0)


def setup_inputs(seed: int = 0):
    key = jax.random.key(seed)
    ky, kx, kh, kw, k2, k3, k4, k5 = jax.random.split(key, 8)
    n = 1000; C = 256
    y1 = jax.random.uniform(ky, (n,), minval=0.0, maxval=600.0)
    x1 = jax.random.uniform(kx, (n,), minval=0.0, maxval=600.0)
    h = jax.random.uniform(kh, (n,), minval=16.0, maxval=420.0)
    w = jax.random.uniform(kw, (n,), minval=16.0, maxval=420.0)
    rois = jnp.stack([y1, x1, jnp.minimum(y1 + h, 1023.0), jnp.minimum(x1 + w, 1023.0)], axis=1)
    feat_p2 = jax.random.normal(k2, (1, 256, 256, C), dtype=jnp.float32)
    feat_p3 = jax.random.normal(k3, (1, 128, 128, C), dtype=jnp.float32)
    feat_p4 = jax.random.normal(k4, (1, 64, 64, C), dtype=jnp.float32)
    feat_p5 = jax.random.normal(k5, (1, 32, 32, C), dtype=jnp.float32)
    img_metas = jnp.ones((1, 11), dtype=jnp.float32) * 1024.0  # pad shape (H, W) at cols 6:8 = 1024
    return {"rois": rois, "feat_p2": feat_p2, "feat_p3": feat_p3, "feat_p4": feat_p4, "feat_p5": feat_p5, "img_metas": img_metas}


def reference(rois, feat_p2, feat_p3, feat_p4, feat_p5, img_metas):
    H = img_metas[0, 6]; W = img_metas[0, 7]
    levels = _roi_levels(rois)
    feats = [feat_p2[0], feat_p3[0], feat_p4[0], feat_p5[0]]
    scale = jnp.stack([H, W, H, W])
    n = rois.shape[0]
    out = jnp.zeros((n, POOL_H, POOL_W, feat_p2.shape[-1]), dtype=feat_p2.dtype)
    for i, level in enumerate(range(2, 6)):
        lrois = rois / scale
        crops = _crop_and_resize(feats[i], lrois, PRE_H, PRE_W)
        m = crops.shape[0]
        crops = crops.reshape(m, POOL_H, 2, POOL_W, 2, crops.shape[-1]).max(axis=(2, 4))
        sel = (levels == level)[:, None, None, None]
        out = jnp.where(sel, crops, out)
    return out

if __name__ == "__main__":
    import jax
    _d = setup_inputs()
    print(jax.jit(kernel)(*tuple(_d.values())))

</pallas_src>

<mosaic_0001>
#map = affine_map<(d0, d1) -> (0, 0)>
#map1 = affine_map<(d0, d1) -> (0, 0, 0)>
#map2 = affine_map<(d0, d1) -> (0)>
#map3 = affine_map<(d0, d1) -> (0, 0, 0, 0)>
module attributes {stable_mosaic.version = 14 : i64} {
  func.func @body(%arg0: i32, %arg1: i32, %arg2: memref<65536x128xi32, #tpu.memory_space<hbm>>, %arg3: memref<16384x128xi32, #tpu.memory_space<hbm>>, %arg4: memref<4096x128xi32, #tpu.memory_space<hbm>>, %arg5: memref<1024x128xi32, #tpu.memory_space<hbm>>, %arg6: memref<1024x7x112xi32, #tpu.memory_space<hbm>>, %arg7: memref<1024x48xf32, #tpu.memory_space<hbm>>, %arg8: memref<1024x48xf32, #tpu.memory_space<hbm>>, %arg9: memref<1024xi32, #tpu.memory_space<hbm>>, %arg10: memref<1000x7x7x256xf32, #tpu.memory_space<hbm>>, %arg11: memref<7x112xi32, #tpu.memory_space<vmem>>, %arg12: memref<2x112x128xi32, #tpu.memory_space<vmem>>, %arg13: memref<7x7x256xf32, #tpu.memory_space<vmem>>, %arg14: memref<32x48xf32, #tpu.memory_space<vmem>>, %arg15: memref<32x48xf32, #tpu.memory_space<vmem>>, %arg16: memref<48xi32, #tpu.memory_space<vmem>>, %arg17: memref<!tpu.dma_semaphore, #tpu.memory_space<semaphore_mem>>, %arg18: memref<!tpu.dma_semaphore, #tpu.memory_space<semaphore_mem>>) attributes {dimension_semantics = [#tpu.dimension_semantics<core_parallel>, #tpu.dimension_semantics<subcore_parallel>], iteration_bounds = array<i64: 2, 16>, scalar_prefetch = 0 : i64, scratch_operands = 8 : i64, tpu.core_type = #tpu.core_type<sc_vector_subcore>, window_params = [{transform_indices = #map}, {transform_indices = #map}, {transform_indices = #map}, {transform_indices = #map}, {transform_indices = #map1}, {transform_indices = #map}, {transform_indices = #map}, {transform_indices = #map2}, {transform_indices = #map3}]} {
    %mul3A = arith.constant 2 : i32
    %mul3A_0 = arith.muli %arg1, %mul3A : i32
    %add3A = arith.addi %mul3A_0, %arg0 : i32
    %mul3A_1 = arith.constant 32 : i32
    %mul3A_2 = arith.muli %add3A, %mul3A_1 : i32
    "tpu.region"() ({
      %run_scoped3A = tpu.sem_alloc : memref<!tpu.dma_semaphore, #tpu.memory_space<semaphore_mem>>
      %dma_start3A = arith.constant 0 : i32
      %dma_start3A_18 = tpu.memref_slice %arg16[%dma_start3A] : memref<48xi32, #tpu.memory_space<vmem>> -> memref<32xi32, #tpu.memory_space<vmem>>
      %dma_start3A_19 = tpu.memref_slice %arg9[%mul3A_2] : memref<1024xi32, #tpu.memory_space<hbm>> -> memref<32xi32, #tpu.memory_space<hbm>>
      %dma_start3A_20 = arith.constant 0 : i32
      %dma_start3A_21 = tpu.memref_slice %arg16[%dma_start3A_20] : memref<48xi32, #tpu.memory_space<vmem>> -> memref<32xi32, #tpu.memory_space<vmem>>
      %dma_start3A_22 = tpu.memref_slice %arg9[%mul3A_2] : memref<1024xi32, #tpu.memory_space<hbm>> -> memref<32xi32, #tpu.memory_space<hbm>>
      tpu.enqueue_dma source(%dma_start3A_22 : memref<32xi32, #tpu.memory_space<hbm>>) target(%dma_start3A_21 : memref<32xi32, #tpu.memory_space<vmem>>) target_semaphore(%run_scoped3A : memref<!tpu.dma_semaphore, #tpu.memory_space<semaphore_mem>>)
      %dma_wait3A_23 = arith.constant 0 : i32
      %dma_wait3A_24 = tpu.memref_slice %arg16[%dma_wait3A_23] : memref<48xi32, #tpu.memory_space<vmem>> -> memref<32xi32, #tpu.memory_space<vmem>>
      %dma_wait3A_25 = tpu.memref_slice %arg9[%mul3A_2] : memref<1024xi32, #tpu.memory_space<hbm>> -> memref<32xi32, #tpu.memory_space<hbm>>
      %dma_wait3A_26 = arith.constant 0 : i32
      %dma_wait3A_27 = tpu.memref_slice %arg16[%dma_wait3A_26] : memref<48xi32, #tpu.memory_space<vmem>> -> memref<32xi32, #tpu.memory_space<vmem>>
      %dma_wait3A_28 = tpu.memref_slice %arg9[%mul3A_2] : memref<1024xi32, #tpu.memory_space<hbm>> -> memref<32xi32, #tpu.memory_space<hbm>>
      tpu.wait_dma2 semaphore(%run_scoped3A : memref<!tpu.dma_semaphore, #tpu.memory_space<semaphore_mem>>) src(%dma_wait3A_28 : memref<32xi32, #tpu.memory_space<hbm>>) dst(%dma_wait3A_27 : memref<32xi32, #tpu.memory_space<vmem>>)
      tpu.yield
    }) : () -> ()
    "tpu.region"() ({
      %run_scoped3A = tpu.sem_alloc : memref<!tpu.dma_semaphore, #tpu.memory_space<semaphore_mem>>
      %dma_start3A = arith.constant 0 : i32
      %dma_start3A_18 = tpu.memref_slice %arg7[%mul3A_2, %dma_start3A] : memref<1024x48xf32, #tpu.memory_space<hbm>> -> memref<32x48xf32, #tpu.memory_space<hbm>>
      %dma_start3A_19 = arith.constant 0 : i32
      %dma_start3A_20 = tpu.memref_slice %arg7[%mul3A_2, %dma_start3A_19] : memref<1024x48xf32, #tpu.memory_space<hbm>> -> memref<32x48xf32, #tpu.memory_space<hbm>>
      tpu.enqueue_dma source(%dma_start3A_20 : memref<32x48xf32, #tpu.memory_space<hbm>>) target(%arg14 : memref<32x48xf32, #tpu.memory_space<vmem>>) target_semaphore(%run_scoped3A : memref<!tpu.dma_semaphore, #tpu.memory_space<semaphore_mem>>)
      %dma_wait3A_21 = arith.constant 0 : i32
      %dma_wait3A_22 = tpu.memref_slice %arg7[%mul3A_2, %dma_wait3A_21] : memref<1024x48xf32, #tpu.memory_space<hbm>> -> memref<32x48xf32, #tpu.memory_space<hbm>>
      %dma_wait3A_23 = arith.constant 0 : i32
      %dma_wait3A_24 = tpu.memref_slice %arg7[%mul3A_2, %dma_wait3A_23] : memref<1024x48xf32, #tpu.memory_space<hbm>> -> memref<32x48xf32, #tpu.memory_space<hbm>>
      tpu.wait_dma2 semaphore(%run_scoped3A : memref<!tpu.dma_semaphore, #tpu.memory_space<semaphore_mem>>) src(%dma_wait3A_24 : memref<32x48xf32, #tpu.memory_space<hbm>>) dst(%arg14 : memref<32x48xf32, #tpu.memory_space<vmem>>)
      tpu.yield
    }) : () -> ()
    "tpu.region"() ({
      %run_scoped3A = tpu.sem_alloc : memref<!tpu.dma_semaphore, #tpu.memory_space<semaphore_mem>>
      %dma_start3A = arith.constant 0 : i32
      %dma_start3A_18 = tpu.memref_slice %arg8[%mul3A_2, %dma_start3A] : memref<1024x48xf32, #tpu.memory_space<hbm>> -> memref<32x48xf32, #tpu.memory_space<hbm>>
      %dma_start3A_19 = arith.constant 0 : i32
      %dma_start3A_20 = tpu.memref_slice %arg8[%mul3A_2, %dma_start3A_19] : memref<1024x48xf32, #tpu.memory_space<hbm>> -> memref<32x48xf32, #tpu.memory_space<hbm>>
      tpu.enqueue_dma source(%dma_start3A_20 : memref<32x48xf32, #tpu.memory_space<hbm>>) target(%arg15 : memref<32x48xf32, #tpu.memory_space<vmem>>) target_semaphore(%run_scoped3A : memref<!tpu.dma_semaphore, #tpu.memory_space<semaphore_mem>>)
      %dma_wait3A_21 = arith.constant 0 : i32
      %dma_wait3A_22 = tpu.memref_slice %arg8[%mul3A_2, %dma_wait3A_21] : memref<1024x48xf32, #tpu.memory_space<hbm>> -> memref<32x48xf32, #tpu.memory_space<hbm>>
      %dma_wait3A_23 = arith.constant 0 : i32
      %dma_wait3A_24 = tpu.memref_slice %arg8[%mul3A_2, %dma_wait3A_23] : memref<1024x48xf32, #tpu.memory_space<hbm>> -> memref<32x48xf32, #tpu.memory_space<hbm>>
      tpu.wait_dma2 semaphore(%run_scoped3A : memref<!tpu.dma_semaphore, #tpu.memory_space<semaphore_mem>>) src(%dma_wait3A_24 : memref<32x48xf32, #tpu.memory_space<hbm>>) dst(%arg15 : memref<32x48xf32, #tpu.memory_space<vmem>>)
      tpu.yield
    }) : () -> ()
    %scan3A = arith.constant 0 : i32
    %scan3A_3 = arith.constant 0 : i32
    %scan3A_4 = arith.constant 32 : i32
    %scan3A_5 = arith.addi %scan3A_3, %scan3A_4 : i32
    %scan3A_6 = arith.constant 1 : i32
    scf.for %scan3A_18 = %scan3A_3 to %scan3A_5 step %scan3A_6  : i32 {
      %add3A_19 = arith.addi %mul3A_2, %scan3A_18 : i32
      %min3A = arith.constant 999 : i32
      %min3A_20 = arith.minsi %add3A_19, %min3A : i32
      "tpu.region"() ({
        %run_scoped3A = tpu.sem_alloc : memref<!tpu.dma_semaphore, #tpu.memory_space<semaphore_mem>>
        %dma_start3A_59 = arith.constant 0 : i32
        %dma_start3A_60 = arith.constant 0 : i32
        %dma_start3A_61 = tpu.memref_slice %arg6[%min3A_20, %dma_start3A_59, %dma_start3A_60] : memref<1024x7x112xi32, #tpu.memory_space<hbm>> -> memref<1x7x112xi32, #tpu.memory_space<hbm>>
        %dma_start3A_62 = tpu.memref_squeeze %dma_start3A_61 : memref<1x7x112xi32, #tpu.memory_space<hbm>> -> memref<7x112xi32, #tpu.memory_space<hbm>>
        %dma_start3A_63 = arith.constant 0 : i32
        %dma_start3A_64 = arith.constant 0 : i32
        %dma_start3A_65 = tpu.memref_slice %arg6[%min3A_20, %dma_start3A_63, %dma_start3A_64] : memref<1024x7x112xi32, #tpu.memory_space<hbm>> -> memref<1x7x112xi32, #tpu.memory_space<hbm>>
        %dma_start3A_66 = tpu.memref_squeeze %dma_start3A_65 : memref<1x7x112xi32, #tpu.memory_space<hbm>> -> memref<7x112xi32, #tpu.memory_space<hbm>>
        tpu.enqueue_dma source(%dma_start3A_66 : memref<7x112xi32, #tpu.memory_space<hbm>>) target(%arg11 : memref<7x112xi32, #tpu.memory_space<vmem>>) target_semaphore(%run_scoped3A : memref<!tpu.dma_semaphore, #tpu.memory_space<semaphore_mem>>)
        %dma_wait3A_67 = arith.constant 0 : i32
        %dma_wait3A_68 = arith.constant 0 : i32
        %dma_wait3A_69 = tpu.memref_slice %arg6[%min3A_20, %dma_wait3A_67, %dma_wait3A_68] : memref<1024x7x112xi32, #tpu.memory_space<hbm>> -> memref<1x7x112xi32, #tpu.memory_space<hbm>>
        %dma_wait3A_70 = tpu.memref_squeeze %dma_wait3A_69 : memref<1x7x112xi32, #tpu.memory_space<hbm>> -> memref<7x112xi32, #tpu.memory_space<hbm>>
        %dma_wait3A_71 = arith.constant 0 : i32
        %dma_wait3A_72 = arith.constant 0 : i32
        %dma_wait3A_73 = tpu.memref_slice %arg6[%min3A_20, %dma_wait3A_71, %dma_wait3A_72] : memref<1024x7x112xi32, #tpu.memory_space<hbm>> -> memref<1x7x112xi32, #tpu.memory_space<hbm>>
        %dma_wait3A_74 = tpu.memref_squeeze %dma_wait3A_73 : memref<1x7x112xi32, #tpu.memory_space<hbm>> -> memref<7x112xi32, #tpu.memory_space<hbm>>
        tpu.wait_dma2 semaphore(%run_scoped3A : memref<!tpu.dma_semaphore, #tpu.memory_space<semaphore_mem>>) src(%dma_wait3A_74 : memref<7x112xi32, #tpu.memory_space<hbm>>) dst(%arg11 : memref<7x112xi32, #tpu.memory_space<vmem>>)
        tpu.yield
      }) : () -> ()
      %get3A = arith.index_cast %scan3A_18 : i32 to index
      %get3A_21 = tpu.vector_load %arg16[%get3A] {strides = array<i32>} : memref<48xi32, #tpu.memory_space<vmem>>, vector<16xi32>,
      %get3A_22 = vector.shape_cast %get3A_21 : vector<16xi32> to vector<16xi32>
      %slice3A = vector.extract_strided_slice %get3A_22 {offsets = [0], sizes = [1], strides = [1]} : vector<16xi32> to vector<1xi32>
      %squeeze3A = vector.extract %slice3A[0] : i32 from vector<1xi32>
      %ge3A = arith.constant 1 : i32
      %ge3A_23 = arith.cmpi sge, %scan3A_18, %ge3A : i32
      %convert_element_type3A = arith.extui %ge3A_23 : i1 to i32
      %cond3A = arith.constant 0 : i32
      %cond3A_24 = arith.cmpi ne, %convert_element_type3A, %cond3A : i32
      scf.if %cond3A_24 {
        %dma_wait3A_59 = arith.constant 0 : i32
        %dma_wait3A_60 = arith.constant 0 : i32
        %dma_wait3A_61 = arith.constant 0 : i32
        %dma_wait3A_62 = tpu.memref_slice %arg10[%min3A_20, %dma_wait3A_59, %dma_wait3A_60, %dma_wait3A_61] : memref<1000x7x7x256xf32, #tpu.memory_space<hbm>> -> memref<1x7x7x256xf32, #tpu.memory_space<hbm>>
        %dma_wait3A_63 = tpu.memref_squeeze %dma_wait3A_62 : memref<1x7x7x256xf32, #tpu.memory_space<hbm>> -> memref<7x7x256xf32, #tpu.memory_space<hbm>>
        %dma_wait3A_64 = arith.constant 0 : i32
        %dma_wait3A_65 = arith.constant 0 : i32
        %dma_wait3A_66 = arith.constant 0 : i32
        %dma_wait3A_67 = tpu.memref_slice %arg10[%min3A_20, %dma_wait3A_64, %dma_wait3A_65, %dma_wait3A_66] : memref<1000x7x7x256xf32, #tpu.memory_space<hbm>> -> memref<1x7x7x256xf32, #tpu.memory_space<hbm>>
        %dma_wait3A_68 = tpu.memref_squeeze %dma_wait3A_67 : memref<1x7x7x256xf32, #tpu.memory_space<hbm>> -> memref<7x7x256xf32, #tpu.memory_space<hbm>>
        tpu.wait_dma2 semaphore(%arg18 : memref<!tpu.dma_semaphore, #tpu.memory_space<semaphore_mem>>) src(%arg13 : memref<7x7x256xf32, #tpu.memory_space<vmem>>) dst(%dma_wait3A_68 : memref<7x7x256xf32, #tpu.memory_space<hbm>>)
      } else {
      }
      %eq3A = arith.constant 0 : i32
      %eq3A_25 = arith.cmpi eq, %squeeze3A, %eq3A : i32
      %convert_element_type3A_26 = arith.extui %eq3A_25 : i1 to i32
      %cond3A_27 = arith.constant 0 : i32
      %cond3A_28 = arith.cmpi ne, %convert_element_type3A_26, %cond3A_27 : i32
      scf.if %cond3A_28 {
        %dma_start3A_59 = arith.constant 0 : i32
        %dma_start3A_60 = arith.constant 0 : i32
        %dma_start3A_61 = arith.constant 0 : i32
        %dma_start3A_62 = arith.constant 0 : i32
        %dma_start3A_63 = tpu.memref_slice %arg12[%dma_start3A_60, %dma_start3A_61, %dma_start3A_62] : memref<2x112x128xi32, #tpu.memory_space<vmem>> -> memref<1x112x128xi32, #tpu.memory_space<vmem>>
        %dma_start3A_64 = tpu.memref_squeeze %dma_start3A_63 : memref<1x112x128xi32, #tpu.memory_space<vmem>> -> memref<112x128xi32, #tpu.memory_space<vmem>>
        %dma_start3A_65 = arith.constant 0 : i32
        %dma_start3A_66 = tpu.memref_slice %arg11[%dma_start3A_59, %dma_start3A_65] : memref<7x112xi32, #tpu.memory_space<vmem>> -> memref<1x112xi32, #tpu.memory_space<vmem>>
        %dma_start3A_67 = tpu.memref_squeeze %dma_start3A_66 : memref<1x112xi32, #tpu.memory_space<vmem>> -> memref<112xi32, #tpu.memory_space<vmem>>
        %dma_start3A_68 = arith.constant 0 : i32
        %dma_start3A_69 = arith.constant 0 : i32
        %dma_start3A_70 = tpu.memref_slice %arg2[%dma_start3A_68, %dma_start3A_69] : memref<65536x128xi32, #tpu.memory_space<hbm>> -> memref<65536x128xi32, #tpu.memory_space<hbm>>
        tpu.enqueue_indirect_dma source(%dma_start3A_70 : memref<65536x128xi32, #tpu.memory_space<hbm>>) target(%dma_start3A_64 : memref<112x128xi32, #tpu.memory_space<vmem>>) offsets(%dma_start3A_67 : memref<112xi32, #tpu.memory_space<vmem>>) semaphore(%arg17 : memref<!tpu.dma_semaphore, #tpu.memory_space<semaphore_mem>>)
      } else {
      }
      %eq3A_29 = arith.constant 1 : i32
      %eq3A_30 = arith.cmpi eq, %squeeze3A, %eq3A_29 : i32
      %convert_element_type3A_31 = arith.extui %eq3A_30 : i1 to i32
      %cond3A_32 = arith.constant 0 : i32
      %cond3A_33 = arith.cmpi ne, %convert_element_type3A_31, %cond3A_32 : i32
      scf.if %cond3A_33 {
        %dma_start3A_59 = arith.constant 0 : i32
        %dma_start3A_60 = arith.constant 0 : i32
        %dma_start3A_61 = arith.constant 0 : i32
        %dma_start3A_62 = arith.constant 0 : i32
        %dma_start3A_63 = tpu.memref_slice %arg12[%dma_start3A_60, %dma_start3A_61, %dma_start3A_62] : memref<2x112x128xi32, #tpu.memory_space<vmem>> -> memref<1x112x128xi32, #tpu.memory_space<vmem>>
        %dma_start3A_64 = tpu.memref_squeeze %dma_start3A_63 : memref<1x112x128xi32, #tpu.memory_space<vmem>> -> memref<112x128xi32, #tpu.memory_space<vmem>>
        %dma_start3A_65 = arith.constant 0 : i32
        %dma_start3A_66 = tpu.memref_slice %arg11[%dma_start3A_59, %dma_start3A_65] : memref<7x112xi32, #tpu.memory_space<vmem>> -> memref<1x112xi32, #tpu.memory_space<vmem>>
        %dma_start3A_67 = tpu.memref_squeeze %dma_start3A_66 : memref<1x112xi32, #tpu.memory_space<vmem>> -> memref<112xi32, #tpu.memory_space<vmem>>
        %dma_start3A_68 = arith.constant 0 : i32
        %dma_start3A_69 = arith.constant 0 : i32
        %dma_start3A_70 = tpu.memref_slice %arg3[%dma_start3A_68, %dma_start3A_69] : memref<16384x128xi32, #tpu.memory_space<hbm>> -> memref<16384x128xi32, #tpu.memory_space<hbm>>
        tpu.enqueue_indirect_dma source(%dma_start3A_70 : memref<16384x128xi32, #tpu.memory_space<hbm>>) target(%dma_start3A_64 : memref<112x128xi32, #tpu.memory_space<vmem>>) offsets(%dma_start3A_67 : memref<112xi32, #tpu.memory_space<vmem>>) semaphore(%arg17 : memref<!tpu.dma_semaphore, #tpu.memory_space<semaphore_mem>>)
      } else {
      }
      %eq3A_34 = arith.constant 2 : i32
      %eq3A_35 = arith.cmpi eq, %squeeze3A, %eq3A_34 : i32
      %convert_element_type3A_36 = arith.extui %eq3A_35 : i1 to i32
      %cond3A_37 = arith.constant 0 : i32
      %cond3A_38 = arith.cmpi ne, %convert_element_type3A_36, %cond3A_37 : i32
      scf.if %cond3A_38 {
        %dma_start3A_59 = arith.constant 0 : i32
        %dma_start3A_60 = arith.constant 0 : i32
        %dma_start3A_61 = arith.constant 0 : i32
        %dma_start3A_62 = arith.constant 0 : i32
        %dma_start3A_63 = tpu.memref_slice %arg12[%dma_start3A_60, %dma_start3A_61, %dma_start3A_62] : memref<2x112x128xi32, #tpu.memory_space<vmem>> -> memref<1x112x128xi32, #tpu.memory_space<vmem>>
        %dma_start3A_64 = tpu.memref_squeeze %dma_start3A_63 : memref<1x112x128xi32, #tpu.memory_space<vmem>> -> memref<112x128xi32, #tpu.memory_space<vmem>>
        %dma_start3A_65 = arith.constant 0 : i32
        %dma_start3A_66 = tpu.memref_slice %arg11[%dma_start3A_59, %dma_start3A_65] : memref<7x112xi32, #tpu.memory_space<vmem>> -> memref<1x112xi32, #tpu.memory_space<vmem>>
        %dma_start3A_67 = tpu.memref_squeeze %dma_start3A_66 : memref<1x112xi32, #tpu.memory_space<vmem>> -> memref<112xi32, #tpu.memory_space<vmem>>
        %dma_start3A_68 = arith.constant 0 : i32
        %dma_start3A_69 = arith.constant 0 : i32
        %dma_start3A_70 = tpu.memref_slice %arg4[%dma_start3A_68, %dma_start3A_69] : memref<4096x128xi32, #tpu.memory_space<hbm>> -> memref<4096x128xi32, #tpu.memory_space<hbm>>
        tpu.enqueue_indirect_dma source(%dma_start3A_70 : memref<4096x128xi32, #tpu.memory_space<hbm>>) target(%dma_start3A_64 : memref<112x128xi32, #tpu.memory_space<vmem>>) offsets(%dma_start3A_67 : memref<112xi32, #tpu.memory_space<vmem>>) semaphore(%arg17 : memref<!tpu.dma_semaphore, #tpu.memory_space<semaphore_mem>>)
      } else {
      }
      %eq3A_39 = arith.constant 3 : i32
      %eq3A_40 = arith.cmpi eq, %squeeze3A, %eq3A_39 : i32
      %convert_element_type3A_41 = arith.extui %eq3A_40 : i1 to i32
      %cond3A_42 = arith.constant 0 : i32
      %cond3A_43 = arith.cmpi ne, %convert_element_type3A_41, %cond3A_42 : i32
      scf.if %cond3A_43 {
        %dma_start3A_59 = arith.constant 0 : i32
        %dma_start3A_60 = arith.constant 0 : i32
        %dma_start3A_61 = arith.constant 0 : i32
        %dma_start3A_62 = arith.constant 0 : i32
        %dma_start3A_63 = tpu.memref_slice %arg12[%dma_start3A_60, %dma_start3A_61, %dma_start3A_62] : memref<2x112x128xi32, #tpu.memory_space<vmem>> -> memref<1x112x128xi32, #tpu.memory_space<vmem>>
        %dma_start3A_64 = tpu.memref_squeeze %dma_start3A_63 : memref<1x112x128xi32, #tpu.memory_space<vmem>> -> memref<112x128xi32, #tpu.memory_space<vmem>>
        %dma_start3A_65 = arith.constant 0 : i32
        %dma_start3A_66 = tpu.memref_slice %arg11[%dma_start3A_59, %dma_start3A_65] : memref<7x112xi32, #tpu.memory_space<vmem>> -> memref<1x112xi32, #tpu.memory_space<vmem>>
        %dma_start3A_67 = tpu.memref_squeeze %dma_start3A_66 : memref<1x112xi32, #tpu.memory_space<vmem>> -> memref<112xi32, #tpu.memory_space<vmem>>
        %dma_start3A_68 = arith.constant 0 : i32
        %dma_start3A_69 = arith.constant 0 : i32
        %dma_start3A_70 = tpu.memref_slice %arg5[%dma_start3A_68, %dma_start3A_69] : memref<1024x128xi32, #tpu.memory_space<hbm>> -> memref<1024x128xi32, #tpu.memory_space<hbm>>
        tpu.enqueue_indirect_dma source(%dma_start3A_70 : memref<1024x128xi32, #tpu.memory_space<hbm>>) target(%dma_start3A_64 : memref<112x128xi32, #tpu.memory_space<vmem>>) offsets(%dma_start3A_67 : memref<112xi32, #tpu.memory_space<vmem>>) semaphore(%arg17 : memref<!tpu.dma_semaphore, #tpu.memory_space<semaphore_mem>>)
      } else {
      }
      %scan3A_44 = arith.constant 0 : i32
      %scan3A_45 = arith.constant 0 : i32
      %scan3A_46 = arith.constant 7 : i32
      %scan3A_47 = arith.addi %scan3A_45, %scan3A_46 : i32
      %scan3A_48 = arith.constant 1 : i32
      scf.for %scan3A_59 = %scan3A_45 to %scan3A_47 step %scan3A_48  : i32 {
        %rem3A = arith.constant 2 : i32
        %rem3A_60 = arith.remsi %scan3A_59, %rem3A : i32
        %dma_wait3A_61 = arith.constant 0 : i32
        %dma_wait3A_62 = arith.constant 0 : i32
        %dma_wait3A_63 = arith.constant 0 : i32
        %dma_wait3A_64 = tpu.memref_slice %arg12[%rem3A_60, %dma_wait3A_62, %dma_wait3A_63] : memref<2x112x128xi32, #tpu.memory_space<vmem>> -> memref<1x112x128xi32, #tpu.memory_space<vmem>>
        %dma_wait3A_65 = tpu.memref_squeeze %dma_wait3A_64 : memref<1x112x128xi32, #tpu.memory_space<vmem>> -> memref<112x128xi32, #tpu.memory_space<vmem>>
        %dma_wait3A_66 = arith.constant 0 : i32
        %dma_wait3A_67 = tpu.memref_slice %arg11[%dma_wait3A_61, %dma_wait3A_66] : memref<7x112xi32, #tpu.memory_space<vmem>> -> memref<1x112xi32, #tpu.memory_space<vmem>>
        %dma_wait3A_68 = tpu.memref_squeeze %dma_wait3A_67 : memref<1x112xi32, #tpu.memory_space<vmem>> -> memref<112xi32, #tpu.memory_space<vmem>>
        %dma_wait3A_69 = arith.constant 0 : i32
        %dma_wait3A_70 = arith.constant 0 : i32
        %dma_wait3A_71 = tpu.memref_slice %arg2[%dma_wait3A_69, %dma_wait3A_70] : memref<65536x128xi32, #tpu.memory_space<hbm>> -> memref<65536x128xi32, #tpu.memory_space<hbm>>
        tpu.wait_indirect_dma semaphore(%arg17 : memref<!tpu.dma_semaphore, #tpu.memory_space<semaphore_mem>>) src(%dma_wait3A_71 : memref<65536x128xi32, #tpu.memory_space<hbm>>) dst(%dma_wait3A_65 : memref<112x128xi32, #tpu.memory_space<vmem>>)
        %lt3A = arith.constant 6 : i32
        %lt3A_72 = arith.cmpi slt, %scan3A_59, %lt3A : i32
        %convert_element_type3A_73 = arith.extui %lt3A_72 : i1 to i32
        %cond3A_74 = arith.constant 0 : i32
        %cond3A_75 = arith.cmpi ne, %convert_element_type3A_73, %cond3A_74 : i32
        scf.if %cond3A_75 {
          %add3A_306 = arith.constant 1 : i32
          %add3A_307 = arith.addi %scan3A_59, %add3A_306 : i32
          %sub3A = arith.constant 1 : i32
          %sub3A_308 = arith.subi %sub3A, %rem3A_60 : i32
          %eq3A_309 = arith.constant 0 : i32
          %eq3A_310 = arith.cmpi eq, %squeeze3A, %eq3A_309 : i32
          %convert_element_type3A_311 = arith.extui %eq3A_310 : i1 to i32
          %cond3A_312 = arith.constant 0 : i32
          %cond3A_313 = arith.cmpi ne, %convert_element_type3A_311, %cond3A_312 : i32
          scf.if %cond3A_313 {
            %dma_start3A_329 = arith.constant 0 : i32
            %dma_start3A_330 = arith.constant 0 : i32
            %dma_start3A_331 = tpu.memref_slice %arg12[%sub3A_308, %dma_start3A_329, %dma_start3A_330] : memref<2x112x128xi32, #tpu.memory_space<vmem>> -> memref<1x112x128xi32, #tpu.memory_space<vmem>>
            %dma_start3A_332 = tpu.memref_squeeze %dma_start3A_331 : memref<1x112x128xi32, #tpu.memory_space<vmem>> -> memref<112x128xi32, #tpu.memory_space<vmem>>
            %dma_start3A_333 = arith.constant 0 : i32
            %dma_start3A_334 = tpu.memref_slice %arg11[%add3A_307, %dma_start3A_333] : memref<7x112xi32, #tpu.memory_space<vmem>> -> memref<1x112xi32, #tpu.memory_space<vmem>>
            %dma_start3A_335 = tpu.memref_squeeze %dma_start3A_334 : memref<1x112xi32, #tpu.memory_space<vmem>> -> memref<112xi32, #tpu.memory_space<vmem>>
            %dma_start3A_336 = arith.constant 0 : i32
            %dma_start3A_337 = arith.constant 0 : i32
            %dma_start3A_338 = tpu.memref_slice %arg2[%dma_start3A_336, %dma_start3A_337] : memref<65536x128xi32, #tpu.memory_space<hbm>> -> memref<65536x128xi32, #tpu.memory_space<hbm>>
            tpu.enqueue_indirect_dma source(%dma_start3A_338 : memref<65536x128xi32, #tpu.memory_space<hbm>>) target(%dma_start3A_332 : memref<112x128xi32, #tpu.memory_space<vmem>>) offsets(%dma_start3A_335 : memref<112xi32, #tpu.memory_space<vmem>>) semaphore(%arg17 : memref<!tpu.dma_semaphore, #tpu.memory_space<semaphore_mem>>)
          } else {
          }
          %eq3A_314 = arith.constant 1 : i32
          %eq3A_315 = arith.cmpi eq, %squeeze3A, %eq3A_314 : i32
          %convert_element_type3A_316 = arith.extui %eq3A_315 : i1 to i32
          %cond3A_317 = arith.constant 0 : i32
          %cond3A_318 = arith.cmpi ne, %convert_element_type3A_316, %cond3A_317 : i32
          scf.if %cond3A_318 {
            %dma_start3A_329 = arith.constant 0 : i32
            %dma_start3A_330 = arith.constant 0 : i32
            %dma_start3A_331 = tpu.memref_slice %arg12[%sub3A_308, %dma_start3A_329, %dma_start3A_330] : memref<2x112x128xi32, #tpu.memory_space<vmem>> -> memref<1x112x128xi32, #tpu.memory_space<vmem>>
            %dma_start3A_332 = tpu.memref_squeeze %dma_start3A_331 : memref<1x112x128xi32, #tpu.memory_space<vmem>> -> memref<112x128xi32, #tpu.memory_space<vmem>>
            %dma_start3A_333 = arith.constant 0 : i32
            %dma_start3A_334 = tpu.memref_slice %arg11[%add3A_307, %dma_start3A_333] : memref<7x112xi32, #tpu.memory_space<vmem>> -> memref<1x112xi32, #tpu.memory_space<vmem>>
            %dma_start3A_335 = tpu.memref_squeeze %dma_start3A_334 : memref<1x112xi32, #tpu.memory_space<vmem>> -> memref<112xi32, #tpu.memory_space<vmem>>
            %dma_start3A_336 = arith.constant 0 : i32
            %dma_start3A_337 = arith.constant 0 : i32
            %dma_start3A_338 = tpu.memref_slice %arg3[%dma_start3A_336, %dma_start3A_337] : memref<16384x128xi32, #tpu.memory_space<hbm>> -> memref<16384x128xi32, #tpu.memory_space<hbm>>
            tpu.enqueue_indirect_dma source(%dma_start3A_338 : memref<16384x128xi32, #tpu.memory_space<hbm>>) target(%dma_start3A_332 : memref<112x128xi32, #tpu.memory_space<vmem>>) offsets(%dma_start3A_335 : memref<112xi32, #tpu.memory_space<vmem>>) semaphore(%arg17 : memref<!tpu.dma_semaphore, #tpu.memory_space<semaphore_mem>>)
          } else {
          }
          %eq3A_319 = arith.constant 2 : i32
          %eq3A_320 = arith.cmpi eq, %squeeze3A, %eq3A_319 : i32
          %convert_element_type3A_321 = arith.extui %eq3A_320 : i1 to i32
          %cond3A_322 = arith.constant 0 : i32
          %cond3A_323 = arith.cmpi ne, %convert_element_type3A_321, %cond3A_322 : i32
          scf.if %cond3A_323 {
            %dma_start3A_329 = arith.constant 0 : i32
            %dma_start3A_330 = arith.constant 0 : i32
            %dma_start3A_331 = tpu.memref_slice %arg12[%sub3A_308, %dma_start3A_329, %dma_start3A_330] : memref<2x112x128xi32, #tpu.memory_space<vmem>> -> memref<1x112x128xi32, #tpu.memory_space<vmem>>
            %dma_start3A_332 = tpu.memref_squeeze %dma_start3A_331 : memref<1x112x128xi32, #tpu.memory_space<vmem>> -> memref<112x128xi32, #tpu.memory_space<vmem>>
            %dma_start3A_333 = arith.constant 0 : i32
            %dma_start3A_334 = tpu.memref_slice %arg11[%add3A_307, %dma_start3A_333] : memref<7x112xi32, #tpu.memory_space<vmem>> -> memref<1x112xi32, #tpu.memory_space<vmem>>
            %dma_start3A_335 = tpu.memref_squeeze %dma_start3A_334 : memref<1x112xi32, #tpu.memory_space<vmem>> -> memref<112xi32, #tpu.memory_space<vmem>>
            %dma_start3A_336 = arith.constant 0 : i32
            %dma_start3A_337 = arith.constant 0 : i32
            %dma_start3A_338 = tpu.memref_slice %arg4[%dma_start3A_336, %dma_start3A_337] : memref<4096x128xi32, #tpu.memory_space<hbm>> -> memref<4096x128xi32, #tpu.memory_space<hbm>>
            tpu.enqueue_indirect_dma source(%dma_start3A_338 : memref<4096x128xi32, #tpu.memory_space<hbm>>) target(%dma_start3A_332 : memref<112x128xi32, #tpu.memory_space<vmem>>) offsets(%dma_start3A_335 : memref<112xi32, #tpu.memory_space<vmem>>) semaphore(%arg17 : memref<!tpu.dma_semaphore, #tpu.memory_space<semaphore_mem>>)
          } else {
          }
          %eq3A_324 = arith.constant 3 : i32
          %eq3A_325 = arith.cmpi eq, %squeeze3A, %eq3A_324 : i32
          %convert_element_type3A_326 = arith.extui %eq3A_325 : i1 to i32
          %cond3A_327 = arith.constant 0 : i32
          %cond3A_328 = arith.cmpi ne, %convert_element_type3A_326, %cond3A_327 : i32
          scf.if %cond3A_328 {
            %dma_start3A_329 = arith.constant 0 : i32
            %dma_start3A_330 = arith.constant 0 : i32
            %dma_start3A_331 = tpu.memref_slice %arg12[%sub3A_308, %dma_start3A_329, %dma_start3A_330] : memref<2x112x128xi32, #tpu.memory_space<vmem>> -> memref<1x112x128xi32, #tpu.memory_space<vmem>>
            %dma_start3A_332 = tpu.memref_squeeze %dma_start3A_331 : memref<1x112x128xi32, #tpu.memory_space<vmem>> -> memref<112x128xi32, #tpu.memory_space<vmem>>
            %dma_start3A_333 = arith.constant 0 : i32
            %dma_start3A_334 = tpu.memref_slice %arg11[%add3A_307, %dma_start3A_333] : memref<7x112xi32, #tpu.memory_space<vmem>> -> memref<1x112xi32, #tpu.memory_space<vmem>>
            %dma_start3A_335 = tpu.memref_squeeze %dma_start3A_334 : memref<1x112xi32, #tpu.memory_space<vmem>> -> memref<112xi32, #tpu.memory_space<vmem>>
            %dma_start3A_336 = arith.constant 0 : i32
            %dma_start3A_337 = arith.constant 0 : i32
            %dma_start3A_338 = tpu.memref_slice %arg5[%dma_start3A_336, %dma_start3A_337] : memref<1024x128xi32, #tpu.memory_space<hbm>> -> memref<1024x128xi32, #tpu.memory_space<hbm>>
            tpu.enqueue_indirect_dma source(%dma_start3A_338 : memref<1024x128xi32, #tpu.memory_space<hbm>>) target(%dma_start3A_332 : memref<112x128xi32, #tpu.memory_space<vmem>>) offsets(%dma_start3A_335 : memref<112xi32, #tpu.memory_space<vmem>>) semaphore(%arg17 : memref<!tpu.dma_semaphore, #tpu.memory_space<semaphore_mem>>)
          } else {
          }
        } else {
        }
        %mul3A_76 = arith.constant 4 : i32
        %mul3A_77 = arith.muli %mul3A_76, %scan3A_59 : i32
        %get3A_78 = arith.index_cast %scan3A_18 : i32 to index
        %get3A_79 = arith.index_cast %mul3A_77 : i32 to index
        %get3A_80 = tpu.vector_load %arg14[%get3A_78, %get3A_79] {strides = array<i32>} : memref<32x48xf32, #tpu.memory_space<vmem>>, vector<1x16xf32>,
        %get3A_81 = vector.shape_cast %get3A_80 : vector<1x16xf32> to vector<16xf32>
        %slice3A_82 = vector.extract_strided_slice %get3A_81 {offsets = [0], sizes = [1], strides = [1]} : vector<16xf32> to vector<1xf32>
        %squeeze3A_83 = vector.extract %slice3A_82[0] : f32 from vector<1xf32>
        %slice3A_84 = vector.extract_strided_slice %get3A_81 {offsets = [1], sizes = [1], strides = [1]} : vector<16xf32> to vector<1xf32>
        %squeeze3A_85 = vector.extract %slice3A_84[0] : f32 from vector<1xf32>
        %slice3A_86 = vector.extract_strided_slice %get3A_81 {offsets = [2], sizes = [1], strides = [1]} : vector<16xf32> to vector<1xf32>
        %squeeze3A_87 = vector.extract %slice3A_86[0] : f32 from vector<1xf32>
        %slice3A_88 = vector.extract_strided_slice %get3A_81 {offsets = [3], sizes = [1], strides = [1]} : vector<16xf32> to vector<1xf32>
        %squeeze3A_89 = vector.extract %slice3A_88[0] : f32 from vector<1xf32>
        %get3A_90 = arith.index_cast %scan3A_18 : i32 to index
        %get3A_91 = arith.constant 0 : index
        %get3A_92 = tpu.vector_load %arg15[%get3A_90, %get3A_91] {strides = array<i32>} : memref<32x48xf32, #tpu.memory_space<vmem>>, vector<1x16xf32>,
        %get3A_93 = vector.shape_cast %get3A_92 : vector<1x16xf32> to vector<16xf32>
        %slice3A_94 = vector.extract_strided_slice %get3A_93 {offsets = [0], sizes = [1], strides = [1]} : vector<16xf32> to vector<1xf32>
        %squeeze3A_95 = vector.extract %slice3A_94[0] : f32 from vector<1xf32>
        %slice3A_96 = vector.extract_strided_slice %get3A_93 {offsets = [1], sizes = [1], strides = [1]} : vector<16xf32> to vector<1xf32>
        %squeeze3A_97 = vector.extract %slice3A_96[0] : f32 from vector<1xf32>
        %slice3A_98 = vector.extract_strided_slice %get3A_93 {offsets = [2], sizes = [1], strides = [1]} : vector<16xf32> to vector<1xf32>
        %squeeze3A_99 = vector.extract %slice3A_98[0] : f32 from vector<1xf32>
        %slice3A_100 = vector.extract_strided_slice %get3A_93 {offsets = [3], sizes = [1], strides = [1]} : vector<16xf32> to vector<1xf32>
        %squeeze3A_101 = vector.extract %slice3A_100[0] : f32 from vector<1xf32>
        %mul3A_102 = arith.mulf %squeeze3A_83, %squeeze3A_95 : f32
        %mul3A_103 = arith.mulf %squeeze3A_83, %squeeze3A_97 : f32
        %mul3A_104 = arith.mulf %squeeze3A_83, %squeeze3A_99 : f32
        %mul3A_105 = arith.mulf %squeeze3A_83, %squeeze3A_101 : f32
        %mul3A_106 = arith.mulf %squeeze3A_85, %squeeze3A_95 : f32
        %mul3A_107 = arith.mulf %squeeze3A_85, %squeeze3A_97 : f32
        %mul3A_108 = arith.mulf %squeeze3A_85, %squeeze3A_99 : f32
        %mul3A_109 = arith.mulf %squeeze3A_85, %squeeze3A_101 : f32
        %mul3A_110 = arith.mulf %squeeze3A_87, %squeeze3A_95 : f32
        %mul3A_111 = arith.mulf %squeeze3A_87, %squeeze3A_97 : f32
        %mul3A_112 = arith.mulf %squeeze3A_87, %squeeze3A_99 : f32
        %mul3A_113 = arith.mulf %squeeze3A_87, %squeeze3A_101 : f32
        %mul3A_114 = arith.mulf %squeeze3A_89, %squeeze3A_95 : f32
        %mul3A_115 = arith.mulf %squeeze3A_89, %squeeze3A_97 : f32
        %mul3A_116 = arith.mulf %squeeze3A_89, %squeeze3A_99 : f32
        %mul3A_117 = arith.mulf %squeeze3A_89, %squeeze3A_101 : f32
        %parallel_loop3A = arith.constant 0 : i32
        %parallel_loop3A_118 = arith.constant 8 : i32
        %parallel_loop3A_119 = arith.constant 1 : i32
        scf.for %parallel_loop3A_306 = %parallel_loop3A to %parallel_loop3A_118 step %parallel_loop3A_119  : i32 {
          %parallel_loop3A_307 = arith.constant 16 : i32
          %parallel_loop3A_308 = arith.muli %parallel_loop3A_306, %parallel_loop3A_307 : i32
          %parallel_loop3A_309 = arith.constant 0 : i32
          %parallel_loop3A_310 = arith.index_cast %rem3A_60 : i32 to index
          %parallel_loop3A_311 = arith.index_cast %parallel_loop3A_309 : i32 to index
          %parallel_loop3A_312 = arith.index_cast %parallel_loop3A_308 : i32 to index
          %parallel_loop3A_313 = tpu.vector_load %arg12[%parallel_loop3A_310, %parallel_loop3A_311, %parallel_loop3A_312] {strides = array<i32>} : memref<2x112x128xi32, #tpu.memory_space<vmem>>, vector<1x1x16xi32>,
          %parallel_loop3A_314 = vector.shape_cast %parallel_loop3A_313 : vector<1x1x16xi32> to vector<16xi32>
          %parallel_loop3A_315 = arith.constant 16 : i32
          %parallel_loop3A_316 = vector.broadcast %parallel_loop3A_315 : i32 to vector<16xi32>
          %parallel_loop3A_317 = arith.shli %parallel_loop3A_314, %parallel_loop3A_316 : vector<16xi32>
          %parallel_loop3A_318 = tpu.bitcast %parallel_loop3A_317 : vector<16xi32> -> vector<16xf32>
          %parallel_loop3A_319 = tpu.bitcast %parallel_loop3A_314 : vector<16xi32> -> vector<16xf32>
          %parallel_loop3A_320 = vector.broadcast %mul3A_102 : f32 to vector<16xf32>
          %parallel_loop3A_321 = arith.mulf %parallel_loop3A_318, %parallel_loop3A_320 : vector<16xf32>
          %parallel_loop3A_322 = vector.broadcast %mul3A_102 : f32 to vector<16xf32>
          %parallel_loop3A_323 = arith.mulf %parallel_loop3A_319, %parallel_loop3A_322 : vector<16xf32>
          %parallel_loop3A_324 = arith.constant 1 : i32
          %parallel_loop3A_325 = arith.index_cast %rem3A_60 : i32 to index
          %parallel_loop3A_326 = arith.index_cast %parallel_loop3A_324 : i32 to index
          %parallel_loop3A_327 = arith.index_cast %parallel_loop3A_308 : i32 to index
          %parallel_loop3A_328 = tpu.vector_load %arg12[%parallel_loop3A_325, %parallel_loop3A_326, %parallel_loop3A_327] {strides = array<i32>} : memref<2x112x128xi32, #tpu.memory_space<vmem>>, vector<1x1x16xi32>,
          %parallel_loop3A_329 = vector.shape_cast %parallel_loop3A_328 : vector<1x1x16xi32> to vector<16xi32>
          %parallel_loop3A_330 = arith.constant 16 : i32
          %parallel_loop3A_331 = vector.broadcast %parallel_loop3A_330 : i32 to vector<16xi32>
          %parallel_loop3A_332 = arith.shli %parallel_loop3A_329, %parallel_loop3A_331 : vector<16xi32>
          %parallel_loop3A_333 = tpu.bitcast %parallel_loop3A_332 : vector<16xi32> -> vector<16xf32>
          %parallel_loop3A_334 = tpu.bitcast %parallel_loop3A_329 : vector<16xi32> -> vector<16xf32>
          %parallel_loop3A_335 = vector.broadcast %mul3A_103 : f32 to vector<16xf32>
          %parallel_loop3A_336 = arith.mulf %parallel_loop3A_333, %parallel_loop3A_335 : vector<16xf32>
          %parallel_loop3A_337 = vector.broadcast %mul3A_103 : f32 to vector<16xf32>
          %parallel_loop3A_338 = arith.mulf %parallel_loop3A_334, %parallel_loop3A_337 : vector<16xf32>
          %parallel_loop3A_339 = arith.addf %parallel_loop3A_321, %parallel_loop3A_336 : vector<16xf32>
          %parallel_loop3A_340 = arith.addf %parallel_loop3A_323, %parallel_loop3A_338 : vector<16xf32>
          %parallel_loop3A_341 = arith.constant 2 : i32
          %parallel_loop3A_342 = arith.index_cast %rem3A_60 : i32 to index
          %parallel_loop3A_343 = arith.index_cast %parallel_loop3A_341 : i32 to index
          %parallel_loop3A_344 = arith.index_cast %parallel_loop3A_308 : i32 to index
          %parallel_loop3A_345 = tpu.vector_load %arg12[%parallel_loop3A_342, %parallel_loop3A_343, %parallel_loop3A_344] {strides = array<i32>} : memref<2x112x128xi32, #tpu.memory_space<vmem>>, vector<1x1x16xi32>,
          %parallel_loop3A_346 = vector.shape_cast %parallel_loop3A_345 : vector<1x1x16xi32> to vector<16xi32>
          %parallel_loop3A_347 = arith.constant 16 : i32
          %parallel_loop3A_348 = vector.broadcast %parallel_loop3A_347 : i32 to vector<16xi32>
          %parallel_loop3A_349 = arith.shli %parallel_loop3A_346, %parallel_loop3A_348 : vector<16xi32>
          %parallel_loop3A_350 = tpu.bitcast %parallel_loop3A_349 : vector<16xi32> -> vector<16xf32>
          %parallel_loop3A_351 = tpu.bitcast %parallel_loop3A_346 : vector<16xi32> -> vector<16xf32>
          %parallel_loop3A_352 = vector.broadcast %mul3A_104 : f32 to vector<16xf32>
          %parallel_loop3A_353 = arith.mulf %parallel_loop3A_350, %parallel_loop3A_352 : vector<16xf32>
          %parallel_loop3A_354 = vector.broadcast %mul3A_104 : f32 to vector<16xf32>
          %parallel_loop3A_355 = arith.mulf %parallel_loop3A_351, %parallel_loop3A_354 : vector<16xf32>
          %parallel_loop3A_356 = arith.constant 3 : i32
          %parallel_loop3A_357 = arith.index_cast %rem3A_60 : i32 to index
          %parallel_loop3A_358 = arith.index_cast %parallel_loop3A_356 : i32 to index
          %parallel_loop3A_359 = arith.index_cast %parallel_loop3A_308 : i32 to index
          %parallel_loop3A_360 = tpu.vector_load %arg12[%parallel_loop3A_357, %parallel_loop3A_358, %parallel_loop3A_359] {strides = array<i32>} : memref<2x112x128xi32, #tpu.memory_space<vmem>>, vector<1x1x16xi32>,
          %parallel_loop3A_361 = vector.shape_cast %parallel_loop3A_360 : vector<1x1x16xi32> to vector<16xi32>
          %parallel_loop3A_362 = arith.constant 16 : i32
          %parallel_loop3A_363 = vector.broadcast %parallel_loop3A_362 : i32 to vector<16xi32>
          %parallel_loop3A_364 = arith.shli %parallel_loop3A_361, %parallel_loop3A_363 : vector<16xi32>
          %parallel_loop3A_365 = tpu.bitcast %parallel_loop3A_364 : vector<16xi32> -> vector<16xf32>
          %parallel_loop3A_366 = tpu.bitcast %parallel_loop3A_361 : vector<16xi32> -> vector<16xf32>
          %parallel_loop3A_367 = vector.broadcast %mul3A_105 : f32 to vector<16xf32>
          %parallel_loop3A_368 = arith.mulf %parallel_loop3A_365, %parallel_loop3A_367 : vector<16xf32>
          %parallel_loop3A_369 = vector.broadcast %mul3A_105 : f32 to vector<16xf32>
          %parallel_loop3A_370 = arith.mulf %parallel_loop3A_366, %parallel_loop3A_369 : vector<16xf32>
          %parallel_loop3A_371 = arith.addf %parallel_loop3A_353, %parallel_loop3A_368 : vector<16xf32>
          %parallel_loop3A_372 = arith.addf %parallel_loop3A_355, %parallel_loop3A_370 : vector<16xf32>
          %parallel_loop3A_373 = arith.constant 28 : i32
          %parallel_loop3A_374 = arith.index_cast %rem3A_60 : i32 to index
          %parallel_loop3A_375 = arith.index_cast %parallel_loop3A_373 : i32 to index
          %parallel_loop3A_376 = arith.index_cast %parallel_loop3A_308 : i32 to index
          %parallel_loop3A_377 = tpu.vector_load %arg12[%parallel_loop3A_374, %parallel_loop3A_375, %parallel_loop3A_376] {strides = array<i32>} : memref<2x112x128xi32, #tpu.memory_space<vmem>>, vector<1x1x16xi32>,
          %parallel_loop3A_378 = vector.shape_cast %parallel_loop3A_377 : vector<1x1x16xi32> to vector<16xi32>
          %parallel_loop3A_379 = arith.constant 16 : i32
          %parallel_loop3A_380 = vector.broadcast %parallel_loop3A_379 : i32 to vector<16xi32>
          %parallel_loop3A_381 = arith.shli %parallel_loop3A_378, %parallel_loop3A_380 : vector<16xi32>
          %parallel_loop3A_382 = tpu.bitcast %parallel_loop3A_381 : vector<16xi32> -> vector<16xf32>
          %parallel_loop3A_383 = tpu.bitcast %parallel_loop3A_378 : vector<16xi32> -> vector<16xf32>
          %parallel_loop3A_384 = vector.broadcast %mul3A_106 : f32 to vector<16xf32>
          %parallel_loop3A_385 = arith.mulf %parallel_loop3A_382, %parallel_loop3A_384 : vector<16xf32>
          %parallel_loop3A_386 = vector.broadcast %mul3A_106 : f32 to vector<16xf32>
          %parallel_loop3A_387 = arith.mulf %parallel_loop3A_383, %parallel_loop3A_386 : vector<16xf32>
          %parallel_loop3A_388 = arith.addf %parallel_loop3A_339, %parallel_loop3A_385 : vector<16xf32>
          %parallel_loop3A_389 = arith.addf %parallel_loop3A_340, %parallel_loop3A_387 : vector<16xf32>
          %parallel_loop3A_390 = arith.constant 29 : i32
          %parallel_loop3A_391 = arith.index_cast %rem3A_60 : i32 to index
          %parallel_loop3A_392 = arith.index_cast %parallel_loop3A_390 : i32 to index
          %parallel_loop3A_393 = arith.index_cast %parallel_loop3A_308 : i32 to index
          %parallel_loop3A_394 = tpu.vector_load %arg12[%parallel_loop3A_391, %parallel_loop3A_392, %parallel_loop3A_393] {strides = array<i32>} : memref<2x112x128xi32, #tpu.memory_space<vmem>>, vector<1x1x16xi32>,
          %parallel_loop3A_395 = vector.shape_cast %parallel_loop3A_394 : vector<1x1x16xi32> to vector<16xi32>
          %parallel_loop3A_396 = arith.constant 16 : i32
          %parallel_loop3A_397 = vector.broadcast %parallel_loop3A_396 : i32 to vector<16xi32>
          %parallel_loop3A_398 = arith.shli %parallel_loop3A_395, %parallel_loop3A_397 : vector<16xi32>
          %parallel_loop3A_399 = tpu.bitcast %parallel_loop3A_398 : vector<16xi32> -> vector<16xf32>
          %parallel_loop3A_400 = tpu.bitcast %parallel_loop3A_395 : vector<16xi32> -> vector<16xf32>
          %parallel_loop3A_401 = vector.broadcast %mul3A_107 : f32 to vector<16xf32>
          %parallel_loop3A_402 = arith.mulf %parallel_loop3A_399, %parallel_loop3A_401 : vector<16xf32>
          %parallel_loop3A_403 = vector.broadcast %mul3A_107 : f32 to vector<16xf32>
          %parallel_loop3A_404 = arith.mulf %parallel_loop3A_400, %parallel_loop3A_403 : vector<16xf32>
          %parallel_loop3A_405 = arith.addf %parallel_loop3A_388, %parallel_loop3A_402 : vector<16xf32>
          %parallel_loop3A_406 = arith.addf %parallel_loop3A_389, %parallel_loop3A_404 : vector<16xf32>
          %parallel_loop3A_407 = arith.constant 30 : i32
          %parallel_loop3A_408 = arith.index_cast %rem3A_60 : i32 to index
          %parallel_loop3A_409 = arith.index_cast %parallel_loop3A_407 : i32 to index
          %parallel_loop3A_410 = arith.index_cast %parallel_loop3A_308 : i32 to index
          %parallel_loop3A_411 = tpu.vector_load %arg12[%parallel_loop3A_408, %parallel_loop3A_409, %parallel_loop3A_410] {strides = array<i32>} : memref<2x112x128xi32, #tpu.memory_space<vmem>>, vector<1x1x16xi32>,
          %parallel_loop3A_412 = vector.shape_cast %parallel_loop3A_411 : vector<1x1x16xi32> to vector<16xi32>
          %parallel_loop3A_413 = arith.constant 16 : i32
          %parallel_loop3A_414 = vector.broadcast %parallel_loop3A_413 : i32 to vector<16xi32>
          %parallel_loop3A_415 = arith.shli %parallel_loop3A_412, %parallel_loop3A_414 : vector<16xi32>
          %parallel_loop3A_416 = tpu.bitcast %parallel_loop3A_415 : vector<16xi32> -> vector<16xf32>
          %parallel_loop3A_417 = tpu.bitcast %parallel_loop3A_412 : vector<16xi32> -> vector<16xf32>
          %parallel_loop3A_418 = vector.broadcast %mul3A_108 : f32 to vector<16xf32>
          %parallel_loop3A_419 = arith.mulf %parallel_loop3A_416, %parallel_loop3A_418 : vector<16xf32>
          %parallel_loop3A_420 = vector.broadcast %mul3A_108 : f32 to vector<16xf32>
          %parallel_loop3A_421 = arith.mulf %parallel_loop3A_417, %parallel_loop3A_420 : vector<16xf32>
          %parallel_loop3A_422 = arith.addf %parallel_loop3A_371, %parallel_loop3A_419 : vector<16xf32>
          %parallel_loop3A_423 = arith.addf %parallel_loop3A_372, %parallel_loop3A_421 : vector<16xf32>
          %parallel_loop3A_424 = arith.constant 31 : i32
          %parallel_loop3A_425 = arith.index_cast %rem3A_60 : i32 to index
          %parallel_loop3A_426 = arith.index_cast %parallel_loop3A_424 : i32 to index
          %parallel_loop3A_427 = arith.index_cast %parallel_loop3A_308 : i32 to index
          %parallel_loop3A_428 = tpu.vector_load %arg12[%parallel_loop3A_425, %parallel_loop3A_426, %parallel_loop3A_427] {strides = array<i32>} : memref<2x112x128xi32, #tpu.memory_space<vmem>>, vector<1x1x16xi32>,
          %parallel_loop3A_429 = vector.shape_cast %parallel_loop3A_428 : vector<1x1x16xi32> to vector<16xi32>
          %parallel_loop3A_430 = arith.constant 16 : i32
          %parallel_loop3A_431 = vector.broadcast %parallel_loop3A_430 : i32 to vector<16xi32>
          %parallel_loop3A_432 = arith.shli %parallel_loop3A_429, %parallel_loop3A_431 : vector<16xi32>
          %parallel_loop3A_433 = tpu.bitcast %parallel_loop3A_432 : vector<16xi32> -> vector<16xf32>
          %parallel_loop3A_434 = tpu.bitcast %parallel_loop3A_429 : vector<16xi32> -> vector<16xf32>
          %parallel_loop3A_435 = vector.broadcast %mul3A_109 : f32 to vector<16xf32>
          %parallel_loop3A_436 = arith.mulf %parallel_loop3A_433, %parallel_loop3A_435 : vector<16xf32>
          %parallel_loop3A_437 = vector.broadcast %mul3A_109 : f32 to vector<16xf32>
          %parallel_loop3A_438 = arith.mulf %parallel_loop3A_434, %parallel_loop3A_437 : vector<16xf32>
          %parallel_loop3A_439 = arith.addf %parallel_loop3A_422, %parallel_loop3A_436 : vector<16xf32>
          %parallel_loop3A_440 = arith.addf %parallel_loop3A_423, %parallel_loop3A_438 : vector<16xf32>
          %parallel_loop3A_441 = arith.constant 56 : i32
          %parallel_loop3A_442 = arith.index_cast %rem3A_60 : i32 to index
          %parallel_loop3A_443 = arith.index_cast %parallel_loop3A_441 : i32 to index
          %parallel_loop3A_444 = arith.index_cast %parallel_loop3A_308 : i32 to index
          %parallel_loop3A_445 = tpu.vector_load %arg12[%parallel_loop3A_442, %parallel_loop3A_443, %parallel_loop3A_444] {strides = array<i32>} : memref<2x112x128xi32, #tpu.memory_space<vmem>>, vector<1x1x16xi32>,
          %parallel_loop3A_446 = vector.shape_cast %parallel_loop3A_445 : vector<1x1x16xi32> to vector<16xi32>
          %parallel_loop3A_447 = arith.constant 16 : i32
          %parallel_loop3A_448 = vector.broadcast %parallel_loop3A_447 : i32 to vector<16xi32>
          %parallel_loop3A_449 = arith.shli %parallel_loop3A_446, %parallel_loop3A_448 : vector<16xi32>
          %parallel_loop3A_450 = tpu.bitcast %parallel_loop3A_449 : vector<16xi32> -> vector<16xf32>
          %parallel_loop3A_451 = tpu.bitcast %parallel_loop3A_446 : vector<16xi32> -> vector<16xf32>
          %parallel_loop3A_452 = vector.broadcast %mul3A_110 : f32 to vector<16xf32>
          %parallel_loop3A_453 = arith.mulf %parallel_loop3A_450, %parallel_loop3A_452 : vector<16xf32>
          %parallel_loop3A_454 = vector.broadcast %mul3A_110 : f32 to vector<16xf32>
          %parallel_loop3A_455 = arith.mulf %parallel_loop3A_451, %parallel_loop3A_454 : vector<16xf32>
          %parallel_loop3A_456 = arith.constant 57 : i32
          %parallel_loop3A_457 = arith.index_cast %rem3A_60 : i32 to index
          %parallel_loop3A_458 = arith.index_cast %parallel_loop3A_456 : i32 to index
          %parallel_loop3A_459 = arith.index_cast %parallel_loop3A_308 : i32 to index
          %parallel_loop3A_460 = tpu.vector_load %arg12[%parallel_loop3A_457, %parallel_loop3A_458, %parallel_loop3A_459] {strides = array<i32>} : memref<2x112x128xi32, #tpu.memory_space<vmem>>, vector<1x1x16xi32>,
          %parallel_loop3A_461 = vector.shape_cast %parallel_loop3A_460 : vector<1x1x16xi32> to vector<16xi32>
          %parallel_loop3A_462 = arith.constant 16 : i32
          %parallel_loop3A_463 = vector.broadcast %parallel_loop3A_462 : i32 to vector<16xi32>
          %parallel_loop3A_464 = arith.shli %parallel_loop3A_461, %parallel_loop3A_463 : vector<16xi32>
          %parallel_loop3A_465 = tpu.bitcast %parallel_loop3A_464 : vector<16xi32> -> vector<16xf32>
          %parallel_loop3A_466 = tpu.bitcast %parallel_loop3A_461 : vector<16xi32> -> vector<16xf32>
          %parallel_loop3A_467 = vector.broadcast %mul3A_111 : f32 to vector<16xf32>
          %parallel_loop3A_468 = arith.mulf %parallel_loop3A_465, %parallel_loop3A_467 : vector<16xf32>
          %parallel_loop3A_469 = vector.broadcast %mul3A_111 : f32 to vector<16xf32>
          %parallel_loop3A_470 = arith.mulf %parallel_loop3A_466, %parallel_loop3A_469 : vector<16xf32>
          %parallel_loop3A_471 = arith.addf %parallel_loop3A_453, %parallel_loop3A_468 : vector<16xf32>
          %parallel_loop3A_472 = arith.addf %parallel_loop3A_455, %parallel_loop3A_470 : vector<16xf32>
          %parallel_loop3A_473 = arith.constant 58 : i32
          %parallel_loop3A_474 = arith.index_cast %rem3A_60 : i32 to index
          %parallel_loop3A_475 = arith.index_cast %parallel_loop3A_473 : i32 to index
          %parallel_loop3A_476 = arith.index_cast %parallel_loop3A_308 : i32 to index
          %parallel_loop3A_477 = tpu.vector_load %arg12[%parallel_loop3A_474, %parallel_loop3A_475, %parallel_loop3A_476] {strides = array<i32>} : memref<2x112x128xi32, #tpu.memory_space<vmem>>, vector<1x1x16xi32>,
          %parallel_loop3A_478 = vector.shape_cast %parallel_loop3A_477 : vector<1x1x16xi32> to vector<16xi32>
          %parallel_loop3A_479 = arith.constant 16 : i32
          %parallel_loop3A_480 = vector.broadcast %parallel_loop3A_479 : i32 to vector<16xi32>
          %parallel_loop3A_481 = arith.shli %parallel_loop3A_478, %parallel_loop3A_480 : vector<16xi32>
          %parallel_loop3A_482 = tpu.bitcast %parallel_loop3A_481 : vector<16xi32> -> vector<16xf32>
          %parallel_loop3A_483 = tpu.bitcast %parallel_loop3A_478 : vector<16xi32> -> vector<16xf32>
          %parallel_loop3A_484 = vector.broadcast %mul3A_112 : f32 to vector<16xf32>
          %parallel_loop3A_485 = arith.mulf %parallel_loop3A_482, %parallel_loop3A_484 : vector<16xf32>
          %parallel_loop3A_486 = vector.broadcast %mul3A_112 : f32 to vector<16xf32>
          %parallel_loop3A_487 = arith.mulf %parallel_loop3A_483, %parallel_loop3A_486 : vector<16xf32>
          %parallel_loop3A_488 = arith.constant 59 : i32
          %parallel_loop3A_489 = arith.index_cast %rem3A_60 : i32 to index
          %parallel_loop3A_490 = arith.index_cast %parallel_loop3A_488 : i32 to index
          %parallel_loop3A_491 = arith.index_cast %parallel_loop3A_308 : i32 to index
          %parallel_loop3A_492 = tpu.vector_load %arg12[%parallel_loop3A_489, %parallel_loop3A_490, %parallel_loop3A_491] {strides = array<i32>} : memref<2x112x128xi32, #tpu.memory_space<vmem>>, vector<1x1x16xi32>,
          %parallel_loop3A_493 = vector.shape_cast %parallel_loop3A_492 : vector<1x1x16xi32> to vector<16xi32>
          %parallel_loop3A_494 = arith.constant 16 : i32
          %parallel_loop3A_495 = vector.broadcast %parallel_loop3A_494 : i32 to vector<16xi32>
          %parallel_loop3A_496 = arith.shli %parallel_loop3A_493, %parallel_loop3A_495 : vector<16xi32>
          %parallel_loop3A_497 = tpu.bitcast %parallel_loop3A_496 : vector<16xi32> -> vector<16xf32>
          %parallel_loop3A_498 = tpu.bitcast %parallel_loop3A_493 : vector<16xi32> -> vector<16xf32>
          %parallel_loop3A_499 = vector.broadcast %mul3A_113 : f32 to vector<16xf32>
          %parallel_loop3A_500 = arith.mulf %parallel_loop3A_497, %parallel_loop3A_499 : vector<16xf32>
          %parallel_loop3A_501 = vector.broadcast %mul3A_113 : f32 to vector<16xf32>
          %parallel_loop3A_502 = arith.mulf %parallel_loop3A_498, %parallel_loop3A_501 : vector<16xf32>
          %parallel_loop3A_503 = arith.addf %parallel_loop3A_485, %parallel_loop3A_500 : vector<16xf32>
          %parallel_loop3A_504 = arith.addf %parallel_loop3A_487, %parallel_loop3A_502 : vector<16xf32>
          %parallel_loop3A_505 = arith.constant 84 : i32
          %parallel_loop3A_506 = arith.index_cast %rem3A_60 : i32 to index
          %parallel_loop3A_507 = arith.index_cast %parallel_loop3A_505 : i32 to index
          %parallel_loop3A_508 = arith.index_cast %parallel_loop3A_308 : i32 to index
          %parallel_loop3A_509 = tpu.vector_load %arg12[%parallel_loop3A_506, %parallel_loop3A_507, %parallel_loop3A_508] {strides = array<i32>} : memref<2x112x128xi32, #tpu.memory_space<vmem>>, vector<1x1x16xi32>,
          %parallel_loop3A_510 = vector.shape_cast %parallel_loop3A_509 : vector<1x1x16xi32> to vector<16xi32>
          %parallel_loop3A_511 = arith.constant 16 : i32
          %parallel_loop3A_512 = vector.broadcast %parallel_loop3A_511 : i32 to vector<16xi32>
          %parallel_loop3A_513 = arith.shli %parallel_loop3A_510, %parallel_loop3A_512 : vector<16xi32>
          %parallel_loop3A_514 = tpu.bitcast %parallel_loop3A_513 : vector<16xi32> -> vector<16xf32>
          %parallel_loop3A_515 = tpu.bitcast %parallel_loop3A_510 : vector<16xi32> -> vector<16xf32>
          %parallel_loop3A_516 = vector.broadcast %mul3A_114 : f32 to vector<16xf32>
          %parallel_loop3A_517 = arith.mulf %parallel_loop3A_514, %parallel_loop3A_516 : vector<16xf32>
          %parallel_loop3A_518 = vector.broadcast %mul3A_114 : f32 to vector<16xf32>
          %parallel_loop3A_519 = arith.mulf %parallel_loop3A_515, %parallel_loop3A_518 : vector<16xf32>
          %parallel_loop3A_520 = arith.addf %parallel_loop3A_471, %parallel_loop3A_517 : vector<16xf32>
          %parallel_loop3A_521 = arith.addf %parallel_loop3A_472, %parallel_loop3A_519 : vector<16xf32>
          %parallel_loop3A_522 = arith.constant 85 : i32
          %parallel_loop3A_523 = arith.index_cast %rem3A_60 : i32 to index
          %parallel_loop3A_524 = arith.index_cast %parallel_loop3A_522 : i32 to index
          %parallel_loop3A_525 = arith.index_cast %parallel_loop3A_308 : i32 to index
          %parallel_loop3A_526 = tpu.vector_load %arg12[%parallel_loop3A_523, %parallel_loop3A_524, %parallel_loop3A_525] {strides = array<i32>} : memref<2x112x128xi32, #tpu.memory_space<vmem>>, vector<1x1x16xi32>,
          %parallel_loop3A_527 = vector.shape_cast %parallel_loop3A_526 : vector<1x1x16xi32> to vector<16xi32>
          %parallel_loop3A_528 = arith.constant 16 : i32
          %parallel_loop3A_529 = vector.broadcast %parallel_loop3A_528 : i32 to vector<16xi32>
          %parallel_loop3A_530 = arith.shli %parallel_loop3A_527, %parallel_loop3A_529 : vector<16xi32>
          %parallel_loop3A_531 = tpu.bitcast %parallel_loop3A_530 : vector<16xi32> -> vector<16xf32>
          %parallel_loop3A_532 = tpu.bitcast %parallel_loop3A_527 : vector<16xi32> -> vector<16xf32>
          %parallel_loop3A_533 = vector.broadcast %mul3A_115 : f32 to vector<16xf32>
          %parallel_loop3A_534 = arith.mulf %parallel_loop3A_531, %parallel_loop3A_533 : vector<16xf32>
          %parallel_loop3A_535 = vector.broadcast %mul3A_115 : f32 to vector<16xf32>
          %parallel_loop3A_536 = arith.mulf %parallel_loop3A_532, %parallel_loop3A_535 : vector<16xf32>
          %parallel_loop3A_537 = arith.addf %parallel_loop3A_520, %parallel_loop3A_534 : vector<16xf32>
          %parallel_loop3A_538 = arith.addf %parallel_loop3A_521, %parallel_loop3A_536 : vector<16xf32>
          %parallel_loop3A_539 = arith.constant 86 : i32
          %parallel_loop3A_540 = arith.index_cast %rem3A_60 : i32 to index
          %parallel_loop3A_541 = arith.index_cast %parallel_loop3A_539 : i32 to index
          %parallel_loop3A_542 = arith.index_cast %parallel_loop3A_308 : i32 to index
          %parallel_loop3A_543 = tpu.vector_load %arg12[%parallel_loop3A_540, %parallel_loop3A_541, %parallel_loop3A_542] {strides = array<i32>} : memref<2x112x128xi32, #tpu.memory_space<vmem>>, vector<1x1x16xi32>,
          %parallel_loop3A_544 = vector.shape_cast %parallel_loop3A_543 : vector<1x1x16xi32> to vector<16xi32>
          %parallel_loop3A_545 = arith.constant 16 : i32
          %parallel_loop3A_546 = vector.broadcast %parallel_loop3A_545 : i32 to vector<16xi32>
          %parallel_loop3A_547 = arith.shli %parallel_loop3A_544, %parallel_loop3A_546 : vector<16xi32>
          %parallel_loop3A_548 = tpu.bitcast %parallel_loop3A_547 : vector<16xi32> -> vector<16xf32>
          %parallel_loop3A_549 = tpu.bitcast %parallel_loop3A_544 : vector<16xi32> -> vector<16xf32>
          %parallel_loop3A_550 = vector.broadcast %mul3A_116 : f32 to vector<16xf32>
          %parallel_loop3A_551 = arith.mulf %parallel_loop3A_548, %parallel_loop3A_550 : vector<16xf32>
          %parallel_loop3A_552 = vector.broadcast %mul3A_116 : f32 to vector<16xf32>
          %parallel_loop3A_553 = arith.mulf %parallel_loop3A_549, %parallel_loop3A_552 : vector<16xf32>
          %parallel_loop3A_554 = arith.addf %parallel_loop3A_503, %parallel_loop3A_551 : vector<16xf32>
          %parallel_loop3A_555 = arith.addf %parallel_loop3A_504, %parallel_loop3A_553 : vector<16xf32>
          %parallel_loop3A_556 = arith.constant 87 : i32
          %parallel_loop3A_557 = arith.index_cast %rem3A_60 : i32 to index
          %parallel_loop3A_558 = arith.index_cast %parallel_loop3A_556 : i32 to index
          %parallel_loop3A_559 = arith.index_cast %parallel_loop3A_308 : i32 to index
          %parallel_loop3A_560 = tpu.vector_load %arg12[%parallel_loop3A_557, %parallel_loop3A_558, %parallel_loop3A_559] {strides = array<i32>} : memref<2x112x128xi32, #tpu.memory_space<vmem>>, vector<1x1x16xi32>,
          %parallel_loop3A_561 = vector.shape_cast %parallel_loop3A_560 : vector<1x1x16xi32> to vector<16xi32>
          %parallel_loop3A_562 = arith.constant 16 : i32
          %parallel_loop3A_563 = vector.broadcast %parallel_loop3A_562 : i32 to vector<16xi32>
          %parallel_loop3A_564 = arith.shli %parallel_loop3A_561, %parallel_loop3A_563 : vector<16xi32>
          %parallel_loop3A_565 = tpu.bitcast %parallel_loop3A_564 : vector<16xi32> -> vector<16xf32>
          %parallel_loop3A_566 = tpu.bitcast %parallel_loop3A_561 : vector<16xi32> -> vector<16xf32>
          %parallel_loop3A_567 = vector.broadcast %mul3A_117 : f32 to vector<16xf32>
          %parallel_loop3A_568 = arith.mulf %parallel_loop3A_565, %parallel_loop3A_567 : vector<16xf32>
          %parallel_loop3A_569 = vector.broadcast %mul3A_117 : f32 to vector<16xf32>
          %parallel_loop3A_570 = arith.mulf %parallel_loop3A_566, %parallel_loop3A_569 : vector<16xf32>
          %parallel_loop3A_571 = arith.addf %parallel_loop3A_554, %parallel_loop3A_568 : vector<16xf32>
          %parallel_loop3A_572 = arith.addf %parallel_loop3A_555, %parallel_loop3A_570 : vector<16xf32>
          %parallel_loop3A_573 = arith.maximumf %parallel_loop3A_405, %parallel_loop3A_439 : vector<16xf32>
          %parallel_loop3A_574 = arith.maximumf %parallel_loop3A_537, %parallel_loop3A_571 : vector<16xf32>
          %parallel_loop3A_575 = arith.maximumf %parallel_loop3A_573, %parallel_loop3A_574 : vector<16xf32>
          %parallel_loop3A_576 = arith.maximumf %parallel_loop3A_406, %parallel_loop3A_440 : vector<16xf32>
          %parallel_loop3A_577 = arith.maximumf %parallel_loop3A_538, %parallel_loop3A_572 : vector<16xf32>
          %parallel_loop3A_578 = arith.maximumf %parallel_loop3A_576, %parallel_loop3A_577 : vector<16xf32>
          %parallel_loop3A_579 = arith.constant 0 : i32
          %parallel_loop3A_580 = arith.index_cast %scan3A_59 : i32 to index
          %parallel_loop3A_581 = arith.index_cast %parallel_loop3A_579 : i32 to index
          %parallel_loop3A_582 = arith.index_cast %parallel_loop3A_308 : i32 to index
          %parallel_loop3A_583 = tpu.vector_load %arg13[%parallel_loop3A_580, %parallel_loop3A_581, %parallel_loop3A_582] {strides = array<i32>} : memref<7x7x256xf32, #tpu.memory_space<vmem>>, vector<1x1x16xf32>,
          %parallel_loop3A_584 = vector.shape_cast %parallel_loop3A_583 : vector<1x1x16xf32> to vector<16xf32>
          %parallel_loop3A_585 = vector.shape_cast %parallel_loop3A_575 : vector<16xf32> to vector<1x1x16xf32>
          tpu.vector_store %arg13[%parallel_loop3A_580, %parallel_loop3A_581, %parallel_loop3A_582], %parallel_loop3A_585 {strides = array<i32>} : memref<7x7x256xf32, #tpu.memory_space<vmem>>, vector<1x1x16xf32>,
          %parallel_loop3A_586 = arith.constant 16 : i32
          %parallel_loop3A_587 = arith.muli %parallel_loop3A_306, %parallel_loop3A_586 : i32
          %parallel_loop3A_588 = arith.constant 128 : i32
          %parallel_loop3A_589 = arith.addi %parallel_loop3A_588, %parallel_loop3A_587 : i32
          %parallel_loop3A_590 = arith.constant 0 : i32
          %parallel_loop3A_591 = arith.index_cast %scan3A_59 : i32 to index
          %parallel_loop3A_592 = arith.index_cast %parallel_loop3A_590 : i32 to index
          %parallel_loop3A_593 = arith.index_cast %parallel_loop3A_589 : i32 to index
          %parallel_loop3A_594 = tpu.vector_load %arg13[%parallel_loop3A_591, %parallel_loop3A_592, %parallel_loop3A_593] {strides = array<i32>} : memref<7x7x256xf32, #tpu.memory_space<vmem>>, vector<1x1x16xf32>,
          %parallel_loop3A_595 = vector.shape_cast %parallel_loop3A_594 : vector<1x1x16xf32> to vector<16xf32>
          %parallel_loop3A_596 = vector.shape_cast %parallel_loop3A_578 : vector<16xf32> to vector<1x1x16xf32>
          tpu.vector_store %arg13[%parallel_loop3A_591, %parallel_loop3A_592, %parallel_loop3A_593], %parallel_loop3A_596 {strides = array<i32>} : memref<7x7x256xf32, #tpu.memory_space<vmem>>, vector<1x1x16xf32>,
        } {sc.loop_unroll_factor = 4 : i64, sc.parallel_access}
        %get3A_120 = arith.index_cast %scan3A_18 : i32 to index
        %get3A_121 = arith.constant 4 : index
        %get3A_122 = tpu.vector_load %arg15[%get3A_120, %get3A_121] {strides = array<i32>} : memref<32x48xf32, #tpu.memory_space<vmem>>, vector<1x16xf32>,
        %get3A_123 = vector.shape_cast %get3A_122 : vector<1x16xf32> to vector<16xf32>
        %slice3A_124 = vector.extract_strided_slice %get3A_123 {offsets = [0], sizes = [1], strides = [1]} : vector<16xf32> to vector<1xf32>
        %squeeze3A_125 = vector.extract %slice3A_124[0] : f32 from vector<1xf32>
        %slice3A_126 = vector.extract_strided_slice %get3A_123 {offsets = [1], sizes = [1], strides = [1]} : vector<16xf32> to vector<1xf32>
        %squeeze3A_127 = vector.extract %slice3A_126[0] : f32 from vector<1xf32>
        %slice3A_128 = vector.extract_strided_slice %get3A_123 {offsets = [2], sizes = [1], strides = [1]} : vector<16xf32> to vector<1xf32>
        %squeeze3A_129 = vector.extract %slice3A_128[0] : f32 from vector<1xf32>
        %slice3A_130 = vector.extract_strided_slice %get3A_123 {offsets = [3], sizes = [1], strides = [1]} : vector<16xf32> to vector<1xf32>
        %squeeze3A_131 = vector.extract %slice3A_130[0] : f32 from vector<1xf32>
        %mul3A_132 = arith.mulf %squeeze3A_83, %squeeze3A_125 : f32
        %mul3A_133 = arith.mulf %squeeze3A_83, %squeeze3A_127 : f32
        %mul3A_134 = arith.mulf %squeeze3A_83, %squeeze3A_129 : f32
        %mul3A_135 = arith.mulf %squeeze3A_83, %squeeze3A_131 : f32
        %mul3A_136 = arith.mulf %squeeze3A_85, %squeeze3A_125 : f32
        %mul3A_137 = arith.mulf %squeeze3A_85, %squeeze3A_127 : f32
        %mul3A_138 = arith.mulf %squeeze3A_85, %squeeze3A_129 : f32
        %mul3A_139 = arith.mulf %squeeze3A_85, %squeeze3A_131 : f32
        %mul3A_140 = arith.mulf %squeeze3A_87, %squeeze3A_125 : f32
        %mul3A_141 = arith.mulf %squeeze3A_87, %squeeze3A_127 : f32
        %mul3A_142 = arith.mulf %squeeze3A_87, %squeeze3A_129 : f32
        %mul3A_143 = arith.mulf %squeeze3A_87, %squeeze3A_131 : f32
        %mul3A_144 = arith.mulf %squeeze3A_89, %squeeze3A_125 : f32
        %mul3A_145 = arith.mulf %squeeze3A_89, %squeeze3A_127 : f32
        %mul3A_146 = arith.mulf %squeeze3A_89, %squeeze3A_129 : f32
        %mul3A_147 = arith.mulf %squeeze3A_89, %squeeze3A_131 : f32
        %parallel_loop3A_148 = arith.constant 0 : i32
        %parallel_loop3A_149 = arith.constant 8 : i32
        %parallel_loop3A_150 = arith.constant 1 : i32
        scf.for %parallel_loop3A_306 = %parallel_loop3A_148 to %parallel_loop3A_149 step %parallel_loop3A_150  : i32 {
          %parallel_loop3A_307 = arith.constant 16 : i32
          %parallel_loop3A_308 = arith.muli %parallel_loop3A_306, %parallel_loop3A_307 : i32
          %parallel_loop3A_309 = arith.constant 4 : i32
          %parallel_loop3A_310 = arith.index_cast %rem3A_60 : i32 to index
          %parallel_loop3A_311 = arith.index_cast %parallel_loop3A_309 : i32 to index
          %parallel_loop3A_312 = arith.index_cast %parallel_loop3A_308 : i32 to index
          %parallel_loop3A_313 = tpu.vector_load %arg12[%parallel_loop3A_310, %parallel_loop3A_311, %parallel_loop3A_312] {strides = array<i32>} : memref<2x112x128xi32, #tpu.memory_space<vmem>>, vector<1x1x16xi32>,
          %parallel_loop3A_314 = vector.shape_cast %parallel_loop3A_313 : vector<1x1x16xi32> to vector<16xi32>
          %parallel_loop3A_315 = arith.constant 16 : i32
          %parallel_loop3A_316 = vector.broadcast %parallel_loop3A_315 : i32 to vector<16xi32>
          %parallel_loop3A_317 = arith.shli %parallel_loop3A_314, %parallel_loop3A_316 : vector<16xi32>
          %parallel_loop3A_318 = tpu.bitcast %parallel_loop3A_317 : vector<16xi32> -> vector<16xf32>
          %parallel_loop3A_319 = tpu.bitcast %parallel_loop3A_314 : vector<16xi32> -> vector<16xf32>
          %parallel_loop3A_320 = vector.broadcast %mul3A_132 : f32 to vector<16xf32>
          %parallel_loop3A_321 = arith.mulf %parallel_loop3A_318, %parallel_loop3A_320 : vector<16xf32>
          %parallel_loop3A_322 = vector.broadcast %mul3A_132 : f32 to vector<16xf32>
          %parallel_loop3A_323 = arith.mulf %parallel_loop3A_319, %parallel_loop3A_322 : vector<16xf32>
          %parallel_loop3A_324 = arith.constant 5 : i32
          %parallel_loop3A_325 = arith.index_cast %rem3A_60 : i32 to index
          %parallel_loop3A_326 = arith.index_cast %parallel_loop3A_324 : i32 to index
          %parallel_loop3A_327 = arith.index_cast %parallel_loop3A_308 : i32 to index
          %parallel_loop3A_328 = tpu.vector_load %arg12[%parallel_loop3A_325, %parallel_loop3A_326, %parallel_loop3A_327] {strides = array<i32>} : memref<2x112x128xi32, #tpu.memory_space<vmem>>, vector<1x1x16xi32>,
          %parallel_loop3A_329 = vector.shape_cast %parallel_loop3A_328 : vector<1x1x16xi32> to vector<16xi32>
          %parallel_loop3A_330 = arith.constant 16 : i32
          %parallel_loop3A_331 = vector.broadcast %parallel_loop3A_330 : i32 to vector<16xi32>
          %parallel_loop3A_332 = arith.shli %parallel_loop3A_329, %parallel_loop3A_331 : vector<16xi32>
          %parallel_loop3A_333 = tpu.bitcast %parallel_loop3A_332 : vector<16xi32> -> vector<16xf32>
          %parallel_loop3A_334 = tpu.bitcast %parallel_loop3A_329 : vector<16xi32> -> vector<16xf32>
          %parallel_loop3A_335 = vector.broadcast %mul3A_133 : f32 to vector<16xf32>
          %parallel_loop3A_336 = arith.mulf %parallel_loop3A_333, %parallel_loop3A_335 : vector<16xf32>
          %parallel_loop3A_337 = vector.broadcast %mul3A_133 : f32 to vector<16xf32>
          %parallel_loop3A_338 = arith.mulf %parallel_loop3A_334, %parallel_loop3A_337 : vector<16xf32>
          %parallel_loop3A_339 = arith.addf %parallel_loop3A_321, %parallel_loop3A_336 : vector<16xf32>
          %parallel_loop3A_340 = arith.addf %parallel_loop3A_323, %parallel_loop3A_338 : vector<16xf32>
          %parallel_loop3A_341 = arith.constant 6 : i32
          %parallel_loop3A_342 = arith.index_cast %rem3A_60 : i32 to index
          %parallel_loop3A_343 = arith.index_cast %parallel_loop3A_341 : i32 to index
          %parallel_loop3A_344 = arith.index_cast %parallel_loop3A_308 : i32 to index
          %parallel_loop3A_345 = tpu.vector_load %arg12[%parallel_loop3A_342, %parallel_loop3A_343, %parallel_loop3A_344] {strides = array<i32>} : memref<2x112x128xi32, #tpu.memory_space<vmem>>, vector<1x1x16xi32>,
          %parallel_loop3A_346 = vector.shape_cast %parallel_loop3A_345 : vector<1x1x16xi32> to vector<16xi32>
          %parallel_loop3A_347 = arith.constant 16 : i32
          %parallel_loop3A_348 = vector.broadcast %parallel_loop3A_347 : i32 to vector<16xi32>
          %parallel_loop3A_349 = arith.shli %parallel_loop3A_346, %parallel_loop3A_348 : vector<16xi32>
          %parallel_loop3A_350 = tpu.bitcast %parallel_loop3A_349 : vector<16xi32> -> vector<16xf32>
          %parallel_loop3A_351 = tpu.bitcast %parallel_loop3A_346 : vector<16xi32> -> vector<16xf32>
          %parallel_loop3A_352 = vector.broadcast %mul3A_134 : f32 to vector<16xf32>
          %parallel_loop3A_353 = arith.mulf %parallel_loop3A_350, %parallel_loop3A_352 : vector<16xf32>
          %parallel_loop3A_354 = vector.broadcast %mul3A_134 : f32 to vector<16xf32>
          %parallel_loop3A_355 = arith.mulf %parallel_loop3A_351, %parallel_loop3A_354 : vector<16xf32>
          %parallel_loop3A_356 = arith.constant 7 : i32
          %parallel_loop3A_357 = arith.index_cast %rem3A_60 : i32 to index
          %parallel_loop3A_358 = arith.index_cast %parallel_loop3A_356 : i32 to index
          %parallel_loop3A_359 = arith.index_cast %parallel_loop3A_308 : i32 to index
          %parallel_loop3A_360 = tpu.vector_load %arg12[%parallel_loop3A_357, %parallel_loop3A_358, %parallel_loop3A_359] {strides = array<i32>} : memref<2x112x128xi32, #tpu.memory_space<vmem>>, vector<1x1x16xi32>,
          %parallel_loop3A_361 = vector.shape_cast %parallel_loop3A_360 : vector<1x1x16xi32> to vector<16xi32>
          %parallel_loop3A_362 = arith.constant 16 : i32
          %parallel_loop3A_363 = vector.broadcast %parallel_loop3A_362 : i32 to vector<16xi32>
          %parallel_loop3A_364 = arith.shli %parallel_loop3A_361, %parallel_loop3A_363 : vector<16xi32>
          %parallel_loop3A_365 = tpu.bitcast %parallel_loop3A_364 : vector<16xi32> -> vector<16xf32>
          %parallel_loop3A_366 = tpu.bitcast %parallel_loop3A_361 : vector<16xi32> -> vector<16xf32>
          %parallel_loop3A_367 = vector.broadcast %mul3A_135 : f32 to vector<16xf32>
          %parallel_loop3A_368 = arith.mulf %parallel_loop3A_365, %parallel_loop3A_367 : vector<16xf32>
          %parallel_loop3A_369 = vector.broadcast %mul3A_135 : f32 to vector<16xf32>
          %parallel_loop3A_370 = arith.mulf %parallel_loop3A_366, %parallel_loop3A_369 : vector<16xf32>
          %parallel_loop3A_371 = arith.addf %parallel_loop3A_353, %parallel_loop3A_368 : vector<16xf32>
          %parallel_loop3A_372 = arith.addf %parallel_loop3A_355, %parallel_loop3A_370 : vector<16xf32>
          %parallel_loop3A_373 = arith.constant 32 : i32
          %parallel_loop3A_374 = arith.index_cast %rem3A_60 : i32 to index
          %parallel_loop3A_375 = arith.index_cast %parallel_loop3A_373 : i32 to index
          %parallel_loop3A_376 = arith.index_cast %parallel_loop3A_308 : i32 to index
          %parallel_loop3A_377 = tpu.vector_load %arg12[%parallel_loop3A_374, %parallel_loop3A_375, %parallel_loop3A_376] {strides = array<i32>} : memref<2x112x128xi32, #tpu.memory_space<vmem>>, vector<1x1x16xi32>,
          %parallel_loop3A_378 = vector.shape_cast %parallel_loop3A_377 : vector<1x1x16xi32> to vector<16xi32>
          %parallel_loop3A_379 = arith.constant 16 : i32
          %parallel_loop3A_380 = vector.broadcast %parallel_loop3A_379 : i32 to vector<16xi32>
          %parallel_loop3A_381 = arith.shli %parallel_loop3A_378, %parallel_loop3A_380 : vector<16xi32>
          %parallel_loop3A_382 = tpu.bitcast %parallel_loop3A_381 : vector<16xi32> -> vector<16xf32>
          %parallel_loop3A_383 = tpu.bitcast %parallel_loop3A_378 : vector<16xi32> -> vector<16xf32>
          %parallel_loop3A_384 = vector.broadcast %mul3A_136 : f32 to vector<16xf32>
          %parallel_loop3A_385 = arith.mulf %parallel_loop3A_382, %parallel_loop3A_384 : vector<16xf32>
          %parallel_loop3A_386 = vector.broadcast %mul3A_136 : f32 to vector<16xf32>
          %parallel_loop3A_387 = arith.mulf %parallel_loop3A_383, %parallel_loop3A_386 : vector<16xf32>
          %parallel_loop3A_388 = arith.addf %parallel_loop3A_339, %parallel_loop3A_385 : vector<16xf32>
          %parallel_loop3A_389 = arith.addf %parallel_loop3A_340, %parallel_loop3A_387 : vector<16xf32>
          %parallel_loop3A_390 = arith.constant 33 : i32
          %parallel_loop3A_391 = arith.index_cast %rem3A_60 : i32 to index
          %parallel_loop3A_392 = arith.index_cast %parallel_loop3A_390 : i32 to index
          %parallel_loop3A_393 = arith.index_cast %parallel_loop3A_308 : i32 to index
          %parallel_loop3A_394 = tpu.vector_load %arg12[%parallel_loop3A_391, %parallel_loop3A_392, %parallel_loop3A_393] {strides = array<i32>} : memref<2x112x128xi32, #tpu.memory_space<vmem>>, vector<1x1x16xi32>,
          %parallel_loop3A_395 = vector.shape_cast %parallel_loop3A_394 : vector<1x1x16xi32> to vector<16xi32>
          %parallel_loop3A_396 = arith.constant 16 : i32
          %parallel_loop3A_397 = vector.broadcast %parallel_loop3A_396 : i32 to vector<16xi32>
          %parallel_loop3A_398 = arith.shli %parallel_loop3A_395, %parallel_loop3A_397 : vector<16xi32>
          %parallel_loop3A_399 = tpu.bitcast %parallel_loop3A_398 : vector<16xi32> -> vector<16xf32>
          %parallel_loop3A_400 = tpu.bitcast %parallel_loop3A_395 : vector<16xi32> -> vector<16xf32>
          %parallel_loop3A_401 = vector.broadcast %mul3A_137 : f32 to vector<16xf32>
          %parallel_loop3A_402 = arith.mulf %parallel_loop3A_399, %parallel_loop3A_401 : vector<16xf32>
          %parallel_loop3A_403 = vector.broadcast %mul3A_137 : f32 to vector<16xf32>
          %parallel_loop3A_404 = arith.mulf %parallel_loop3A_400, %parallel_loop3A_403 : vector<16xf32>
          %parallel_loop3A_405 = arith.addf %parallel_loop3A_388, %parallel_loop3A_402 : vector<16xf32>
          %parallel_loop3A_406 = arith.addf %parallel_loop3A_389, %parallel_loop3A_404 : vector<16xf32>
          %parallel_loop3A_407 = arith.constant 34 : i32
          %parallel_loop3A_408 = arith.index_cast %rem3A_60 : i32 to index
          %parallel_loop3A_409 = arith.index_cast %parallel_loop3A_407 : i32 to index
          %parallel_loop3A_410 = arith.index_cast %parallel_loop3A_308 : i32 to index
          %parallel_loop3A_411 = tpu.vector_load %arg12[%parallel_loop3A_408, %parallel_loop3A_409, %parallel_loop3A_410] {strides = array<i32>} : memref<2x112x128xi32, #tpu.memory_space<vmem>>, vector<1x1x16xi32>,
          %parallel_loop3A_412 = vector.shape_cast %parallel_loop3A_411 : vector<1x1x16xi32> to vector<16xi32>
          %parallel_loop3A_413 = arith.constant 16 : i32
          %parallel_loop3A_414 = vector.broadcast %parallel_loop3A_413 : i32 to vector<16xi32>
          %parallel_loop3A_415 = arith.shli %parallel_loop3A_412, %parallel_loop3A_414 : vector<16xi32>
          %parallel_loop3A_416 = tpu.bitcast %parallel_loop3A_415 : vector<16xi32> -> vector<16xf32>
          %parallel_loop3A_417 = tpu.bitcast %parallel_loop3A_412 : vector<16xi32> -> vector<16xf32>
          %parallel_loop3A_418 = vector.broadcast %mul3A_138 : f32 to vector<16xf32>
          %parallel_loop3A_419 = arith.mulf %parallel_loop3A_416, %parallel_loop3A_418 : vector<16xf32>
          %parallel_loop3A_420 = vector.broadcast %mul3A_138 : f32 to vector<16xf32>
          %parallel_loop3A_421 = arith.mulf %parallel_loop3A_417, %parallel_loop3A_420 : vector<16xf32>
          %parallel_loop3A_422 = arith.addf %parallel_loop3A_371, %parallel_loop3A_419 : vector<16xf32>
          %parallel_loop3A_423 = arith.addf %parallel_loop3A_372, %parallel_loop3A_421 : vector<16xf32>
          %parallel_loop3A_424 = arith.constant 35 : i32
          %parallel_loop3A_425 = arith.index_cast %rem3A_60 : i32 to index
          %parallel_loop3A_426 = arith.index_cast %parallel_loop3A_424 : i32 to index
          %parallel_loop3A_427 = arith.index_cast %parallel_loop3A_308 : i32 to index
          %parallel_loop3A_428 = tpu.vector_load %arg12[%parallel_loop3A_425, %parallel_loop3A_426, %parallel_loop3A_427] {strides = array<i32>} : memref<2x112x128xi32, #tpu.memory_space<vmem>>, vector<1x1x16xi32>,
          %parallel_loop3A_429 = vector.shape_cast %parallel_loop3A_428 : vector<1x1x16xi32> to vector<16xi32>
          %parallel_loop3A_430 = arith.constant 16 : i32
          %parallel_loop3A_431 = vector.broadcast %parallel_loop3A_430 : i32 to vector<16xi32>
          %parallel_loop3A_432 = arith.shli %parallel_loop3A_429, %parallel_loop3A_431 : vector<16xi32>
          %parallel_loop3A_433 = tpu.bitcast %parallel_loop3A_432 : vector<16xi32> -> vector<16xf32>
          %parallel_loop3A_434 = tpu.bitcast %parallel_loop3A_429 : vector<16xi32> -> vector<16xf32>
          %parallel_loop3A_435 = vector.broadcast %mul3A_139 : f32 to vector<16xf32>
          %parallel_loop3A_436 = arith.mulf %parallel_loop3A_433, %parallel_loop3A_435 : vector<16xf32>
          %parallel_loop3A_437 = vector.broadcast %mul3A_139 : f32 to vector<16xf32>
          %parallel_loop3A_438 = arith.mulf %parallel_loop3A_434, %parallel_loop3A_437 : vector<16xf32>
          %parallel_loop3A_439 = arith.addf %parallel_loop3A_422, %parallel_loop3A_436 : vector<16xf32>
          %parallel_loop3A_440 = arith.addf %parallel_loop3A_423, %parallel_loop3A_438 : vector<16xf32>
          %parallel_loop3A_441 = arith.constant 60 : i32
          %parallel_loop3A_442 = arith.index_cast %rem3A_60 : i32 to index
          %parallel_loop3A_443 = arith.index_cast %parallel_loop3A_441 : i32 to index
          %parallel_loop3A_444 = arith.index_cast %parallel_loop3A_308 : i32 to index
          %parallel_loop3A_445 = tpu.vector_load %arg12[%parallel_loop3A_442, %parallel_loop3A_443, %parallel_loop3A_444] {strides = array<i32>} : memref<2x112x128xi32, #tpu.memory_space<vmem>>, vector<1x1x16xi32>,
          %parallel_loop3A_446 = vector.shape_cast %parallel_loop3A_445 : vector<1x1x16xi32> to vector<16xi32>
          %parallel_loop3A_447 = arith.constant 16 : i32
          %parallel_loop3A_448 = vector.broadcast %parallel_loop3A_447 : i32 to vector<16xi32>
          %parallel_loop3A_449 = arith.shli %parallel_loop3A_446, %parallel_loop3A_448 : vector<16xi32>
          %parallel_loop3A_450 = tpu.bitcast %parallel_loop3A_449 : vector<16xi32> -> vector<16xf32>
          %parallel_loop3A_451 = tpu.bitcast %parallel_loop3A_446 : vector<16xi32> -> vector<16xf32>
          %parallel_loop3A_452 = vector.broadcast %mul3A_140 : f32 to vector<16xf32>
          %parallel_loop3A_453 = arith.mulf %parallel_loop3A_450, %parallel_loop3A_452 : vector<16xf32>
          %parallel_loop3A_454 = vector.broadcast %mul3A_140 : f32 to vector<16xf32>
          %parallel_loop3A_455 = arith.mulf %parallel_loop3A_451, %parallel_loop3A_454 : vector<16xf32>
          %parallel_loop3A_456 = arith.constant 61 : i32
          %parallel_loop3A_457 = arith.index_cast %rem3A_60 : i32 to index
          %parallel_loop3A_458 = arith.index_cast %parallel_loop3A_456 : i32 to index
          %parallel_loop3A_459 = arith.index_cast %parallel_loop3A_308 : i32 to index
          %parallel_loop3A_460 = tpu.vector_load %arg12[%parallel_loop3A_457, %parallel_loop3A_458, %parallel_loop3A_459] {strides = array<i32>} : memref<2x112x128xi32, #tpu.memory_space<vmem>>, vector<1x1x16xi32>,
          %parallel_loop3A_461 = vector.shape_cast %parallel_loop3A_460 : vector<1x1x16xi32> to vector<16xi32>
          %parallel_loop3A_462 = arith.constant 16 : i32
          %parallel_loop3A_463 = vector.broadcast %parallel_loop3A_462 : i32 to vector<16xi32>
          %parallel_loop3A_464 = arith.shli %parallel_loop3A_461, %parallel_loop3A_463 : vector<16xi32>
          %parallel_loop3A_465 = tpu.bitcast %parallel_loop3A_464 : vector<16xi32> -> vector<16xf32>
          %parallel_loop3A_466 = tpu.bitcast %parallel_loop3A_461 : vector<16xi32> -> vector<16xf32>
          %parallel_loop3A_467 = vector.broadcast %mul3A_141 : f32 to vector<16xf32>
          %parallel_loop3A_468 = arith.mulf %parallel_loop3A_465, %parallel_loop3A_467 : vector<16xf32>
          %parallel_loop3A_469 = vector.broadcast %mul3A_141 : f32 to vector<16xf32>
          %parallel_loop3A_470 = arith.mulf %parallel_loop3A_466, %parallel_loop3A_469 : vector<16xf32>
          %parallel_loop3A_471 = arith.addf %parallel_loop3A_453, %parallel_loop3A_468 : vector<16xf32>
          %parallel_loop3A_472 = arith.addf %parallel_loop3A_455, %parallel_loop3A_470 : vector<16xf32>
          %parallel_loop3A_473 = arith.constant 62 : i32
          %parallel_loop3A_474 = arith.index_cast %rem3A_60 : i32 to index
          %parallel_loop3A_475 = arith.index_cast %parallel_loop3A_473 : i32 to index
          %parallel_loop3A_476 = arith.index_cast %parallel_loop3A_308 : i32 to index
          %parallel_loop3A_477 = tpu.vector_load %arg12[%parallel_loop3A_474, %parallel_loop3A_475, %parallel_loop3A_476] {strides = array<i32>} : memref<2x112x128xi32, #tpu.memory_space<vmem>>, vector<1x1x16xi32>,
          %parallel_loop3A_478 = vector.shape_cast %parallel_loop3A_477 : vector<1x1x16xi32> to vector<16xi32>
          %parallel_loop3A_479 = arith.constant 16 : i32
          %parallel_loop3A_480 = vector.broadcast %parallel_loop3A_479 : i32 to vector<16xi32>
          %parallel_loop3A_481 = arith.shli %parallel_loop3A_478, %parallel_loop3A_480 : vector<16xi32>
          %parallel_loop3A_482 = tpu.bitcast %parallel_loop3A_481 : vector<16xi32> -> vector<16xf32>
          %parallel_loop3A_483 = tpu.bitcast %parallel_loop3A_478 : vector<16xi32> -> vector<16xf32>
          %parallel_loop3A_484 = vector.broadcast %mul3A_142 : f32 to vector<16xf32>
          %parallel_loop3A_485 = arith.mulf %parallel_loop3A_482, %parallel_loop3A_484 : vector<16xf32>
          %parallel_loop3A_486 = vector.broadcast %mul3A_142 : f32 to vector<16xf32>
          %parallel_loop3A_487 = arith.mulf %parallel_loop3A_483, %parallel_loop3A_486 : vector<16xf32>
          %parallel_loop3A_488 = arith.constant 63 : i32
          %parallel_loop3A_489 = arith.index_cast %rem3A_60 : i32 to index
          %parallel_loop3A_490 = arith.index_cast %parallel_loop3A_488 : i32 to index
          %parallel_loop3A_491 = arith.index_cast %parallel_loop3A_308 : i32 to index
          %parallel_loop3A_492 = tpu.vector_load %arg12[%parallel_loop3A_489, %parallel_loop3A_490, %parallel_loop3A_491] {strides = array<i32>} : memref<2x112x128xi32, #tpu.memory_space<vmem>>, vector<1x1x16xi32>,
          %parallel_loop3A_493 = vector.shape_cast %parallel_loop3A_492 : vector<1x1x16xi32> to vector<16xi32>
          %parallel_loop3A_494 = arith.constant 16 : i32
          %parallel_loop3A_495 = vector.broadcast %parallel_loop3A_494 : i32 to vector<16xi32>
          %parallel_loop3A_496 = arith.shli %parallel_loop3A_493, %parallel_loop3A_495 : vector<16xi32>
          %parallel_loop3A_497 = tpu.bitcast %parallel_loop3A_496 : vector<16xi32> -> vector<16xf32>
          %parallel_loop3A_498 = tpu.bitcast %parallel_loop3A_493 : vector<16xi32> -> vector<16xf32>
          %parallel_loop3A_499 = vector.broadcast %mul3A_143 : f32 to vector<16xf32>
          %parallel_loop3A_500 = arith.mulf %parallel_loop3A_497, %parallel_loop3A_499 : vector<16xf32>
          %parallel_loop3A_501 = vector.broadcast %mul3A_143 : f32 to vector<16xf32>
          %parallel_loop3A_502 = arith.mulf %parallel_loop3A_498, %parallel_loop3A_501 : vector<16xf32>
          %parallel_loop3A_503 = arith.addf %parallel_loop3A_485, %parallel_loop3A_500 : vector<16xf32>
          %parallel_loop3A_504 = arith.addf %parallel_loop3A_487, %parallel_loop3A_502 : vector<16xf32>
          %parallel_loop3A_505 = arith.constant 88 : i32
          %parallel_loop3A_506 = arith.index_cast %rem3A_60 : i32 to index
          %parallel_loop3A_507 = arith.index_cast %parallel_loop3A_505 : i32 to index
          %parallel_loop3A_508 = arith.index_cast %parallel_loop3A_308 : i32 to index
          %parallel_loop3A_509 = tpu.vector_load %arg12[%parallel_loop3A_506, %parallel_loop3A_507, %parallel_loop3A_508] {strides = array<i32>} : memref<2x112x128xi32, #tpu.memory_space<vmem>>, vector<1x1x16xi32>,
          %parallel_loop3A_510 = vector.shape_cast %parallel_loop3A_509 : vector<1x1x16xi32> to vector<16xi32>
          %parallel_loop3A_511 = arith.constant 16 : i32
          %parallel_loop3A_512 = vector.broadcast %parallel_loop3A_511 : i32 to vector<16xi32>
          %parallel_loop3A_513 = arith.shli %parallel_loop3A_510, %parallel_loop3A_512 : vector<16xi32>
          %parallel_loop3A_514 = tpu.bitcast %parallel_loop3A_513 : vector<16xi32> -> vector<16xf32>
          %parallel_loop3A_515 = tpu.bitcast %parallel_loop3A_510 : vector<16xi32> -> vector<16xf32>
          %parallel_loop3A_516 = vector.broadcast %mul3A_144 : f32 to vector<16xf32>
          %parallel_loop3A_517 = arith.mulf %parallel_loop3A_514, %parallel_loop3A_516 : vector<16xf32>
          %parallel_loop3A_518 = vector.broadcast %mul3A_144 : f32 to vector<16xf32>
          %parallel_loop3A_519 = arith.mulf %parallel_loop3A_515, %parallel_loop3A_518 : vector<16xf32>
          %parallel_loop3A_520 = arith.addf %parallel_loop3A_471, %parallel_loop3A_517 : vector<16xf32>
          %parallel_loop3A_521 = arith.addf %parallel_loop3A_472, %parallel_loop3A_519 : vector<16xf32>
          %parallel_loop3A_522 = arith.constant 89 : i32
          %parallel_loop3A_523 = arith.index_cast %rem3A_60 : i32 to index
          %parallel_loop3A_524 = arith.index_cast %parallel_loop3A_522 : i32 to index
          %parallel_loop3A_525 = arith.index_cast %parallel_loop3A_308 : i32 to index
          %parallel_loop3A_526 = tpu.vector_load %arg12[%parallel_loop3A_523, %parallel_loop3A_524, %parallel_loop3A_525] {strides = array<i32>} : memref<2x112x128xi32, #tpu.memory_space<vmem>>, vector<1x1x16xi32>,
          %parallel_loop3A_527 = vector.shape_cast %parallel_loop3A_526 : vector<1x1x16xi32> to vector<16xi32>
          %parallel_loop3A_528 = arith.constant 16 : i32
          %parallel_loop3A_529 = vector.broadcast %parallel_loop3A_528 : i32 to vector<16xi32>
          %parallel_loop3A_530 = arith.shli %parallel_loop3A_527, %parallel_loop3A_529 : vector<16xi32>
          %parallel_loop3A_531 = tpu.bitcast %parallel_loop3A_530 : vector<16xi32> -> vector<16xf32>
          %parallel_loop3A_532 = tpu.bitcast %parallel_loop3A_527 : vector<16xi32> -> vector<16xf32>
          %parallel_loop3A_533 = vector.broadcast %mul3A_145 : f32 to vector<16xf32>
          %parallel_loop3A_534 = arith.mulf %parallel_loop3A_531, %parallel_loop3A_533 : vector<16xf32>
          %parallel_loop3A_535 = vector.broadcast %mul3A_145 : f32 to vector<16xf32>
          %parallel_loop3A_536 = arith.mulf %parallel_loop3A_532, %parallel_loop3A_535 : vector<16xf32>
          %parallel_loop3A_537 = arith.addf %parallel_loop3A_520, %parallel_loop3A_534 : vector<16xf32>
          %parallel_loop3A_538 = arith.addf %parallel_loop3A_521, %parallel_loop3A_536 : vector<16xf32>
          %parallel_loop3A_539 = arith.constant 90 : i32
          %parallel_loop3A_540 = arith.index_cast %rem3A_60 : i32 to index
          %parallel_loop3A_541 = arith.index_cast %parallel_loop3A_539 : i32 to index
          %parallel_loop3A_542 = arith.index_cast %parallel_loop3A_308 : i32 to index
          %parallel_loop3A_543 = tpu.vector_load %arg12[%parallel_loop3A_540, %parallel_loop3A_541, %parallel_loop3A_542] {strides = array<i32>} : memref<2x112x128xi32, #tpu.memory_space<vmem>>, vector<1x1x16xi32>,
          %parallel_loop3A_544 = vector.shape_cast %parallel_loop3A_543 : vector<1x1x16xi32> to vector<16xi32>
          %parallel_loop3A_545 = arith.constant 16 : i32
          %parallel_loop3A_546 = vector.broadcast %parallel_loop3A_545 : i32 to vector<16xi32>
          %parallel_loop3A_547 = arith.shli %parallel_loop3A_544, %parallel_loop3A_546 : vector<16xi32>
          %parallel_loop3A_548 = tpu.bitcast %parallel_loop3A_547 : vector<16xi32> -> vector<16xf32>
          %parallel_loop3A_549 = tpu.bitcast %parallel_loop3A_544 : vector<16xi32> -> vector<16xf32>
          %parallel_loop3A_550 = vector.broadcast %mul3A_146 : f32 to vector<16xf32>
          %parallel_loop3A_551 = arith.mulf %parallel_loop3A_548, %parallel_loop3A_550 : vector<16xf32>
          %parallel_loop3A_552 = vector.broadcast %mul3A_146 : f32 to vector<16xf32>
          %parallel_loop3A_553 = arith.mulf %parallel_loop3A_549, %parallel_loop3A_552 : vector<16xf32>
          %parallel_loop3A_554 = arith.addf %parallel_loop3A_503, %parallel_loop3A_551 : vector<16xf32>
          %parallel_loop3A_555 = arith.addf %parallel_loop3A_504, %parallel_loop3A_553 : vector<16xf32>
          %parallel_loop3A_556 = arith.constant 91 : i32
          %parallel_loop3A_557 = arith.index_cast %rem3A_60 : i32 to index
          %parallel_loop3A_558 = arith.index_cast %parallel_loop3A_556 : i32 to index
          %parallel_loop3A_559 = arith.index_cast %parallel_loop3A_308 : i32 to index
          %parallel_loop3A_560 = tpu.vector_load %arg12[%parallel_loop3A_557, %parallel_loop3A_558, %parallel_loop3A_559] {strides = array<i32>} : memref<2x112x128xi32, #tpu.memory_space<vmem>>, vector<1x1x16xi32>,
          %parallel_loop3A_561 = vector.shape_cast %parallel_loop3A_560 : vector<1x1x16xi32> to vector<16xi32>
          %parallel_loop3A_562 = arith.constant 16 : i32
          %parallel_loop3A_563 = vector.broadcast %parallel_loop3A_562 : i32 to vector<16xi32>
          %parallel_loop3A_564 = arith.shli %parallel_loop3A_561, %parallel_loop3A_563 : vector<16xi32>
          %parallel_loop3A_565 = tpu.bitcast %parallel_loop3A_564 : vector<16xi32> -> vector<16xf32>
          %parallel_loop3A_566 = tpu.bitcast %parallel_loop3A_561 : vector<16xi32> -> vector<16xf32>
          %parallel_loop3A_567 = vector.broadcast %mul3A_147 : f32 to vector<16xf32>
          %parallel_loop3A_568 = arith.mulf %parallel_loop3A_565, %parallel_loop3A_567 : vector<16xf32>
          %parallel_loop3A_569 = vector.broadcast %mul3A_147 : f32 to vector<16xf32>
          %parallel_loop3A_570 = arith.mulf %parallel_loop3A_566, %parallel_loop3A_569 : vector<16xf32>
          %parallel_loop3A_571 = arith.addf %parallel_loop3A_554, %parallel_loop3A_568 : vector<16xf32>
          %parallel_loop3A_572 = arith.addf %parallel_loop3A_555, %parallel_loop3A_570 : vector<16xf32>
          %parallel_loop3A_573 = arith.maximumf %parallel_loop3A_405, %parallel_loop3A_439 : vector<16xf32>
          %parallel_loop3A_574 = arith.maximumf %parallel_loop3A_537, %parallel_loop3A_571 : vector<16xf32>
          %parallel_loop3A_575 = arith.maximumf %parallel_loop3A_573, %parallel_loop3A_574 : vector<16xf32>
          %parallel_loop3A_576 = arith.maximumf %parallel_loop3A_406, %parallel_loop3A_440 : vector<16xf32>
          %parallel_loop3A_577 = arith.maximumf %parallel_loop3A_538, %parallel_loop3A_572 : vector<16xf32>
          %parallel_loop3A_578 = arith.maximumf %parallel_loop3A_576, %parallel_loop3A_577 : vector<16xf32>
          %parallel_loop3A_579 = arith.constant 1 : i32
          %parallel_loop3A_580 = arith.index_cast %scan3A_59 : i32 to index
          %parallel_loop3A_581 = arith.index_cast %parallel_loop3A_579 : i32 to index
          %parallel_loop3A_582 = arith.index_cast %parallel_loop3A_308 : i32 to index
          %parallel_loop3A_583 = tpu.vector_load %arg13[%parallel_loop3A_580, %parallel_loop3A_581, %parallel_loop3A_582] {strides = array<i32>} : memref<7x7x256xf32, #tpu.memory_space<vmem>>, vector<1x1x16xf32>,
          %parallel_loop3A_584 = vector.shape_cast %parallel_loop3A_583 : vector<1x1x16xf32> to vector<16xf32>
          %parallel_loop3A_585 = vector.shape_cast %parallel_loop3A_575 : vector<16xf32> to vector<1x1x16xf32>
          tpu.vector_store %arg13[%parallel_loop3A_580, %parallel_loop3A_581, %parallel_loop3A_582], %parallel_loop3A_585 {strides = array<i32>} : memref<7x7x256xf32, #tpu.memory_space<vmem>>, vector<1x1x16xf32>,
          %parallel_loop3A_586 = arith.constant 16 : i32
          %parallel_loop3A_587 = arith.muli %parallel_loop3A_306, %parallel_loop3A_586 : i32
          %parallel_loop3A_588 = arith.constant 128 : i32
          %parallel_loop3A_589 = arith.addi %parallel_loop3A_588, %parallel_loop3A_587 : i32
          %parallel_loop3A_590 = arith.constant 1 : i32
          %parallel_loop3A_591 = arith.index_cast %scan3A_59 : i32 to index
          %parallel_loop3A_592 = arith.index_cast %parallel_loop3A_590 : i32 to index
          %parallel_loop3A_593 = arith.index_cast %parallel_loop3A_589 : i32 to index
          %parallel_loop3A_594 = tpu.vector_load %arg13[%parallel_loop3A_591, %parallel_loop3A_592, %parallel_loop3A_593] {strides = array<i32>} : memref<7x7x256xf32, #tpu.memory_space<vmem>>, vector<1x1x16xf32>,
          %parallel_loop3A_595 = vector.shape_cast %parallel_loop3A_594 : vector<1x1x16xf32> to vector<16xf32>
          %parallel_loop3A_596 = vector.shape_cast %parallel_loop3A_578 : vector<16xf32> to vector<1x1x16xf32>
          tpu.vector_store %arg13[%parallel_loop3A_591, %parallel_loop3A_592, %parallel_loop3A_593], %parallel_loop3A_596 {strides = array<i32>} : memref<7x7x256xf32, #tpu.memory_space<vmem>>, vector<1x1x16xf32>,
        } {sc.loop_unroll_factor = 4 : i64, sc.parallel_access}
        %get3A_151 = arith.index_cast %scan3A_18 : i32 to index
        %get3A_152 = arith.constant 8 : index
        %get3A_153 = tpu.vector_load %arg15[%get3A_151, %get3A_152] {strides = array<i32>} : memref<32x48xf32, #tpu.memory_space<vmem>>, vector<1x16xf32>,
        %get3A_154 = vector.shape_cast %get3A_153 : vector<1x16xf32> to vector<16xf32>
        %slice3A_155 = vector.extract_strided_slice %get3A_154 {offsets = [0], sizes = [1], strides = [1]} : vector<16xf32> to vector<1xf32>
        %squeeze3A_156 = vector.extract %slice3A_155[0] : f32 from vector<1xf32>
        %slice3A_157 = vector.extract_strided_slice %get3A_154 {offsets = [1], sizes = [1], strides = [1]} : vector<16xf32> to vector<1xf32>
        %squeeze3A_158 = vector.extract %slice3A_157[0] : f32 from vector<1xf32>
        %slice3A_159 = vector.extract_strided_slice %get3A_154 {offsets = [2], sizes = [1], strides = [1]} : vector<16xf32> to vector<1xf32>
        %squeeze3A_160 = vector.extract %slice3A_159[0] : f32 from vector<1xf32>
        %slice3A_161 = vector.extract_strided_slice %get3A_154 {offsets = [3], sizes = [1], strides = [1]} : vector<16xf32> to vector<1xf32>
        %squeeze3A_162 = vector.extract %slice3A_161[0] : f32 from vector<1xf32>
        %mul3A_163 = arith.mulf %squeeze3A_83, %squeeze3A_156 : f32
        %mul3A_164 = arith.mulf %squeeze3A_83, %squeeze3A_158 : f32
        %mul3A_165 = arith.mulf %squeeze3A_83, %squeeze3A_160 : f32
        %mul3A_166 = arith.mulf %squeeze3A_83, %squeeze3A_162 : f32
        %mul3A_167 = arith.mulf %squeeze3A_85, %squeeze3A_156 : f32
        %mul3A_168 = arith.mulf %squeeze3A_85, %squeeze3A_158 : f32
        %mul3A_169 = arith.mulf %squeeze3A_85, %squeeze3A_160 : f32
        %mul3A_170 = arith.mulf %squeeze3A_85, %squeeze3A_162 : f32
        %mul3A_171 = arith.mulf %squeeze3A_87, %squeeze3A_156 : f32
        %mul3A_172 = arith.mulf %squeeze3A_87, %squeeze3A_158 : f32
        %mul3A_173 = arith.mulf %squeeze3A_87, %squeeze3A_160 : f32
        %mul3A_174 = arith.mulf %squeeze3A_87, %squeeze3A_162 : f32
        %mul3A_175 = arith.mulf %squeeze3A_89, %squeeze3A_156 : f32
        %mul3A_176 = arith.mulf %squeeze3A_89, %squeeze3A_158 : f32
        %mul3A_177 = arith.mulf %squeeze3A_89, %squeeze3A_160 : f32
        %mul3A_178 = arith.mulf %squeeze3A_89, %squeeze3A_162 : f32
        %parallel_loop3A_179 = arith.constant 0 : i32
        %parallel_loop3A_180 = arith.constant 8 : i32
        %parallel_loop3A_181 = arith.constant 1 : i32
        scf.for %parallel_loop3A_306 = %parallel_loop3A_179 to %parallel_loop3A_180 step %parallel_loop3A_181  : i32 {
          %parallel_loop3A_307 = arith.constant 16 : i32
          %parallel_loop3A_308 = arith.muli %parallel_loop3A_306, %parallel_loop3A_307 : i32
          %parallel_loop3A_309 = arith.constant 8 : i32
          %parallel_loop3A_310 = arith.index_cast %rem3A_60 : i32 to index
          %parallel_loop3A_311 = arith.index_cast %parallel_loop3A_309 : i32 to index
          %parallel_loop3A_312 = arith.index_cast %parallel_loop3A_308 : i32 to index
          %parallel_loop3A_313 = tpu.vector_load %arg12[%parallel_loop3A_310, %parallel_loop3A_311, %parallel_loop3A_312] {strides = array<i32>} : memref<2x112x128xi32, #tpu.memory_space<vmem>>, vector<1x1x16xi32>,
          %parallel_loop3A_314 = vector.shape_cast %parallel_loop3A_313 : vector<1x1x16xi32> to vector<16xi32>
          %parallel_loop3A_315 = arith.constant 16 : i32
          %parallel_loop3A_316 = vector.broadcast %parallel_loop3A_315 : i32 to vector<16xi32>
          %parallel_loop3A_317 = arith.shli %parallel_loop3A_314, %parallel_loop3A_316 : vector<16xi32>
          %parallel_loop3A_318 = tpu.bitcast %parallel_loop3A_317 : vector<16xi32> -> vector<16xf32>
          %parallel_loop3A_319 = tpu.bitcast %parallel_loop3A_314 : vector<16xi32> -> vector<16xf32>
          %parallel_loop3A_320 = vector.broadcast %mul3A_163 : f32 to vector<16xf32>
          %parallel_loop3A_321 = arith.mulf %parallel_loop3A_318, %parallel_loop3A_320 : vector<16xf32>
          %parallel_loop3A_322 = vector.broadcast %mul3A_163 : f32 to vector<16xf32>
          %parallel_loop3A_323 = arith.mulf %parallel_loop3A_319, %parallel_loop3A_322 : vector<16xf32>
          %parallel_loop3A_324 = arith.constant 9 : i32
          %parallel_loop3A_325 = arith.index_cast %rem3A_60 : i32 to index
          %parallel_loop3A_326 = arith.index_cast %parallel_loop3A_324 : i32 to index
          %parallel_loop3A_327 = arith.index_cast %parallel_loop3A_308 : i32 to index
          %parallel_loop3A_328 = tpu.vector_load %arg12[%parallel_loop3A_325, %parallel_loop3A_326, %parallel_loop3A_327] {strides = array<i32>} : memref<2x112x128xi32, #tpu.memory_space<vmem>>, vector<1x1x16xi32>,
          %parallel_loop3A_329 = vector.shape_cast %parallel_loop3A_328 : vector<1x1x16xi32> to vector<16xi32>
          %parallel_loop3A_330 = arith.constant 16 : i32
          %parallel_loop3A_331 = vector.broadcast %parallel_loop3A_330 : i32 to vector<16xi32>
          %parallel_loop3A_332 = arith.shli %parallel_loop3A_329, %parallel_loop3A_331 : vector<16xi32>
          %parallel_loop3A_333 = tpu.bitcast %parallel_loop3A_332 : vector<16xi32> -> vector<16xf32>
          %parallel_loop3A_334 = tpu.bitcast %parallel_loop3A_329 : vector<16xi32> -> vector<16xf32>
          %parallel_loop3A_335 = vector.broadcast %mul3A_164 : f32 to vector<16xf32>
          %parallel_loop3A_336 = arith.mulf %parallel_loop3A_333, %parallel_loop3A_335 : vector<16xf32>
          %parallel_loop3A_337 = vector.broadcast %mul3A_164 : f32 to vector<16xf32>
          %parallel_loop3A_338 = arith.mulf %parallel_loop3A_334, %parallel_loop3A_337 : vector<16xf32>
          %parallel_loop3A_339 = arith.addf %parallel_loop3A_321, %parallel_loop3A_336 : vector<16xf32>
          %parallel_loop3A_340 = arith.addf %parallel_loop3A_323, %parallel_loop3A_338 : vector<16xf32>
          %parallel_loop3A_341 = arith.constant 10 : i32
          %parallel_loop3A_342 = arith.index_cast %rem3A_60 : i32 to index
          %parallel_loop3A_343 = arith.index_cast %parallel_loop3A_341 : i32 to index
          %parallel_loop3A_344 = arith.index_cast %parallel_loop3A_308 : i32 to index
          %parallel_loop3A_345 = tpu.vector_load %arg12[%parallel_loop3A_342, %parallel_loop3A_343, %parallel_loop3A_344] {strides = array<i32>} : memref<2x112x128xi32, #tpu.memory_space<vmem>>, vector<1x1x16xi32>,
          %parallel_loop3A_346 = vector.shape_cast %parallel_loop3A_345 : vector<1x1x16xi32> to vector<16xi32>
          %parallel_loop3A_347 = arith.constant 16 : i32
          %parallel_loop3A_348 = vector.broadcast %parallel_loop3A_347 : i32 to vector<16xi32>
          %parallel_loop3A_349 = arith.shli %parallel_loop3A_346, %parallel_loop3A_348 : vector<16xi32>
          %parallel_loop3A_350 = tpu.bitcast %parallel_loop3A_349 : vector<16xi32> -> vector<16xf32>
          %parallel_loop3A_351 = tpu.bitcast %parallel_loop3A_346 : vector<16xi32> -> vector<16xf32>
          %parallel_loop3A_352 = vector.broadcast %mul3A_165 : f32 to vector<16xf32>
          %parallel_loop3A_353 = arith.mulf %parallel_loop3A_350, %parallel_loop3A_352 : vector<16xf32>
          %parallel_loop3A_354 = vector.broadcast %mul3A_165 : f32 to vector<16xf32>
          %parallel_loop3A_355 = arith.mulf %parallel_loop3A_351, %parallel_loop3A_354 : vector<16xf32>
          %parallel_loop3A_356 = arith.constant 11 : i32
          %parallel_loop3A_357 = arith.index_cast %rem3A_60 : i32 to index
          %parallel_loop3A_358 = arith.index_cast %parallel_loop3A_356 : i32 to index
          %parallel_loop3A_359 = arith.index_cast %parallel_loop3A_308 : i32 to index
          %parallel_loop3A_360 = tpu.vector_load %arg12[%parallel_loop3A_357, %parallel_loop3A_358, %parallel_loop3A_359] {strides = array<i32>} : memref<2x112x128xi32, #tpu.memory_space<vmem>>, vector<1x1x16xi32>,
          %parallel_loop3A_361 = vector.shape_cast %parallel_loop3A_360 : vector<1x1x16xi32> to vector<16xi32>
          %parallel_loop3A_362 = arith.constant 16 : i32
          %parallel_loop3A_363 = vector.broadcast %parallel_loop3A_362 : i32 to vector<16xi32>
          %parallel_loop3A_364 = arith.shli %parallel_loop3A_361, %parallel_loop3A_363 : vector<16xi32>
          %parallel_loop3A_365 = tpu.bitcast %parallel_loop3A_364 : vector<16xi32> -> vector<16xf32>
          %parallel_loop3A_366 = tpu.bitcast %parallel_loop3A_361 : vector<16xi32> -> vector<16xf32>
          %parallel_loop3A_367 = vector.broadcast %mul3A_166 : f32 to vector<16xf32>
          %parallel_loop3A_368 = arith.mulf %parallel_loop3A_365, %parallel_loop3A_367 : vector<16xf32>
          %parallel_loop3A_369 = vector.broadcast %mul3A_166 : f32 to vector<16xf32>
          %parallel_loop3A_370 = arith.mulf %parallel_loop3A_366, %parallel_loop3A_369 : vector<16xf32>
          %parallel_loop3A_371 = arith.addf %parallel_loop3A_353, %parallel_loop3A_368 : vector<16xf32>
          %parallel_loop3A_372 = arith.addf %parallel_loop3A_355, %parallel_loop3A_370 : vector<16xf32>
          %parallel_loop3A_373 = arith.constant 36 : i32
          %parallel_loop3A_374 = arith.index_cast %rem3A_60 : i32 to index
          %parallel_loop3A_375 = arith.index_cast %parallel_loop3A_373 : i32 to index
          %parallel_loop3A_376 = arith.index_cast %parallel_loop3A_308 : i32 to index
          %parallel_loop3A_377 = tpu.vector_load %arg12[%parallel_loop3A_374, %parallel_loop3A_375, %parallel_loop3A_376] {strides = array<i32>} : memref<2x112x128xi32, #tpu.memory_space<vmem>>, vector<1x1x16xi32>,
          %parallel_loop3A_378 = vector.shape_cast %parallel_loop3A_377 : vector<1x1x16xi32> to vector<16xi32>
          %parallel_loop3A_379 = arith.constant 16 : i32
          %parallel_loop3A_380 = vector.broadcast %parallel_loop3A_379 : i32 to vector<16xi32>
          %parallel_loop3A_381 = arith.shli %parallel_loop3A_378, %parallel_loop3A_380 : vector<16xi32>
          %parallel_loop3A_382 = tpu.bitcast %parallel_loop3A_381 : vector<16xi32> -> vector<16xf32>
          %parallel_loop3A_383 = tpu.bitcast %parallel_loop3A_378 : vector<16xi32> -> vector<16xf32>
          %parallel_loop3A_384 = vector.broadcast %mul3A_167 : f32 to vector<16xf32>
          %parallel_loop3A_385 = arith.mulf %parallel_loop3A_382, %parallel_loop3A_384 : vector<16xf32>
          %parallel_loop3A_386 = vector.broadcast %mul3A_167 : f32 to vector<16xf32>
          %parallel_loop3A_387 = arith.mulf %parallel_loop3A_383, %parallel_loop3A_386 : vector<16xf32>
          %parallel_loop3A_388 = arith.addf %parallel_loop3A_339, %parallel_loop3A_385 : vector<16xf32>
          %parallel_loop3A_389 = arith.addf %parallel_loop3A_340, %parallel_loop3A_387 : vector<16xf32>
          %parallel_loop3A_390 = arith.constant 37 : i32
          %parallel_loop3A_391 = arith.index_cast %rem3A_60 : i32 to index
          %parallel_loop3A_392 = arith.index_cast %parallel_loop3A_390 : i32 to index
          %parallel_loop3A_393 = arith.index_cast %parallel_loop3A_308 : i32 to index
          %parallel_loop3A_394 = tpu.vector_load %arg12[%parallel_loop3A_391, %parallel_loop3A_392, %parallel_loop3A_393] {strides = array<i32>} : memref<2x112x128xi32, #tpu.memory_space<vmem>>, vector<1x1x16xi32>,
          %parallel_loop3A_395 = vector.shape_cast %parallel_loop3A_394 : vector<1x1x16xi32> to vector<16xi32>
          %parallel_loop3A_396 = arith.constant 16 : i32
          %parallel_loop3A_397 = vector.broadcast %parallel_loop3A_396 : i32 to vector<16xi32>
          %parallel_loop3A_398 = arith.shli %parallel_loop3A_395, %parallel_loop3A_397 : vector<16xi32>
          %parallel_loop3A_399 = tpu.bitcast %parallel_loop3A_398 : vector<16xi32> -> vector<16xf32>
          %parallel_loop3A_400 = tpu.bitcast %parallel_loop3A_395 : vector<16xi32> -> vector<16xf32>
          %parallel_loop3A_401 = vector.broadcast %mul3A_168 : f32 to vector<16xf32>
          %parallel_loop3A_402 = arith.mulf %parallel_loop3A_399, %parallel_loop3A_401 : vector<16xf32>
          %parallel_loop3A_403 = vector.broadcast %mul3A_168 : f32 to vector<16xf32>
          %parallel_loop3A_404 = arith.mulf %parallel_loop3A_400, %parallel_loop3A_403 : vector<16xf32>
          %parallel_loop3A_405 = arith.addf %parallel_loop3A_388, %parallel_loop3A_402 : vector<16xf32>
          %parallel_loop3A_406 = arith.addf %parallel_loop3A_389, %parallel_loop3A_404 : vector<16xf32>
          %parallel_loop3A_407 = arith.constant 38 : i32
          %parallel_loop3A_408 = arith.index_cast %rem3A_60 : i32 to index
          %parallel_loop3A_409 = arith.index_cast %parallel_loop3A_407 : i32 to index
          %parallel_loop3A_410 = arith.index_cast %parallel_loop3A_308 : i32 to index
          %parallel_loop3A_411 = tpu.vector_load %arg12[%parallel_loop3A_408, %parallel_loop3A_409, %parallel_loop3A_410] {strides = array<i32>} : memref<2x112x128xi32, #tpu.memory_space<vmem>>, vector<1x1x16xi32>,
          %parallel_loop3A_412 = vector.shape_cast %parallel_loop3A_411 : vector<1x1x16xi32> to vector<16xi32>
          %parallel_loop3A_413 = arith.constant 16 : i32
          %parallel_loop3A_414 = vector.broadcast %parallel_loop3A_413 : i32 to vector<16xi32>
          %parallel_loop3A_415 = arith.shli %parallel_loop3A_412, %parallel_loop3A_414 : vector<16xi32>
          %parallel_loop3A_416 = tpu.bitcast %parallel_loop3A_415 : vector<16xi32> -> vector<16xf32>
          %parallel_loop3A_417 = tpu.bitcast %parallel_loop3A_412 : vector<16xi32> -> vector<16xf32>
          %parallel_loop3A_418 = vector.broadcast %mul3A_169 : f32 to vector<16xf32>
          %parallel_loop3A_419 = arith.mulf %parallel_loop3A_416, %parallel_loop3A_418 : vector<16xf32>
          %parallel_loop3A_420 = vector.broadcast %mul3A_169 : f32 to vector<16xf32>
          %parallel_loop3A_421 = arith.mulf %parallel_loop3A_417, %parallel_loop3A_420 : vector<16xf32>
          %parallel_loop3A_422 = arith.addf %parallel_loop3A_371, %parallel_loop3A_419 : vector<16xf32>
          %parallel_loop3A_423 = arith.addf %parallel_loop3A_372, %parallel_loop3A_421 : vector<16xf32>
          %parallel_loop3A_424 = arith.constant 39 : i32
          %parallel_loop3A_425 = arith.index_cast %rem3A_60 : i32 to index
          %parallel_loop3A_426 = arith.index_cast %parallel_loop3A_424 : i32 to index
          %parallel_loop3A_427 = arith.index_cast %parallel_loop3A_308 : i32 to index
          %parallel_loop3A_428 = tpu.vector_load %arg12[%parallel_loop3A_425, %parallel_loop3A_426, %parallel_loop3A_427] {strides = array<i32>} : memref<2x112x128xi32, #tpu.memory_space<vmem>>, vector<1x1x16xi32>,
          %parallel_loop3A_429 = vector.shape_cast %parallel_loop3A_428 : vector<1x1x16xi32> to vector<16xi32>
          %parallel_loop3A_430 = arith.constant 16 : i32
          %parallel_loop3A_431 = vector.broadcast %parallel_loop3A_430 : i32 to vector<16xi32>
          %parallel_loop3A_432 = arith.shli %parallel_loop3A_429, %parallel_loop3A_431 : vector<16xi32>
          %parallel_loop3A_433 = tpu.bitcast %parallel_loop3A_432 : vector<16xi32> -> vector<16xf32>
          %parallel_loop3A_434 = tpu.bitcast %parallel_loop3A_429 : vector<16xi32> -> vector<16xf32>
          %parallel_loop3A_435 = vector.broadcast %mul3A_170 : f32 to vector<16xf32>
          %parallel_loop3A_436 = arith.mulf %parallel_loop3A_433, %parallel_loop3A_435 : vector<16xf32>
          %parallel_loop3A_437 = vector.broadcast %mul3A_170 : f32 to vector<16xf32>
          %parallel_loop3A_438 = arith.mulf %parallel_loop3A_434, %parallel_loop3A_437 : vector<16xf32>
          %parallel_loop3A_439 = arith.addf %parallel_loop3A_422, %parallel_loop3A_436 : vector<16xf32>
          %parallel_loop3A_440 = arith.addf %parallel_loop3A_423, %parallel_loop3A_438 : vector<16xf32>
          %parallel_loop3A_441 = arith.constant 64 : i32
          %parallel_loop3A_442 = arith.index_cast %rem3A_60 : i32 to index
          %parallel_loop3A_443 = arith.index_cast %parallel_loop3A_441 : i32 to index
          %parallel_loop3A_444 = arith.index_cast %parallel_loop3A_308 : i32 to index
          %parallel_loop3A_445 = tpu.vector_load %arg12[%parallel_loop3A_442, %parallel_loop3A_443, %parallel_loop3A_444] {strides = array<i32>} : memref<2x112x128xi32, #tpu.memory_space<vmem>>, vector<1x1x16xi32>,
          %parallel_loop3A_446 = vector.shape_cast %parallel_loop3A_445 : vector<1x1x16xi32> to vector<16xi32>
          %parallel_loop3A_447 = arith.constant 16 : i32
          %parallel_loop3A_448 = vector.broadcast %parallel_loop3A_447 : i32 to vector<16xi32>
          %parallel_loop3A_449 = arith.shli %parallel_loop3A_446, %parallel_loop3A_448 : vector<16xi32>
          %parallel_loop3A_450 = tpu.bitcast %parallel_loop3A_449 : vector<16xi32> -> vector<16xf32>
          %parallel_loop3A_451 = tpu.bitcast %parallel_loop3A_446 : vector<16xi32> -> vector<16xf32>
          %parallel_loop3A_452 = vector.broadcast %mul3A_171 : f32 to vector<16xf32>
          %parallel_loop3A_453 = arith.mulf %parallel_loop3A_450, %parallel_loop3A_452 : vector<16xf32>
          %parallel_loop3A_454 = vector.broadcast %mul3A_171 : f32 to vector<16xf32>
          %parallel_loop3A_455 = arith.mulf %parallel_loop3A_451, %parallel_loop3A_454 : vector<16xf32>
          %parallel_loop3A_456 = arith.constant 65 : i32
          %parallel_loop3A_457 = arith.index_cast %rem3A_60 : i32 to index
          %parallel_loop3A_458 = arith.index_cast %parallel_loop3A_456 : i32 to index
          %parallel_loop3A_459 = arith.index_cast %parallel_loop3A_308 : i32 to index
          %parallel_loop3A_460 = tpu.vector_load %arg12[%parallel_loop3A_457, %parallel_loop3A_458, %parallel_loop3A_459] {strides = array<i32>} : memref<2x112x128xi32, #tpu.memory_space<vmem>>, vector<1x1x16xi32>,
          %parallel_loop3A_461 = vector.shape_cast %parallel_loop3A_460 : vector<1x1x16xi32> to vector<16xi32>
          %parallel_loop3A_462 = arith.constant 16 : i32
          %parallel_loop3A_463 = vector.broadcast %parallel_loop3A_462 : i32 to vector<16xi32>
          %parallel_loop3A_464 = arith.shli %parallel_loop3A_461, %parallel_loop3A_463 : vector<16xi32>
          %parallel_loop3A_465 = tpu.bitcast %parallel_loop3A_464 : vector<16xi32> -> vector<16xf32>
          %parallel_loop3A_466 = tpu.bitcast %parallel_loop3A_461 : vector<16xi32> -> vector<16xf32>
          %parallel_loop3A_467 = vector.broadcast %mul3A_172 : f32 to vector<16xf32>
          %parallel_loop3A_468 = arith.mulf %parallel_loop3A_465, %parallel_loop3A_467 : vector<16xf32>
          %parallel_loop3A_469 = vector.broadcast %mul3A_172 : f32 to vector<16xf32>
          %parallel_loop3A_470 = arith.mulf %parallel_loop3A_466, %parallel_loop3A_469 : vector<16xf32>
          %parallel_loop3A_471 = arith.addf %parallel_loop3A_453, %parallel_loop3A_468 : vector<16xf32>
          %parallel_loop3A_472 = arith.addf %parallel_loop3A_455, %parallel_loop3A_470 : vector<16xf32>
          %parallel_loop3A_473 = arith.constant 66 : i32
          %parallel_loop3A_474 = arith.index_cast %rem3A_60 : i32 to index
          %parallel_loop3A_475 = arith.index_cast %parallel_loop3A_473 : i32 to index
          %parallel_loop3A_476 = arith.index_cast %parallel_loop3A_308 : i32 to index
          %parallel_loop3A_477 = tpu.vector_load %arg12[%parallel_loop3A_474, %parallel_loop3A_475, %parallel_loop3A_476] {strides = array<i32>} : memref<2x112x128xi32, #tpu.memory_space<vmem>>, vector<1x1x16xi32>,
          %parallel_loop3A_478 = vector.shape_cast %parallel_loop3A_477 : vector<1x1x16xi32> to vector<16xi32>
          %parallel_loop3A_479 = arith.constant 16 : i32
          %parallel_loop3A_480 = vector.broadcast %parallel_loop3A_479 : i32 to vector<16xi32>
          %parallel_loop3A_481 = arith.shli %parallel_loop3A_478, %parallel_loop3A_480 : vector<16xi32>
          %parallel_loop3A_482 = tpu.bitcast %parallel_loop3A_481 : vector<16xi32> -> vector<16xf32>
          %parallel_loop3A_483 = tpu.bitcast %parallel_loop3A_478 : vector<16xi32> -> vector<16xf32>
          %parallel_loop3A_484 = vector.broadcast %mul3A_173 : f32 to vector<16xf32>
          %parallel_loop3A_485 = arith.mulf %parallel_loop3A_482, %parallel_loop3A_484 : vector<16xf32>
          %parallel_loop3A_486 = vector.broadcast %mul3A_173 : f32 to vector<16xf32>
          %parallel_loop3A_487 = arith.mulf %parallel_loop3A_483, %parallel_loop3A_486 : vector<16xf32>
          %parallel_loop3A_488 = arith.constant 67 : i32
          %parallel_loop3A_489 = arith.index_cast %rem3A_60 : i32 to index
          %parallel_loop3A_490 = arith.index_cast %parallel_loop3A_488 : i32 to index
          %parallel_loop3A_491 = arith.index_cast %parallel_loop3A_308 : i32 to index
          %parallel_loop3A_492 = tpu.vector_load %arg12[%parallel_loop3A_489, %parallel_loop3A_490, %parallel_loop3A_491] {strides = array<i32>} : memref<2x112x128xi32, #tpu.memory_space<vmem>>, vector<1x1x16xi32>,
          %parallel_loop3A_493 = vector.shape_cast %parallel_loop3A_492 : vector<1x1x16xi32> to vector<16xi32>
          %parallel_loop3A_494 = arith.constant 16 : i32
          %parallel_loop3A_495 = vector.broadcast %parallel_loop3A_494 : i32 to vector<16xi32>
          %parallel_loop3A_496 = arith.shli %parallel_loop3A_493, %parallel_loop3A_495 : vector<16xi32>
          %parallel_loop3A_497 = tpu.bitcast %parallel_loop3A_496 : vector<16xi32> -> vector<16xf32>
          %parallel_loop3A_498 = tpu.bitcast %parallel_loop3A_493 : vector<16xi32> -> vector<16xf32>
          %parallel_loop3A_499 = vector.broadcast %mul3A_174 : f32 to vector<16xf32>
          %parallel_loop3A_500 = arith.mulf %parallel_loop3A_497, %parallel_loop3A_499 : vector<16xf32>
          %parallel_loop3A_501 = vector.broadcast %mul3A_174 : f32 to vector<16xf32>
          %parallel_loop3A_502 = arith.mulf %parallel_loop3A_498, %parallel_loop3A_501 : vector<16xf32>
          %parallel_loop3A_503 = arith.addf %parallel_loop3A_485, %parallel_loop3A_500 : vector<16xf32>
          %parallel_loop3A_504 = arith.addf %parallel_loop3A_487, %parallel_loop3A_502 : vector<16xf32>
          %parallel_loop3A_505 = arith.constant 92 : i32
          %parallel_loop3A_506 = arith.index_cast %rem3A_60 : i32 to index
          %parallel_loop3A_507 = arith.index_cast %parallel_loop3A_505 : i32 to index
          %parallel_loop3A_508 = arith.index_cast %parallel_loop3A_308 : i32 to index
          %parallel_loop3A_509 = tpu.vector_load %arg12[%parallel_loop3A_506, %parallel_loop3A_507, %parallel_loop3A_508] {strides = array<i32>} : memref<2x112x128xi32, #tpu.memory_space<vmem>>, vector<1x1x16xi32>,
          %parallel_loop3A_510 = vector.shape_cast %parallel_loop3A_509 : vector<1x1x16xi32> to vector<16xi32>
          %parallel_loop3A_511 = arith.constant 16 : i32
          %parallel_loop3A_512 = vector.broadcast %parallel_loop3A_511 : i32 to vector<16xi32>
          %parallel_loop3A_513 = arith.shli %parallel_loop3A_510, %parallel_loop3A_512 : vector<16xi32>
          %parallel_loop3A_514 = tpu.bitcast %parallel_loop3A_513 : vector<16xi32> -> vector<16xf32>
          %parallel_loop3A_515 = tpu.bitcast %parallel_loop3A_510 : vector<16xi32> -> vector<16xf32>
          %parallel_loop3A_516 = vector.broadcast %mul3A_175 : f32 to vector<16xf32>
          %parallel_loop3A_517 = arith.mulf %parallel_loop3A_514, %parallel_loop3A_516 : vector<16xf32>
          %parallel_loop3A_518 = vector.broadcast %mul3A_175 : f32 to vector<16xf32>
          %parallel_loop3A_519 = arith.mulf %parallel_loop3A_515, %parallel_loop3A_518 : vector<16xf32>
          %parallel_loop3A_520 = arith.addf %parallel_loop3A_471, %parallel_loop3A_517 : vector<16xf32>
          %parallel_loop3A_521 = arith.addf %parallel_loop3A_472, %parallel_loop3A_519 : vector<16xf32>
          %parallel_loop3A_522 = arith.constant 93 : i32
          %parallel_loop3A_523 = arith.index_cast %rem3A_60 : i32 to index
          %parallel_loop3A_524 = arith.index_cast %parallel_loop3A_522 : i32 to index
          %parallel_loop3A_525 = arith.index_cast %parallel_loop3A_308 : i32 to index
          %parallel_loop3A_526 = tpu.vector_load %arg12[%parallel_loop3A_523, %parallel_loop3A_524, %parallel_loop3A_525] {strides = array<i32>} : memref<2x112x128xi32, #tpu.memory_space<vmem>>, vector<1x1x16xi32>,
          %parallel_loop3A_527 = vector.shape_cast %parallel_loop3A_526 : vector<1x1x16xi32> to vector<16xi32>
          %parallel_loop3A_528 = arith.constant 16 : i32
          %parallel_loop3A_529 = vector.broadcast %parallel_loop3A_528 : i32 to vector<16xi32>
          %parallel_loop3A_530 = arith.shli %parallel_loop3A_527, %parallel_loop3A_529 : vector<16xi32>
          %parallel_loop3A_531 = tpu.bitcast %parallel_loop3A_530 : vector<16xi32> -> vector<16xf32>
          %parallel_loop3A_532 = tpu.bitcast %parallel_loop3A_527 : vector<16xi32> -> vector<16xf32>
          %parallel_loop3A_533 = vector.broadcast %mul3A_176 : f32 to vector<16xf32>
          %parallel_loop3A_534 = arith.mulf %parallel_loop3A_531, %parallel_loop3A_533 : vector<16xf32>
          %parallel_loop3A_535 = vector.broadcast %mul3A_176 : f32 to vector<16xf32>
          %parallel_loop3A_536 = arith.mulf %parallel_loop3A_532, %parallel_loop3A_535 : vector<16xf32>
          %parallel_loop3A_537 = arith.addf %parallel_loop3A_520, %parallel_loop3A_534 : vector<16xf32>
          %parallel_loop3A_538 = arith.addf %parallel_loop3A_521, %parallel_loop3A_536 : vector<16xf32>
          %parallel_loop3A_539 = arith.constant 94 : i32
          %parallel_loop3A_540 = arith.index_cast %rem3A_60 : i32 to index
          %parallel_loop3A_541 = arith.index_cast %parallel_loop3A_539 : i32 to index
          %parallel_loop3A_542 = arith.index_cast %parallel_loop3A_308 : i32 to index
          %parallel_loop3A_543 = tpu.vector_load %arg12[%parallel_loop3A_540, %parallel_loop3A_541, %parallel_loop3A_542] {strides = array<i32>} : memref<2x112x128xi32, #tpu.memory_space<vmem>>, vector<1x1x16xi32>,
          %parallel_loop3A_544 = vector.shape_cast %parallel_loop3A_543 : vector<1x1x16xi32> to vector<16xi32>
          %parallel_loop3A_545 = arith.constant 16 : i32
          %parallel_loop3A_546 = vector.broadcast %parallel_loop3A_545 : i32 to vector<16xi32>
          %parallel_loop3A_547 = arith.shli %parallel_loop3A_544, %parallel_loop3A_546 : vector<16xi32>
          %parallel_loop3A_548 = tpu.bitcast %parallel_loop3A_547 : vector<16xi32> -> vector<16xf32>
          %parallel_loop3A_549 = tpu.bitcast %parallel_loop3A_544 : vector<16xi32> -> vector<16xf32>
          %parallel_loop3A_550 = vector.broadcast %mul3A_177 : f32 to vector<16xf32>
          %parallel_loop3A_551 = arith.mulf %parallel_loop3A_548, %parallel_loop3A_550 : vector<16xf32>
          %parallel_loop3A_552 = vector.broadcast %mul3A_177 : f32 to vector<16xf32>
          %parallel_loop3A_553 = arith.mulf %parallel_loop3A_549, %parallel_loop3A_552 : vector<16xf32>
          %parallel_loop3A_554 = arith.addf %parallel_loop3A_503, %parallel_loop3A_551 : vector<16xf32>
          %parallel_loop3A_555 = arith.addf %parallel_loop3A_504, %parallel_loop3A_553 : vector<16xf32>
          %parallel_loop3A_556 = arith.constant 95 : i32
          %parallel_loop3A_557 = arith.index_cast %rem3A_60 : i32 to index
          %parallel_loop3A_558 = arith.index_cast %parallel_loop3A_556 : i32 to index
          %parallel_loop3A_559 = arith.index_cast %parallel_loop3A_308 : i32 to index
          %parallel_loop3A_560 = tpu.vector_load %arg12[%parallel_loop3A_557, %parallel_loop3A_558, %parallel_loop3A_559] {strides = array<i32>} : memref<2x112x128xi32, #tpu.memory_space<vmem>>, vector<1x1x16xi32>,
          %parallel_loop3A_561 = vector.shape_cast %parallel_loop3A_560 : vector<1x1x16xi32> to vector<16xi32>
          %parallel_loop3A_562 = arith.constant 16 : i32
          %parallel_loop3A_563 = vector.broadcast %parallel_loop3A_562 : i32 to vector<16xi32>
          %parallel_loop3A_564 = arith.shli %parallel_loop3A_561, %parallel_loop3A_563 : vector<16xi32>
          %parallel_loop3A_565 = tpu.bitcast %parallel_loop3A_564 : vector<16xi32> -> vector<16xf32>
          %parallel_loop3A_566 = tpu.bitcast %parallel_loop3A_561 : vector<16xi32> -> vector<16xf32>
          %parallel_loop3A_567 = vector.broadcast %mul3A_178 : f32 to vector<16xf32>
          %parallel_loop3A_568 = arith.mulf %parallel_loop3A_565, %parallel_loop3A_567 : vector<16xf32>
          %parallel_loop3A_569 = vector.broadcast %mul3A_178 : f32 to vector<16xf32>
          %parallel_loop3A_570 = arith.mulf %parallel_loop3A_566, %parallel_loop3A_569 : vector<16xf32>
          %parallel_loop3A_571 = arith.addf %parallel_loop3A_554, %parallel_loop3A_568 : vector<16xf32>
          %parallel_loop3A_572 = arith.addf %parallel_loop3A_555, %parallel_loop3A_570 : vector<16xf32>
          %parallel_loop3A_573 = arith.maximumf %parallel_loop3A_405, %parallel_loop3A_439 : vector<16xf32>
          %parallel_loop3A_574 = arith.maximumf %parallel_loop3A_537, %parallel_loop3A_571 : vector<16xf32>
          %parallel_loop3A_575 = arith.maximumf %parallel_loop3A_573, %parallel_loop3A_574 : vector<16xf32>
          %parallel_loop3A_576 = arith.maximumf %parallel_loop3A_406, %parallel_loop3A_440 : vector<16xf32>
          %parallel_loop3A_577 = arith.maximumf %parallel_loop3A_538, %parallel_loop3A_572 : vector<16xf32>
          %parallel_loop3A_578 = arith.maximumf %parallel_loop3A_576, %parallel_loop3A_577 : vector<16xf32>
          %parallel_loop3A_579 = arith.constant 2 : i32
          %parallel_loop3A_580 = arith.index_cast %scan3A_59 : i32 to index
          %parallel_loop3A_581 = arith.index_cast %parallel_loop3A_579 : i32 to index
          %parallel_loop3A_582 = arith.index_cast %parallel_loop3A_308 : i32 to index
          %parallel_loop3A_583 = tpu.vector_load %arg13[%parallel_loop3A_580, %parallel_loop3A_581, %parallel_loop3A_582] {strides = array<i32>} : memref<7x7x256xf32, #tpu.memory_space<vmem>>, vector<1x1x16xf32>,
          %parallel_loop3A_584 = vector.shape_cast %parallel_loop3A_583 : vector<1x1x16xf32> to vector<16xf32>
          %parallel_loop3A_585 = vector.shape_cast %parallel_loop3A_575 : vector<16xf32> to vector<1x1x16xf32>
          tpu.vector_store %arg13[%parallel_loop3A_580, %parallel_loop3A_581, %parallel_loop3A_582], %parallel_loop3A_585 {strides = array<i32>} : memref<7x7x256xf32, #tpu.memory_space<vmem>>, vector<1x1x16xf32>,
          %parallel_loop3A_586 = arith.constant 16 : i32
          %parallel_loop3A_587 = arith.muli %parallel_loop3A_306, %parallel_loop3A_586 : i32
          %parallel_loop3A_588 = arith.constant 128 : i32
          %parallel_loop3A_589 = arith.addi %parallel_loop3A_588, %parallel_loop3A_587 : i32
          %parallel_loop3A_590 = arith.constant 2 : i32
          %parallel_loop3A_591 = arith.index_cast %scan3A_59 : i32 to index
          %parallel_loop3A_592 = arith.index_cast %parallel_loop3A_590 : i32 to index
          %parallel_loop3A_593 = arith.index_cast %parallel_loop3A_589 : i32 to index
          %parallel_loop3A_594 = tpu.vector_load %arg13[%parallel_loop3A_591, %parallel_loop3A_592, %parallel_loop3A_593] {strides = array<i32>} : memref<7x7x256xf32, #tpu.memory_space<vmem>>, vector<1x1x16xf32>,
          %parallel_loop3A_595 = vector.shape_cast %parallel_loop3A_594 : vector<1x1x16xf32> to vector<16xf32>
          %parallel_loop3A_596 = vector.shape_cast %parallel_loop3A_578 : vector<16xf32> to vector<1x1x16xf32>
          tpu.vector_store %arg13[%parallel_loop3A_591, %parallel_loop3A_592, %parallel_loop3A_593], %parallel_loop3A_596 {strides = array<i32>} : memref<7x7x256xf32, #tpu.memory_space<vmem>>, vector<1x1x16xf32>,
        } {sc.loop_unroll_factor = 4 : i64, sc.parallel_access}
        %get3A_182 = arith.index_cast %scan3A_18 : i32 to index
        %get3A_183 = arith.constant 12 : index
        %get3A_184 = tpu.vector_load %arg15[%get3A_182, %get3A_183] {strides = array<i32>} : memref<32x48xf32, #tpu.memory_space<vmem>>, vector<1x16xf32>,
        %get3A_185 = vector.shape_cast %get3A_184 : vector<1x16xf32> to vector<16xf32>
        %slice3A_186 = vector.extract_strided_slice %get3A_185 {offsets = [0], sizes = [1], strides = [1]} : vector<16xf32> to vector<1xf32>
        %squeeze3A_187 = vector.extract %slice3A_186[0] : f32 from vector<1xf32>
        %slice3A_188 = vector.extract_strided_slice %get3A_185 {offsets = [1], sizes = [1], strides = [1]} : vector<16xf32> to vector<1xf32>
        %squeeze3A_189 = vector.extract %slice3A_188[0] : f32 from vector<1xf32>
        %slice3A_190 = vector.extract_strided_slice %get3A_185 {offsets = [2], sizes = [1], strides = [1]} : vector<16xf32> to vector<1xf32>
        %squeeze3A_191 = vector.extract %slice3A_190[0] : f32 from vector<1xf32>
        %slice3A_192 = vector.extract_strided_slice %get3A_185 {offsets = [3], sizes = [1], strides = [1]} : vector<16xf32> to vector<1xf32>
        %squeeze3A_193 = vector.extract %slice3A_192[0] : f32 from vector<1xf32>
        %mul3A_194 = arith.mulf %squeeze3A_83, %squeeze3A_187 : f32
        %mul3A_195 = arith.mulf %squeeze3A_83, %squeeze3A_189 : f32
        %mul3A_196 = arith.mulf %squeeze3A_83, %squeeze3A_191 : f32
        %mul3A_197 = arith.mulf %squeeze3A_83, %squeeze3A_193 : f32
        %mul3A_198 = arith.mulf %squeeze3A_85, %squeeze3A_187 : f32
        %mul3A_199 = arith.mulf %squeeze3A_85, %squeeze3A_189 : f32
        %mul3A_200 = arith.mulf %squeeze3A_85, %squeeze3A_191 : f32
        %mul3A_201 = arith.mulf %squeeze3A_85, %squeeze3A_193 : f32
        %mul3A_202 = arith.mulf %squeeze3A_87, %squeeze3A_187 : f32
        %mul3A_203 = arith.mulf %squeeze3A_87, %squeeze3A_189 : f32
        %mul3A_204 = arith.mulf %squeeze3A_87, %squeeze3A_191 : f32
        %mul3A_205 = arith.mulf %squeeze3A_87, %squeeze3A_193 : f32
        %mul3A_206 = arith.mulf %squeeze3A_89, %squeeze3A_187 : f32
        %mul3A_207 = arith.mulf %squeeze3A_89, %squeeze3A_189 : f32
        %mul3A_208 = arith.mulf %squeeze3A_89, %squeeze3A_191 : f32
        %mul3A_209 = arith.mulf %squeeze3A_89, %squeeze3A_193 : f32
        %parallel_loop3A_210 = arith.constant 0 : i32
        %parallel_loop3A_211 = arith.constant 8 : i32
        %parallel_loop3A_212 = arith.constant 1 : i32
        scf.for %parallel_loop3A_306 = %parallel_loop3A_210 to %parallel_loop3A_211 step %parallel_loop3A_212  : i32 {
          %parallel_loop3A_307 = arith.constant 16 : i32
          %parallel_loop3A_308 = arith.muli %parallel_loop3A_306, %parallel_loop3A_307 : i32
          %parallel_loop3A_309 = arith.constant 12 : i32
          %parallel_loop3A_310 = arith.index_cast %rem3A_60 : i32 to index
          %parallel_loop3A_311 = arith.index_cast %parallel_loop3A_309 : i32 to index
          %parallel_loop3A_312 = arith.index_cast %parallel_loop3A_308 : i32 to index
          %parallel_loop3A_313 = tpu.vector_load %arg12[%parallel_loop3A_310, %parallel_loop3A_311, %parallel_loop3A_312] {strides = array<i32>} : memref<2x112x128xi32, #tpu.memory_space<vmem>>, vector<1x1x16xi32>,
          %parallel_loop3A_314 = vector.shape_cast %parallel_loop3A_313 : vector<1x1x16xi32> to vector<16xi32>
          %parallel_loop3A_315 = arith.constant 16 : i32
          %parallel_loop3A_316 = vector.broadcast %parallel_loop3A_315 : i32 to vector<16xi32>
          %parallel_loop3A_317 = arith.shli %parallel_loop3A_314, %parallel_loop3A_316 : vector<16xi32>
          %parallel_loop3A_318 = tpu.bitcast %parallel_loop3A_317 : vector<16xi32> -> vector<16xf32>
          %parallel_loop3A_319 = tpu.bitcast %parallel_loop3A_314 : vector<16xi32> -> vector<16xf32>
          %parallel_loop3A_320 = vector.broadcast %mul3A_194 : f32 to vector<16xf32>
          %parallel_loop3A_321 = arith.mulf %parallel_loop3A_318, %parallel_loop3A_320 : vector<16xf32>
          %parallel_loop3A_322 = vector.broadcast %mul3A_194 : f32 to vector<16xf32>
          %parallel_loop3A_323 = arith.mulf %parallel_loop3A_319, %parallel_loop3A_322 : vector<16xf32>
          %parallel_loop3A_324 = arith.constant 13 : i32
          %parallel_loop3A_325 = arith.index_cast %rem3A_60 : i32 to index
          %parallel_loop3A_326 = arith.index_cast %parallel_loop3A_324 : i32 to index
          %parallel_loop3A_327 = arith.index_cast %parallel_loop3A_308 : i32 to index
          %parallel_loop3A_328 = tpu.vector_load %arg12[%parallel_loop3A_325, %parallel_loop3A_326, %parallel_loop3A_327] {strides = array<i32>} : memref<2x112x128xi32, #tpu.memory_space<vmem>>, vector<1x1x16xi32>,
          %parallel_loop3A_329 = vector.shape_cast %parallel_loop3A_328 : vector<1x1x16xi32> to vector<16xi32>
          %parallel_loop3A_330 = arith.constant 16 : i32
          %parallel_loop3A_331 = vector.broadcast %parallel_loop3A_330 : i32 to vector<16xi32>
          %parallel_loop3A_332 = arith.shli %parallel_loop3A_329, %parallel_loop3A_331 : vector<16xi32>
          %parallel_loop3A_333 = tpu.bitcast %parallel_loop3A_332 : vector<16xi32> -> vector<16xf32>
          %parallel_loop3A_334 = tpu.bitcast %parallel_loop3A_329 : vector<16xi32> -> vector<16xf32>
          %parallel_loop3A_335 = vector.broadcast %mul3A_195 : f32 to vector<16xf32>
          %parallel_loop3A_336 = arith.mulf %parallel_loop3A_333, %parallel_loop3A_335 : vector<16xf32>
          %parallel_loop3A_337 = vector.broadcast %mul3A_195 : f32 to vector<16xf32>
          %parallel_loop3A_338 = arith.mulf %parallel_loop3A_334, %parallel_loop3A_337 : vector<16xf32>
          %parallel_loop3A_339 = arith.addf %parallel_loop3A_321, %parallel_loop3A_336 : vector<16xf32>
          %parallel_loop3A_340 = arith.addf %parallel_loop3A_323, %parallel_loop3A_338 : vector<16xf32>
          %parallel_loop3A_341 = arith.constant 14 : i32
          %parallel_loop3A_342 = arith.index_cast %rem3A_60 : i32 to index
          %parallel_loop3A_343 = arith.index_cast %parallel_loop3A_341 : i32 to index
          %parallel_loop3A_344 = arith.index_cast %parallel_loop3A_308 : i32 to index
          %parallel_loop3A_345 = tpu.vector_load %arg12[%parallel_loop3A_342, %parallel_loop3A_343, %parallel_loop3A_344] {strides = array<i32>} : memref<2x112x128xi32, #tpu.memory_space<vmem>>, vector<1x1x16xi32>,
          %parallel_loop3A_346 = vector.shape_cast %parallel_loop3A_345 : vector<1x1x16xi32> to vector<16xi32>
          %parallel_loop3A_347 = arith.constant 16 : i32
          %parallel_loop3A_348 = vector.broadcast %parallel_loop3A_347 : i32 to vector<16xi32>
          %parallel_loop3A_349 = arith.shli %parallel_loop3A_346, %parallel_loop3A_348 : vector<16xi32>
          %parallel_loop3A_350 = tpu.bitcast %parallel_loop3A_349 : vector<16xi32> -> vector<16xf32>
          %parallel_loop3A_351 = tpu.bitcast %parallel_loop3A_346 : vector<16xi32> -> vector<16xf32>
          %parallel_loop3A_352 = vector.broadcast %mul3A_196 : f32 to vector<16xf32>
          %parallel_loop3A_353 = arith.mulf %parallel_loop3A_350, %parallel_loop3A_352 : vector<16xf32>
          %parallel_loop3A_354 = vector.broadcast %mul3A_196 : f32 to vector<16xf32>
          %parallel_loop3A_355 = arith.mulf %parallel_loop3A_351, %parallel_loop3A_354 : vector<16xf32>
          %parallel_loop3A_356 = arith.constant 15 : i32
          %parallel_loop3A_357 = arith.index_cast %rem3A_60 : i32 to index
          %parallel_loop3A_358 = arith.index_cast %parallel_loop3A_356 : i32 to index
          %parallel_loop3A_359 = arith.index_cast %parallel_loop3A_308 : i32 to index
          %parallel_loop3A_360 = tpu.vector_load %arg12[%parallel_loop3A_357, %parallel_loop3A_358, %parallel_loop3A_359] {strides = array<i32>} : memref<2x112x128xi32, #tpu.memory_space<vmem>>, vector<1x1x16xi32>,
          %parallel_loop3A_361 = vector.shape_cast %parallel_loop3A_360 : vector<1x1x16xi32> to vector<16xi32>
          %parallel_loop3A_362 = arith.constant 16 : i32
          %parallel_loop3A_363 = vector.broadcast %parallel_loop3A_362 : i32 to vector<16xi32>
          %parallel_loop3A_364 = arith.shli %parallel_loop3A_361, %parallel_loop3A_363 : vector<16xi32>
          %parallel_loop3A_365 = tpu.bitcast %parallel_loop3A_364 : vector<16xi32> -> vector<16xf32>
          %parallel_loop3A_366 = tpu.bitcast %parallel_loop3A_361 : vector<16xi32> -> vector<16xf32>
          %parallel_loop3A_367 = vector.broadcast %mul3A_197 : f32 to vector<16xf32>
          %parallel_loop3A_368 = arith.mulf %parallel_loop3A_365, %parallel_loop3A_367 : vector<16xf32>
          %parallel_loop3A_369 = vector.broadcast %mul3A_197 : f32 to vector<16xf32>
          %parallel_loop3A_370 = arith.mulf %parallel_loop3A_366, %parallel_loop3A_369 : vector<16xf32>
          %parallel_loop3A_371 = arith.addf %parallel_loop3A_353, %parallel_loop3A_368 : vector<16xf32>
          %parallel_loop3A_372 = arith.addf %parallel_loop3A_355, %parallel_loop3A_370 : vector<16xf32>
          %parallel_loop3A_373 = arith.constant 40 : i32
          %parallel_loop3A_374 = arith.index_cast %rem3A_60 : i32 to index
          %parallel_loop3A_375 = arith.index_cast %parallel_loop3A_373 : i32 to index
          %parallel_loop3A_376 = arith.index_cast %parallel_loop3A_308 : i32 to index
          %parallel_loop3A_377 = tpu.vector_load %arg12[%parallel_loop3A_374, %parallel_loop3A_375, %parallel_loop3A_376] {strides = array<i32>} : memref<2x112x128xi32, #tpu.memory_space<vmem>>, vector<1x1x16xi32>,
          %parallel_loop3A_378 = vector.shape_cast %parallel_loop3A_377 : vector<1x1x16xi32> to vector<16xi32>
          %parallel_loop3A_379 = arith.constant 16 : i32
          %parallel_loop3A_380 = vector.broadcast %parallel_loop3A_379 : i32 to vector<16xi32>
          %parallel_loop3A_381 = arith.shli %parallel_loop3A_378, %parallel_loop3A_380 : vector<16xi32>
          %parallel_loop3A_382 = tpu.bitcast %parallel_loop3A_381 : vector<16xi32> -> vector<16xf32>
          %parallel_loop3A_383 = tpu.bitcast %parallel_loop3A_378 : vector<16xi32> -> vector<16xf32>
          %parallel_loop3A_384 = vector.broadcast %mul3A_198 : f32 to vector<16xf32>
          %parallel_loop3A_385 = arith.mulf %parallel_loop3A_382, %parallel_loop3A_384 : vector<16xf32>
          %parallel_loop3A_386 = vector.broadcast %mul3A_198 : f32 to vector<16xf32>
          %parallel_loop3A_387 = arith.mulf %parallel_loop3A_383, %parallel_loop3A_386 : vector<16xf32>
          %parallel_loop3A_388 = arith.addf %parallel_loop3A_339, %parallel_loop3A_385 : vector<16xf32>
          %parallel_loop3A_389 = arith.addf %parallel_loop3A_340, %parallel_loop3A_387 : vector<16xf32>
          %parallel_loop3A_390 = arith.constant 41 : i32
          %parallel_loop3A_391 = arith.index_cast %rem3A_60 : i32 to index
          %parallel_loop3A_392 = arith.index_cast %parallel_loop3A_390 : i32 to index
          %parallel_loop3A_393 = arith.index_cast %parallel_loop3A_308 : i32 to index
          %parallel_loop3A_394 = tpu.vector_load %arg12[%parallel_loop3A_391, %parallel_loop3A_392, %parallel_loop3A_393] {strides = array<i32>} : memref<2x112x128xi32, #tpu.memory_space<vmem>>, vector<1x1x16xi32>,
          %parallel_loop3A_395 = vector.shape_cast %parallel_loop3A_394 : vector<1x1x16xi32> to vector<16xi32>
          %parallel_loop3A_396 = arith.constant 16 : i32
          %parallel_loop3A_397 = vector.broadcast %parallel_loop3A_396 : i32 to vector<16xi32>
          %parallel_loop3A_398 = arith.shli %parallel_loop3A_395, %parallel_loop3A_397 : vector<16xi32>
          %parallel_loop3A_399 = tpu.bitcast %parallel_loop3A_398 : vector<16xi32> -> vector<16xf32>
          %parallel_loop3A_400 = tpu.bitcast %parallel_loop3A_395 : vector<16xi32> -> vector<16xf32>
          %parallel_loop3A_401 = vector.broadcast %mul3A_199 : f32 to vector<16xf32>
          %parallel_loop3A_402 = arith.mulf %parallel_loop3A_399, %parallel_loop3A_401 : vector<16xf32>
          %parallel_loop3A_403 = vector.broadcast %mul3A_199 : f32 to vector<16xf32>
          %parallel_loop3A_404 = arith.mulf %parallel_loop3A_400, %parallel_loop3A_403 : vector<16xf32>
          %parallel_loop3A_405 = arith.addf %parallel_loop3A_388, %parallel_loop3A_402 : vector<16xf32>
          %parallel_loop3A_406 = arith.addf %parallel_loop3A_389, %parallel_loop3A_404 : vector<16xf32>
          %parallel_loop3A_407 = arith.constant 42 : i32
          %parallel_loop3A_408 = arith.index_cast %rem3A_60 : i32 to index
          %parallel_loop3A_409 = arith.index_cast %parallel_loop3A_407 : i32 to index
          %parallel_loop3A_410 = arith.index_cast %parallel_loop3A_308 : i32 to index
          %parallel_loop3A_411 = tpu.vector_load %arg12[%parallel_loop3A_408, %parallel_loop3A_409, %parallel_loop3A_410] {strides = array<i32>} : memref<2x112x128xi32, #tpu.memory_space<vmem>>, vector<1x1x16xi32>,
          %parallel_loop3A_412 = vector.shape_cast %parallel_loop3A_411 : vector<1x1x16xi32> to vector<16xi32>
          %parallel_loop3A_413 = arith.constant 16 : i32
          %parallel_loop3A_414 = vector.broadcast %parallel_loop3A_413 : i32 to vector<16xi32>
          %parallel_loop3A_415 = arith.shli %parallel_loop3A_412, %parallel_loop3A_414 : vector<16xi32>
          %parallel_loop3A_416 = tpu.bitcast %parallel_loop3A_415 : vector<16xi32> -> vector<16xf32>
          %parallel_loop3A_417 = tpu.bitcast %parallel_loop3A_412 : vector<16xi32> -> vector<16xf32>
          %parallel_loop3A_418 = vector.broadcast %mul3A_200 : f32 to vector<16xf32>
          %parallel_loop3A_419 = arith.mulf %parallel_loop3A_416, %parallel_loop3A_418 : vector<16xf32>
          %parallel_loop3A_420 = vector.broadcast %mul3A_200 : f32 to vector<16xf32>
          %parallel_loop3A_421 = arith.mulf %parallel_loop3A_417, %parallel_loop3A_420 : vector<16xf32>
          %parallel_loop3A_422 = arith.addf %parallel_loop3A_371, %parallel_loop3A_419 : vector<16xf32>
          %parallel_loop3A_423 = arith.addf %parallel_loop3A_372, %parallel_loop3A_421 : vector<16xf32>
          %parallel_loop3A_424 = arith.constant 43 : i32
          %parallel_loop3A_425 = arith.index_cast %rem3A_60 : i32 to index
          %parallel_loop3A_426 = arith.index_cast %parallel_loop3A_424 : i32 to index
          %parallel_loop3A_427 = arith.index_cast %parallel_loop3A_308 : i32 to index
          %parallel_loop3A_428 = tpu.vector_load %arg12[%parallel_loop3A_425, %parallel_loop3A_426, %parallel_loop3A_427] {strides = array<i32>} : memref<2x112x128xi32, #tpu.memory_space<vmem>>, vector<1x1x16xi32>,
          %parallel_loop3A_429 = vector.shape_cast %parallel_loop3A_428 : vector<1x1x16xi32> to vector<16xi32>
          %parallel_loop3A_430 = arith.constant 16 : i32
          %parallel_loop3A_431 = vector.broadcast %parallel_loop3A_430 : i32 to vector<16xi32>
          %parallel_loop3A_432 = arith.shli %parallel_loop3A_429, %parallel_loop3A_431 : vector<16xi32>
          %parallel_loop3A_433 = tpu.bitcast %parallel_loop3A_432 : vector<16xi32> -> vector<16xf32>
          %parallel_loop3A_434 = tpu.bitcast %parallel_loop3A_429 : vector<16xi32> -> vector<16xf32>
          %parallel_loop3A_435 = vector.broadcast %mul3A_201 : f32 to vector<16xf32>
          %parallel_loop3A_436 = arith.mulf %parallel_loop3A_433, %parallel_loop3A_435 : vector<16xf32>
          %parallel_loop3A_437 = vector.broadcast %mul3A_201 : f32 to vector<16xf32>
          %parallel_loop3A_438 = arith.mulf %parallel_loop3A_434, %parallel_loop3A_437 : vector<16xf32>
          %parallel_loop3A_439 = arith.addf %parallel_loop3A_422, %parallel_loop3A_436 : vector<16xf32>
          %parallel_loop3A_440 = arith.addf %parallel_loop3A_423, %parallel_loop3A_438 : vector<16xf32>
          %parallel_loop3A_441 = arith.constant 68 : i32
          %parallel_loop3A_442 = arith.index_cast %rem3A_60 : i32 to index
          %parallel_loop3A_443 = arith.index_cast %parallel_loop3A_441 : i32 to index
          %parallel_loop3A_444 = arith.index_cast %parallel_loop3A_308 : i32 to index
          %parallel_loop3A_445 = tpu.vector_load %arg12[%parallel_loop3A_442, %parallel_loop3A_443, %parallel_loop3A_444] {strides = array<i32>} : memref<2x112x128xi32, #tpu.memory_space<vmem>>, vector<1x1x16xi32>,
          %parallel_loop3A_446 = vector.shape_cast %parallel_loop3A_445 : vector<1x1x16xi32> to vector<16xi32>
          %parallel_loop3A_447 = arith.constant 16 : i32
          %parallel_loop3A_448 = vector.broadcast %parallel_loop3A_447 : i32 to vector<16xi32>
          %parallel_loop3A_449 = arith.shli %parallel_loop3A_446, %parallel_loop3A_448 : vector<16xi32>
          %parallel_loop3A_450 = tpu.bitcast %parallel_loop3A_449 : vector<16xi32> -> vector<16xf32>
          %parallel_loop3A_451 = tpu.bitcast %parallel_loop3A_446 : vector<16xi32> -> vector<16xf32>
          %parallel_loop3A_452 = vector.broadcast %mul3A_202 : f32 to vector<16xf32>
          %parallel_loop3A_453 = arith.mulf %parallel_loop3A_450, %parallel_loop3A_452 : vector<16xf32>
          %parallel_loop3A_454 = vector.broadcast %mul3A_202 : f32 to vector<16xf32>
          %parallel_loop3A_455 = arith.mulf %parallel_loop3A_451, %parallel_loop3A_454 : vector<16xf32>
          %parallel_loop3A_456 = arith.constant 69 : i32
          %parallel_loop3A_457 = arith.index_cast %rem3A_60 : i32 to index
          %parallel_loop3A_458 = arith.index_cast %parallel_loop3A_456 : i32 to index
          %parallel_loop3A_459 = arith.index_cast %parallel_loop3A_308 : i32 to index
          %parallel_loop3A_460 = tpu.vector_load %arg12[%parallel_loop3A_457, %parallel_loop3A_458, %parallel_loop3A_459] {strides = array<i32>} : memref<2x112x128xi32, #tpu.memory_space<vmem>>, vector<1x1x16xi32>,
          %parallel_loop3A_461 = vector.shape_cast %parallel_loop3A_460 : vector<1x1x16xi32> to vector<16xi32>
          %parallel_loop3A_462 = arith.constant 16 : i32
          %parallel_loop3A_463 = vector.broadcast %parallel_loop3A_462 : i32 to vector<16xi32>
          %parallel_loop3A_464 = arith.shli %parallel_loop3A_461, %parallel_loop3A_463 : vector<16xi32>
          %parallel_loop3A_465 = tpu.bitcast %parallel_loop3A_464 : vector<16xi32> -> vector<16xf32>
          %parallel_loop3A_466 = tpu.bitcast %parallel_loop3A_461 : vector<16xi32> -> vector<16xf32>
          %parallel_loop3A_467 = vector.broadcast %mul3A_203 : f32 to vector<16xf32>
          %parallel_loop3A_468 = arith.mulf %parallel_loop3A_465, %parallel_loop3A_467 : vector<16xf32>
          %parallel_loop3A_469 = vector.broadcast %mul3A_203 : f32 to vector<16xf32>
          %parallel_loop3A_470 = arith.mulf %parallel_loop3A_466, %parallel_loop3A_469 : vector<16xf32>
          %parallel_loop3A_471 = arith.addf %parallel_loop3A_453, %parallel_loop3A_468 : vector<16xf32>
          %parallel_loop3A_472 = arith.addf %parallel_loop3A_455, %parallel_loop3A_470 : vector<16xf32>
          %parallel_loop3A_473 = arith.constant 70 : i32
          %parallel_loop3A_474 = arith.index_cast %rem3A_60 : i32 to index
          %parallel_loop3A_475 = arith.index_cast %parallel_loop3A_473 : i32 to index
          %parallel_loop3A_476 = arith.index_cast %parallel_loop3A_308 : i32 to index
          %parallel_loop3A_477 = tpu.vector_load %arg12[%parallel_loop3A_474, %parallel_loop3A_475, %parallel_loop3A_476] {strides = array<i32>} : memref<2x112x128xi32, #tpu.memory_space<vmem>>, vector<1x1x16xi32>,
          %parallel_loop3A_478 = vector.shape_cast %parallel_loop3A_477 : vector<1x1x16xi32> to vector<16xi32>
          %parallel_loop3A_479 = arith.constant 16 : i32
          %parallel_loop3A_480 = vector.broadcast %parallel_loop3A_479 : i32 to vector<16xi32>
          %parallel_loop3A_481 = arith.shli %parallel_loop3A_478, %parallel_loop3A_480 : vector<16xi32>
          %parallel_loop3A_482 = tpu.bitcast %parallel_loop3A_481 : vector<16xi32> -> vector<16xf32>
          %parallel_loop3A_483 = tpu.bitcast %parallel_loop3A_478 : vector<16xi32> -> vector<16xf32>
          %parallel_loop3A_484 = vector.broadcast %mul3A_204 : f32 to vector<16xf32>
          %parallel_loop3A_485 = arith.mulf %parallel_loop3A_482, %parallel_loop3A_484 : vector<16xf32>
          %parallel_loop3A_486 = vector.broadcast %mul3A_204 : f32 to vector<16xf32>
          %parallel_loop3A_487 = arith.mulf %parallel_loop3A_483, %parallel_loop3A_486 : vector<16xf32>
          %parallel_loop3A_488 = arith.constant 71 : i32
          %parallel_loop3A_489 = arith.index_cast %rem3A_60 : i32 to index
          %parallel_loop3A_490 = arith.index_cast %parallel_loop3A_488 : i32 to index
          %parallel_loop3A_491 = arith.index_cast %parallel_loop3A_308 : i32 to index
          %parallel_loop3A_492 = tpu.vector_load %arg12[%parallel_loop3A_489, %parallel_loop3A_490, %parallel_loop3A_491] {strides = array<i32>} : memref<2x112x128xi32, #tpu.memory_space<vmem>>, vector<1x1x16xi32>,
          %parallel_loop3A_493 = vector.shape_cast %parallel_loop3A_492 : vector<1x1x16xi32> to vector<16xi32>
          %parallel_loop3A_494 = arith.constant 16 : i32
          %parallel_loop3A_495 = vector.broadcast %parallel_loop3A_494 : i32 to vector<16xi32>
          %parallel_loop3A_496 = arith.shli %parallel_loop3A_493, %parallel_loop3A_495 : vector<16xi32>
          %parallel_loop3A_497 = tpu.bitcast %parallel_loop3A_496 : vector<16xi32> -> vector<16xf32>
          %parallel_loop3A_498 = tpu.bitcast %parallel_loop3A_493 : vector<16xi32> -> vector<16xf32>
          %parallel_loop3A_499 = vector.broadcast %mul3A_205 : f32 to vector<16xf32>
          %parallel_loop3A_500 = arith.mulf %parallel_loop3A_497, %parallel_loop3A_499 : vector<16xf32>
          %parallel_loop3A_501 = vector.broadcast %mul3A_205 : f32 to vector<16xf32>
          %parallel_loop3A_502 = arith.mulf %parallel_loop3A_498, %parallel_loop3A_501 : vector<16xf32>
          %parallel_loop3A_503 = arith.addf %parallel_loop3A_485, %parallel_loop3A_500 : vector<16xf32>
          %parallel_loop3A_504 = arith.addf %parallel_loop3A_487, %parallel_loop3A_502 : vector<16xf32>
          %parallel_loop3A_505 = arith.constant 96 : i32
          %parallel_loop3A_506 = arith.index_cast %rem3A_60 : i32 to index
          %parallel_loop3A_507 = arith.index_cast %parallel_loop3A_505 : i32 to index
          %parallel_loop3A_508 = arith.index_cast %parallel_loop3A_308 : i32 to index
          %parallel_loop3A_509 = tpu.vector_load %arg12[%parallel_loop3A_506, %parallel_loop3A_507, %parallel_loop3A_508] {strides = array<i32>} : memref<2x112x128xi32, #tpu.memory_space<vmem>>, vector<1x1x16xi32>,
          %parallel_loop3A_510 = vector.shape_cast %parallel_loop3A_509 : vector<1x1x16xi32> to vector<16xi32>
          %parallel_loop3A_511 = arith.constant 16 : i32
          %parallel_loop3A_512 = vector.broadcast %parallel_loop3A_511 : i32 to vector<16xi32>
          %parallel_loop3A_513 = arith.shli %parallel_loop3A_510, %parallel_loop3A_512 : vector<16xi32>
          %parallel_loop3A_514 = tpu.bitcast %parallel_loop3A_513 : vector<16xi32> -> vector<16xf32>
          %parallel_loop3A_515 = tpu.bitcast %parallel_loop3A_510 : vector<16xi32> -> vector<16xf32>
          %parallel_loop3A_516 = vector.broadcast %mul3A_206 : f32 to vector<16xf32>
          %parallel_loop3A_517 = arith.mulf %parallel_loop3A_514, %parallel_loop3A_516 : vector<16xf32>
          %parallel_loop3A_518 = vector.broadcast %mul3A_206 : f32 to vector<16xf32>
          %parallel_loop3A_519 = arith.mulf %parallel_loop3A_515, %parallel_loop3A_518 : vector<16xf32>
          %parallel_loop3A_520 = arith.addf %parallel_loop3A_471, %parallel_loop3A_517 : vector<16xf32>
          %parallel_loop3A_521 = arith.addf %parallel_loop3A_472, %parallel_loop3A_519 : vector<16xf32>
          %parallel_loop3A_522 = arith.constant 97 : i32
          %parallel_loop3A_523 = arith.index_cast %rem3A_60 : i32 to index
          %parallel_loop3A_524 = arith.index_cast %parallel_loop3A_522 : i32 to index
          %parallel_loop3A_525 = arith.index_cast %parallel_loop3A_308 : i32 to index
          %parallel_loop3A_526 = tpu.vector_load %arg12[%parallel_loop3A_523, %parallel_loop3A_524, %parallel_loop3A_525] {strides = array<i32>} : memref<2x112x128xi32, #tpu.memory_space<vmem>>, vector<1x1x16xi32>,
          %parallel_loop3A_527 = vector.shape_cast %parallel_loop3A_526 : vector<1x1x16xi32> to vector<16xi32>
          %parallel_loop3A_528 = arith.constant 16 : i32
          %parallel_loop3A_529 = vector.broadcast %parallel_loop3A_528 : i32 to vector<16xi32>
          %parallel_loop3A_530 = arith.shli %parallel_loop3A_527, %parallel_loop3A_529 : vector<16xi32>
          %parallel_loop3A_531 = tpu.bitcast %parallel_loop3A_530 : vector<16xi32> -> vector<16xf32>
          %parallel_loop3A_532 = tpu.bitcast %parallel_loop3A_527 : vector<16xi32> -> vector<16xf32>
          %parallel_loop3A_533 = vector.broadcast %mul3A_207 : f32 to vector<16xf32>
          %parallel_loop3A_534 = arith.mulf %parallel_loop3A_531, %parallel_loop3A_533 : vector<16xf32>
          %parallel_loop3A_535 = vector.broadcast %mul3A_207 : f32 to vector<16xf32>
          %parallel_loop3A_536 = arith.mulf %parallel_loop3A_532, %parallel_loop3A_535 : vector<16xf32>
          %parallel_loop3A_537 = arith.addf %parallel_loop3A_520, %parallel_loop3A_534 : vector<16xf32>
          %parallel_loop3A_538 = arith.addf %parallel_loop3A_521, %parallel_loop3A_536 : vector<16xf32>
          %parallel_loop3A_539 = arith.constant 98 : i32
          %parallel_loop3A_540 = arith.index_cast %rem3A_60 : i32 to index
          %parallel_loop3A_541 = arith.index_cast %parallel_loop3A_539 : i32 to index
          %parallel_loop3A_542 = arith.index_cast %parallel_loop3A_308 : i32 to index
          %parallel_loop3A_543 = tpu.vector_load %arg12[%parallel_loop3A_540, %parallel_loop3A_541, %parallel_loop3A_542] {strides = array<i32>} : memref<2x112x128xi32, #tpu.memory_space<vmem>>, vector<1x1x16xi32>,
          %parallel_loop3A_544 = vector.shape_cast %parallel_loop3A_543 : vector<1x1x16xi32> to vector<16xi32>
          %parallel_loop3A_545 = arith.constant 16 : i32
          %parallel_loop3A_546 = vector.broadcast %parallel_loop3A_545 : i32 to vector<16xi32>
          %parallel_loop3A_547 = arith.shli %parallel_loop3A_544, %parallel_loop3A_546 : vector<16xi32>
          %parallel_loop3A_548 = tpu.bitcast %parallel_loop3A_547 : vector<16xi32> -> vector<16xf32>
          %parallel_loop3A_549 = tpu.bitcast %parallel_loop3A_544 : vector<16xi32> -> vector<16xf32>
          %parallel_loop3A_550 = vector.broadcast %mul3A_208 : f32 to vector<16xf32>
          %parallel_loop3A_551 = arith.mulf %parallel_loop3A_548, %parallel_loop3A_550 : vector<16xf32>
          %parallel_loop3A_552 = vector.broadcast %mul3A_208 : f32 to vector<16xf32>
          %parallel_loop3A_553 = arith.mulf %parallel_loop3A_549, %parallel_loop3A_552 : vector<16xf32>
          %parallel_loop3A_554 = arith.addf %parallel_loop3A_503, %parallel_loop3A_551 : vector<16xf32>
          %parallel_loop3A_555 = arith.addf %parallel_loop3A_504, %parallel_loop3A_553 : vector<16xf32>
          %parallel_loop3A_556 = arith.constant 99 : i32
          %parallel_loop3A_557 = arith.index_cast %rem3A_60 : i32 to index
          %parallel_loop3A_558 = arith.index_cast %parallel_loop3A_556 : i32 to index
          %parallel_loop3A_559 = arith.index_cast %parallel_loop3A_308 : i32 to index
          %parallel_loop3A_560 = tpu.vector_load %arg12[%parallel_loop3A_557, %parallel_loop3A_558, %parallel_loop3A_559] {strides = array<i32>} : memref<2x112x128xi32, #tpu.memory_space<vmem>>, vector<1x1x16xi32>,
          %parallel_loop3A_561 = vector.shape_cast %parallel_loop3A_560 : vector<1x1x16xi32> to vector<16xi32>
          %parallel_loop3A_562 = arith.constant 16 : i32
          %parallel_loop3A_563 = vector.broadcast %parallel_loop3A_562 : i32 to vector<16xi32>
          %parallel_loop3A_564 = arith.shli %parallel_loop3A_561, %parallel_loop3A_563 : vector<16xi32>
          %parallel_loop3A_565 = tpu.bitcast %parallel_loop3A_564 : vector<16xi32> -> vector<16xf32>
          %parallel_loop3A_566 = tpu.bitcast %parallel_loop3A_561 : vector<16xi32> -> vector<16xf32>
          %parallel_loop3A_567 = vector.broadcast %mul3A_209 : f32 to vector<16xf32>
          %parallel_loop3A_568 = arith.mulf %parallel_loop3A_565, %parallel_loop3A_567 : vector<16xf32>
          %parallel_loop3A_569 = vector.broadcast %mul3A_209 : f32 to vector<16xf32>
          %parallel_loop3A_570 = arith.mulf %parallel_loop3A_566, %parallel_loop3A_569 : vector<16xf32>
          %parallel_loop3A_571 = arith.addf %parallel_loop3A_554, %parallel_loop3A_568 : vector<16xf32>
          %parallel_loop3A_572 = arith.addf %parallel_loop3A_555, %parallel_loop3A_570 : vector<16xf32>
          %parallel_loop3A_573 = arith.maximumf %parallel_loop3A_405, %parallel_loop3A_439 : vector<16xf32>
          %parallel_loop3A_574 = arith.maximumf %parallel_loop3A_537, %parallel_loop3A_571 : vector<16xf32>
          %parallel_loop3A_575 = arith.maximumf %parallel_loop3A_573, %parallel_loop3A_574 : vector<16xf32>
          %parallel_loop3A_576 = arith.maximumf %parallel_loop3A_406, %parallel_loop3A_440 : vector<16xf32>
          %parallel_loop3A_577 = arith.maximumf %parallel_loop3A_538, %parallel_loop3A_572 : vector<16xf32>
          %parallel_loop3A_578 = arith.maximumf %parallel_loop3A_576, %parallel_loop3A_577 : vector<16xf32>
          %parallel_loop3A_579 = arith.constant 3 : i32
          %parallel_loop3A_580 = arith.index_cast %scan3A_59 : i32 to index
          %parallel_loop3A_581 = arith.index_cast %parallel_loop3A_579 : i32 to index
          %parallel_loop3A_582 = arith.index_cast %parallel_loop3A_308 : i32 to index
          %parallel_loop3A_583 = tpu.vector_load %arg13[%parallel_loop3A_580, %parallel_loop3A_581, %parallel_loop3A_582] {strides = array<i32>} : memref<7x7x256xf32, #tpu.memory_space<vmem>>, vector<1x1x16xf32>,
          %parallel_loop3A_584 = vector.shape_cast %parallel_loop3A_583 : vector<1x1x16xf32> to vector<16xf32>
          %parallel_loop3A_585 = vector.shape_cast %parallel_loop3A_575 : vector<16xf32> to vector<1x1x16xf32>
          tpu.vector_store %arg13[%parallel_loop3A_580, %parallel_loop3A_581, %parallel_loop3A_582], %parallel_loop3A_585 {strides = array<i32>} : memref<7x7x256xf32, #tpu.memory_space<vmem>>, vector<1x1x16xf32>,
          %parallel_loop3A_586 = arith.constant 16 : i32
          %parallel_loop3A_587 = arith.muli %parallel_loop3A_306, %parallel_loop3A_586 : i32
          %parallel_loop3A_588 = arith.constant 128 : i32
          %parallel_loop3A_589 = arith.addi %parallel_loop3A_588, %parallel_loop3A_587 : i32
          %parallel_loop3A_590 = arith.constant 3 : i32
          %parallel_loop3A_591 = arith.index_cast %scan3A_59 : i32 to index
          %parallel_loop3A_592 = arith.index_cast %parallel_loop3A_590 : i32 to index
          %parallel_loop3A_593 = arith.index_cast %parallel_loop3A_589 : i32 to index
          %parallel_loop3A_594 = tpu.vector_load %arg13[%parallel_loop3A_591, %parallel_loop3A_592, %parallel_loop3A_593] {strides = array<i32>} : memref<7x7x256xf32, #tpu.memory_space<vmem>>, vector<1x1x16xf32>,
          %parallel_loop3A_595 = vector.shape_cast %parallel_loop3A_594 : vector<1x1x16xf32> to vector<16xf32>
          %parallel_loop3A_596 = vector.shape_cast %parallel_loop3A_578 : vector<16xf32> to vector<1x1x16xf32>
          tpu.vector_store %arg13[%parallel_loop3A_591, %parallel_loop3A_592, %parallel_loop3A_593], %parallel_loop3A_596 {strides = array<i32>} : memref<7x7x256xf32, #tpu.memory_space<vmem>>, vector<1x1x16xf32>,
        } {sc.loop_unroll_factor = 4 : i64, sc.parallel_access}
        %get3A_213 = arith.index_cast %scan3A_18 : i32 to index
        %get3A_214 = arith.constant 16 : index
        %get3A_215 = tpu.vector_load %arg15[%get3A_213, %get3A_214] {strides = array<i32>} : memref<32x48xf32, #tpu.memory_space<vmem>>, vector<1x16xf32>,
        %get3A_216 = vector.shape_cast %get3A_215 : vector<1x16xf32> to vector<16xf32>
        %slice3A_217 = vector.extract_strided_slice %get3A_216 {offsets = [0], sizes = [1], strides = [1]} : vector<16xf32> to vector<1xf32>
        %squeeze3A_218 = vector.extract %slice3A_217[0] : f32 from vector<1xf32>
        %slice3A_219 = vector.extract_strided_slice %get3A_216 {offsets = [1], sizes = [1], strides = [1]} : vector<16xf32> to vector<1xf32>
        %squeeze3A_220 = vector.extract %slice3A_219[0] : f32 from vector<1xf32>
        %slice3A_221 = vector.extract_strided_slice %get3A_216 {offsets = [2], sizes = [1], strides = [1]} : vector<16xf32> to vector<1xf32>
        %squeeze3A_222 = vector.extract %slice3A_221[0] : f32 from vector<1xf32>
        %slice3A_223 = vector.extract_strided_slice %get3A_216 {offsets = [3], sizes = [1], strides = [1]} : vector<16xf32> to vector<1xf32>
        %squeeze3A_224 = vector.extract %slice3A_223[0] : f32 from vector<1xf32>
        %mul3A_225 = arith.mulf %squeeze3A_83, %squeeze3A_218 : f32
        %mul3A_226 = arith.mulf %squeeze3A_83, %squeeze3A_220 : f32
        %mul3A_227 = arith.mulf %squeeze3A_83, %squeeze3A_222 : f32
        %mul3A_228 = arith.mulf %squeeze3A_83, %squeeze3A_224 : f32
        %mul3A_229 = arith.mulf %squeeze3A_85, %squeeze3A_218 : f32
        %mul3A_230 = arith.mulf %squeeze3A_85, %squeeze3A_220 : f32
        %mul3A_231 = arith.mulf %squeeze3A_85, %squeeze3A_222 : f32
        %mul3A_232 = arith.mulf %squeeze3A_85, %squeeze3A_224 : f32
        %mul3A_233 = arith.mulf %squeeze3A_87, %squeeze3A_218 : f32
        %mul3A_234 = arith.mulf %squeeze3A_87, %squeeze3A_220 : f32
        %mul3A_235 = arith.mulf %squeeze3A_87, %squeeze3A_222 : f32
        %mul3A_236 = arith.mulf %squeeze3A_87, %squeeze3A_224 : f32
        %mul3A_237 = arith.mulf %squeeze3A_89, %squeeze3A_218 : f32
        %mul3A_238 = arith.mulf %squeeze3A_89, %squeeze3A_220 : f32
        %mul3A_239 = arith.mulf %squeeze3A_89, %squeeze3A_222 : f32
        %mul3A_240 = arith.mulf %squeeze3A_89, %squeeze3A_224 : f32
        %parallel_loop3A_241 = arith.constant 0 : i32
        %parallel_loop3A_242 = arith.constant 8 : i32
        %parallel_loop3A_243 = arith.constant 1 : i32
        scf.for %parallel_loop3A_306 = %parallel_loop3A_241 to %parallel_loop3A_242 step %parallel_loop3A_243  : i32 {
          %parallel_loop3A_307 = arith.constant 16 : i32
          %parallel_loop3A_308 = arith.muli %parallel_loop3A_306, %parallel_loop3A_307 : i32
          %parallel_loop3A_309 = arith.constant 16 : i32
          %parallel_loop3A_310 = arith.index_cast %rem3A_60 : i32 to index
          %parallel_loop3A_311 = arith.index_cast %parallel_loop3A_309 : i32 to index
          %parallel_loop3A_312 = arith.index_cast %parallel_loop3A_308 : i32 to index
          %parallel_loop3A_313 = tpu.vector_load %arg12[%parallel_loop3A_310, %parallel_loop3A_311, %parallel_loop3A_312] {strides = array<i32>} : memref<2x112x128xi32, #tpu.memory_space<vmem>>, vector<1x1x16xi32>,
          %parallel_loop3A_314 = vector.shape_cast %parallel_loop3A_313 : vector<1x1x16xi32> to vector<16xi32>
          %parallel_loop3A_315 = arith.constant 16 : i32
          %parallel_loop3A_316 = vector.broadcast %parallel_loop3A_315 : i32 to vector<16xi32>
          %parallel_loop3A_317 = arith.shli %parallel_loop3A_314, %parallel_loop3A_316 : vector<16xi32>
          %parallel_loop3A_318 = tpu.bitcast %parallel_loop3A_317 : vector<16xi32> -> vector<16xf32>
          %parallel_loop3A_319 = tpu.bitcast %parallel_loop3A_314 : vector<16xi32> -> vector<16xf32>
          %parallel_loop3A_320 = vector.broadcast %mul3A_225 : f32 to vector<16xf32>
          %parallel_loop3A_321 = arith.mulf %parallel_loop3A_318, %parallel_loop3A_320 : vector<16xf32>
          %parallel_loop3A_322 = vector.broadcast %mul3A_225 : f32 to vector<16xf32>
          %parallel_loop3A_323 = arith.mulf %parallel_loop3A_319, %parallel_loop3A_322 : vector<16xf32>
          %parallel_loop3A_324 = arith.constant 17 : i32
          %parallel_loop3A_325 = arith.index_cast %rem3A_60 : i32 to index
          %parallel_loop3A_326 = arith.index_cast %parallel_loop3A_324 : i32 to index
          %parallel_loop3A_327 = arith.index_cast %parallel_loop3A_308 : i32 to index
          %parallel_loop3A_328 = tpu.vector_load %arg12[%parallel_loop3A_325, %parallel_loop3A_326, %parallel_loop3A_327] {strides = array<i32>} : memref<2x112x128xi32, #tpu.memory_space<vmem>>, vector<1x1x16xi32>,
          %parallel_loop3A_329 = vector.shape_cast %parallel_loop3A_328 : vector<1x1x16xi32> to vector<16xi32>
          %parallel_loop3A_330 = arith.constant 16 : i32
          %parallel_loop3A_331 = vector.broadcast %parallel_loop3A_330 : i32 to vector<16xi32>
          %parallel_loop3A_332 = arith.shli %parallel_loop3A_329, %parallel_loop3A_331 : vector<16xi32>
          %parallel_loop3A_333 = tpu.bitcast %parallel_loop3A_332 : vector<16xi32> -> vector<16xf32>
          %parallel_loop3A_334 = tpu.bitcast %parallel_loop3A_329 : vector<16xi32> -> vector<16xf32>
          %parallel_loop3A_335 = vector.broadcast %mul3A_226 : f32 to vector<16xf32>
          %parallel_loop3A_336 = arith.mulf %parallel_loop3A_333, %parallel_loop3A_335 : vector<16xf32>
          %parallel_loop3A_337 = vector.broadcast %mul3A_226 : f32 to vector<16xf32>
          %parallel_loop3A_338 = arith.mulf %parallel_loop3A_334, %parallel_loop3A_337 : vector<16xf32>
          %parallel_loop3A_339 = arith.addf %parallel_loop3A_321, %parallel_loop3A_336 : vector<16xf32>
          %parallel_loop3A_340 = arith.addf %parallel_loop3A_323, %parallel_loop3A_338 : vector<16xf32>
          %parallel_loop3A_341 = arith.constant 18 : i32
          %parallel_loop3A_342 = arith.index_cast %rem3A_60 : i32 to index
          %parallel_loop3A_343 = arith.index_cast %parallel_loop3A_341 : i32 to index
          %parallel_loop3A_344 = arith.index_cast %parallel_loop3A_308 : i32 to index
          %parallel_loop3A_345 = tpu.vector_load %arg12[%parallel_loop3A_342, %parallel_loop3A_343, %parallel_loop3A_344] {strides = array<i32>} : memref<2x112x128xi32, #tpu.memory_space<vmem>>, vector<1x1x16xi32>,
          %parallel_loop3A_346 = vector.shape_cast %parallel_loop3A_345 : vector<1x1x16xi32> to vector<16xi32>
          %parallel_loop3A_347 = arith.constant 16 : i32
          %parallel_loop3A_348 = vector.broadcast %parallel_loop3A_347 : i32 to vector<16xi32>
          %parallel_loop3A_349 = arith.shli %parallel_loop3A_346, %parallel_loop3A_348 : vector<16xi32>
          %parallel_loop3A_350 = tpu.bitcast %parallel_loop3A_349 : vector<16xi32> -> vector<16xf32>
          %parallel_loop3A_351 = tpu.bitcast %parallel_loop3A_346 : vector<16xi32> -> vector<16xf32>
          %parallel_loop3A_352 = vector.broadcast %mul3A_227 : f32 to vector<16xf32>
          %parallel_loop3A_353 = arith.mulf %parallel_loop3A_350, %parallel_loop3A_352 : vector<16xf32>
          %parallel_loop3A_354 = vector.broadcast %mul3A_227 : f32 to vector<16xf32>
          %parallel_loop3A_355 = arith.mulf %parallel_loop3A_351, %parallel_loop3A_354 : vector<16xf32>
          %parallel_loop3A_356 = arith.constant 19 : i32
          %parallel_loop3A_357 = arith.index_cast %rem3A_60 : i32 to index
          %parallel_loop3A_358 = arith.index_cast %parallel_loop3A_356 : i32 to index
          %parallel_loop3A_359 = arith.index_cast %parallel_loop3A_308 : i32 to index
          %parallel_loop3A_360 = tpu.vector_load %arg12[%parallel_loop3A_357, %parallel_loop3A_358, %parallel_loop3A_359] {strides = array<i32>} : memref<2x112x128xi32, #tpu.memory_space<vmem>>, vector<1x1x16xi32>,
          %parallel_loop3A_361 = vector.shape_cast %parallel_loop3A_360 : vector<1x1x16xi32> to vector<16xi32>
          %parallel_loop3A_362 = arith.constant 16 : i32
          %parallel_loop3A_363 = vector.broadcast %parallel_loop3A_362 : i32 to vector<16xi32>
          %parallel_loop3A_364 = arith.shli %parallel_loop3A_361, %parallel_loop3A_363 : vector<16xi32>
          %parallel_loop3A_365 = tpu.bitcast %parallel_loop3A_364 : vector<16xi32> -> vector<16xf32>
          %parallel_loop3A_366 = tpu.bitcast %parallel_loop3A_361 : vector<16xi32> -> vector<16xf32>
          %parallel_loop3A_367 = vector.broadcast %mul3A_228 : f32 to vector<16xf32>
          %parallel_loop3A_368 = arith.mulf %parallel_loop3A_365, %parallel_loop3A_367 : vector<16xf32>
          %parallel_loop3A_369 = vector.broadcast %mul3A_228 : f32 to vector<16xf32>
          %parallel_loop3A_370 = arith.mulf %parallel_loop3A_366, %parallel_loop3A_369 : vector<16xf32>
          %parallel_loop3A_371 = arith.addf %parallel_loop3A_353, %parallel_loop3A_368 : vector<16xf32>
          %parallel_loop3A_372 = arith.addf %parallel_loop3A_355, %parallel_loop3A_370 : vector<16xf32>
          %parallel_loop3A_373 = arith.constant 44 : i32
          %parallel_loop3A_374 = arith.index_cast %rem3A_60 : i32 to index
          %parallel_loop3A_375 = arith.index_cast %parallel_loop3A_373 : i32 to index
          %parallel_loop3A_376 = arith.index_cast %parallel_loop3A_308 : i32 to index
          %parallel_loop3A_377 = tpu.vector_load %arg12[%parallel_loop3A_374, %parallel_loop3A_375, %parallel_loop3A_376] {strides = array<i32>} : memref<2x112x128xi32, #tpu.memory_space<vmem>>, vector<1x1x16xi32>,
          %parallel_loop3A_378 = vector.shape_cast %parallel_loop3A_377 : vector<1x1x16xi32> to vector<16xi32>
          %parallel_loop3A_379 = arith.constant 16 : i32
          %parallel_loop3A_380 = vector.broadcast %parallel_loop3A_379 : i32 to vector<16xi32>
          %parallel_loop3A_381 = arith.shli %parallel_loop3A_378, %parallel_loop3A_380 : vector<16xi32>
          %parallel_loop3A_382 = tpu.bitcast %parallel_loop3A_381 : vector<16xi32> -> vector<16xf32>
          %parallel_loop3A_383 = tpu.bitcast %parallel_loop3A_378 : vector<16xi32> -> vector<16xf32>
          %parallel_loop3A_384 = vector.broadcast %mul3A_229 : f32 to vector<16xf32>
          %parallel_loop3A_385 = arith.mulf %parallel_loop3A_382, %parallel_loop3A_384 : vector<16xf32>
          %parallel_loop3A_386 = vector.broadcast %mul3A_229 : f32 to vector<16xf32>
          %parallel_loop3A_387 = arith.mulf %parallel_loop3A_383, %parallel_loop3A_386 : vector<16xf32>
          %parallel_loop3A_388 = arith.addf %parallel_loop3A_339, %parallel_loop3A_385 : vector<16xf32>
          %parallel_loop3A_389 = arith.addf %parallel_loop3A_340, %parallel_loop3A_387 : vector<16xf32>
          %parallel_loop3A_390 = arith.constant 45 : i32
          %parallel_loop3A_391 = arith.index_cast %rem3A_60 : i32 to index
          %parallel_loop3A_392 = arith.index_cast %parallel_loop3A_390 : i32 to index
          %parallel_loop3A_393 = arith.index_cast %parallel_loop3A_308 : i32 to index
          %parallel_loop3A_394 = tpu.vector_load %arg12[%parallel_loop3A_391, %parallel_loop3A_392, %parallel_loop3A_393] {strides = array<i32>} : memref<2x112x128xi32, #tpu.memory_space<vmem>>, vector<1x1x16xi32>,
          %parallel_loop3A_395 = vector.shape_cast %parallel_loop3A_394 : vector<1x1x16xi32> to vector<16xi32>
          %parallel_loop3A_396 = arith.constant 16 : i32
          %parallel_loop3A_397 = vector.broadcast %parallel_loop3A_396 : i32 to vector<16xi32>
          %parallel_loop3A_398 = arith.shli %parallel_loop3A_395, %parallel_loop3A_397 : vector<16xi32>
          %parallel_loop3A_399 = tpu.bitcast %parallel_loop3A_398 : vector<16xi32> -> vector<16xf32>
          %parallel_loop3A_400 = tpu.bitcast %parallel_loop3A_395 : vector<16xi32> -> vector<16xf32>
          %parallel_loop3A_401 = vector.broadcast %mul3A_230 : f32 to vector<16xf32>
          %parallel_loop3A_402 = arith.mulf %parallel_loop3A_399, %parallel_loop3A_401 : vector<16xf32>
          %parallel_loop3A_403 = vector.broadcast %mul3A_230 : f32 to vector<16xf32>
          %parallel_loop3A_404 = arith.mulf %parallel_loop3A_400, %parallel_loop3A_403 : vector<16xf32>
          %parallel_loop3A_405 = arith.addf %parallel_loop3A_388, %parallel_loop3A_402 : vector<16xf32>
          %parallel_loop3A_406 = arith.addf %parallel_loop3A_389, %parallel_loop3A_404 : vector<16xf32>
          %parallel_loop3A_407 = arith.constant 46 : i32
          %parallel_loop3A_408 = arith.index_cast %rem3A_60 : i32 to index
          %parallel_loop3A_409 = arith.index_cast %parallel_loop3A_407 : i32 to index
          %parallel_loop3A_410 = arith.index_cast %parallel_loop3A_308 : i32 to index
          %parallel_loop3A_411 = tpu.vector_load %arg12[%parallel_loop3A_408, %parallel_loop3A_409, %parallel_loop3A_410] {strides = array<i32>} : memref<2x112x128xi32, #tpu.memory_space<vmem>>, vector<1x1x16xi32>,
          %parallel_loop3A_412 = vector.shape_cast %parallel_loop3A_411 : vector<1x1x16xi32> to vector<16xi32>
          %parallel_loop3A_413 = arith.constant 16 : i32
          %parallel_loop3A_414 = vector.broadcast %parallel_loop3A_413 : i32 to vector<16xi32>
          %parallel_loop3A_415 = arith.shli %parallel_loop3A_412, %parallel_loop3A_414 : vector<16xi32>
          %parallel_loop3A_416 = tpu.bitcast %parallel_loop3A_415 : vector<16xi32> -> vector<16xf32>
          %parallel_loop3A_417 = tpu.bitcast %parallel_loop3A_412 : vector<16xi32> -> vector<16xf32>
          %parallel_loop3A_418 = vector.broadcast %mul3A_231 : f32 to vector<16xf32>
          %parallel_loop3A_419 = arith.mulf %parallel_loop3A_416, %parallel_loop3A_418 : vector<16xf32>
          %parallel_loop3A_420 = vector.broadcast %mul3A_231 : f32 to vector<16xf32>
          %parallel_loop3A_421 = arith.mulf %parallel_loop3A_417, %parallel_loop3A_420 : vector<16xf32>
          %parallel_loop3A_422 = arith.addf %parallel_loop3A_371, %parallel_loop3A_419 : vector<16xf32>
          %parallel_loop3A_423 = arith.addf %parallel_loop3A_372, %parallel_loop3A_421 : vector<16xf32>
          %parallel_loop3A_424 = arith.constant 47 : i32
          %parallel_loop3A_425 = arith.index_cast %rem3A_60 : i32 to index
          %parallel_loop3A_426 = arith.index_cast %parallel_loop3A_424 : i32 to index
          %parallel_loop3A_427 = arith.index_cast %parallel_loop3A_308 : i32 to index
          %parallel_loop3A_428 = tpu.vector_load %arg12[%parallel_loop3A_425, %parallel_loop3A_426, %parallel_loop3A_427] {strides = array<i32>} : memref<2x112x128xi32, #tpu.memory_space<vmem>>, vector<1x1x16xi32>,
          %parallel_loop3A_429 = vector.shape_cast %parallel_loop3A_428 : vector<1x1x16xi32> to vector<16xi32>
          %parallel_loop3A_430 = arith.constant 16 : i32
          %parallel_loop3A_431 = vector.broadcast %parallel_loop3A_430 : i32 to vector<16xi32>
          %parallel_loop3A_432 = arith.shli %parallel_loop3A_429, %parallel_loop3A_431 : vector<16xi32>
          %parallel_loop3A_433 = tpu.bitcast %parallel_loop3A_432 : vector<16xi32> -> vector<16xf32>
          %parallel_loop3A_434 = tpu.bitcast %parallel_loop3A_429 : vector<16xi32> -> vector<16xf32>
          %parallel_loop3A_435 = vector.broadcast %mul3A_232 : f32 to vector<16xf32>
          %parallel_loop3A_436 = arith.mulf %parallel_loop3A_433, %parallel_loop3A_435 : vector<16xf32>
          %parallel_loop3A_437 = vector.broadcast %mul3A_232 : f32 to vector<16xf32>
          %parallel_loop3A_438 = arith.mulf %parallel_loop3A_434, %parallel_loop3A_437 : vector<16xf32>
          %parallel_loop3A_439 = arith.addf %parallel_loop3A_422, %parallel_loop3A_436 : vector<16xf32>
          %parallel_loop3A_440 = arith.addf %parallel_loop3A_423, %parallel_loop3A_438 : vector<16xf32>
          %parallel_loop3A_441 = arith.constant 72 : i32
          %parallel_loop3A_442 = arith.index_cast %rem3A_60 : i32 to index
          %parallel_loop3A_443 = arith.index_cast %parallel_loop3A_441 : i32 to index
          %parallel_loop3A_444 = arith.index_cast %parallel_loop3A_308 : i32 to index
          %parallel_loop3A_445 = tpu.vector_load %arg12[%parallel_loop3A_442, %parallel_loop3A_443, %parallel_loop3A_444] {strides = array<i32>} : memref<2x112x128xi32, #tpu.memory_space<vmem>>, vector<1x1x16xi32>,
          %parallel_loop3A_446 = vector.shape_cast %parallel_loop3A_445 : vector<1x1x16xi32> to vector<16xi32>
          %parallel_loop3A_447 = arith.constant 16 : i32
          %parallel_loop3A_448 = vector.broadcast %parallel_loop3A_447 : i32 to vector<16xi32>
          %parallel_loop3A_449 = arith.shli %parallel_loop3A_446, %parallel_loop3A_448 : vector<16xi32>
          %parallel_loop3A_450 = tpu.bitcast %parallel_loop3A_449 : vector<16xi32> -> vector<16xf32>
          %parallel_loop3A_451 = tpu.bitcast %parallel_loop3A_446 : vector<16xi32> -> vector<16xf32>
          %parallel_loop3A_452 = vector.broadcast %mul3A_233 : f32 to vector<16xf32>
          %parallel_loop3A_453 = arith.mulf %parallel_loop3A_450, %parallel_loop3A_452 : vector<16xf32>
          %parallel_loop3A_454 = vector.broadcast %mul3A_233 : f32 to vector<16xf32>
          %parallel_loop3A_455 = arith.mulf %parallel_loop3A_451, %parallel_loop3A_454 : vector<16xf32>
          %parallel_loop3A_456 = arith.constant 73 : i32
          %parallel_loop3A_457 = arith.index_cast %rem3A_60 : i32 to index
          %parallel_loop3A_458 = arith.index_cast %parallel_loop3A_456 : i32 to index
          %parallel_loop3A_459 = arith.index_cast %parallel_loop3A_308 : i32 to index
          %parallel_loop3A_460 = tpu.vector_load %arg12[%parallel_loop3A_457, %parallel_loop3A_458, %parallel_loop3A_459] {strides = array<i32>} : memref<2x112x128xi32, #tpu.memory_space<vmem>>, vector<1x1x16xi32>,
          %parallel_loop3A_461 = vector.shape_cast %parallel_loop3A_460 : vector<1x1x16xi32> to vector<16xi32>
          %parallel_loop3A_462 = arith.constant 16 : i32
          %parallel_loop3A_463 = vector.broadcast %parallel_loop3A_462 : i32 to vector<16xi32>
          %parallel_loop3A_464 = arith.shli %parallel_loop3A_461, %parallel_loop3A_463 : vector<16xi32>
          %parallel_loop3A_465 = tpu.bitcast %parallel_loop3A_464 : vector<16xi32> -> vector<16xf32>
          %parallel_loop3A_466 = tpu.bitcast %parallel_loop3A_461 : vector<16xi32> -> vector<16xf32>
          %parallel_loop3A_467 = vector.broadcast %mul3A_234 : f32 to vector<16xf32>
          %parallel_loop3A_468 = arith.mulf %parallel_loop3A_465, %parallel_loop3A_467 : vector<16xf32>
          %parallel_loop3A_469 = vector.broadcast %mul3A_234 : f32 to vector<16xf32>
          %parallel_loop3A_470 = arith.mulf %parallel_loop3A_466, %parallel_loop3A_469 : vector<16xf32>
          %parallel_loop3A_471 = arith.addf %parallel_loop3A_453, %parallel_loop3A_468 : vector<16xf32>
          %parallel_loop3A_472 = arith.addf %parallel_loop3A_455, %parallel_loop3A_470 : vector<16xf32>
          %parallel_loop3A_473 = arith.constant 74 : i32
          %parallel_loop3A_474 = arith.index_cast %rem3A_60 : i32 to index
          %parallel_loop3A_475 = arith.index_cast %parallel_loop3A_473 : i32 to index
          %parallel_loop3A_476 = arith.index_cast %parallel_loop3A_308 : i32 to index
          %parallel_loop3A_477 = tpu.vector_load %arg12[%parallel_loop3A_474, %parallel_loop3A_475, %parallel_loop3A_476] {strides = array<i32>} : memref<2x112x128xi32, #tpu.memory_space<vmem>>, vector<1x1x16xi32>,
          %parallel_loop3A_478 = vector.shape_cast %parallel_loop3A_477 : vector<1x1x16xi32> to vector<16xi32>
          %parallel_loop3A_479 = arith.constant 16 : i32
          %parallel_loop3A_480 = vector.broadcast %parallel_loop3A_479 : i32 to vector<16xi32>
          %parallel_loop3A_481 = arith.shli %parallel_loop3A_478, %parallel_loop3A_480 : vector<16xi32>
          %parallel_loop3A_482 = tpu.bitcast %parallel_loop3A_481 : vector<16xi32> -> vector<16xf32>
          %parallel_loop3A_483 = tpu.bitcast %parallel_loop3A_478 : vector<16xi32> -> vector<16xf32>
          %parallel_loop3A_484 = vector.broadcast %mul3A_235 : f32 to vector<16xf32>
          %parallel_loop3A_485 = arith.mulf %parallel_loop3A_482, %parallel_loop3A_484 : vector<16xf32>
          %parallel_loop3A_486 = vector.broadcast %mul3A_235 : f32 to vector<16xf32>
          %parallel_loop3A_487 = arith.mulf %parallel_loop3A_483, %parallel_loop3A_486 : vector<16xf32>
          %parallel_loop3A_488 = arith.constant 75 : i32
          %parallel_loop3A_489 = arith.index_cast %rem3A_60 : i32 to index
          %parallel_loop3A_490 = arith.index_cast %parallel_loop3A_488 : i32 to index
          %parallel_loop3A_491 = arith.index_cast %parallel_loop3A_308 : i32 to index
          %parallel_loop3A_492 = tpu.vector_load %arg12[%parallel_loop3A_489, %parallel_loop3A_490, %parallel_loop3A_491] {strides = array<i32>} : memref<2x112x128xi32, #tpu.memory_space<vmem>>, vector<1x1x16xi32>,
          %parallel_loop3A_493 = vector.shape_cast %parallel_loop3A_492 : vector<1x1x16xi32> to vector<16xi32>
          %parallel_loop3A_494 = arith.constant 16 : i32
          %parallel_loop3A_495 = vector.broadcast %parallel_loop3A_494 : i32 to vector<16xi32>
          %parallel_loop3A_496 = arith.shli %parallel_loop3A_493, %parallel_loop3A_495 : vector<16xi32>
          %parallel_loop3A_497 = tpu.bitcast %parallel_loop3A_496 : vector<16xi32> -> vector<16xf32>
          %parallel_loop3A_498 = tpu.bitcast %parallel_loop3A_493 : vector<16xi32> -> vector<16xf32>
          %parallel_loop3A_499 = vector.broadcast %mul3A_236 : f32 to vector<16xf32>
          %parallel_loop3A_500 = arith.mulf %parallel_loop3A_497, %parallel_loop3A_499 : vector<16xf32>
          %parallel_loop3A_501 = vector.broadcast %mul3A_236 : f32 to vector<16xf32>
          %parallel_loop3A_502 = arith.mulf %parallel_loop3A_498, %parallel_loop3A_501 : vector<16xf32>
          %parallel_loop3A_503 = arith.addf %parallel_loop3A_485, %parallel_loop3A_500 : vector<16xf32>
          %parallel_loop3A_504 = arith.addf %parallel_loop3A_487, %parallel_loop3A_502 : vector<16xf32>
          %parallel_loop3A_505 = arith.constant 100 : i32
          %parallel_loop3A_506 = arith.index_cast %rem3A_60 : i32 to index
          %parallel_loop3A_507 = arith.index_cast %parallel_loop3A_505 : i32 to index
          %parallel_loop3A_508 = arith.index_cast %parallel_loop3A_308 : i32 to index
          %parallel_loop3A_509 = tpu.vector_load %arg12[%parallel_loop3A_506, %parallel_loop3A_507, %parallel_loop3A_508] {strides = array<i32>} : memref<2x112x128xi32, #tpu.memory_space<vmem>>, vector<1x1x16xi32>,
          %parallel_loop3A_510 = vector.shape_cast %parallel_loop3A_509 : vector<1x1x16xi32> to vector<16xi32>
          %parallel_loop3A_511 = arith.constant 16 : i32
          %parallel_loop3A_512 = vector.broadcast %parallel_loop3A_511 : i32 to vector<16xi32>
          %parallel_loop3A_513 = arith.shli %parallel_loop3A_510, %parallel_loop3A_512 : vector<16xi32>
          %parallel_loop3A_514 = tpu.bitcast %parallel_loop3A_513 : vector<16xi32> -> vector<16xf32>
          %parallel_loop3A_515 = tpu.bitcast %parallel_loop3A_510 : vector<16xi32> -> vector<16xf32>
          %parallel_loop3A_516 = vector.broadcast %mul3A_237 : f32 to vector<16xf32>
          %parallel_loop3A_517 = arith.mulf %parallel_loop3A_514, %parallel_loop3A_516 : vector<16xf32>
          %parallel_loop3A_518 = vector.broadcast %mul3A_237 : f32 to vector<16xf32>
          %parallel_loop3A_519 = arith.mulf %parallel_loop3A_515, %parallel_loop3A_518 : vector<16xf32>
          %parallel_loop3A_520 = arith.addf %parallel_loop3A_471, %parallel_loop3A_517 : vector<16xf32>
          %parallel_loop3A_521 = arith.addf %parallel_loop3A_472, %parallel_loop3A_519 : vector<16xf32>
          %parallel_loop3A_522 = arith.constant 101 : i32
          %parallel_loop3A_523 = arith.index_cast %rem3A_60 : i32 to index
          %parallel_loop3A_524 = arith.index_cast %parallel_loop3A_522 : i32 to index
          %parallel_loop3A_525 = arith.index_cast %parallel_loop3A_308 : i32 to index
          %parallel_loop3A_526 = tpu.vector_load %arg12[%parallel_loop3A_523, %parallel_loop3A_524, %parallel_loop3A_525] {strides = array<i32>} : memref<2x112x128xi32, #tpu.memory_space<vmem>>, vector<1x1x16xi32>,
          %parallel_loop3A_527 = vector.shape_cast %parallel_loop3A_526 : vector<1x1x16xi32> to vector<16xi32>
          %parallel_loop3A_528 = arith.constant 16 : i32
          %parallel_loop3A_529 = vector.broadcast %parallel_loop3A_528 : i32 to vector<16xi32>
          %parallel_loop3A_530 = arith.shli %parallel_loop3A_527, %parallel_loop3A_529 : vector<16xi32>
          %parallel_loop3A_531 = tpu.bitcast %parallel_loop3A_530 : vector<16xi32> -> vector<16xf32>
          %parallel_loop3A_532 = tpu.bitcast %parallel_loop3A_527 : vector<16xi32> -> vector<16xf32>
          %parallel_loop3A_533 = vector.broadcast %mul3A_238 : f32 to vector<16xf32>
          %parallel_loop3A_534 = arith.mulf %parallel_loop3A_531, %parallel_loop3A_533 : vector<16xf32>
          %parallel_loop3A_535 = vector.broadcast %mul3A_238 : f32 to vector<16xf32>
          %parallel_loop3A_536 = arith.mulf %parallel_loop3A_532, %parallel_loop3A_535 : vector<16xf32>
          %parallel_loop3A_537 = arith.addf %parallel_loop3A_520, %parallel_loop3A_534 : vector<16xf32>
          %parallel_loop3A_538 = arith.addf %parallel_loop3A_521, %parallel_loop3A_536 : vector<16xf32>
          %parallel_loop3A_539 = arith.constant 102 : i32
          %parallel_loop3A_540 = arith.index_cast %rem3A_60 : i32 to index
          %parallel_loop3A_541 = arith.index_cast %parallel_loop3A_539 : i32 to index
          %parallel_loop3A_542 = arith.index_cast %parallel_loop3A_308 : i32 to index
          %parallel_loop3A_543 = tpu.vector_load %arg12[%parallel_loop3A_540, %parallel_loop3A_541, %parallel_loop3A_542] {strides = array<i32>} : memref<2x112x128xi32, #tpu.memory_space<vmem>>, vector<1x1x16xi32>,
          %parallel_loop3A_544 = vector.shape_cast %parallel_loop3A_543 : vector<1x1x16xi32> to vector<16xi32>
          %parallel_loop3A_545 = arith.constant 16 : i32
          %parallel_loop3A_546 = vector.broadcast %parallel_loop3A_545 : i32 to vector<16xi32>
          %parallel_loop3A_547 = arith.shli %parallel_loop3A_544, %parallel_loop3A_546 : vector<16xi32>
          %parallel_loop3A_548 = tpu.bitcast %parallel_loop3A_547 : vector<16xi32> -> vector<16xf32>
          %parallel_loop3A_549 = tpu.bitcast %parallel_loop3A_544 : vector<16xi32> -> vector<16xf32>
          %parallel_loop3A_550 = vector.broadcast %mul3A_239 : f32 to vector<16xf32>
          %parallel_loop3A_551 = arith.mulf %parallel_loop3A_548, %parallel_loop3A_550 : vector<16xf32>
          %parallel_loop3A_552 = vector.broadcast %mul3A_239 : f32 to vector<16xf32>
          %parallel_loop3A_553 = arith.mulf %parallel_loop3A_549, %parallel_loop3A_552 : vector<16xf32>
          %parallel_loop3A_554 = arith.addf %parallel_loop3A_503, %parallel_loop3A_551 : vector<16xf32>
          %parallel_loop3A_555 = arith.addf %parallel_loop3A_504, %parallel_loop3A_553 : vector<16xf32>
          %parallel_loop3A_556 = arith.constant 103 : i32
          %parallel_loop3A_557 = arith.index_cast %rem3A_60 : i32 to index
          %parallel_loop3A_558 = arith.index_cast %parallel_loop3A_556 : i32 to index
          %parallel_loop3A_559 = arith.index_cast %parallel_loop3A_308 : i32 to index
          %parallel_loop3A_560 = tpu.vector_load %arg12[%parallel_loop3A_557, %parallel_loop3A_558, %parallel_loop3A_559] {strides = array<i32>} : memref<2x112x128xi32, #tpu.memory_space<vmem>>, vector<1x1x16xi32>,
          %parallel_loop3A_561 = vector.shape_cast %parallel_loop3A_560 : vector<1x1x16xi32> to vector<16xi32>
          %parallel_loop3A_562 = arith.constant 16 : i32
          %parallel_loop3A_563 = vector.broadcast %parallel_loop3A_562 : i32 to vector<16xi32>
          %parallel_loop3A_564 = arith.shli %parallel_loop3A_561, %parallel_loop3A_563 : vector<16xi32>
          %parallel_loop3A_565 = tpu.bitcast %parallel_loop3A_564 : vector<16xi32> -> vector<16xf32>
          %parallel_loop3A_566 = tpu.bitcast %parallel_loop3A_561 : vector<16xi32> -> vector<16xf32>
          %parallel_loop3A_567 = vector.broadcast %mul3A_240 : f32 to vector<16xf32>
          %parallel_loop3A_568 = arith.mulf %parallel_loop3A_565, %parallel_loop3A_567 : vector<16xf32>
          %parallel_loop3A_569 = vector.broadcast %mul3A_240 : f32 to vector<16xf32>
          %parallel_loop3A_570 = arith.mulf %parallel_loop3A_566, %parallel_loop3A_569 : vector<16xf32>
          %parallel_loop3A_571 = arith.addf %parallel_loop3A_554, %parallel_loop3A_568 : vector<16xf32>
          %parallel_loop3A_572 = arith.addf %parallel_loop3A_555, %parallel_loop3A_570 : vector<16xf32>
          %parallel_loop3A_573 = arith.maximumf %parallel_loop3A_405, %parallel_loop3A_439 : vector<16xf32>
          %parallel_loop3A_574 = arith.maximumf %parallel_loop3A_537, %parallel_loop3A_571 : vector<16xf32>
          %parallel_loop3A_575 = arith.maximumf %parallel_loop3A_573, %parallel_loop3A_574 : vector<16xf32>
          %parallel_loop3A_576 = arith.maximumf %parallel_loop3A_406, %parallel_loop3A_440 : vector<16xf32>
          %parallel_loop3A_577 = arith.maximumf %parallel_loop3A_538, %parallel_loop3A_572 : vector<16xf32>
          %parallel_loop3A_578 = arith.maximumf %parallel_loop3A_576, %parallel_loop3A_577 : vector<16xf32>
          %parallel_loop3A_579 = arith.constant 4 : i32
          %parallel_loop3A_580 = arith.index_cast %scan3A_59 : i32 to index
          %parallel_loop3A_581 = arith.index_cast %parallel_loop3A_579 : i32 to index
          %parallel_loop3A_582 = arith.index_cast %parallel_loop3A_308 : i32 to index
          %parallel_loop3A_583 = tpu.vector_load %arg13[%parallel_loop3A_580, %parallel_loop3A_581, %parallel_loop3A_582] {strides = array<i32>} : memref<7x7x256xf32, #tpu.memory_space<vmem>>, vector<1x1x16xf32>,
          %parallel_loop3A_584 = vector.shape_cast %parallel_loop3A_583 : vector<1x1x16xf32> to vector<16xf32>
          %parallel_loop3A_585 = vector.shape_cast %parallel_loop3A_575 : vector<16xf32> to vector<1x1x16xf32>
          tpu.vector_store %arg13[%parallel_loop3A_580, %parallel_loop3A_581, %parallel_loop3A_582], %parallel_loop3A_585 {strides = array<i32>} : memref<7x7x256xf32, #tpu.memory_space<vmem>>, vector<1x1x16xf32>,
          %parallel_loop3A_586 = arith.constant 16 : i32
          %parallel_loop3A_587 = arith.muli %parallel_loop3A_306, %parallel_loop3A_586 : i32
          %parallel_loop3A_588 = arith.constant 128 : i32
          %parallel_loop3A_589 = arith.addi %parallel_loop3A_588, %parallel_loop3A_587 : i32
          %parallel_loop3A_590 = arith.constant 4 : i32
          %parallel_loop3A_591 = arith.index_cast %scan3A_59 : i32 to index
          %parallel_loop3A_592 = arith.index_cast %parallel_loop3A_590 : i32 to index
          %parallel_loop3A_593 = arith.index_cast %parallel_loop3A_589 : i32 to index
          %parallel_loop3A_594 = tpu.vector_load %arg13[%parallel_loop3A_591, %parallel_loop3A_592, %parallel_loop3A_593] {strides = array<i32>} : memref<7x7x256xf32, #tpu.memory_space<vmem>>, vector<1x1x16xf32>,
          %parallel_loop3A_595 = vector.shape_cast %parallel_loop3A_594 : vector<1x1x16xf32> to vector<16xf32>
          %parallel_loop3A_596 = vector.shape_cast %parallel_loop3A_578 : vector<16xf32> to vector<1x1x16xf32>
          tpu.vector_store %arg13[%parallel_loop3A_591, %parallel_loop3A_592, %parallel_loop3A_593], %parallel_loop3A_596 {strides = array<i32>} : memref<7x7x256xf32, #tpu.memory_space<vmem>>, vector<1x1x16xf32>,
        } {sc.loop_unroll_factor = 4 : i64, sc.parallel_access}
        %get3A_244 = arith.index_cast %scan3A_18 : i32 to index
        %get3A_245 = arith.constant 20 : index
        %get3A_246 = tpu.vector_load %arg15[%get3A_244, %get3A_245] {strides = array<i32>} : memref<32x48xf32, #tpu.memory_space<vmem>>, vector<1x16xf32>,
        %get3A_247 = vector.shape_cast %get3A_246 : vector<1x16xf32> to vector<16xf32>
        %slice3A_248 = vector.extract_strided_slice %get3A_247 {offsets = [0], sizes = [1], strides = [1]} : vector<16xf32> to vector<1xf32>
        %squeeze3A_249 = vector.extract %slice3A_248[0] : f32 from vector<1xf32>
        %slice3A_250 = vector.extract_strided_slice %get3A_247 {offsets = [1], sizes = [1], strides = [1]} : vector<16xf32> to vector<1xf32>
        %squeeze3A_251 = vector.extract %slice3A_250[0] : f32 from vector<1xf32>
        %slice3A_252 = vector.extract_strided_slice %get3A_247 {offsets = [2], sizes = [1], strides = [1]} : vector<16xf32> to vector<1xf32>
        %squeeze3A_253 = vector.extract %slice3A_252[0] : f32 from vector<1xf32>
        %slice3A_254 = vector.extract_strided_slice %get3A_247 {offsets = [3], sizes = [1], strides = [1]} : vector<16xf32> to vector<1xf32>
        %squeeze3A_255 = vector.extract %slice3A_254[0] : f32 from vector<1xf32>
        %mul3A_256 = arith.mulf %squeeze3A_83, %squeeze3A_249 : f32
        %mul3A_257 = arith.mulf %squeeze3A_83, %squeeze3A_251 : f32
        %mul3A_258 = arith.mulf %squeeze3A_83, %squeeze3A_253 : f32
        %mul3A_259 = arith.mulf %squeeze3A_83, %squeeze3A_255 : f32
        %mul3A_260 = arith.mulf %squeeze3A_85, %squeeze3A_249 : f32
        %mul3A_261 = arith.mulf %squeeze3A_85, %squeeze3A_251 : f32
        %mul3A_262 = arith.mulf %squeeze3A_85, %squeeze3A_253 : f32
        %mul3A_263 = arith.mulf %squeeze3A_85, %squeeze3A_255 : f32
        %mul3A_264 = arith.mulf %squeeze3A_87, %squeeze3A_249 : f32
        %mul3A_265 = arith.mulf %squeeze3A_87, %squeeze3A_251 : f32
        %mul3A_266 = arith.mulf %squeeze3A_87, %squeeze3A_253 : f32
        %mul3A_267 = arith.mulf %squeeze3A_87, %squeeze3A_255 : f32
        %mul3A_268 = arith.mulf %squeeze3A_89, %squeeze3A_249 : f32
        %mul3A_269 = arith.mulf %squeeze3A_89, %squeeze3A_251 : f32
        %mul3A_270 = arith.mulf %squeeze3A_89, %squeeze3A_253 : f32
        %mul3A_271 = arith.mulf %squeeze3A_89, %squeeze3A_255 : f32
        %parallel_loop3A_272 = arith.constant 0 : i32
        %parallel_loop3A_273 = arith.constant 8 : i32
        %parallel_loop3A_274 = arith.constant 1 : i32
        scf.for %parallel_loop3A_306 = %parallel_loop3A_272 to %parallel_loop3A_273 step %parallel_loop3A_274  : i32 {
          %parallel_loop3A_307 = arith.constant 16 : i32
          %parallel_loop3A_308 = arith.muli %parallel_loop3A_306, %parallel_loop3A_307 : i32
          %parallel_loop3A_309 = arith.constant 20 : i32
          %parallel_loop3A_310 = arith.index_cast %rem3A_60 : i32 to index
          %parallel_loop3A_311 = arith.index_cast %parallel_loop3A_309 : i32 to index
          %parallel_loop3A_312 = arith.index_cast %parallel_loop3A_308 : i32 to index
          %parallel_loop3A_313 = tpu.vector_load %arg12[%parallel_loop3A_310, %parallel_loop3A_311, %parallel_loop3A_312] {strides = array<i32>} : memref<2x112x128xi32, #tpu.memory_space<vmem>>, vector<1x1x16xi32>,
          %parallel_loop3A_314 = vector.shape_cast %parallel_loop3A_313 : vector<1x1x16xi32> to vector<16xi32>
          %parallel_loop3A_315 = arith.constant 16 : i32
          %parallel_loop3A_316 = vector.broadcast %parallel_loop3A_315 : i32 to vector<16xi32>
          %parallel_loop3A_317 = arith.shli %parallel_loop3A_314, %parallel_loop3A_316 : vector<16xi32>
          %parallel_loop3A_318 = tpu.bitcast %parallel_loop3A_317 : vector<16xi32> -> vector<16xf32>
          %parallel_loop3A_319 = tpu.bitcast %parallel_loop3A_314 : vector<16xi32> -> vector<16xf32>
          %parallel_loop3A_320 = vector.broadcast %mul3A_256 : f32 to vector<16xf32>
          %parallel_loop3A_321 = arith.mulf %parallel_loop3A_318, %parallel_loop3A_320 : vector<16xf32>
          %parallel_loop3A_322 = vector.broadcast %mul3A_256 : f32 to vector<16xf32>
          %parallel_loop3A_323 = arith.mulf %parallel_loop3A_319, %parallel_loop3A_322 : vector<16xf32>
          %parallel_loop3A_324 = arith.constant 21 : i32
          %parallel_loop3A_325 = arith.index_cast %rem3A_60 : i32 to index
          %parallel_loop3A_326 = arith.index_cast %parallel_loop3A_324 : i32 to index
          %parallel_loop3A_327 = arith.index_cast %parallel_loop3A_308 : i32 to index
          %parallel_loop3A_328 = tpu.vector_load %arg12[%parallel_loop3A_325, %parallel_loop3A_326, %parallel_loop3A_327] {strides = array<i32>} : memref<2x112x128xi32, #tpu.memory_space<vmem>>, vector<1x1x16xi32>,
          %parallel_loop3A_329 = vector.shape_cast %parallel_loop3A_328 : vector<1x1x16xi32> to vector<16xi32>
          %parallel_loop3A_330 = arith.constant 16 : i32
          %parallel_loop3A_331 = vector.broadcast %parallel_loop3A_330 : i32 to vector<16xi32>
          %parallel_loop3A_332 = arith.shli %parallel_loop3A_329, %parallel_loop3A_331 : vector<16xi32>
          %parallel_loop3A_333 = tpu.bitcast %parallel_loop3A_332 : vector<16xi32> -> vector<16xf32>
          %parallel_loop3A_334 = tpu.bitcast %parallel_loop3A_329 : vector<16xi32> -> vector<16xf32>
          %parallel_loop3A_335 = vector.broadcast %mul3A_257 : f32 to vector<16xf32>
          %parallel_loop3A_336 = arith.mulf %parallel_loop3A_333, %parallel_loop3A_335 : vector<16xf32>
          %parallel_loop3A_337 = vector.broadcast %mul3A_257 : f32 to vector<16xf32>
          %parallel_loop3A_338 = arith.mulf %parallel_loop3A_334, %parallel_loop3A_337 : vector<16xf32>
          %parallel_loop3A_339 = arith.addf %parallel_loop3A_321, %parallel_loop3A_336 : vector<16xf32>
          %parallel_loop3A_340 = arith.addf %parallel_loop3A_323, %parallel_loop3A_338 : vector<16xf32>
          %parallel_loop3A_341 = arith.constant 22 : i32
          %parallel_loop3A_342 = arith.index_cast %rem3A_60 : i32 to index
          %parallel_loop3A_343 = arith.index_cast %parallel_loop3A_341 : i32 to index
          %parallel_loop3A_344 = arith.index_cast %parallel_loop3A_308 : i32 to index
          %parallel_loop3A_345 = tpu.vector_load %arg12[%parallel_loop3A_342, %parallel_loop3A_343, %parallel_loop3A_344] {strides = array<i32>} : memref<2x112x128xi32, #tpu.memory_space<vmem>>, vector<1x1x16xi32>,
          %parallel_loop3A_346 = vector.shape_cast %parallel_loop3A_345 : vector<1x1x16xi32> to vector<16xi32>
          %parallel_loop3A_347 = arith.constant 16 : i32
          %parallel_loop3A_348 = vector.broadcast %parallel_loop3A_347 : i32 to vector<16xi32>
          %parallel_loop3A_349 = arith.shli %parallel_loop3A_346, %parallel_loop3A_348 : vector<16xi32>
          %parallel_loop3A_350 = tpu.bitcast %parallel_loop3A_349 : vector<16xi32> -> vector<16xf32>
          %parallel_loop3A_351 = tpu.bitcast %parallel_loop3A_346 : vector<16xi32> -> vector<16xf32>
          %parallel_loop3A_352 = vector.broadcast %mul3A_258 : f32 to vector<16xf32>
          %parallel_loop3A_353 = arith.mulf %parallel_loop3A_350, %parallel_loop3A_352 : vector<16xf32>
          %parallel_loop3A_354 = vector.broadcast %mul3A_258 : f32 to vector<16xf32>
          %parallel_loop3A_355 = arith.mulf %parallel_loop3A_351, %parallel_loop3A_354 : vector<16xf32>
          %parallel_loop3A_356 = arith.constant 23 : i32
          %parallel_loop3A_357 = arith.index_cast %rem3A_60 : i32 to index
          %parallel_loop3A_358 = arith.index_cast %parallel_loop3A_356 : i32 to index
          %parallel_loop3A_359 = arith.index_cast %parallel_loop3A_308 : i32 to index
          %parallel_loop3A_360 = tpu.vector_load %arg12[%parallel_loop3A_357, %parallel_loop3A_358, %parallel_loop3A_359] {strides = array<i32>} : memref<2x112x128xi32, #tpu.memory_space<vmem>>, vector<1x1x16xi32>,
          %parallel_loop3A_361 = vector.shape_cast %parallel_loop3A_360 : vector<1x1x16xi32> to vector<16xi32>
          %parallel_loop3A_362 = arith.constant 16 : i32
          %parallel_loop3A_363 = vector.broadcast %parallel_loop3A_362 : i32 to vector<16xi32>
          %parallel_loop3A_364 = arith.shli %parallel_loop3A_361, %parallel_loop3A_363 : vector<16xi32>
          %parallel_loop3A_365 = tpu.bitcast %parallel_loop3A_364 : vector<16xi32> -> vector<16xf32>
          %parallel_loop3A_366 = tpu.bitcast %parallel_loop3A_361 : vector<16xi32> -> vector<16xf32>
          %parallel_loop3A_367 = vector.broadcast %mul3A_259 : f32 to vector<16xf32>
          %parallel_loop3A_368 = arith.mulf %parallel_loop3A_365, %parallel_loop3A_367 : vector<16xf32>
          %parallel_loop3A_369 = vector.broadcast %mul3A_259 : f32 to vector<16xf32>
          %parallel_loop3A_370 = arith.mulf %parallel_loop3A_366, %parallel_loop3A_369 : vector<16xf32>
          %parallel_loop3A_371 = arith.addf %parallel_loop3A_353, %parallel_loop3A_368 : vector<16xf32>
          %parallel_loop3A_372 = arith.addf %parallel_loop3A_355, %parallel_loop3A_370 : vector<16xf32>
          %parallel_loop3A_373 = arith.constant 48 : i32
          %parallel_loop3A_374 = arith.index_cast %rem3A_60 : i32 to index
          %parallel_loop3A_375 = arith.index_cast %parallel_loop3A_373 : i32 to index
          %parallel_loop3A_376 = arith.index_cast %parallel_loop3A_308 : i32 to index
          %parallel_loop3A_377 = tpu.vector_load %arg12[%parallel_loop3A_374, %parallel_loop3A_375, %parallel_loop3A_376] {strides = array<i32>} : memref<2x112x128xi32, #tpu.memory_space<vmem>>, vector<1x1x16xi32>,
          %parallel_loop3A_378 = vector.shape_cast %parallel_loop3A_377 : vector<1x1x16xi32> to vector<16xi32>
          %parallel_loop3A_379 = arith.constant 16 : i32
          %parallel_loop3A_380 = vector.broadcast %parallel_loop3A_379 : i32 to vector<16xi32>
          %parallel_loop3A_381 = arith.shli %parallel_loop3A_378, %parallel_loop3A_380 : vector<16xi32>
          %parallel_loop3A_382 = tpu.bitcast %parallel_loop3A_381 : vector<16xi32> -> vector<16xf32>
          %parallel_loop3A_383 = tpu.bitcast %parallel_loop3A_378 : vector<16xi32> -> vector<16xf32>
          %parallel_loop3A_384 = vector.broadcast %mul3A_260 : f32 to vector<16xf32>
          %parallel_loop3A_385 = arith.mulf %parallel_loop3A_382, %parallel_loop3A_384 : vector<16xf32>
          %parallel_loop3A_386 = vector.broadcast %mul3A_260 : f32 to vector<16xf32>
          %parallel_loop3A_387 = arith.mulf %parallel_loop3A_383, %parallel_loop3A_386 : vector<16xf32>
          %parallel_loop3A_388 = arith.addf %parallel_loop3A_339, %parallel_loop3A_385 : vector<16xf32>
          %parallel_loop3A_389 = arith.addf %parallel_loop3A_340, %parallel_loop3A_387 : vector<16xf32>
          %parallel_loop3A_390 = arith.constant 49 : i32
          %parallel_loop3A_391 = arith.index_cast %rem3A_60 : i32 to index
          %parallel_loop3A_392 = arith.index_cast %parallel_loop3A_390 : i32 to index
          %parallel_loop3A_393 = arith.index_cast %parallel_loop3A_308 : i32 to index
          %parallel_loop3A_394 = tpu.vector_load %arg12[%parallel_loop3A_391, %parallel_loop3A_392, %parallel_loop3A_393] {strides = array<i32>} : memref<2x112x128xi32, #tpu.memory_space<vmem>>, vector<1x1x16xi32>,
          %parallel_loop3A_395 = vector.shape_cast %parallel_loop3A_394 : vector<1x1x16xi32> to vector<16xi32>
          %parallel_loop3A_396 = arith.constant 16 : i32
          %parallel_loop3A_397 = vector.broadcast %parallel_loop3A_396 : i32 to vector<16xi32>
          %parallel_loop3A_398 = arith.shli %parallel_loop3A_395, %parallel_loop3A_397 : vector<16xi32>
          %parallel_loop3A_399 = tpu.bitcast %parallel_loop3A_398 : vector<16xi32> -> vector<16xf32>
          %parallel_loop3A_400 = tpu.bitcast %parallel_loop3A_395 : vector<16xi32> -> vector<16xf32>
          %parallel_loop3A_401 = vector.broadcast %mul3A_261 : f32 to vector<16xf32>
          %parallel_loop3A_402 = arith.mulf %parallel_loop3A_399, %parallel_loop3A_401 : vector<16xf32>
          %parallel_loop3A_403 = vector.broadcast %mul3A_261 : f32 to vector<16xf32>
          %parallel_loop3A_404 = arith.mulf %parallel_loop3A_400, %parallel_loop3A_403 : vector<16xf32>
          %parallel_loop3A_405 = arith.addf %parallel_loop3A_388, %parallel_loop3A_402 : vector<16xf32>
          %parallel_loop3A_406 = arith.addf %parallel_loop3A_389, %parallel_loop3A_404 : vector<16xf32>
          %parallel_loop3A_407 = arith.constant 50 : i32
          %parallel_loop3A_408 = arith.index_cast %rem3A_60 : i32 to index
          %parallel_loop3A_409 = arith.index_cast %parallel_loop3A_407 : i32 to index
          %parallel_loop3A_410 = arith.index_cast %parallel_loop3A_308 : i32 to index
          %parallel_loop3A_411 = tpu.vector_load %arg12[%parallel_loop3A_408, %parallel_loop3A_409, %parallel_loop3A_410] {strides = array<i32>} : memref<2x112x128xi32, #tpu.memory_space<vmem>>, vector<1x1x16xi32>,
          %parallel_loop3A_412 = vector.shape_cast %parallel_loop3A_411 : vector<1x1x16xi32> to vector<16xi32>
          %parallel_loop3A_413 = arith.constant 16 : i32
          %parallel_loop3A_414 = vector.broadcast %parallel_loop3A_413 : i32 to vector<16xi32>
          %parallel_loop3A_415 = arith.shli %parallel_loop3A_412, %parallel_loop3A_414 : vector<16xi32>
          %parallel_loop3A_416 = tpu.bitcast %parallel_loop3A_415 : vector<16xi32> -> vector<16xf32>
          %parallel_loop3A_417 = tpu.bitcast %parallel_loop3A_412 : vector<16xi32> -> vector<16xf32>
          %parallel_loop3A_418 = vector.broadcast %mul3A_262 : f32 to vector<16xf32>
          %parallel_loop3A_419 = arith.mulf %parallel_loop3A_416, %parallel_loop3A_418 : vector<16xf32>
          %parallel_loop3A_420 = vector.broadcast %mul3A_262 : f32 to vector<16xf32>
          %parallel_loop3A_421 = arith.mulf %parallel_loop3A_417, %parallel_loop3A_420 : vector<16xf32>
          %parallel_loop3A_422 = arith.addf %parallel_loop3A_371, %parallel_loop3A_419 : vector<16xf32>
          %parallel_loop3A_423 = arith.addf %parallel_loop3A_372, %parallel_loop3A_421 : vector<16xf32>
          %parallel_loop3A_424 = arith.constant 51 : i32
          %parallel_loop3A_425 = arith.index_cast %rem3A_60 : i32 to index
          %parallel_loop3A_426 = arith.index_cast %parallel_loop3A_424 : i32 to index
          %parallel_loop3A_427 = arith.index_cast %parallel_loop3A_308 : i32 to index
          %parallel_loop3A_428 = tpu.vector_load %arg12[%parallel_loop3A_425, %parallel_loop3A_426, %parallel_loop3A_427] {strides = array<i32>} : memref<2x112x128xi32, #tpu.memory_space<vmem>>, vector<1x1x16xi32>,
          %parallel_loop3A_429 = vector.shape_cast %parallel_loop3A_428 : vector<1x1x16xi32> to vector<16xi32>
          %parallel_loop3A_430 = arith.constant 16 : i32
          %parallel_loop3A_431 = vector.broadcast %parallel_loop3A_430 : i32 to vector<16xi32>
          %parallel_loop3A_432 = arith.shli %parallel_loop3A_429, %parallel_loop3A_431 : vector<16xi32>
          %parallel_loop3A_433 = tpu.bitcast %parallel_loop3A_432 : vector<16xi32> -> vector<16xf32>
          %parallel_loop3A_434 = tpu.bitcast %parallel_loop3A_429 : vector<16xi32> -> vector<16xf32>
          %parallel_loop3A_435 = vector.broadcast %mul3A_263 : f32 to vector<16xf32>
          %parallel_loop3A_436 = arith.mulf %parallel_loop3A_433, %parallel_loop3A_435 : vector<16xf32>
          %parallel_loop3A_437 = vector.broadcast %mul3A_263 : f32 to vector<16xf32>
          %parallel_loop3A_438 = arith.mulf %parallel_loop3A_434, %parallel_loop3A_437 : vector<16xf32>
          %parallel_loop3A_439 = arith.addf %parallel_loop3A_422, %parallel_loop3A_436 : vector<16xf32>
          %parallel_loop3A_440 = arith.addf %parallel_loop3A_423, %parallel_loop3A_438 : vector<16xf32>
          %parallel_loop3A_441 = arith.constant 76 : i32
          %parallel_loop3A_442 = arith.index_cast %rem3A_60 : i32 to index
          %parallel_loop3A_443 = arith.index_cast %parallel_loop3A_441 : i32 to index
          %parallel_loop3A_444 = arith.index_cast %parallel_loop3A_308 : i32 to index
          %parallel_loop3A_445 = tpu.vector_load %arg12[%parallel_loop3A_442, %parallel_loop3A_443, %parallel_loop3A_444] {strides = array<i32>} : memref<2x112x128xi32, #tpu.memory_space<vmem>>, vector<1x1x16xi32>,
          %parallel_loop3A_446 = vector.shape_cast %parallel_loop3A_445 : vector<1x1x16xi32> to vector<16xi32>
          %parallel_loop3A_447 = arith.constant 16 : i32
          %parallel_loop3A_448 = vector.broadcast %parallel_loop3A_447 : i32 to vector<16xi32>
          %parallel_loop3A_449 = arith.shli %parallel_loop3A_446, %parallel_loop3A_448 : vector<16xi32>
          %parallel_loop3A_450 = tpu.bitcast %parallel_loop3A_449 : vector<16xi32> -> vector<16xf32>
          %parallel_loop3A_451 = tpu.bitcast %parallel_loop3A_446 : vector<16xi32> -> vector<16xf32>
          %parallel_loop3A_452 = vector.broadcast %mul3A_264 : f32 to vector<16xf32>
          %parallel_loop3A_453 = arith.mulf %parallel_loop3A_450, %parallel_loop3A_452 : vector<16xf32>
          %parallel_loop3A_454 = vector.broadcast %mul3A_264 : f32 to vector<16xf32>
          %parallel_loop3A_455 = arith.mulf %parallel_loop3A_451, %parallel_loop3A_454 : vector<16xf32>
          %parallel_loop3A_456 = arith.constant 77 : i32
          %parallel_loop3A_457 = arith.index_cast %rem3A_60 : i32 to index
          %parallel_loop3A_458 = arith.index_cast %parallel_loop3A_456 : i32 to index
          %parallel_loop3A_459 = arith.index_cast %parallel_loop3A_308 : i32 to index
          %parallel_loop3A_460 = tpu.vector_load %arg12[%parallel_loop3A_457, %parallel_loop3A_458, %parallel_loop3A_459] {strides = array<i32>} : memref<2x112x128xi32, #tpu.memory_space<vmem>>, vector<1x1x16xi32>,
          %parallel_loop3A_461 = vector.shape_cast %parallel_loop3A_460 : vector<1x1x16xi32> to vector<16xi32>
          %parallel_loop3A_462 = arith.constant 16 : i32
          %parallel_loop3A_463 = vector.broadcast %parallel_loop3A_462 : i32 to vector<16xi32>
          %parallel_loop3A_464 = arith.shli %parallel_loop3A_461, %parallel_loop3A_463 : vector<16xi32>
          %parallel_loop3A_465 = tpu.bitcast %parallel_loop3A_464 : vector<16xi32> -> vector<16xf32>
          %parallel_loop3A_466 = tpu.bitcast %parallel_loop3A_461 : vector<16xi32> -> vector<16xf32>
          %parallel_loop3A_467 = vector.broadcast %mul3A_265 : f32 to vector<16xf32>
          %parallel_loop3A_468 = arith.mulf %parallel_loop3A_465, %parallel_loop3A_467 : vector<16xf32>
          %parallel_loop3A_469 = vector.broadcast %mul3A_265 : f32 to vector<16xf32>
          %parallel_loop3A_470 = arith.mulf %parallel_loop3A_466, %parallel_loop3A_469 : vector<16xf32>
          %parallel_loop3A_471 = arith.addf %parallel_loop3A_453, %parallel_loop3A_468 : vector<16xf32>
          %parallel_loop3A_472 = arith.addf %parallel_loop3A_455, %parallel_loop3A_470 : vector<16xf32>
          %parallel_loop3A_473 = arith.constant 78 : i32
          %parallel_loop3A_474 = arith.index_cast %rem3A_60 : i32 to index
          %parallel_loop3A_475 = arith.index_cast %parallel_loop3A_473 : i32 to index
          %parallel_loop3A_476 = arith.index_cast %parallel_loop3A_308 : i32 to index
          %parallel_loop3A_477 = tpu.vector_load %arg12[%parallel_loop3A_474, %parallel_loop3A_475, %parallel_loop3A_476] {strides = array<i32>} : memref<2x112x128xi32, #tpu.memory_space<vmem>>, vector<1x1x16xi32>,
          %parallel_loop3A_478 = vector.shape_cast %parallel_loop3A_477 : vector<1x1x16xi32> to vector<16xi32>
          %parallel_loop3A_479 = arith.constant 16 : i32
          %parallel_loop3A_480 = vector.broadcast %parallel_loop3A_479 : i32 to vector<16xi32>
          %parallel_loop3A_481 = arith.shli %parallel_loop3A_478, %parallel_loop3A_480 : vector<16xi32>
          %parallel_loop3A_482 = tpu.bitcast %parallel_loop3A_481 : vector<16xi32> -> vector<16xf32>
          %parallel_loop3A_483 = tpu.bitcast %parallel_loop3A_478 : vector<16xi32> -> vector<16xf32>
          %parallel_loop3A_484 = vector.broadcast %mul3A_266 : f32 to vector<16xf32>
          %parallel_loop3A_485 = arith.mulf %parallel_loop3A_482, %parallel_loop3A_484 : vector<16xf32>
          %parallel_loop3A_486 = vector.broadcast %mul3A_266 : f32 to vector<16xf32>
          %parallel_loop3A_487 = arith.mulf %parallel_loop3A_483, %parallel_loop3A_486 : vector<16xf32>
          %parallel_loop3A_488 = arith.constant 79 : i32
          %parallel_loop3A_489 = arith.index_cast %rem3A_60 : i32 to index
          %parallel_loop3A_490 = arith.index_cast %parallel_loop3A_488 : i32 to index
          %parallel_loop3A_491 = arith.index_cast %parallel_loop3A_308 : i32 to index
          %parallel_loop3A_492 = tpu.vector_load %arg12[%parallel_loop3A_489, %parallel_loop3A_490, %parallel_loop3A_491] {strides = array<i32>} : memref<2x112x128xi32, #tpu.memory_space<vmem>>, vector<1x1x16xi32>,
          %parallel_loop3A_493 = vector.shape_cast %parallel_loop3A_492 : vector<1x1x16xi32> to vector<16xi32>
          %parallel_loop3A_494 = arith.constant 16 : i32
          %parallel_loop3A_495 = vector.broadcast %parallel_loop3A_494 : i32 to vector<16xi32>
          %parallel_loop3A_496 = arith.shli %parallel_loop3A_493, %parallel_loop3A_495 : vector<16xi32>
          %parallel_loop3A_497 = tpu.bitcast %parallel_loop3A_496 : vector<16xi32> -> vector<16xf32>
          %parallel_loop3A_498 = tpu.bitcast %parallel_loop3A_493 : vector<16xi32> -> vector<16xf32>
          %parallel_loop3A_499 = vector.broadcast %mul3A_267 : f32 to vector<16xf32>
          %parallel_loop3A_500 = arith.mulf %parallel_loop3A_497, %parallel_loop3A_499 : vector<16xf32>
          %parallel_loop3A_501 = vector.broadcast %mul3A_267 : f32 to vector<16xf32>
          %parallel_loop3A_502 = arith.mulf %parallel_loop3A_498, %parallel_loop3A_501 : vector<16xf32>
          %parallel_loop3A_503 = arith.addf %parallel_loop3A_485, %parallel_loop3A_500 : vector<16xf32>
          %parallel_loop3A_504 = arith.addf %parallel_loop3A_487, %parallel_loop3A_502 : vector<16xf32>
          %parallel_loop3A_505 = arith.constant 104 : i32
          %parallel_loop3A_506 = arith.index_cast %rem3A_60 : i32 to index
          %parallel_loop3A_507 = arith.index_cast %parallel_loop3A_505 : i32 to index
          %parallel_loop3A_508 = arith.index_cast %parallel_loop3A_308 : i32 to index
          %parallel_loop3A_509 = tpu.vector_load %arg12[%parallel_loop3A_506, %parallel_loop3A_507, %parallel_loop3A_508] {strides = array<i32>} : memref<2x112x128xi32, #tpu.memory_space<vmem>>, vector<1x1x16xi32>,
          %parallel_loop3A_510 = vector.shape_cast %parallel_loop3A_509 : vector<1x1x16xi32> to vector<16xi32>
          %parallel_loop3A_511 = arith.constant 16 : i32
          %parallel_loop3A_512 = vector.broadcast %parallel_loop3A_511 : i32 to vector<16xi32>
          %parallel_loop3A_513 = arith.shli %parallel_loop3A_510, %parallel_loop3A_512 : vector<16xi32>
          %parallel_loop3A_514 = tpu.bitcast %parallel_loop3A_513 : vector<16xi32> -> vector<16xf32>
          %parallel_loop3A_515 = tpu.bitcast %parallel_loop3A_510 : vector<16xi32> -> vector<16xf32>
          %parallel_loop3A_516 = vector.broadcast %mul3A_268 : f32 to vector<16xf32>
          %parallel_loop3A_517 = arith.mulf %parallel_loop3A_514, %parallel_loop3A_516 : vector<16xf32>
          %parallel_loop3A_518 = vector.broadcast %mul3A_268 : f32 to vector<16xf32>
          %parallel_loop3A_519 = arith.mulf %parallel_loop3A_515, %parallel_loop3A_518 : vector<16xf32>
          %parallel_loop3A_520 = arith.addf %parallel_loop3A_471, %parallel_loop3A_517 : vector<16xf32>
          %parallel_loop3A_521 = arith.addf %parallel_loop3A_472, %parallel_loop3A_519 : vector<16xf32>
          %parallel_loop3A_522 = arith.constant 105 : i32
          %parallel_loop3A_523 = arith.index_cast %rem3A_60 : i32 to index
          %parallel_loop3A_524 = arith.index_cast %parallel_loop3A_522 : i32 to index
          %parallel_loop3A_525 = arith.index_cast %parallel_loop3A_308 : i32 to index
          %parallel_loop3A_526 = tpu.vector_load %arg12[%parallel_loop3A_523, %parallel_loop3A_524, %parallel_loop3A_525] {strides = array<i32>} : memref<2x112x128xi32, #tpu.memory_space<vmem>>, vector<1x1x16xi32>,
          %parallel_loop3A_527 = vector.shape_cast %parallel_loop3A_526 : vector<1x1x16xi32> to vector<16xi32>
          %parallel_loop3A_528 = arith.constant 16 : i32
          %parallel_loop3A_529 = vector.broadcast %parallel_loop3A_528 : i32 to vector<16xi32>
          %parallel_loop3A_530 = arith.shli %parallel_loop3A_527, %parallel_loop3A_529 : vector<16xi32>
          %parallel_loop3A_531 = tpu.bitcast %parallel_loop3A_530 : vector<16xi32> -> vector<16xf32>
          %parallel_loop3A_532 = tpu.bitcast %parallel_loop3A_527 : vector<16xi32> -> vector<16xf32>
          %parallel_loop3A_533 = vector.broadcast %mul3A_269 : f32 to vector<16xf32>
          %parallel_loop3A_534 = arith.mulf %parallel_loop3A_531, %parallel_loop3A_533 : vector<16xf32>
          %parallel_loop3A_535 = vector.broadcast %mul3A_269 : f32 to vector<16xf32>
          %parallel_loop3A_536 = arith.mulf %parallel_loop3A_532, %parallel_loop3A_535 : vector<16xf32>
          %parallel_loop3A_537 = arith.addf %parallel_loop3A_520, %parallel_loop3A_534 : vector<16xf32>
          %parallel_loop3A_538 = arith.addf %parallel_loop3A_521, %parallel_loop3A_536 : vector<16xf32>
          %parallel_loop3A_539 = arith.constant 106 : i32
          %parallel_loop3A_540 = arith.index_cast %rem3A_60 : i32 to index
          %parallel_loop3A_541 = arith.index_cast %parallel_loop3A_539 : i32 to index
          %parallel_loop3A_542 = arith.index_cast %parallel_loop3A_308 : i32 to index
          %parallel_loop3A_543 = tpu.vector_load %arg12[%parallel_loop3A_540, %parallel_loop3A_541, %parallel_loop3A_542] {strides = array<i32>} : memref<2x112x128xi32, #tpu.memory_space<vmem>>, vector<1x1x16xi32>,
          %parallel_loop3A_544 = vector.shape_cast %parallel_loop3A_543 : vector<1x1x16xi32> to vector<16xi32>
          %parallel_loop3A_545 = arith.constant 16 : i32
          %parallel_loop3A_546 = vector.broadcast %parallel_loop3A_545 : i32 to vector<16xi32>
          %parallel_loop3A_547 = arith.shli %parallel_loop3A_544, %parallel_loop3A_546 : vector<16xi32>
          %parallel_loop3A_548 = tpu.bitcast %parallel_loop3A_547 : vector<16xi32> -> vector<16xf32>
          %parallel_loop3A_549 = tpu.bitcast %parallel_loop3A_544 : vector<16xi32> -> vector<16xf32>
          %parallel_loop3A_550 = vector.broadcast %mul3A_270 : f32 to vector<16xf32>
          %parallel_loop3A_551 = arith.mulf %parallel_loop3A_548, %parallel_loop3A_550 : vector<16xf32>
          %parallel_loop3A_552 = vector.broadcast %mul3A_270 : f32 to vector<16xf32>
          %parallel_loop3A_553 = arith.mulf %parallel_loop3A_549, %parallel_loop3A_552 : vector<16xf32>
          %parallel_loop3A_554 = arith.addf %parallel_loop3A_503, %parallel_loop3A_551 : vector<16xf32>
          %parallel_loop3A_555 = arith.addf %parallel_loop3A_504, %parallel_loop3A_553 : vector<16xf32>
          %parallel_loop3A_556 = arith.constant 107 : i32
          %parallel_loop3A_557 = arith.index_cast %rem3A_60 : i32 to index
          %parallel_loop3A_558 = arith.index_cast %parallel_loop3A_556 : i32 to index
          %parallel_loop3A_559 = arith.index_cast %parallel_loop3A_308 : i32 to index
          %parallel_loop3A_560 = tpu.vector_load %arg12[%parallel_loop3A_557, %parallel_loop3A_558, %parallel_loop3A_559] {strides = array<i32>} : memref<2x112x128xi32, #tpu.memory_space<vmem>>, vector<1x1x16xi32>,
          %parallel_loop3A_561 = vector.shape_cast %parallel_loop3A_560 : vector<1x1x16xi32> to vector<16xi32>
          %parallel_loop3A_562 = arith.constant 16 : i32
          %parallel_loop3A_563 = vector.broadcast %parallel_loop3A_562 : i32 to vector<16xi32>
          %parallel_loop3A_564 = arith.shli %parallel_loop3A_561, %parallel_loop3A_563 : vector<16xi32>
          %parallel_loop3A_565 = tpu.bitcast %parallel_loop3A_564 : vector<16xi32> -> vector<16xf32>
          %parallel_loop3A_566 = tpu.bitcast %parallel_loop3A_561 : vector<16xi32> -> vector<16xf32>
          %parallel_loop3A_567 = vector.broadcast %mul3A_271 : f32 to vector<16xf32>
          %parallel_loop3A_568 = arith.mulf %parallel_loop3A_565, %parallel_loop3A_567 : vector<16xf32>
          %parallel_loop3A_569 = vector.broadcast %mul3A_271 : f32 to vector<16xf32>
          %parallel_loop3A_570 = arith.mulf %parallel_loop3A_566, %parallel_loop3A_569 : vector<16xf32>
          %parallel_loop3A_571 = arith.addf %parallel_loop3A_554, %parallel_loop3A_568 : vector<16xf32>
          %parallel_loop3A_572 = arith.addf %parallel_loop3A_555, %parallel_loop3A_570 : vector<16xf32>
          %parallel_loop3A_573 = arith.maximumf %parallel_loop3A_405, %parallel_loop3A_439 : vector<16xf32>
          %parallel_loop3A_574 = arith.maximumf %parallel_loop3A_537, %parallel_loop3A_571 : vector<16xf32>
          %parallel_loop3A_575 = arith.maximumf %parallel_loop3A_573, %parallel_loop3A_574 : vector<16xf32>
          %parallel_loop3A_576 = arith.maximumf %parallel_loop3A_406, %parallel_loop3A_440 : vector<16xf32>
          %parallel_loop3A_577 = arith.maximumf %parallel_loop3A_538, %parallel_loop3A_572 : vector<16xf32>
          %parallel_loop3A_578 = arith.maximumf %parallel_loop3A_576, %parallel_loop3A_577 : vector<16xf32>
          %parallel_loop3A_579 = arith.constant 5 : i32
          %parallel_loop3A_580 = arith.index_cast %scan3A_59 : i32 to index
          %parallel_loop3A_581 = arith.index_cast %parallel_loop3A_579 : i32 to index
          %parallel_loop3A_582 = arith.index_cast %parallel_loop3A_308 : i32 to index
          %parallel_loop3A_583 = tpu.vector_load %arg13[%parallel_loop3A_580, %parallel_loop3A_581, %parallel_loop3A_582] {strides = array<i32>} : memref<7x7x256xf32, #tpu.memory_space<vmem>>, vector<1x1x16xf32>,
          %parallel_loop3A_584 = vector.shape_cast %parallel_loop3A_583 : vector<1x1x16xf32> to vector<16xf32>
          %parallel_loop3A_585 = vector.shape_cast %parallel_loop3A_575 : vector<16xf32> to vector<1x1x16xf32>
          tpu.vector_store %arg13[%parallel_loop3A_580, %parallel_loop3A_581, %parallel_loop3A_582], %parallel_loop3A_585 {strides = array<i32>} : memref<7x7x256xf32, #tpu.memory_space<vmem>>, vector<1x1x16xf32>,
          %parallel_loop3A_586 = arith.constant 16 : i32
          %parallel_loop3A_587 = arith.muli %parallel_loop3A_306, %parallel_loop3A_586 : i32
          %parallel_loop3A_588 = arith.constant 128 : i32
          %parallel_loop3A_589 = arith.addi %parallel_loop3A_588, %parallel_loop3A_587 : i32
          %parallel_loop3A_590 = arith.constant 5 : i32
          %parallel_loop3A_591 = arith.index_cast %scan3A_59 : i32 to index
          %parallel_loop3A_592 = arith.index_cast %parallel_loop3A_590 : i32 to index
          %parallel_loop3A_593 = arith.index_cast %parallel_loop3A_589 : i32 to index
          %parallel_loop3A_594 = tpu.vector_load %arg13[%parallel_loop3A_591, %parallel_loop3A_592, %parallel_loop3A_593] {strides = array<i32>} : memref<7x7x256xf32, #tpu.memory_space<vmem>>, vector<1x1x16xf32>,
          %parallel_loop3A_595 = vector.shape_cast %parallel_loop3A_594 : vector<1x1x16xf32> to vector<16xf32>
          %parallel_loop3A_596 = vector.shape_cast %parallel_loop3A_578 : vector<16xf32> to vector<1x1x16xf32>
          tpu.vector_store %arg13[%parallel_loop3A_591, %parallel_loop3A_592, %parallel_loop3A_593], %parallel_loop3A_596 {strides = array<i32>} : memref<7x7x256xf32, #tpu.memory_space<vmem>>, vector<1x1x16xf32>,
        } {sc.loop_unroll_factor = 4 : i64, sc.parallel_access}
        %get3A_275 = arith.index_cast %scan3A_18 : i32 to index
        %get3A_276 = arith.constant 24 : index
        %get3A_277 = tpu.vector_load %arg15[%get3A_275, %get3A_276] {strides = array<i32>} : memref<32x48xf32, #tpu.memory_space<vmem>>, vector<1x16xf32>,
        %get3A_278 = vector.shape_cast %get3A_277 : vector<1x16xf32> to vector<16xf32>
        %slice3A_279 = vector.extract_strided_slice %get3A_278 {offsets = [0], sizes = [1], strides = [1]} : vector<16xf32> to vector<1xf32>
        %squeeze3A_280 = vector.extract %slice3A_279[0] : f32 from vector<1xf32>
        %slice3A_281 = vector.extract_strided_slice %get3A_278 {offsets = [1], sizes = [1], strides = [1]} : vector<16xf32> to vector<1xf32>
        %squeeze3A_282 = vector.extract %slice3A_281[0] : f32 from vector<1xf32>
        %slice3A_283 = vector.extract_strided_slice %get3A_278 {offsets = [2], sizes = [1], strides = [1]} : vector<16xf32> to vector<1xf32>
        %squeeze3A_284 = vector.extract %slice3A_283[0] : f32 from vector<1xf32>
        %slice3A_285 = vector.extract_strided_slice %get3A_278 {offsets = [3], sizes = [1], strides = [1]} : vector<16xf32> to vector<1xf32>
        %squeeze3A_286 = vector.extract %slice3A_285[0] : f32 from vector<1xf32>
        %mul3A_287 = arith.mulf %squeeze3A_83, %squeeze3A_280 : f32
        %mul3A_288 = arith.mulf %squeeze3A_83, %squeeze3A_282 : f32
        %mul3A_289 = arith.mulf %squeeze3A_83, %squeeze3A_284 : f32
        %mul3A_290 = arith.mulf %squeeze3A_83, %squeeze3A_286 : f32
        %mul3A_291 = arith.mulf %squeeze3A_85, %squeeze3A_280 : f32
        %mul3A_292 = arith.mulf %squeeze3A_85, %squeeze3A_282 : f32
        %mul3A_293 = arith.mulf %squeeze3A_85, %squeeze3A_284 : f32
        %mul3A_294 = arith.mulf %squeeze3A_85, %squeeze3A_286 : f32
        %mul3A_295 = arith.mulf %squeeze3A_87, %squeeze3A_280 : f32
        %mul3A_296 = arith.mulf %squeeze3A_87, %squeeze3A_282 : f32
        %mul3A_297 = arith.mulf %squeeze3A_87, %squeeze3A_284 : f32
        %mul3A_298 = arith.mulf %squeeze3A_87, %squeeze3A_286 : f32
        %mul3A_299 = arith.mulf %squeeze3A_89, %squeeze3A_280 : f32
        %mul3A_300 = arith.mulf %squeeze3A_89, %squeeze3A_282 : f32
        %mul3A_301 = arith.mulf %squeeze3A_89, %squeeze3A_284 : f32
        %mul3A_302 = arith.mulf %squeeze3A_89, %squeeze3A_286 : f32
        %parallel_loop3A_303 = arith.constant 0 : i32
        %parallel_loop3A_304 = arith.constant 8 : i32
        %parallel_loop3A_305 = arith.constant 1 : i32
        scf.for %parallel_loop3A_306 = %parallel_loop3A_303 to %parallel_loop3A_304 step %parallel_loop3A_305  : i32 {
          %parallel_loop3A_307 = arith.constant 16 : i32
          %parallel_loop3A_308 = arith.muli %parallel_loop3A_306, %parallel_loop3A_307 : i32
          %parallel_loop3A_309 = arith.constant 24 : i32
          %parallel_loop3A_310 = arith.index_cast %rem3A_60 : i32 to index
          %parallel_loop3A_311 = arith.index_cast %parallel_loop3A_309 : i32 to index
          %parallel_loop3A_312 = arith.index_cast %parallel_loop3A_308 : i32 to index
          %parallel_loop3A_313 = tpu.vector_load %arg12[%parallel_loop3A_310, %parallel_loop3A_311, %parallel_loop3A_312] {strides = array<i32>} : memref<2x112x128xi32, #tpu.memory_space<vmem>>, vector<1x1x16xi32>,
          %parallel_loop3A_314 = vector.shape_cast %parallel_loop3A_313 : vector<1x1x16xi32> to vector<16xi32>
          %parallel_loop3A_315 = arith.constant 16 : i32
          %parallel_loop3A_316 = vector.broadcast %parallel_loop3A_315 : i32 to vector<16xi32>
          %parallel_loop3A_317 = arith.shli %parallel_loop3A_314, %parallel_loop3A_316 : vector<16xi32>
          %parallel_loop3A_318 = tpu.bitcast %parallel_loop3A_317 : vector<16xi32> -> vector<16xf32>
          %parallel_loop3A_319 = tpu.bitcast %parallel_loop3A_314 : vector<16xi32> -> vector<16xf32>
          %parallel_loop3A_320 = vector.broadcast %mul3A_287 : f32 to vector<16xf32>
          %parallel_loop3A_321 = arith.mulf %parallel_loop3A_318, %parallel_loop3A_320 : vector<16xf32>
          %parallel_loop3A_322 = vector.broadcast %mul3A_287 : f32 to vector<16xf32>
          %parallel_loop3A_323 = arith.mulf %parallel_loop3A_319, %parallel_loop3A_322 : vector<16xf32>
          %parallel_loop3A_324 = arith.constant 25 : i32
          %parallel_loop3A_325 = arith.index_cast %rem3A_60 : i32 to index
          %parallel_loop3A_326 = arith.index_cast %parallel_loop3A_324 : i32 to index
          %parallel_loop3A_327 = arith.index_cast %parallel_loop3A_308 : i32 to index
          %parallel_loop3A_328 = tpu.vector_load %arg12[%parallel_loop3A_325, %parallel_loop3A_326, %parallel_loop3A_327] {strides = array<i32>} : memref<2x112x128xi32, #tpu.memory_space<vmem>>, vector<1x1x16xi32>,
          %parallel_loop3A_329 = vector.shape_cast %parallel_loop3A_328 : vector<1x1x16xi32> to vector<16xi32>
          %parallel_loop3A_330 = arith.constant 16 : i32
          %parallel_loop3A_331 = vector.broadcast %parallel_loop3A_330 : i32 to vector<16xi32>
          %parallel_loop3A_332 = arith.shli %parallel_loop3A_329, %parallel_loop3A_331 : vector<16xi32>
          %parallel_loop3A_333 = tpu.bitcast %parallel_loop3A_332 : vector<16xi32> -> vector<16xf32>
          %parallel_loop3A_334 = tpu.bitcast %parallel_loop3A_329 : vector<16xi32> -> vector<16xf32>
          %parallel_loop3A_335 = vector.broadcast %mul3A_288 : f32 to vector<16xf32>
          %parallel_loop3A_336 = arith.mulf %parallel_loop3A_333, %parallel_loop3A_335 : vector<16xf32>
          %parallel_loop3A_337 = vector.broadcast %mul3A_288 : f32 to vector<16xf32>
          %parallel_loop3A_338 = arith.mulf %parallel_loop3A_334, %parallel_loop3A_337 : vector<16xf32>
          %parallel_loop3A_339 = arith.addf %parallel_loop3A_321, %parallel_loop3A_336 : vector<16xf32>
          %parallel_loop3A_340 = arith.addf %parallel_loop3A_323, %parallel_loop3A_338 : vector<16xf32>
          %parallel_loop3A_341 = arith.constant 26 : i32
          %parallel_loop3A_342 = arith.index_cast %rem3A_60 : i32 to index
          %parallel_loop3A_343 = arith.index_cast %parallel_loop3A_341 : i32 to index
          %parallel_loop3A_344 = arith.index_cast %parallel_loop3A_308 : i32 to index
          %parallel_loop3A_345 = tpu.vector_load %arg12[%parallel_loop3A_342, %parallel_loop3A_343, %parallel_loop3A_344] {strides = array<i32>} : memref<2x112x128xi32, #tpu.memory_space<vmem>>, vector<1x1x16xi32>,
          %parallel_loop3A_346 = vector.shape_cast %parallel_loop3A_345 : vector<1x1x16xi32> to vector<16xi32>
          %parallel_loop3A_347 = arith.constant 16 : i32
          %parallel_loop3A_348 = vector.broadcast %parallel_loop3A_347 : i32 to vector<16xi32>
          %parallel_loop3A_349 = arith.shli %parallel_loop3A_346, %parallel_loop3A_348 : vector<16xi32>
          %parallel_loop3A_350 = tpu.bitcast %parallel_loop3A_349 : vector<16xi32> -> vector<16xf32>
          %parallel_loop3A_351 = tpu.bitcast %parallel_loop3A_346 : vector<16xi32> -> vector<16xf32>
          %parallel_loop3A_352 = vector.broadcast %mul3A_289 : f32 to vector<16xf32>
          %parallel_loop3A_353 = arith.mulf %parallel_loop3A_350, %parallel_loop3A_352 : vector<16xf32>
          %parallel_loop3A_354 = vector.broadcast %mul3A_289 : f32 to vector<16xf32>
          %parallel_loop3A_355 = arith.mulf %parallel_loop3A_351, %parallel_loop3A_354 : vector<16xf32>
          %parallel_loop3A_356 = arith.constant 27 : i32
          %parallel_loop3A_357 = arith.index_cast %rem3A_60 : i32 to index
          %parallel_loop3A_358 = arith.index_cast %parallel_loop3A_356 : i32 to index
          %parallel_loop3A_359 = arith.index_cast %parallel_loop3A_308 : i32 to index
          %parallel_loop3A_360 = tpu.vector_load %arg12[%parallel_loop3A_357, %parallel_loop3A_358, %parallel_loop3A_359] {strides = array<i32>} : memref<2x112x128xi32, #tpu.memory_space<vmem>>, vector<1x1x16xi32>,
          %parallel_loop3A_361 = vector.shape_cast %parallel_loop3A_360 : vector<1x1x16xi32> to vector<16xi32>
          %parallel_loop3A_362 = arith.constant 16 : i32
          %parallel_loop3A_363 = vector.broadcast %parallel_loop3A_362 : i32 to vector<16xi32>
          %parallel_loop3A_364 = arith.shli %parallel_loop3A_361, %parallel_loop3A_363 : vector<16xi32>
          %parallel_loop3A_365 = tpu.bitcast %parallel_loop3A_364 : vector<16xi32> -> vector<16xf32>
          %parallel_loop3A_366 = tpu.bitcast %parallel_loop3A_361 : vector<16xi32> -> vector<16xf32>
          %parallel_loop3A_367 = vector.broadcast %mul3A_290 : f32 to vector<16xf32>
          %parallel_loop3A_368 = arith.mulf %parallel_loop3A_365, %parallel_loop3A_367 : vector<16xf32>
          %parallel_loop3A_369 = vector.broadcast %mul3A_290 : f32 to vector<16xf32>
          %parallel_loop3A_370 = arith.mulf %parallel_loop3A_366, %parallel_loop3A_369 : vector<16xf32>
          %parallel_loop3A_371 = arith.addf %parallel_loop3A_353, %parallel_loop3A_368 : vector<16xf32>
          %parallel_loop3A_372 = arith.addf %parallel_loop3A_355, %parallel_loop3A_370 : vector<16xf32>
          %parallel_loop3A_373 = arith.constant 52 : i32
          %parallel_loop3A_374 = arith.index_cast %rem3A_60 : i32 to index
          %parallel_loop3A_375 = arith.index_cast %parallel_loop3A_373 : i32 to index
          %parallel_loop3A_376 = arith.index_cast %parallel_loop3A_308 : i32 to index
          %parallel_loop3A_377 = tpu.vector_load %arg12[%parallel_loop3A_374, %parallel_loop3A_375, %parallel_loop3A_376] {strides = array<i32>} : memref<2x112x128xi32, #tpu.memory_space<vmem>>, vector<1x1x16xi32>,
          %parallel_loop3A_378 = vector.shape_cast %parallel_loop3A_377 : vector<1x1x16xi32> to vector<16xi32>
          %parallel_loop3A_379 = arith.constant 16 : i32
          %parallel_loop3A_380 = vector.broadcast %parallel_loop3A_379 : i32 to vector<16xi32>
          %parallel_loop3A_381 = arith.shli %parallel_loop3A_378, %parallel_loop3A_380 : vector<16xi32>
          %parallel_loop3A_382 = tpu.bitcast %parallel_loop3A_381 : vector<16xi32> -> vector<16xf32>
          %parallel_loop3A_383 = tpu.bitcast %parallel_loop3A_378 : vector<16xi32> -> vector<16xf32>
          %parallel_loop3A_384 = vector.broadcast %mul3A_291 : f32 to vector<16xf32>
          %parallel_loop3A_385 = arith.mulf %parallel_loop3A_382, %parallel_loop3A_384 : vector<16xf32>
          %parallel_loop3A_386 = vector.broadcast %mul3A_291 : f32 to vector<16xf32>
          %parallel_loop3A_387 = arith.mulf %parallel_loop3A_383, %parallel_loop3A_386 : vector<16xf32>
          %parallel_loop3A_388 = arith.addf %parallel_loop3A_339, %parallel_loop3A_385 : vector<16xf32>
          %parallel_loop3A_389 = arith.addf %parallel_loop3A_340, %parallel_loop3A_387 : vector<16xf32>
          %parallel_loop3A_390 = arith.constant 53 : i32
          %parallel_loop3A_391 = arith.index_cast %rem3A_60 : i32 to index
          %parallel_loop3A_392 = arith.index_cast %parallel_loop3A_390 : i32 to index
          %parallel_loop3A_393 = arith.index_cast %parallel_loop3A_308 : i32 to index
          %parallel_loop3A_394 = tpu.vector_load %arg12[%parallel_loop3A_391, %parallel_loop3A_392, %parallel_loop3A_393] {strides = array<i32>} : memref<2x112x128xi32, #tpu.memory_space<vmem>>, vector<1x1x16xi32>,
          %parallel_loop3A_395 = vector.shape_cast %parallel_loop3A_394 : vector<1x1x16xi32> to vector<16xi32>
          %parallel_loop3A_396 = arith.constant 16 : i32
          %parallel_loop3A_397 = vector.broadcast %parallel_loop3A_396 : i32 to vector<16xi32>
          %parallel_loop3A_398 = arith.shli %parallel_loop3A_395, %parallel_loop3A_397 : vector<16xi32>
          %parallel_loop3A_399 = tpu.bitcast %parallel_loop3A_398 : vector<16xi32> -> vector<16xf32>
          %parallel_loop3A_400 = tpu.bitcast %parallel_loop3A_395 : vector<16xi32> -> vector<16xf32>
          %parallel_loop3A_401 = vector.broadcast %mul3A_292 : f32 to vector<16xf32>
          %parallel_loop3A_402 = arith.mulf %parallel_loop3A_399, %parallel_loop3A_401 : vector<16xf32>
          %parallel_loop3A_403 = vector.broadcast %mul3A_292 : f32 to vector<16xf32>
          %parallel_loop3A_404 = arith.mulf %parallel_loop3A_400, %parallel_loop3A_403 : vector<16xf32>
          %parallel_loop3A_405 = arith.addf %parallel_loop3A_388, %parallel_loop3A_402 : vector<16xf32>
          %parallel_loop3A_406 = arith.addf %parallel_loop3A_389, %parallel_loop3A_404 : vector<16xf32>
          %parallel_loop3A_407 = arith.constant 54 : i32
          %parallel_loop3A_408 = arith.index_cast %rem3A_60 : i32 to index
          %parallel_loop3A_409 = arith.index_cast %parallel_loop3A_407 : i32 to index
          %parallel_loop3A_410 = arith.index_cast %parallel_loop3A_308 : i32 to index
          %parallel_loop3A_411 = tpu.vector_load %arg12[%parallel_loop3A_408, %parallel_loop3A_409, %parallel_loop3A_410] {strides = array<i32>} : memref<2x112x128xi32, #tpu.memory_space<vmem>>, vector<1x1x16xi32>,
          %parallel_loop3A_412 = vector.shape_cast %parallel_loop3A_411 : vector<1x1x16xi32> to vector<16xi32>
          %parallel_loop3A_413 = arith.constant 16 : i32
          %parallel_loop3A_414 = vector.broadcast %parallel_loop3A_413 : i32 to vector<16xi32>
          %parallel_loop3A_415 = arith.shli %parallel_loop3A_412, %parallel_loop3A_414 : vector<16xi32>
          %parallel_loop3A_416 = tpu.bitcast %parallel_loop3A_415 : vector<16xi32> -> vector<16xf32>
          %parallel_loop3A_417 = tpu.bitcast %parallel_loop3A_412 : vector<16xi32> -> vector<16xf32>
          %parallel_loop3A_418 = vector.broadcast %mul3A_293 : f32 to vector<16xf32>
          %parallel_loop3A_419 = arith.mulf %parallel_loop3A_416, %parallel_loop3A_418 : vector<16xf32>
          %parallel_loop3A_420 = vector.broadcast %mul3A_293 : f32 to vector<16xf32>
          %parallel_loop3A_421 = arith.mulf %parallel_loop3A_417, %parallel_loop3A_420 : vector<16xf32>
          %parallel_loop3A_422 = arith.addf %parallel_loop3A_371, %parallel_loop3A_419 : vector<16xf32>
          %parallel_loop3A_423 = arith.addf %parallel_loop3A_372, %parallel_loop3A_421 : vector<16xf32>
          %parallel_loop3A_424 = arith.constant 55 : i32
          %parallel_loop3A_425 = arith.index_cast %rem3A_60 : i32 to index
          %parallel_loop3A_426 = arith.index_cast %parallel_loop3A_424 : i32 to index
          %parallel_loop3A_427 = arith.index_cast %parallel_loop3A_308 : i32 to index
          %parallel_loop3A_428 = tpu.vector_load %arg12[%parallel_loop3A_425, %parallel_loop3A_426, %parallel_loop3A_427] {strides = array<i32>} : memref<2x112x128xi32, #tpu.memory_space<vmem>>, vector<1x1x16xi32>,
          %parallel_loop3A_429 = vector.shape_cast %parallel_loop3A_428 : vector<1x1x16xi32> to vector<16xi32>
          %parallel_loop3A_430 = arith.constant 16 : i32
          %parallel_loop3A_431 = vector.broadcast %parallel_loop3A_430 : i32 to vector<16xi32>
          %parallel_loop3A_432 = arith.shli %parallel_loop3A_429, %parallel_loop3A_431 : vector<16xi32>
          %parallel_loop3A_433 = tpu.bitcast %parallel_loop3A_432 : vector<16xi32> -> vector<16xf32>
          %parallel_loop3A_434 = tpu.bitcast %parallel_loop3A_429 : vector<16xi32> -> vector<16xf32>
          %parallel_loop3A_435 = vector.broadcast %mul3A_294 : f32 to vector<16xf32>
          %parallel_loop3A_436 = arith.mulf %parallel_loop3A_433, %parallel_loop3A_435 : vector<16xf32>
          %parallel_loop3A_437 = vector.broadcast %mul3A_294 : f32 to vector<16xf32>
          %parallel_loop3A_438 = arith.mulf %parallel_loop3A_434, %parallel_loop3A_437 : vector<16xf32>
          %parallel_loop3A_439 = arith.addf %parallel_loop3A_422, %parallel_loop3A_436 : vector<16xf32>
          %parallel_loop3A_440 = arith.addf %parallel_loop3A_423, %parallel_loop3A_438 : vector<16xf32>
          %parallel_loop3A_441 = arith.constant 80 : i32
          %parallel_loop3A_442 = arith.index_cast %rem3A_60 : i32 to index
          %parallel_loop3A_443 = arith.index_cast %parallel_loop3A_441 : i32 to index
          %parallel_loop3A_444 = arith.index_cast %parallel_loop3A_308 : i32 to index
          %parallel_loop3A_445 = tpu.vector_load %arg12[%parallel_loop3A_442, %parallel_loop3A_443, %parallel_loop3A_444] {strides = array<i32>} : memref<2x112x128xi32, #tpu.memory_space<vmem>>, vector<1x1x16xi32>,
          %parallel_loop3A_446 = vector.shape_cast %parallel_loop3A_445 : vector<1x1x16xi32> to vector<16xi32>
          %parallel_loop3A_447 = arith.constant 16 : i32
          %parallel_loop3A_448 = vector.broadcast %parallel_loop3A_447 : i32 to vector<16xi32>
          %parallel_loop3A_449 = arith.shli %parallel_loop3A_446, %parallel_loop3A_448 : vector<16xi32>
          %parallel_loop3A_450 = tpu.bitcast %parallel_loop3A_449 : vector<16xi32> -> vector<16xf32>
          %parallel_loop3A_451 = tpu.bitcast %parallel_loop3A_446 : vector<16xi32> -> vector<16xf32>
          %parallel_loop3A_452 = vector.broadcast %mul3A_295 : f32 to vector<16xf32>
          %parallel_loop3A_453 = arith.mulf %parallel_loop3A_450, %parallel_loop3A_452 : vector<16xf32>
          %parallel_loop3A_454 = vector.broadcast %mul3A_295 : f32 to vector<16xf32>
          %parallel_loop3A_455 = arith.mulf %parallel_loop3A_451, %parallel_loop3A_454 : vector<16xf32>
          %parallel_loop3A_456 = arith.constant 81 : i32
          %parallel_loop3A_457 = arith.index_cast %rem3A_60 : i32 to index
          %parallel_loop3A_458 = arith.index_cast %parallel_loop3A_456 : i32 to index
          %parallel_loop3A_459 = arith.index_cast %parallel_loop3A_308 : i32 to index
          %parallel_loop3A_460 = tpu.vector_load %arg12[%parallel_loop3A_457, %parallel_loop3A_458, %parallel_loop3A_459] {strides = array<i32>} : memref<2x112x128xi32, #tpu.memory_space<vmem>>, vector<1x1x16xi32>,
          %parallel_loop3A_461 = vector.shape_cast %parallel_loop3A_460 : vector<1x1x16xi32> to vector<16xi32>
          %parallel_loop3A_462 = arith.constant 16 : i32
          %parallel_loop3A_463 = vector.broadcast %parallel_loop3A_462 : i32 to vector<16xi32>
          %parallel_loop3A_464 = arith.shli %parallel_loop3A_461, %parallel_loop3A_463 : vector<16xi32>
          %parallel_loop3A_465 = tpu.bitcast %parallel_loop3A_464 : vector<16xi32> -> vector<16xf32>
          %parallel_loop3A_466 = tpu.bitcast %parallel_loop3A_461 : vector<16xi32> -> vector<16xf32>
          %parallel_loop3A_467 = vector.broadcast %mul3A_296 : f32 to vector<16xf32>
          %parallel_loop3A_468 = arith.mulf %parallel_loop3A_465, %parallel_loop3A_467 : vector<16xf32>
          %parallel_loop3A_469 = vector.broadcast %mul3A_296 : f32 to vector<16xf32>
          %parallel_loop3A_470 = arith.mulf %parallel_loop3A_466, %parallel_loop3A_469 : vector<16xf32>
          %parallel_loop3A_471 = arith.addf %parallel_loop3A_453, %parallel_loop3A_468 : vector<16xf32>
          %parallel_loop3A_472 = arith.addf %parallel_loop3A_455, %parallel_loop3A_470 : vector<16xf32>
          %parallel_loop3A_473 = arith.constant 82 : i32
          %parallel_loop3A_474 = arith.index_cast %rem3A_60 : i32 to index
          %parallel_loop3A_475 = arith.index_cast %parallel_loop3A_473 : i32 to index
          %parallel_loop3A_476 = arith.index_cast %parallel_loop3A_308 : i32 to index
          %parallel_loop3A_477 = tpu.vector_load %arg12[%parallel_loop3A_474, %parallel_loop3A_475, %parallel_loop3A_476] {strides = array<i32>} : memref<2x112x128xi32, #tpu.memory_space<vmem>>, vector<1x1x16xi32>,
          %parallel_loop3A_478 = vector.shape_cast %parallel_loop3A_477 : vector<1x1x16xi32> to vector<16xi32>
          %parallel_loop3A_479 = arith.constant 16 : i32
          %parallel_loop3A_480 = vector.broadcast %parallel_loop3A_479 : i32 to vector<16xi32>
          %parallel_loop3A_481 = arith.shli %parallel_loop3A_478, %parallel_loop3A_480 : vector<16xi32>
          %parallel_loop3A_482 = tpu.bitcast %parallel_loop3A_481 : vector<16xi32> -> vector<16xf32>
          %parallel_loop3A_483 = tpu.bitcast %parallel_loop3A_478 : vector<16xi32> -> vector<16xf32>
          %parallel_loop3A_484 = vector.broadcast %mul3A_297 : f32 to vector<16xf32>
          %parallel_loop3A_485 = arith.mulf %parallel_loop3A_482, %parallel_loop3A_484 : vector<16xf32>
          %parallel_loop3A_486 = vector.broadcast %mul3A_297 : f32 to vector<16xf32>
          %parallel_loop3A_487 = arith.mulf %parallel_loop3A_483, %parallel_loop3A_486 : vector<16xf32>
          %parallel_loop3A_488 = arith.constant 83 : i32
          %parallel_loop3A_489 = arith.index_cast %rem3A_60 : i32 to index
          %parallel_loop3A_490 = arith.index_cast %parallel_loop3A_488 : i32 to index
          %parallel_loop3A_491 = arith.index_cast %parallel_loop3A_308 : i32 to index
          %parallel_loop3A_492 = tpu.vector_load %arg12[%parallel_loop3A_489, %parallel_loop3A_490, %parallel_loop3A_491] {strides = array<i32>} : memref<2x112x128xi32, #tpu.memory_space<vmem>>, vector<1x1x16xi32>,
          %parallel_loop3A_493 = vector.shape_cast %parallel_loop3A_492 : vector<1x1x16xi32> to vector<16xi32>
          %parallel_loop3A_494 = arith.constant 16 : i32
          %parallel_loop3A_495 = vector.broadcast %parallel_loop3A_494 : i32 to vector<16xi32>
          %parallel_loop3A_496 = arith.shli %parallel_loop3A_493, %parallel_loop3A_495 : vector<16xi32>
          %parallel_loop3A_497 = tpu.bitcast %parallel_loop3A_496 : vector<16xi32> -> vector<16xf32>
          %parallel_loop3A_498 = tpu.bitcast %parallel_loop3A_493 : vector<16xi32> -> vector<16xf32>
          %parallel_loop3A_499 = vector.broadcast %mul3A_298 : f32 to vector<16xf32>
          %parallel_loop3A_500 = arith.mulf %parallel_loop3A_497, %parallel_loop3A_499 : vector<16xf32>
          %parallel_loop3A_501 = vector.broadcast %mul3A_298 : f32 to vector<16xf32>
          %parallel_loop3A_502 = arith.mulf %parallel_loop3A_498, %parallel_loop3A_501 : vector<16xf32>
          %parallel_loop3A_503 = arith.addf %parallel_loop3A_485, %parallel_loop3A_500 : vector<16xf32>
          %parallel_loop3A_504 = arith.addf %parallel_loop3A_487, %parallel_loop3A_502 : vector<16xf32>
          %parallel_loop3A_505 = arith.constant 108 : i32
          %parallel_loop3A_506 = arith.index_cast %rem3A_60 : i32 to index
          %parallel_loop3A_507 = arith.index_cast %parallel_loop3A_505 : i32 to index
          %parallel_loop3A_508 = arith.index_cast %parallel_loop3A_308 : i32 to index
          %parallel_loop3A_509 = tpu.vector_load %arg12[%parallel_loop3A_506, %parallel_loop3A_507, %parallel_loop3A_508] {strides = array<i32>} : memref<2x112x128xi32, #tpu.memory_space<vmem>>, vector<1x1x16xi32>,
          %parallel_loop3A_510 = vector.shape_cast %parallel_loop3A_509 : vector<1x1x16xi32> to vector<16xi32>
          %parallel_loop3A_511 = arith.constant 16 : i32
          %parallel_loop3A_512 = vector.broadcast %parallel_loop3A_511 : i32 to vector<16xi32>
          %parallel_loop3A_513 = arith.shli %parallel_loop3A_510, %parallel_loop3A_512 : vector<16xi32>
          %parallel_loop3A_514 = tpu.bitcast %parallel_loop3A_513 : vector<16xi32> -> vector<16xf32>
          %parallel_loop3A_515 = tpu.bitcast %parallel_loop3A_510 : vector<16xi32> -> vector<16xf32>
          %parallel_loop3A_516 = vector.broadcast %mul3A_299 : f32 to vector<16xf32>
          %parallel_loop3A_517 = arith.mulf %parallel_loop3A_514, %parallel_loop3A_516 : vector<16xf32>
          %parallel_loop3A_518 = vector.broadcast %mul3A_299 : f32 to vector<16xf32>
          %parallel_loop3A_519 = arith.mulf %parallel_loop3A_515, %parallel_loop3A_518 : vector<16xf32>
          %parallel_loop3A_520 = arith.addf %parallel_loop3A_471, %parallel_loop3A_517 : vector<16xf32>
          %parallel_loop3A_521 = arith.addf %parallel_loop3A_472, %parallel_loop3A_519 : vector<16xf32>
          %parallel_loop3A_522 = arith.constant 109 : i32
          %parallel_loop3A_523 = arith.index_cast %rem3A_60 : i32 to index
          %parallel_loop3A_524 = arith.index_cast %parallel_loop3A_522 : i32 to index
          %parallel_loop3A_525 = arith.index_cast %parallel_loop3A_308 : i32 to index
          %parallel_loop3A_526 = tpu.vector_load %arg12[%parallel_loop3A_523, %parallel_loop3A_524, %parallel_loop3A_525] {strides = array<i32>} : memref<2x112x128xi32, #tpu.memory_space<vmem>>, vector<1x1x16xi32>,
          %parallel_loop3A_527 = vector.shape_cast %parallel_loop3A_526 : vector<1x1x16xi32> to vector<16xi32>
          %parallel_loop3A_528 = arith.constant 16 : i32
          %parallel_loop3A_529 = vector.broadcast %parallel_loop3A_528 : i32 to vector<16xi32>
          %parallel_loop3A_530 = arith.shli %parallel_loop3A_527, %parallel_loop3A_529 : vector<16xi32>
          %parallel_loop3A_531 = tpu.bitcast %parallel_loop3A_530 : vector<16xi32> -> vector<16xf32>
          %parallel_loop3A_532 = tpu.bitcast %parallel_loop3A_527 : vector<16xi32> -> vector<16xf32>
          %parallel_loop3A_533 = vector.broadcast %mul3A_300 : f32 to vector<16xf32>
          %parallel_loop3A_534 = arith.mulf %parallel_loop3A_531, %parallel_loop3A_533 : vector<16xf32>
          %parallel_loop3A_535 = vector.broadcast %mul3A_300 : f32 to vector<16xf32>
          %parallel_loop3A_536 = arith.mulf %parallel_loop3A_532, %parallel_loop3A_535 : vector<16xf32>
          %parallel_loop3A_537 = arith.addf %parallel_loop3A_520, %parallel_loop3A_534 : vector<16xf32>
          %parallel_loop3A_538 = arith.addf %parallel_loop3A_521, %parallel_loop3A_536 : vector<16xf32>
          %parallel_loop3A_539 = arith.constant 110 : i32
          %parallel_loop3A_540 = arith.index_cast %rem3A_60 : i32 to index
          %parallel_loop3A_541 = arith.index_cast %parallel_loop3A_539 : i32 to index
          %parallel_loop3A_542 = arith.index_cast %parallel_loop3A_308 : i32 to index
          %parallel_loop3A_543 = tpu.vector_load %arg12[%parallel_loop3A_540, %parallel_loop3A_541, %parallel_loop3A_542] {strides = array<i32>} : memref<2x112x128xi32, #tpu.memory_space<vmem>>, vector<1x1x16xi32>,
          %parallel_loop3A_544 = vector.shape_cast %parallel_loop3A_543 : vector<1x1x16xi32> to vector<16xi32>
          %parallel_loop3A_545 = arith.constant 16 : i32
          %parallel_loop3A_546 = vector.broadcast %parallel_loop3A_545 : i32 to vector<16xi32>
          %parallel_loop3A_547 = arith.shli %parallel_loop3A_544, %parallel_loop3A_546 : vector<16xi32>
          %parallel_loop3A_548 = tpu.bitcast %parallel_loop3A_547 : vector<16xi32> -> vector<16xf32>
          %parallel_loop3A_549 = tpu.bitcast %parallel_loop3A_544 : vector<16xi32> -> vector<16xf32>
          %parallel_loop3A_550 = vector.broadcast %mul3A_301 : f32 to vector<16xf32>
          %parallel_loop3A_551 = arith.mulf %parallel_loop3A_548, %parallel_loop3A_550 : vector<16xf32>
          %parallel_loop3A_552 = vector.broadcast %mul3A_301 : f32 to vector<16xf32>
          %parallel_loop3A_553 = arith.mulf %parallel_loop3A_549, %parallel_loop3A_552 : vector<16xf32>
          %parallel_loop3A_554 = arith.addf %parallel_loop3A_503, %parallel_loop3A_551 : vector<16xf32>
          %parallel_loop3A_555 = arith.addf %parallel_loop3A_504, %parallel_loop3A_553 : vector<16xf32>
          %parallel_loop3A_556 = arith.constant 111 : i32
          %parallel_loop3A_557 = arith.index_cast %rem3A_60 : i32 to index
          %parallel_loop3A_558 = arith.index_cast %parallel_loop3A_556 : i32 to index
          %parallel_loop3A_559 = arith.index_cast %parallel_loop3A_308 : i32 to index
          %parallel_loop3A_560 = tpu.vector_load %arg12[%parallel_loop3A_557, %parallel_loop3A_558, %parallel_loop3A_559] {strides = array<i32>} : memref<2x112x128xi32, #tpu.memory_space<vmem>>, vector<1x1x16xi32>,
          %parallel_loop3A_561 = vector.shape_cast %parallel_loop3A_560 : vector<1x1x16xi32> to vector<16xi32>
          %parallel_loop3A_562 = arith.constant 16 : i32
          %parallel_loop3A_563 = vector.broadcast %parallel_loop3A_562 : i32 to vector<16xi32>
          %parallel_loop3A_564 = arith.shli %parallel_loop3A_561, %parallel_loop3A_563 : vector<16xi32>
          %parallel_loop3A_565 = tpu.bitcast %parallel_loop3A_564 : vector<16xi32> -> vector<16xf32>
          %parallel_loop3A_566 = tpu.bitcast %parallel_loop3A_561 : vector<16xi32> -> vector<16xf32>
          %parallel_loop3A_567 = vector.broadcast %mul3A_302 : f32 to vector<16xf32>
          %parallel_loop3A_568 = arith.mulf %parallel_loop3A_565, %parallel_loop3A_567 : vector<16xf32>
          %parallel_loop3A_569 = vector.broadcast %mul3A_302 : f32 to vector<16xf32>
          %parallel_loop3A_570 = arith.mulf %parallel_loop3A_566, %parallel_loop3A_569 : vector<16xf32>
          %parallel_loop3A_571 = arith.addf %parallel_loop3A_554, %parallel_loop3A_568 : vector<16xf32>
          %parallel_loop3A_572 = arith.addf %parallel_loop3A_555, %parallel_loop3A_570 : vector<16xf32>
          %parallel_loop3A_573 = arith.maximumf %parallel_loop3A_405, %parallel_loop3A_439 : vector<16xf32>
          %parallel_loop3A_574 = arith.maximumf %parallel_loop3A_537, %parallel_loop3A_571 : vector<16xf32>
          %parallel_loop3A_575 = arith.maximumf %parallel_loop3A_573, %parallel_loop3A_574 : vector<16xf32>
          %parallel_loop3A_576 = arith.maximumf %parallel_loop3A_406, %parallel_loop3A_440 : vector<16xf32>
          %parallel_loop3A_577 = arith.maximumf %parallel_loop3A_538, %parallel_loop3A_572 : vector<16xf32>
          %parallel_loop3A_578 = arith.maximumf %parallel_loop3A_576, %parallel_loop3A_577 : vector<16xf32>
          %parallel_loop3A_579 = arith.constant 6 : i32
          %parallel_loop3A_580 = arith.index_cast %scan3A_59 : i32 to index
          %parallel_loop3A_581 = arith.index_cast %parallel_loop3A_579 : i32 to index
          %parallel_loop3A_582 = arith.index_cast %parallel_loop3A_308 : i32 to index
          %parallel_loop3A_583 = tpu.vector_load %arg13[%parallel_loop3A_580, %parallel_loop3A_581, %parallel_loop3A_582] {strides = array<i32>} : memref<7x7x256xf32, #tpu.memory_space<vmem>>, vector<1x1x16xf32>,
          %parallel_loop3A_584 = vector.shape_cast %parallel_loop3A_583 : vector<1x1x16xf32> to vector<16xf32>
          %parallel_loop3A_585 = vector.shape_cast %parallel_loop3A_575 : vector<16xf32> to vector<1x1x16xf32>
          tpu.vector_store %arg13[%parallel_loop3A_580, %parallel_loop3A_581, %parallel_loop3A_582], %parallel_loop3A_585 {strides = array<i32>} : memref<7x7x256xf32, #tpu.memory_space<vmem>>, vector<1x1x16xf32>,
          %parallel_loop3A_586 = arith.constant 16 : i32
          %parallel_loop3A_587 = arith.muli %parallel_loop3A_306, %parallel_loop3A_586 : i32
          %parallel_loop3A_588 = arith.constant 128 : i32
          %parallel_loop3A_589 = arith.addi %parallel_loop3A_588, %parallel_loop3A_587 : i32
          %parallel_loop3A_590 = arith.constant 6 : i32
          %parallel_loop3A_591 = arith.index_cast %scan3A_59 : i32 to index
          %parallel_loop3A_592 = arith.index_cast %parallel_loop3A_590 : i32 to index
          %parallel_loop3A_593 = arith.index_cast %parallel_loop3A_589 : i32 to index
          %parallel_loop3A_594 = tpu.vector_load %arg13[%parallel_loop3A_591, %parallel_loop3A_592, %parallel_loop3A_593] {strides = array<i32>} : memref<7x7x256xf32, #tpu.memory_space<vmem>>, vector<1x1x16xf32>,
          %parallel_loop3A_595 = vector.shape_cast %parallel_loop3A_594 : vector<1x1x16xf32> to vector<16xf32>
          %parallel_loop3A_596 = vector.shape_cast %parallel_loop3A_578 : vector<16xf32> to vector<1x1x16xf32>
          tpu.vector_store %arg13[%parallel_loop3A_591, %parallel_loop3A_592, %parallel_loop3A_593], %parallel_loop3A_596 {strides = array<i32>} : memref<7x7x256xf32, #tpu.memory_space<vmem>>, vector<1x1x16xf32>,
        } {sc.loop_unroll_factor = 4 : i64, sc.parallel_access}
      }
      %scan3A_49 = arith.constant 7 : i32
      %dma_start3A = arith.constant 0 : i32
      %dma_start3A_50 = arith.constant 0 : i32
      %dma_start3A_51 = arith.constant 0 : i32
      %dma_start3A_52 = tpu.memref_slice %arg10[%min3A_20, %dma_start3A, %dma_start3A_50, %dma_start3A_51] : memref<1000x7x7x256xf32, #tpu.memory_space<hbm>> -> memref<1x7x7x256xf32, #tpu.memory_space<hbm>>
      %dma_start3A_53 = tpu.memref_squeeze %dma_start3A_52 : memref<1x7x7x256xf32, #tpu.memory_space<hbm>> -> memref<7x7x256xf32, #tpu.memory_space<hbm>>
      %dma_start3A_54 = arith.constant 0 : i32
      %dma_start3A_55 = arith.constant 0 : i32
      %dma_start3A_56 = arith.constant 0 : i32
      %dma_start3A_57 = tpu.memref_slice %arg10[%min3A_20, %dma_start3A_54, %dma_start3A_55, %dma_start3A_56] : memref<1000x7x7x256xf32, #tpu.memory_space<hbm>> -> memref<1x7x7x256xf32, #tpu.memory_space<hbm>>
      %dma_start3A_58 = tpu.memref_squeeze %dma_start3A_57 : memref<1x7x7x256xf32, #tpu.memory_space<hbm>> -> memref<7x7x256xf32, #tpu.memory_space<hbm>>
      tpu.enqueue_dma source(%arg13 : memref<7x7x256xf32, #tpu.memory_space<vmem>>) target(%dma_start3A_58 : memref<7x7x256xf32, #tpu.memory_space<hbm>>) target_semaphore(%arg18 : memref<!tpu.dma_semaphore, #tpu.memory_space<semaphore_mem>>)
    }
    %scan3A_7 = arith.constant 32 : i32
    %dma_wait3A = arith.constant 0 : i32
    %dma_wait3A_8 = arith.constant 0 : i32
    %dma_wait3A_9 = arith.constant 0 : i32
    %dma_wait3A_10 = arith.constant 0 : i32
    %dma_wait3A_11 = tpu.memref_slice %arg10[%dma_wait3A, %dma_wait3A_8, %dma_wait3A_9, %dma_wait3A_10] : memref<1000x7x7x256xf32, #tpu.memory_space<hbm>> -> memref<1x7x7x256xf32, #tpu.memory_space<hbm>>
    %dma_wait3A_12 = tpu.memref_squeeze %dma_wait3A_11 : memref<1x7x7x256xf32, #tpu.memory_space<hbm>> -> memref<7x7x256xf32, #tpu.memory_space<hbm>>
    %dma_wait3A_13 = arith.constant 0 : i32
    %dma_wait3A_14 = arith.constant 0 : i32
    %dma_wait3A_15 = arith.constant 0 : i32
    %dma_wait3A_16 = tpu.memref_slice %arg10[%dma_wait3A, %dma_wait3A_13, %dma_wait3A_14, %dma_wait3A_15] : memref<1000x7x7x256xf32, #tpu.memory_space<hbm>> -> memref<1x7x7x256xf32, #tpu.memory_space<hbm>>
    %dma_wait3A_17 = tpu.memref_squeeze %dma_wait3A_16 : memref<1x7x7x256xf32, #tpu.memory_space<hbm>> -> memref<7x7x256xf32, #tpu.memory_space<hbm>>
    tpu.wait_dma2 semaphore(%arg18 : memref<!tpu.dma_semaphore, #tpu.memory_space<semaphore_mem>>) src(%arg13 : memref<7x7x256xf32, #tpu.memory_space<vmem>>) dst(%dma_wait3A_17 : memref<7x7x256xf32, #tpu.memory_space<hbm>>)
    return
  }
}

</mosaic_0001>

<sc_bundles>
// kernel: kernel.3.cloned.1.call-start
scs
__scs_entry_jumppad:
0x0: {  	(pc) =	sbr.rel $0x88, $3  }
0x1: {  	(tag) =	ssettag $0x0;
	lr =	simm.s32 $0x1  }
0x2: {  	[smem:$0x3F9B] =	sst lr;
	_ =	strace $0xD0000000  }
0x3: {  	_ = 	snop  }
0x4: {  	_ = 	snop  }
0x5: {  	_ = 	snop  }
0x6: {  	_ = 	snop  }
0x7: {  	_ = 	snop  }
__scs_overlays_trampoline_lowered:
0x8: {  	[smem:$0x3FAA] =	sst s0  }
0x9: {  	[smem:$0x3FAB] =	sst s1  }
0xa: {  	[smem:$0x3FAC] =	sst s2  }
0xb: {  	[smem:$0x3FAD] =	sst s3  }
0xc: {  	[smem:$0x3FAE] =	sst s4  }
0xd: {  	[smem:$0x3FAF] =	sst s5  }
0xe: {  	[smem:$0x3FB0] =	sst s6  }
0xf: {  	[smem:$0x3FB1] =	sst s7  }
0x10: {  	[smem:$0x3FB2] =	sst s8  }
0x11: {  	[smem:$0x3FB3] =	sst s9;
	s0 =	simm.s32 @!p0 $0x0  }
0x12: {  	s1 =	sld [smem:$0x3F99];
	s0 =	simm.s32 @p0 $0x1  }
0x13: {  	[smem:$0x3FB4] =	sst s0;
	s0 =	simm.s32 @!p1 $0x0  }
0x14: {  	s2 =	sld [smem:$0x3F98];
	s0 =	simm.s32 @p1 $0x1  }
0x15: {  	[smem:$0x3FB5] =	sst s0;
	s0 =	simm.s32 @!p2 $0x0  }
0x16: {  	s3 =	sld [smem:$0x3FDB];
	s0 =	simm.s32 @p2 $0x1  }
0x17: {  	s4 =	simm.s32 $0x1BF5;
	[smem:$0x3FB7] =	sst s0  }
0x18: {  	s0 =	sld [smem:$0x3F9A];
	_ =	swait.ge [sflag:s4], $0x0  }
0x19: {  	s7 =	sld [smem:$0x3F9B]  }
0x1a: {  	s8 =	sadd.s32 $0xFFFFE003, lr  }
0x1b: {  	s9 =	sadd.s32 $0xFFFFFEF7, lr;
	s5 =	simm.s32 $0xFFFFFFFF;
	p2 =	slt.u32 s8, $0xFFFFF086  }
0x1c: {  	p1 =	slt.u32 s9, $0xF7A;
	s5 =	simm.s32 @!p2 $0x0  }
0x1d: {  	s5 =	simm.s32 @p1 $0x1;
	p0 =	seq.s32 s7, s2  }
0x1e: {  	s7 =	smul.u32 @!p0 $0xF7A, s2;
	p2 =	seq.s32 @!p0 s5, $0x0  }
0x1f: {  	s9 =	smul.u32 $0xF7A, s1;
	s8 =	simm.s32 @!p0 $0x1BF5;
	p2 =	por !p2, p0  }
0x20: {  	[sflag:s8] =	ssyncset.s32 @!p0 $0xFFFFF086;
	s6 =	sadd.s32 @!p0 s3, s7;
	s7 =	simm.s32 @!p0 $0x108  }
0x21: {  	s3 =	sadd.s32 s3, s9;
	s6 =	sadd.s32 @!p0 $0x88, s6;
	s7 =	simm.s32 @p2 $0x1082  }
0x22: {  	[simem:s7], [sflag:s8] =	dma.local @!p0 [hbm:s6], $0xF7A  }
0x23: {  	s9 =	sor.u32 $0xD0000000, s2;
	s6 =	simm.s32 $0x108;
	_ =	swait.ge @!p0 [sflag:s8], $0x0  }
0x24: {  	s3 =	sadd.s32 $0x88, s3;
	s6 =	simm.s32 @!p1 $0x1082;
	[sflag:s4] =	ssyncset.s32 $0xFFFFF086  }
0x25: {  	[simem:s6], [sflag:s4] =	dma.local [hbm:s3], $0xF7A  }
0x26: {  	[smem:$0x3F9B] =	sst s1;
	(tag) =	ssettag s2;
	_ =	strace s9  }
0x27: {  	s1 =	sld [smem:$0x3FAB]  }
0x28: {  	s2 =	sld [smem:$0x3FAC]  }
0x29: {  	s4 =	sld [smem:$0x3FAE]  }
0x2a: {  	p0 =	seq.s32 s5, $0x0;
	s5 =	sld [smem:$0x3FAF]  }
0x2b: {  	s6 =	sld [smem:$0x3FB0]  }
0x2c: {  	s7 =	sld [smem:$0x3FB1]  }
0x2d: {  	s3 =	simm.s32 $0x108;
	s8 =	sld [smem:$0x3FB2]  }
0x2e: {  	s3 =	simm.s32 @!p0 $0x1082;
	s9 =	sld [smem:$0x3FB3]  }
0x2f: {  	lr =	sadd.s32 s0, s3;
	s0 =	sld [smem:$0x3FAA]  }
0x30: {  	s3 =	sld [smem:$0x3FAD]  }
0x31: {  	[smem:$0x3FB6] =	sst s10  }
0x32: {  	s10 =	sld [smem:$0x3FB4];
	_ =	sdelay $0x3  }
0x33: {  	p0 =	seq.s32 s10, $0x1;
	s10 =	sld [smem:$0x3FB6];
	_ =	sdelay $0x3  }
0x34: {  	[smem:$0x3FB6] =	sst s10  }
0x35: {  	s10 =	sld [smem:$0x3FB5];
	_ =	sdelay $0x3  }
0x36: {  	p1 =	seq.s32 s10, $0x1;
	s10 =	sld [smem:$0x3FB6];
	_ =	sdelay $0x3  }
0x37: {  	[smem:$0x3FB6] =	sst s10  }
0x38: {  	s10 =	sld [smem:$0x3FB7]  }
0x39: {  	_ = 	snop;
	(pc) =	sbr.ind lr, $3  }
0x3a: {  	_ = 	snop  }
0x3b: {  	_ = 	snop  }
0x3c: {  	p2 =	seq.s32 s10, $0x1;
	s10 =	sld [smem:$0x3FB6]  }
0x3d: {  	_ =	shalt  }
0x3e: {  	_ =	shalt  }
0x3f: {  	_ =	shalt  }
0x40: {  	_ =	shalt  }
0x41: {  	_ =	shalt  }
0x42: {  	_ =	shalt  }
0x43: {  	_ =	shalt  }
0x44: {  	_ =	shalt  }
0x45: {  	_ =	shalt  }
0x46: {  	_ =	shalt  }
0x47: {  	_ =	shalt  }
0x48: {  	_ =	shalt  }
0x49: {  	_ =	shalt  }
0x4a: {  	_ =	shalt  }
0x4b: {  	_ =	shalt  }
0x4c: {  	_ =	shalt  }
0x4d: {  	_ =	shalt  }
0x4e: {  	_ =	shalt  }
0x4f: {  	_ =	shalt  }
0x50: {  	_ =	shalt  }
0x51: {  	_ =	shalt  }
0x52: {  	_ =	shalt  }
0x53: {  	_ =	shalt  }
0x54: {  	_ =	shalt  }
0x55: {  	_ =	shalt  }
0x56: {  	_ =	shalt  }
0x57: {  	_ =	shalt  }
0x58: {  	_ =	shalt  }
0x59: {  	_ =	shalt  }
0x5a: {  	_ =	shalt  }
0x5b: {  	_ =	shalt  }
0x5c: {  	_ =	shalt  }
0x5d: {  	_ =	shalt  }
0x5e: {  	_ =	shalt  }
0x5f: {  	_ =	shalt  }
0x60: {  	_ =	shalt  }
0x61: {  	_ =	shalt  }
0x62: {  	_ =	shalt  }
0x63: {  	_ =	shalt  }
0x64: {  	_ =	shalt  }
0x65: {  	_ =	shalt  }
0x66: {  	_ =	shalt  }
0x67: {  	_ =	shalt  }
0x68: {  	_ =	shalt  }
0x69: {  	_ =	shalt  }
0x6a: {  	_ =	shalt  }
0x6b: {  	_ =	shalt  }
0x6c: {  	_ =	shalt  }
0x6d: {  	_ =	shalt  }
0x6e: {  	_ =	shalt  }
0x6f: {  	_ =	shalt  }
0x70: {  	_ =	shalt  }
0x71: {  	_ =	shalt  }
0x72: {  	_ =	shalt  }
0x73: {  	_ =	shalt  }
0x74: {  	_ =	shalt  }
0x75: {  	_ =	shalt  }
0x76: {  	_ =	shalt  }
0x77: {  	_ =	shalt  }
0x78: {  	_ =	shalt  }
0x79: {  	_ =	shalt  }
0x7a: {  	_ =	shalt  }
0x7b: {  	_ =	shalt  }
0x7c: {  	_ =	shalt  }
0x7d: {  	_ =	shalt  }
0x7e: {  	_ =	shalt  }
0x7f: {  	_ =	shalt  }
0x80: {  	_ =	shalt  }
0x81: {  	_ =	shalt  }
0x82: {  	_ =	shalt  }
0x83: {  	_ =	shalt  }
0x84: {  	_ =	shalt  }
0x85: {  	_ =	shalt  }
0x86: {  	_ =	shalt  }
0x87: {  	_ =	shalt  }
.Lfunc_end0:
.L_simem_size_0:
called_computation_lowered:
.L_overlay_start_0:
0x88: {  	s2 =	sld [smem:$0x3FD9]  }
0x89: {  	s3 =	sld [smem:$0x3FFE];
	_ =	sdelay $0x1  }
0x8a: {  	s1 =	srdreg.scid  }
0x8b: {  	s0 =	sand.u32 $0x1, s1  }
0x8c: {  	s17 =	sshll.u32 s0, $0xA;
	s2 =	sadd.s32 s3, s2  }
0x8d: {  	s2 =	sadd.s32 s2, s17  }
0x8e: {  	[smem:$0x3FC2] =	sst s2  }
0x8f: {  	_ = 	snop  }
0x90: {  	s2 =	sld [smem:$0x3FD0];
	(tm) =	ssettm $0x1  }
0x91: {  	s18 =	sld [smem:$0x3FFB];
	_ =	sdelay $0x3  }
0x92: {  	_ =	strace s18  }
0x93: {  	s3 =	sld [smem:$0x3FFC];
	_ =	sdelay $0x3  }
0x94: {  	_ =	strace s3  }
0x95: {  	s3 =	sld [smem:$0x3FFD];
	_ =	sdelay $0x3  }
0x96: {  	_ =	strace s3  }
0x97: {  	_ =	strace $0x8FFFFFFF  }
0x98: {  	s19 =	sld [smem:$0x3FDB];
	_ =	sdelay $0x1  }
0x99: {  	s4 =	simm.s32 $_scs_section_size  }
0x9a: {  	s5 =	simm.s32 $_size__tile_overlayer_lowered;
	s6 =	simm.s32 $_tile_overlayer_lowered  }
0x9b: {  	s22 =	simm.s32 $0x1BFF;
	s21 =	sshll.u32 s6, $0x1;
	s3 =	sadd.s32 s4, s19  }
0x9c: {  	s7 =	simm.s32 $0x0;
	s20 =	sshll.u32 s5, $0x1;
	s5 =	sadd.s32 s21, s3  }
0x9d: {  	[timem:s7], [sflag:s22] =	dma.local [hbm:s5], s20  }
0x9e: {  	_ =	swait.ge [sflag:s22], s20  }
0x9f: {  	s4 =	ssub.s32 $0x0, s20;
	[sflag:s22] =	ssyncset.done $0x0  }
0xa0: {  	[sflag:s22] =	ssyncadd.s32 s4;
	_ =	sdelay $0x1  }
0xa1: {  	s23 =	simm.s32 $0x1B8B  }
0xa2: {  	_ =	swait.ge [sflag:s23], $0x1  }
0xa3: {  	[sflag:s23] =	ssyncset.done $0x0  }
0xa4: {  	s25 =	simm.s32 $0x1B8E;
	s24 =	sld [smem:$0x3FFE];
	[sflag:s23] =	ssyncadd.s32 $0xFFFFFFFF  }
0xa5: {  	s26 =	simm.s32 $execute0_lowered;
	[smem:$0x3FD2] =	sst s25  }
0xa6: {  	s5 =	sshll.u32 s26, $0x1;
	_ =	strace $0x80000046;
	[dreg:$0x1] =	wrdreg $0xFFFFFFFF  }
0xa7: {  	s28 =	simm.s32 $_size_execute0_lowered;
	s3 =	sadd.s32 s3, s5;
	[dreg:$0x0] =	wrdreg $0x0  }
0xa8: {  	s5 =	sshll.u32 s28, $0x1;
	[dreg:$0x2] =	wrdreg s3  }
0xa9: {  	[dreg:$0x3] =	wrdreg s5  }
0xaa: {  	[dreg:$0x4] =	wrdreg $0xC0  }
0xab: {  	_ =	task [dreg:s7], $0x5FFFF  }
0xac: {  	[dreg:$0x1] =	wrdreg $0xFFFFFFFF  }
0xad: {  	[dreg:$0x0] =	wrdreg $0x60  }
0xae: {  	[dreg:$0x2] =	wrdreg s2  }
0xaf: {  	[dreg:$0x3] =	wrdreg s24  }
0xb0: {  	[dreg:$0x4] =	wrdreg $0x9  }
0xb1: {  	_ =	task.clear_ibuf [dreg:s7], $0x5FFFF;
	_ =	strace $0x90000046  }
0xb2: {  	s29 =	simm.s32 $0x9;
	_ =	strace $0x80000048  }
0xb3: {  	_ =	swait.ge [sflag:s29], $0x1  }
0xb4: {  	[sflag:s29] =	ssyncadd.s32 $0xFFFFFFFF  }
0xb5: {  	_ =	strace $0x90000048  }
0xb6: {  	_ =	sfence  }
0xb7: {  	s30 =	sld [smem:$0x0];
	_ =	sdelay $0x2  }
0xb8: {  	s31 =	sshll.u32 s1, $0xD;
	s1 =	sshrl.u32 s1, $0x2  }
0xb9: {  	s3 =	sand.u32 $0x4000, s31;
	s1 =	sadd.s32 s1, s30  }
0xba: {  	s0 =	sor.u32 s3, s0;
	s1 =	sshll.u32 s1, $0x11  }
0xbb: {  	s0 =	sor.u32 s1, s0  }
0xbc: {  	s0 =	sadd.s32 $0x8F2B, s0  }
0xbd: {  	[sflag:s0] =	ssyncadd.remote.s32 $0x1  }
0xbe: {  	_ =	sfence.sel $0xFFFF  }
0xbf: {  	[dreg:$0x0] =	wrdreg $0xFFFFFFFF;
	(pc) =	sbr.abs _section_cstart, $3  }
0xc0: {  	[dreg:$0x1] =	wrdreg $0xFFFFFFFF  }
0xc1: {  	_ =	task.clear_ibuf [dreg:s7], $0x2FFFF;
	_ =	strace $0x9FFFFFFF  }
0xc2: {  	(tm) =	ssettm $0x7FFFFFFF  }
0xc3: {  	_ =	shalt  }
tec
execute0_lowered:
.L_overlay_start_1:
0x0: {  	(tag) =	ssettag $0x1  }
0x1: {  	s1 =	rddreg [dreg:$0x0]  }
0x2: {  	s0 =	rddreg [dreg:$0x1]  }
0x3: {  	s8 =	simm.s32 $0x0;
	s2 =	srdreg.scid;
	s3 =	stileid.u32  }
0x4: {  	[smem:$0x7FF] =	sst s8;
	s2 =	sand.u32 $0x1, s2;
	s6 =	sshll.u32 s3, $0x6  }
0x5: {  	s4 =	sadd.s32 $0x29E00, s0;
	s5 =	sadd.s32 $0x69E00, s0;
	s25 =	sadd.s32 $0x1C00, s0  }
0x6: {  	_ =	strace $0x80000047;
	s7 =	sshll.u32 s2, $0x5;
	[dreg:$0x4] =	wrdreg s25  }
0x7: {  	s2 =	ssub.s32 $0x2, s2;
	s3 =	sor.u32 s7, s6;
	s7 =	sadd.s32 $0x79E00, s0  }
0x8: {  	s9 =	sshll.u32 s3, $0x4;
	[dreg:$0x3] =	wrdreg s3;
	s26 =	sshrl.u32 s3, $0x3  }
0x9: {  	s10 =	sadd.s32 s9, s0;
	s11 =	sadd.s32 s26, s0;
	s0 =	sadd.s32 $0x7DE00, s0  }
.Ltmp0:
0xa: {  	[dreg:$0x5] =	wrdreg s0;
	s29 =	sadd.s32 $0x29C00, s11;
	(pc) =	sbr.rel .LBB2_1-.Ltmp0, $4  }
0xb: {  	s28 =	sshrl.u32 s2, $0x1;
	s30 =	sadd.s32 $0x21C00, s10;
	[dreg:$0x6] =	wrdreg s29  }
0xc: {  	s0 =	ssub.s32 s2, s28;
	s31 =	sadd.s32 $0x25C00, s10;
	[dreg:$0x7] =	wrdreg s30  }
0xd: {  	[dreg:$0x8] =	wrdreg s31;
	s0 =	smax.u32 s0, $0x1  }
0xe: {  	s20 =	simm.s32 $0x1;
	s3 =	simm.s32 $0x0;
	[dreg:$0x9] =	wrdreg s0  }
.LBB2_31:
0xf: {  	s2 =	simm.s32 $0x2  }
0x10: {  	_ =	swait.ge [sflag:s2], $0x3800  }
0x11: {  	s3 =	rddreg [dreg:$0xa]  }
0x12: {  	s0 =	rddreg [dreg:$0x9];
	s3 =	sadd.s32 $0x1, s3  }
0x13: {  	p0 =	sne.s32 s3, s0  }
.Ltmp1:
0x14: {  	_ = 	snop;
	(pc) =	sbr.rel @!p0 .LBB2_32-.Ltmp1, $3  }
0x15: {  	_ =	sdelay $0x1  }
0x16: {  	[sflag:s2] =	ssyncset.done $0x0  }
0x17: {  	[sflag:s2] =	ssyncadd.s32 $0xFFFFC800  }
.LBB2_1:
0x18: {  	[dreg:$0xa] =	wrdreg s3  }
0x19: {  	s0 =	rddreg [dreg:$0x6];
	s2 =	simm.s32 $0xCC00;
	s26 =	simm.s32 $0x3  }
0x1a: {  	[tilespmem:s2], [sflag:$0x3] =	stream.linear.gather [hbm4b:s0+s8], $0x20, $0x38;
	[tilespmem:$0xCC80] =	vst v63  }
0x1b: {  	_ =	swait.ge [sflag:s26], $0x20  }
0x1c: {  	[sflag:s26] =	ssyncset.done $0x0  }
0x1d: {  	s29 =	simm.s32 $0xAC00;
	s28 =	rddreg [dreg:$0x7];
	[sflag:s26] =	ssyncadd.s32 $0xFFFFFFE0  }
0x1e: {  	[tilespmem:s29], [sflag:$0x3] =	stream.linear.gather [hbm4b:s28+s8], $0x1000, $0x38;
	[tilespmem:$0xCC80] =	vst v63  }
0x1f: {  	_ =	swait.ge [sflag:s26], $0x1000  }
0x20: {  	[sflag:s26] =	ssyncset.done $0x0  }
0x21: {  	s31 =	simm.s32 $0xBC00;
	s30 =	rddreg [dreg:$0x8];
	[sflag:s26] =	ssyncadd.s32 $0xFFFFF000  }
0x22: {  	[tilespmem:s31], [sflag:$0x3] =	stream.linear.gather [hbm4b:s30+s8], $0x1000, $0x38;
	[tilespmem:$0xCC80] =	vst v63  }
0x23: {  	_ =	swait.ge [sflag:s26], $0x1000  }
0x24: {  	[sflag:s26] =	ssyncset.done $0x0  }
0x25: {  	s24 =	simm.s32 $0x0;
	[sflag:s26] =	ssyncadd.s32 $0xFFFFF000  }
.LBB2_2:
0x26: {  	s0 =	rddreg [dreg:$0x3]  }
0x27: {  	s25 =	sor.u32 s0, s24  }
0x28: {  	p0 =	slt.s32 s25, $0x3E7  }
0x29: {  	s25 =	simm.s32 @!p0 $0x3E7  }
0x2a: {  	s2 =	rddreg [dreg:$0x4];
	s30 =	sshll.u32 s25, $0x7  }
0x2b: {  	s31 =	simm.s32 $0x3;
	s0 =	sadd.s32 s2, s30  }
0x2c: {  	[tilespmem:s8], [sflag:$0x3] =	stream.linear.gather [hbm4b:s0+s8], $0x380, $0x38;
	[tilespmem:$0xCC80] =	vst v63  }
0x2d: {  	_ =	swait.ge [sflag:s31], $0x380  }
0x2e: {  	[sflag:s31] =	ssyncset.done $0x0  }
0x2f: {  	[sflag:s31] =	ssyncadd.s32 $0xFFFFFC80  }
0x30: {  	v0 =	vld [tilespmem:s24+$0xCC00];
	_ =	sdelay $0x4  }
0x31: {  	(v2sf) =	vpush v0, $0x0;
	_ =	sdelay $0xe  }
0x32: {  	s26 =	spop (v2sf)  }
0x33: {  	p1 =	sgt.s32 s26, $0x1  }
.Ltmp2:
0x34: {  	p0 =	seq.s32 s24, $0x0;
	(pc) =	sbr.rel @p1 .LBB2_7-.Ltmp2, $4  }
0x35: {  	s0 =	simm.s32 @!p0 $0x2  }
0x36: {  	_ =	swait.ge @!p0 [sflag:s0], $0x3800  }
0x37: {  	[sflag:s0] =	ssyncset.done @!p0 $0x0  }
0x38: {  	[sflag:s0] =	ssyncadd.s32 @!p0 $0xFFFFC800;
	p0 =	por $0x0, $0x0  }
0x39: {  	p1 =	seq.s32 s26, $0x0  }
.Ltmp3:
0x3a: {  	_ = 	snop;
	(pc) =	sbr.rel @p1 .LBB2_4-.Ltmp3, $1  }
0x3b: {  	_ =	sdelay $0x3  }
0x3c: {  	p1 =	seq.s32 s26, $0x1  }
.Ltmp4:
0x3d: {  	_ = 	snop;
	(pc) =	sbr.rel @!p1 .LBB2_6-.Ltmp4, $1  }
0x3e: {  	_ =	sdelay $0x3  }
.Ltmp5:
0x3f: {  	(pc) =	sbr.rel .LBB2_13-.Ltmp5, $2  }
0x40: {  	_ =	sdelay $0x2  }
0x41: {  	p1 =	por $0x1, $0x1;
	s0 =	smov.u32 s4;
	p3 =	por $0x0, $0x0  }
.LBB2_7:
0x42: {  	p1 =	seq.s32 s26, $0x3  }
.Ltmp6:
0x43: {  	_ = 	snop;
	(pc) =	sbr.rel @p1 .LBB2_11-.Ltmp6, $1  }
0x44: {  	_ =	sdelay $0x3  }
0x45: {  	p1 =	sne.s32 s26, $0x2  }
.Ltmp7:
0x46: {  	_ = 	snop;
	(pc) =	sbr.rel @p1 .LBB2_9-.Ltmp7, $1  }
0x47: {  	_ =	sdelay $0x3  }
.Ltmp8:
0x48: {  	(pc) =	sbr.rel .LBB2_13-.Ltmp8, $3  }
0x49: {  	_ =	sdelay $0x1  }
0x4a: {  	p0 =	por $0x1, $0x1  }
0x4b: {  	s0 =	smov.u32 s5;
	p3 =	por $0x0, $0x0;
	p1 =	por $0x0, $0x0  }
.LBB2_4:
.Ltmp9:
0x4c: {  	(pc) =	sbr.rel .LBB2_13-.Ltmp9, $2  }
0x4d: {  	_ =	sdelay $0x2  }
0x4e: {  	s0 =	smov.u32 s1;
	p3 =	por $0x0, $0x0;
	p1 =	por $0x0, $0x0  }
.LBB2_11:
0x4f: {  	p3 =	por $0x1, $0x1;
	s0 =	smov.u32 s7;
	p1 =	por $0x0, $0x0  }
.LBB2_13:
0x50: {  	s2 =	simm.s32 $0x70  }
0x51: {  	s3 =	simm.s32 $0x400;
	p2 =	por p0, p0;
	p0 =	por p3, p3  }
0x52: {  	[tilespmem:s3], [sflag:$0x1] =	stream.indirect.gather [hbm4b:s0+s2], $0x80, s8, s2, $0xb8;
	[tilespmem:$0xCC80] =	vst v63  }
.LBB2_14:
0x53: {  	s28 =	sshll.u32 s24, $0x7  }
0x54: {  	s0 =	sadd.s32 $0xAC00, s28  }
0x55: {  	s29 =	simm.s32 $0x0;
	v0 =	vmov s0  }
.LBB2_15:
0x56: {  	p3 =	seq.s32 s29, $0x6  }
0x57: {  	s10 =	sand.u32 $0x1, s29;
	p4 =	sne.s32 @!p3 s26, $0x0  }
0x58: {  	_ =	swait.ge [sflag:s20], $0x3800;
	s0 =	sxor.u32 @!p3 $0x1, s10;
	p4 =	por p4, p3  }
0x59: {  	[sflag:s20] =	ssyncset.done $0x0;
	s2 =	smul.u32 @!p4 $0xE000, s0  }
0x5a: {  	s11 =	sadd.s32 @!p3 $0x1, s29;
	p5 =	por !p1, p3;
	[sflag:s20] =	ssyncadd.s32 $0xFFFFC800  }
0x5b: {  	s17 =	smul.u32 @!p5 $0xE000, s0;
	s14 =	sshll.u32 @!p4 s11, $0x7;
	s2 =	sshrl.u32 @!p4 s2, $0x2  }
0x5c: {  	s16 =	simm.s32 @!p4 $0x70;
	s14 =	sand.u32 @!p4 $0x3FFFFF80, s14;
	s2 =	sor.u32 @!p4 $0x400, s2  }
0x5d: {  	[tilespmem:s2], [sflag:$0x1] =	stream.indirect.gather @!p4 [hbm4b:s1+s16], $0x80, s14, s16, $0xb8;
	[tilespmem:$0xCC80] =	vst v63  }
0x5e: {  	s2 =	sshrl.u32 @!p5 s17, $0x2;
	s14 =	sshll.u32 @!p5 s11, $0x7  }
0x5f: {  	p4 =	por !p2, p3;
	s16 =	simm.s32 @!p5 $0x70;
	p3 =	por !p0, p3  }
0x60: {  	s2 =	sor.u32 @!p5 $0x400, s2;
	s14 =	sand.u32 @!p5 $0x3FFFFF80, s14;
	s17 =	smul.u32 @!p4 $0xE000, s0  }
0x61: {  	[tilespmem:s2], [sflag:$0x1] =	stream.indirect.gather @!p5 [hbm4b:s4+s16], $0x80, s14, s16, $0xb8;
	[tilespmem:$0xCC80] =	vst v63  }
0x62: {  	s0 =	smul.u32 @!p3 $0xE000, s0;
	s14 =	sshll.u32 @!p4 s11, $0x7;
	s2 =	sshrl.u32 @!p4 s17, $0x2  }
0x63: {  	s16 =	simm.s32 @!p4 $0x70;
	s14 =	sand.u32 @!p4 $0x3FFFFF80, s14;
	s2 =	sor.u32 @!p4 $0x400, s2  }
0x64: {  	[tilespmem:s2], [sflag:$0x1] =	stream.indirect.gather @!p4 [hbm4b:s5+s16], $0x80, s14, s16, $0xb8;
	[tilespmem:$0xCC80] =	vst v63  }
0x65: {  	s22 =	sshll.u32 s29, $0x2;
	s0 =	sshrl.u32 @!p3 s0, $0x2;
	s2 =	sshll.u32 @!p3 s11, $0x7  }
0x66: {  	s0 =	sor.u32 @!p3 $0x400, s0;
	s11 =	simm.s32 @!p3 $0x70;
	s2 =	sand.u32 @!p3 $0x3FFFFF80, s2  }
0x67: {  	[tilespmem:s0], [sflag:$0x1] =	stream.indirect.gather @!p3 [hbm4b:s7+s11], $0x80, s2, s11, $0xb8;
	[tilespmem:$0xCC80] =	vst v63  }
0x68: {  	s0 =	sand.u32 $0x3FFFFFFC, s22  }
0x69: {  	v1 =	vld.idx.msk [tilespmem:v0+s0+$0x0 ss:$0x1], $0xffff;
	_ =	sdelay $0x3  }
0x6a: {  	v2 =	vld [tilespmem:s28+$0xBC00]  }
0x6b: {  	(v2sf) =	vpush v1, $0x0  }
0x6c: {  	(v2sf) =	vpush v1, $0x1  }
0x6d: {  	(v2sf) =	vpush v1, $0x2  }
0x6e: {  	(v2sf) =	vpush v1, $0x3  }
0x6f: {  	(v2sf) =	vpush v2, $0x0;
	_ =	sdelay $0x3  }
0x70: {  	(v2sf) =	vpush v2, $0x1;
	_ =	sdelay $0x3  }
0x71: {  	(v2sf) =	vpush v2, $0x2;
	_ =	sdelay $0x2  }
0x72: {  	(v2sf) =	vpush v2, $0x3;
	s14 =	spop (v2sf)  }
0x73: {  	s2 =	spop (v2sf)  }
0x74: {  	s0 =	spop (v2sf)  }
0x75: {  	s31 =	spop (v2sf)  }
0x76: {  	s10 =	smul.u32 $0xE000, s10;
	s11 =	spop (v2sf)  }
0x77: {  	s17 =	smul.f32 s11, s14  }
0x78: {  	s18 =	smul.f32 s11, s2  }
0x79: {  	s6 =	smul.f32 s11, s0  }
0x7a: {  	s16 =	spop (v2sf);
	s11 =	smul.f32 s11, s31  }
0x7b: {  	s12 =	smul.f32 s16, s14  }
0x7c: {  	s19 =	smul.f32 s16, s2  }
0x7d: {  	s9 =	smul.f32 s16, s0  }
0x7e: {  	s30 =	spop (v2sf);
	s16 =	smul.f32 s16, s31  }
0x7f: {  	s22 =	smul.f32 s30, s14  }
0x80: {  	s21 =	smul.f32 s30, s2  }
0x81: {  	s13 =	spop (v2sf);
	s3 =	smul.f32 s30, s0  }
0x82: {  	s23 =	smul.f32 s13, s14  }
0x83: {  	v2 =	vmov s17;
	s8 =	smul.f32 s13, s2  }
0x84: {  	v6 =	vmov s18;
	v10 =	vmov s6;
	v14 =	vmov s11;
	s15 =	smul.f32 s13, s0  }
0x85: {  	v3 =	vmov s12;
	v7 =	vmov s19;
	v5 =	vmov s23;
	s23 =	smul.f32 s30, s31  }
0x86: {  	v11 =	vmov s9;
	v15 =	vmov s16;
	v9 =	vmov s8;
	s8 =	smul.f32 s13, s31;
	s30 =	sshrl.u32 s10, $0x2  }
0x87: {  	v4 =	vmov s22;
	v8 =	vmov s21;
	v12 =	vmov s3;
	s9 =	sor.u32 $0x400, s30;
	s13 =	sor.u32 $0x480, s30  }
0x88: {  	v13 =	vmov s15;
	s15 =	sor.u32 $0x500, s30;
	s10 =	sor.u32 $0x580, s30;
	s16 =	sadd.s32 $0x1200, s30;
	v16 =	vmov s23;
	v17 =	vmov s8  }
0x89: {  	s17 =	sadd.s32 $0x1280, s30;
	s18 =	sadd.s32 $0x1300, s30;
	s19 =	sadd.s32 $0x1380, s30;
	v18 =	vmov s9;
	v19 =	vmov s13;
	v20 =	vmov s15  }
0x8a: {  	s21 =	sadd.s32 $0x2000, s30;
	s22 =	sadd.s32 $0x2080, s30;
	s11 =	sadd.s32 $0x2180, s30;
	v21 =	vmov s10;
	v22 =	vmov s16;
	v23 =	vmov s17  }
0x8b: {  	s12 =	sadd.s32 $0x2E00, s30;
	s23 =	sadd.s32 $0x2100, s30;
	v24 =	vmov s18;
	v25 =	vmov s19;
	v26 =	vmov s21;
	s13 =	sshll.u32 s29, $0xB  }
0x8c: {  	v27 =	vmov s22;
	s15 =	sadd.s32 $0x2E80, s30;
	v29 =	vmov s11;
	s16 =	sadd.s32 $0x2F00, s30;
	v30 =	vmov s12;
	s17 =	sand.u32 $0x3FFFF800, s13  }
0x8d: {  	s18 =	sadd.s32 $0x2F80, s30;
	v28 =	vmov s23;
	v31 =	vmov s15;
	v32 =	vmov s16;
	s19 =	sadd.s32 $0x7400, s17;
	s21 =	sadd.s32 $0x7800, s17  }
0x8e: {  	v33 =	vmov s18;
	s22 =	sadd.s32 $0x7810, s17;
	s23 =	sadd.s32 $0x7820, s17;
	s8 =	sadd.s32 $0x7830, s17;
	v1 =	vmov s19;
	v34 =	vmov s21  }
0x8f: {  	p3 =	por $0x1, $0x1;
	s16 =	simm.s32 $0x0;
	v35 =	vmov s22;
	v36 =	vmov s23;
	v37 =	vmov s8  }
.LBB2_16:
0x90: {  	v38 =	vld.idx.msk [tilespmem:v18+s16+$0x0 ss:$0x1], $0xffff  }
0x91: {  	v39 =	vld.idx.msk [tilespmem:v19+s16+$0x0 ss:$0x1], $0xffff  }
0x92: {  	v40 =	vld.idx.msk [tilespmem:v20+s16+$0x0 ss:$0x1], $0xffff  }
0x93: {  	v41 =	vld.idx.msk [tilespmem:v21+s16+$0x0 ss:$0x1], $0xffff  }
0x94: {  	v43 =	vld.idx.msk [tilespmem:v22+s16+$0x0 ss:$0x1], $0xffff  }
0x95: {  	v45 =	vld.idx.msk [tilespmem:v23+s16+$0x0 ss:$0x1], $0xffff  }
0x96: {  	v48 =	vld.idx.msk [tilespmem:v24+s16+$0x0 ss:$0x1], $0xffff  }
0x97: {  	v63 =	vld.idx.msk [tilespmem:v28+s16+$0x0 ss:$0x1], $0xffff  }
0x98: {  	v42 =	vshll.u32 v38, $0x10;
	v44 =	vshll.u32 v39, $0x10  }
0x99: {  	v38 =	vmul.f32 v38, v2;
	v39 =	vmul.f32 v39, v3;
	v46 =	vshll.u32 v40, $0x10  }
0x9a: {  	v49 =	vld.idx.msk [tilespmem:v25+s16+$0x0 ss:$0x1], $0xffff;
	v47 =	vshll.u32 v41, $0x10;
	v40 =	vmul.f32 v40, v4;
	v41 =	vmul.f32 v41, v5  }
0x9b: {  	v57 =	vmul.f32 v43, v6;
	v58 =	vshll.u32 v45, $0x10;
	v61 =	vmul.f32 v48, v8  }
0x9c: {  	v59 =	vshll.u32 v48, $0x10;
	v45 =	vmul.f32 v45, v7;
	v48 =	vmul.f32 v63, v12  }
0x9d: {  	v51 =	vld.idx.msk [tilespmem:v30+s16+$0x0 ss:$0x1], $0xffff;
	v42 =	vmul.f32 v42, v2;
	v44 =	vmul.f32 v44, v3  }
0x9e: {  	v54 =	vshll.u32 v43, $0x10;
	v52 =	vmul.f32 v46, v4;
	v53 =	vmul.f32 v47, v5  }
0x9f: {  	v62 =	vshll.u32 v49, $0x10;
	v56 =	vmul.f32 v54, v6;
	v46 =	vld.idx.msk [tilespmem:v26+s16+$0x0 ss:$0x1], $0xffff;
	v43 =	vmul.f32 v58, v7  }
0xa0: {  	v47 =	vld.idx.msk [tilespmem:v27+s16+$0x0 ss:$0x1], $0xffff;
	v60 =	vmul.f32 v59, v8;
	v54 =	vmul.f32 v62, v9;
	v38 =	vadd.f32 v39, v38  }
0xa1: {  	v62 =	vshll.u32 v63, $0x10;
	v40 =	vadd.f32 v41, v40;
	v42 =	vadd.f32 v44, v42  }
0xa2: {  	v55 =	vadd.f32 v53, v52;
	v53 =	vshll.u32 v51, $0x10;
	v38 =	vadd.f32 v57, v38  }
0xa3: {  	v52 =	vld.idx.msk [tilespmem:v33+s16+$0x0 ss:$0x1], $0xffff;
	v51 =	vmul.f32 v51, v14;
	v40 =	vadd.f32 v61, v40;
	v42 =	vadd.f32 v56, v42  }
0xa4: {  	v39 =	vadd.f32 v60, v55;
	v55 =	vmul.f32 v49, v9;
	v56 =	vshll.u32 v46, $0x10  }
0xa5: {  	v60 =	vld.idx.msk [tilespmem:v32+s16+$0x0 ss:$0x1], $0xffff;
	v50 =	vshll.u32 v47, $0x10;
	v45 =	vadd.f32 v45, v38;
	v59 =	vmul.f32 v46, v10  }
0xa6: {  	v49 =	vld.idx.msk [tilespmem:v31+s16+$0x0 ss:$0x1], $0xffff;
	v61 =	vmul.f32 v47, v11;
	v47 =	vmul.f32 v62, v12;
	v42 =	vadd.f32 v43, v42  }
0xa7: {  	v43 =	vld.idx.msk [tilespmem:v29+s16+$0x0 ss:$0x1], $0xffff;
	v57 =	vmul.f32 v56, v10;
	v58 =	vmul.f32 v50, v11;
	v39 =	vadd.f32 v54, v39  }
0xa8: {  	s17 =	sor.u32 $0x10, s16;
	v40 =	vadd.f32 v55, v40;
	v41 =	vadd.f32 v61, v59;
	v59 =	vshll.u32 v52, $0x10  }
0xa9: {  	v62 =	vld.idx.msk [tilespmem:v19+s17+$0x0 ss:$0x1], $0xffff;
	v55 =	vmul.f32 v53, v14;
	v38 =	vadd.f32 v58, v57;
	v61 =	vmul.f32 v59, v17  }
0xaa: {  	v39 =	vmax.f32 v42, v39;
	v40 =	vmax.f32 v45, v40;
	v56 =	vshll.u32 v60, $0x10  }
0xab: {  	v41 =	vadd.f32 v51, v41;
	v58 =	vshll.u32 v49, $0x10;
	v44 =	vmul.f32 v60, v16;
	v60 =	vld.idx.msk [tilespmem:v18+s17+$0x0 ss:$0x1], $0xffff  }
0xac: {  	v49 =	vmul.f32 v49, v15;
	v63 =	vshll.u32 v43, $0x10;
	v43 =	vmul.f32 v43, v13  }
0xad: {  	v38 =	vadd.f32 v55, v38;
	v57 =	vmul.f32 v56, v16;
	v55 =	vld.idx.msk [tilespmem:v21+s17+$0x0 ss:$0x1], $0xffff;
	v50 =	vmul.f32 v63, v13  }
0xae: {  	v51 =	vld.idx.msk [tilespmem:v24+s17+$0x0 ss:$0x1], $0xffff;
	v59 =	vshll.u32 v62, $0x10;
	v41 =	vadd.f32 v49, v41;
	v43 =	vadd.f32 v43, v48  }
0xaf: {  	v63 =	vmul.f32 v52, v17;
	v52 =	vld.idx.msk [tilespmem:v20+s17+$0x0 ss:$0x1], $0xffff;
	v48 =	vmul.f32 v58, v15;
	v47 =	vadd.f32 v50, v47  }
0xb0: {  	v42 =	vmul.f32 v59, v3;
	v45 =	vmul.f32 v60, v2;
	v43 =	vadd.f32 v44, v43  }
0xb1: {  	v38 =	vadd.f32 v48, v38;
	v46 =	vadd.f32 v57, v47;
	v57 =	vshll.u32 v60, $0x10  }
0xb2: {  	v44 =	vld.idx.msk [tilespmem:v22+s17+$0x0 ss:$0x1], $0xffff;
	v60 =	vmul.f32 v62, v3;
	v62 =	vshll.u32 v55, $0x10;
	v47 =	vmul.f32 v55, v5  }
0xb3: {  	v55 =	vmul.f32 v51, v8;
	v43 =	vadd.f32 v63, v43;
	v58 =	vmul.f32 v57, v2  }
0xb4: {  	v59 =	vld.idx.msk [tilespmem:v25+s17+$0x0 ss:$0x1], $0xffff;
	v57 =	vmul.f32 v52, v4;
	v46 =	vadd.f32 v61, v46;
	v61 =	vshll.u32 v52, $0x10  }
0xb5: {  	v56 =	vmul.f32 v62, v5;
	v45 =	vadd.f32 v60, v45;
	v63 =	vmul.f32 v61, v4  }
0xb6: {  	v49 =	vld.idx.msk [tilespmem:v26+s17+$0x0 ss:$0x1], $0xffff;
	v47 =	vadd.f32 v47, v57;
	v41 =	vmax.f32 v41, v43;
	v38 =	vmax.f32 v38, v46  }
0xb7: {  	v46 =	vld.idx.msk [tilespmem:v23+s17+$0x0 ss:$0x1], $0xffff;
	v38 =	vmax.f32 v39, v38;
	v39 =	vadd.f32 v42, v58;
	v58 =	vshll.u32 v44, $0x10  }
0xb8: {  	v52 =	vld.idx.msk [tilespmem:v27+s17+$0x0 ss:$0x1], $0xffff;
	v42 =	vadd.f32 v56, v63;
	v44 =	vmul.f32 v44, v6;
	v63 =	vshll.u32 v51, $0x10  }
0xb9: {  	v57 =	vld.idx.msk [tilespmem:v28+s17+$0x0 ss:$0x1], $0xffff;
	v56 =	vshll.u32 v59, $0x10;
	v60 =	vmul.f32 v58, v6;
	v54 =	vmul.f32 v63, v8  }
0xba: {  	v59 =	vmul.f32 v59, v9;
	v58 =	vadd.f32 v55, v47;
	v44 =	vadd.f32 v44, v45  }
0xbb: {  	v53 =	vld.idx.msk [tilespmem:v31+s17+$0x0 ss:$0x1], $0xffff;
	v63 =	vmul.f32 v49, v10;
	v39 =	vadd.f32 v60, v39;
	v42 =	vadd.f32 v54, v42  }
0xbc: {  	v60 =	vshll.u32 v49, $0x10;
	v61 =	vshll.u32 v46, $0x10;
	v46 =	vmul.f32 v46, v7  }
0xbd: {  	v47 =	vld.idx.msk [tilespmem:v29+s17+$0x0 ss:$0x1], $0xffff;
	v54 =	vshll.u32 v52, $0x10;
	v45 =	vadd.f32 v59, v58;
	v62 =	vmul.f32 v61, v7  }
0xbe: {  	v55 =	vld.idx.msk [tilespmem:v30+s17+$0x0 ss:$0x1], $0xffff;
	v51 =	vmul.f32 v57, v12;
	v61 =	vmul.f32 v60, v10;
	v44 =	vadd.f32 v46, v44  }
0xbf: {  	v48 =	vadd.f32 v62, v39;
	v39 =	vmul.f32 v56, v9;
	v62 =	vmul.f32 v54, v11  }
0xc0: {  	v49 =	vld.idx.msk [tilespmem:v32+s17+$0x0 ss:$0x1], $0xffff;
	v59 =	vshll.u32 v53, $0x10;
	v53 =	vmul.f32 v53, v15;
	v60 =	vmul.f32 v52, v11  }
0xc1: {  	v44 =	vmax.f32 v44, v45;
	v42 =	vadd.f32 v39, v42;
	v46 =	vadd.f32 v62, v61  }
0xc2: {  	v56 =	vld.idx.msk [tilespmem:v33+s17+$0x0 ss:$0x1], $0xffff;
	v61 =	vshll.u32 v57, $0x10;
	v62 =	vshll.u32 v47, $0x10;
	v47 =	vmul.f32 v47, v13  }
0xc3: {  	v57 =	vshll.u32 v55, $0x10;
	v55 =	vmul.f32 v55, v14;
	v52 =	vmul.f32 v61, v12  }
0xc4: {  	v39 =	vadd.f32 v60, v63;
	v54 =	vmul.f32 v62, v13;
	v63 =	vmul.f32 v57, v14  }
0xc5: {  	s10 =	sor.u32 $0x20, s16;
	v57 =	vshll.u32 v49, $0x10;
	v49 =	vmul.f32 v49, v16;
	v47 =	vadd.f32 v47, v51  }
0xc6: {  	v50 =	vadd.f32 v55, v39;
	v58 =	vmul.f32 v57, v16;
	v55 =	vld.idx.msk [tilespmem:v18+s10+$0x0 ss:$0x1], $0xffff;
	v52 =	vadd.f32 v54, v52  }
0xc7: {  	v62 =	vld.idx.msk [tilespmem:v19+s10+$0x0 ss:$0x1], $0xffff;
	v51 =	vmul.f32 v59, v15;
	v46 =	vadd.f32 v63, v46;
	v60 =	vshll.u32 v56, $0x10  }
0xc8: {  	v63 =	vmul.f32 v56, v17;
	v56 =	vld.idx.msk [tilespmem:v20+s10+$0x0 ss:$0x1], $0xffff;
	v61 =	vmul.f32 v60, v17;
	v39 =	vadd.f32 v58, v52  }
0xc9: {  	v42 =	vmax.f32 v48, v42;
	v48 =	vld.idx.msk [tilespmem:v23+s10+$0x0 ss:$0x1], $0xffff;
	v47 =	vadd.f32 v49, v47;
	v57 =	vadd.f32 v51, v46  }
0xca: {  	v58 =	vadd.f32 v61, v39;
	v39 =	vmax.f32 v40, v41;
	v40 =	vadd.f32 v53, v50  }
0xcb: {  	v51 =	vld.idx.msk [tilespmem:v21+s10+$0x0 ss:$0x1], $0xffff;
	v41 =	vadd.f32 v63, v47;
	v59 =	vshll.u32 v55, $0x10;
	v45 =	vmul.f32 v55, v2  }
0xcc: {  	v54 =	vld.idx.msk [tilespmem:v27+s10+$0x0 ss:$0x1], $0xffff;
	v61 =	vshll.u32 v62, $0x10;
	v62 =	vmul.f32 v62, v3;
	v60 =	vmul.f32 v59, v2  }
0xcd: {  	v47 =	vld.idx.msk [tilespmem:v22+s10+$0x0 ss:$0x1], $0xffff;
	v46 =	vmul.f32 v61, v3;
	v63 =	vshll.u32 v56, $0x10;
	v43 =	vmax.f32 v57, v58  }
0xce: {  	v53 =	vld.idx.msk [tilespmem:v24+s10+$0x0 ss:$0x1], $0xffff;
	v58 =	vmul.f32 v63, v4;
	v45 =	vadd.f32 v62, v45;
	v63 =	vshll.u32 v48, $0x10  }
0xcf: {  	v55 =	vld.idx.msk [tilespmem:v25+s10+$0x0 ss:$0x1], $0xffff;
	v48 =	vmul.f32 v48, v7;
	v40 =	vmax.f32 v40, v41;
	v42 =	vmax.f32 v42, v43  }
0xd0: {  	v57 =	vshll.u32 v51, $0x10;
	v43 =	vadd.f32 v46, v60;
	v60 =	vmul.f32 v56, v4  }
0xd1: {  	v51 =	vmul.f32 v51, v5;
	v40 =	vmax.f32 v44, v40;
	v59 =	vmul.f32 v57, v5  }
0xd2: {  	v50 =	vld.idx.msk [tilespmem:v26+s10+$0x0 ss:$0x1], $0xffff;
	v57 =	vmul.f32 v63, v7;
	v63 =	vshll.u32 v54, $0x10;
	v61 =	vshll.u32 v47, $0x10  }
0xd3: {  	v51 =	vadd.f32 v51, v60;
	v47 =	vmul.f32 v47, v6;
	v60 =	vmul.f32 v53, v8  }
0xd4: {  	v52 =	vmul.f32 v55, v9;
	v46 =	vadd.f32 v59, v58;
	v62 =	vmul.f32 v61, v6  }
0xd5: {  	v58 =	vshll.u32 v53, $0x10;
	v61 =	vshll.u32 v55, $0x10;
	v53 =	vld.idx.msk [tilespmem:v28+s10+$0x0 ss:$0x1], $0xffff;
	v45 =	vadd.f32 v47, v45  }
0xd6: {  	v59 =	vmul.f32 v58, v8;
	v47 =	vadd.f32 v60, v51;
	v49 =	vmul.f32 v61, v9;
	v51 =	vld.idx.msk [tilespmem:v29+s10+$0x0 ss:$0x1], $0xffff  }
0xd7: {  	v55 =	vld.idx.msk [tilespmem:v31+s10+$0x0 ss:$0x1], $0xffff;
	v61 =	vmul.f32 v63, v11;
	v43 =	vadd.f32 v62, v43;
	v62 =	vshll.u32 v50, $0x10  }
0xd8: {  	v46 =	vadd.f32 v59, v46;
	v60 =	vmul.f32 v62, v10;
	v62 =	vmul.f32 v50, v10;
	v50 =	vld.idx.msk [tilespmem:v32+s10+$0x0 ss:$0x1], $0xffff  }
0xd9: {  	v63 =	vmul.f32 v54, v11;
	v45 =	vadd.f32 v48, v45;
	v43 =	vadd.f32 v57, v43;
	v57 =	vld.idx.msk [tilespmem:v30+s10+$0x0 ss:$0x1], $0xffff  }
0xda: {  	v47 =	vadd.f32 v52, v47;
	v48 =	vadd.f32 v61, v60;
	v59 =	vshll.u32 v53, $0x10  }
0xdb: {  	v53 =	vmul.f32 v53, v12;
	v60 =	vshll.u32 v51, $0x10;
	v51 =	vmul.f32 v51, v13  }
0xdc: {  	v46 =	vadd.f32 v49, v46;
	v49 =	vadd.f32 v63, v62;
	v54 =	vmul.f32 v59, v12  }
0xdd: {  	v58 =	vld.idx.msk [tilespmem:v33+s10+$0x0 ss:$0x1], $0xffff;
	v56 =	vmul.f32 v60, v13;
	v60 =	vshll.u32 v55, $0x10;
	v51 =	vadd.f32 v51, v53  }
0xde: {  	v62 =	vshll.u32 v50, $0x10;
	v50 =	vmul.f32 v50, v16;
	v59 =	vshll.u32 v57, $0x10  }
0xdf: {  	s11 =	sor.u32 $0x30, s16;
	v57 =	vmul.f32 v57, v14;
	v54 =	vadd.f32 v56, v54;
	v63 =	vmul.f32 v62, v16  }
0xe0: {  	v55 =	vmul.f32 v55, v15;
	v56 =	vld.idx.msk [tilespmem:v19+s11+$0x0 ss:$0x1], $0xffff;
	v61 =	vmul.f32 v59, v14;
	v50 =	vadd.f32 v50, v51  }
0xe1: {  	v53 =	vmul.f32 v60, v15;
	v49 =	vadd.f32 v57, v49;
	v57 =	vld.idx.msk [tilespmem:v18+s11+$0x0 ss:$0x1], $0xffff;
	v52 =	vadd.f32 v63, v54  }
0xe2: {  	v63 =	vmul.f32 v58, v17;
	v48 =	vadd.f32 v61, v48;
	v61 =	vshll.u32 v58, $0x10;
	v58 =	vld.idx.msk [tilespmem:v20+s11+$0x0 ss:$0x1], $0xffff  }
0xe3: {  	v45 =	vmax.f32 v45, v47;
	v62 =	vmul.f32 v61, v17;
	v44 =	vadd.f32 v55, v49  }
0xe4: {  	v43 =	vmax.f32 v43, v46;
	v49 =	vadd.f32 v63, v50;
	v60 =	vadd.f32 v53, v48;
	v48 =	vld.idx.msk [tilespmem:v22+s11+$0x0 ss:$0x1], $0xffff  }
0xe5: {  	v55 =	vshll.u32 v56, $0x10;
	v51 =	vmul.f32 v56, v3;
	v61 =	vadd.f32 v62, v52;
	v52 =	vld.idx.msk [tilespmem:v21+s11+$0x0 ss:$0x1], $0xffff  }
0xe6: {  	v46 =	vmul.f32 v55, v3;
	v55 =	vld.idx.msk [tilespmem:v24+s11+$0x0 ss:$0x1], $0xffff;
	v62 =	vshll.u32 v57, $0x10;
	v47 =	vmul.f32 v57, v2  }
0xe7: {  	v41 =	vmax.f32 v60, v61;
	v63 =	vmul.f32 v62, v2;
	v57 =	vshll.u32 v58, $0x10  }
0xe8: {  	v50 =	vld.idx.msk [tilespmem:v23+s11+$0x0 ss:$0x1], $0xffff;
	v41 =	vmax.f32 v43, v41;
	v60 =	vmul.f32 v57, v4;
	v47 =	vadd.f32 v51, v47  }
0xe9: {  	v57 =	vld.idx.msk [tilespmem:v25+s11+$0x0 ss:$0x1], $0xffff;
	v43 =	vadd.f32 v46, v63;
	v63 =	vshll.u32 v48, $0x10;
	v48 =	vmul.f32 v48, v6  }
0xea: {  	v62 =	vmul.f32 v58, v4;
	v59 =	vshll.u32 v52, $0x10;
	v52 =	vmul.f32 v52, v5  }
0xeb: {  	v53 =	vld.idx.msk [tilespmem:v26+s11+$0x0 ss:$0x1], $0xffff;
	v54 =	vshll.u32 v55, $0x10;
	v61 =	vmul.f32 v59, v5;
	v47 =	vadd.f32 v48, v47  }
0xec: {  	v58 =	vmul.f32 v54, v8;
	v59 =	vmul.f32 v55, v8;
	v54 =	vld.idx.msk [tilespmem:v28+s11+$0x0 ss:$0x1], $0xffff;
	v52 =	vadd.f32 v52, v62  }
0xed: {  	v56 =	vld.idx.msk [tilespmem:v27+s11+$0x0 ss:$0x1], $0xffff;
	v46 =	vadd.f32 v61, v60;
	v60 =	vmul.f32 v63, v6;
	v61 =	vshll.u32 v50, $0x10  }
0xee: {  	v51 =	vld.idx.msk [tilespmem:v29+s11+$0x0 ss:$0x1], $0xffff;
	v63 =	vmul.f32 v61, v7;
	v48 =	vadd.f32 v59, v52;
	v61 =	vmul.f32 v57, v9  }
0xef: {  	[tilespmem:v1+s10+$0x0 ss:$0x1] =	vst.idx.msk $0xffff, v41;
	v50 =	vmul.f32 v50, v7;
	v62 =	vadd.f32 v60, v43;
	v60 =	vshll.u32 v57, $0x10  }
0xf0: {  	v55 =	vld.idx.msk [tilespmem:v31+s11+$0x0 ss:$0x1], $0xffff;
	v46 =	vadd.f32 v58, v46;
	v43 =	vmul.f32 v60, v9;
	v41 =	vadd.f32 v61, v48  }
0xf1: {  	[tilespmem:v1+s17+$0x0 ss:$0x1] =	vst.idx.msk $0xffff, v42;
	v61 =	vshll.u32 v54, $0x10;
	v54 =	vmul.f32 v54, v12;
	v42 =	vadd.f32 v63, v62  }
0xf2: {  	v57 =	vld.idx.msk [tilespmem:v30+s11+$0x0 ss:$0x1], $0xffff;
	v62 =	vshll.u32 v53, $0x10;
	v63 =	vshll.u32 v56, $0x10;
	v52 =	vmul.f32 v61, v12  }
0xf3: {  	v48 =	vld.idx.msk [tilespmem:v32+s11+$0x0 ss:$0x1], $0xffff;
	v59 =	vmul.f32 v62, v10;
	v60 =	vmul.f32 v63, v11  }
0xf4: {  	v58 =	vld.idx.msk [tilespmem:v33+s11+$0x0 ss:$0x1], $0xffff;
	v43 =	vadd.f32 v43, v46;
	v46 =	vmul.f32 v53, v10;
	v53 =	vmul.f32 v56, v11  }
0xf5: {  	[tilespmem:v35+s16+$0x0 ss:$0x1] =	vst.idx.msk $0xffff, v40;
	v62 =	vshll.u32 v51, $0x10;
	v51 =	vmul.f32 v51, v13;
	v56 =	vshll.u32 v55, $0x10  }
0xf6: {  	v47 =	vadd.f32 v50, v47;
	v63 =	vmul.f32 v62, v13;
	v40 =	vmul.f32 v56, v15  }
0xf7: {  	v50 =	vadd.f32 v60, v59;
	v60 =	vshll.u32 v57, $0x10;
	v62 =	vmul.f32 v57, v14  }
0xf8: {  	[tilespmem:v1+s16+$0x0 ss:$0x1] =	vst.idx.msk $0xffff, v38;
	v38 =	vadd.f32 v63, v52;
	v63 =	vadd.f32 v51, v54;
	v54 =	vshll.u32 v48, $0x10  }
0xf9: {  	[tilespmem:v34+s16+$0x0 ss:$0x1] =	vst.idx.msk $0xffff, v39;
	v57 =	vshll.u32 v58, $0x10;
	v61 =	vmul.f32 v60, v14;
	v51 =	vmul.f32 v54, v16  }
0xfa: {  	v46 =	vadd.f32 v53, v46;
	v48 =	vmul.f32 v48, v16;
	v59 =	vmul.f32 v57, v17  }
0xfb: {  	v60 =	vmul.f32 v55, v15;
	v50 =	vadd.f32 v61, v50;
	v38 =	vadd.f32 v51, v38  }
0xfc: {  	v46 =	vadd.f32 v62, v46;
	v39 =	vadd.f32 v48, v63;
	v61 =	vmul.f32 v58, v17  }
0xfd: {  	p4 =	por p3, p3;
	v44 =	vmax.f32 v44, v49;
	v40 =	vadd.f32 v40, v50;
	v38 =	vadd.f32 v59, v38  }
.Ltmp10:
0xfe: {  	v44 =	vmax.f32 v45, v44;
	v62 =	vadd.f32 v60, v46;
	v39 =	vadd.f32 v61, v39;
	(pc) =	sbr.rel @p4 .LBB2_16-.Ltmp10, $4  }
0xff: {  	[tilespmem:v36+s16+$0x0 ss:$0x1] =	vst.idx.msk $0xffff, v44;
	v42 =	vmax.f32 v42, v43;
	v38 =	vmax.f32 v40, v38  }
0x100: {  	v63 =	vmax.f32 v47, v41;
	v39 =	vmax.f32 v62, v39;
	v38 =	vmax.f32 v42, v38  }
0x101: {  	v39 =	vmax.f32 v63, v39;
	[tilespmem:v1+s11+$0x0 ss:$0x1] =	vst.idx.msk $0xffff, v38  }
0x102: {  	p3 =	por $0x0, $0x0;
	[tilespmem:v37+s16+$0x0 ss:$0x1] =	vst.idx.msk $0xffff, v39;
	s16 =	simm.s32 $0x40  }
0x103: {  	v2 =	vld [tilespmem:s28+$0xBC04];
	_ =	sdelay $0x4  }
0x104: {  	(v2sf) =	vpush v2, $0x0;
	_ =	sdelay $0x3  }
0x105: {  	(v2sf) =	vpush v2, $0x1;
	_ =	sdelay $0x3  }
0x106: {  	(v2sf) =	vpush v2, $0x2;
	_ =	sdelay $0x3  }
0x107: {  	(v2sf) =	vpush v2, $0x3;
	_ =	sdelay $0x2  }
0x108: {  	s3 =	spop (v2sf)  }
0x109: {  	s8 =	smul.f32 s3, s14  }
0x10a: {  	s15 =	smul.f32 s3, s2  }
0x10b: {  	s19 =	smul.f32 s3, s0  }
0x10c: {  	s6 =	spop (v2sf);
	s3 =	smul.f32 s3, s31  }
0x10d: {  	s10 =	smul.f32 s6, s14  }
0x10e: {  	s16 =	smul.f32 s6, s2  }
0x10f: {  	s21 =	smul.f32 s6, s0  }
0x110: {  	s9 =	spop (v2sf);
	s6 =	smul.f32 s6, s31  }
0x111: {  	s12 =	smul.f32 s9, s14  }
0x112: {  	s17 =	smul.f32 s9, s2  }
0x113: {  	s22 =	smul.f32 s9, s0;
	v2 =	vmov s8;
	v6 =	vmov s15  }
0x114: {  	s11 =	spop (v2sf);
	s15 =	smul.f32 s9, s31;
	v10 =	vmov s19;
	v14 =	vmov s3;
	v3 =	vmov s10  }
0x115: {  	s19 =	sadd.s32 $0x600, s30;
	s9 =	sadd.s32 $0x1400, s30;
	s13 =	smul.f32 s11, s14;
	v7 =	vmov s16;
	v11 =	vmov s21;
	v15 =	vmov s6  }
0x116: {  	s18 =	smul.f32 s11, s2;
	v18 =	vmov s19;
	v22 =	vmov s9;
	v4 =	vmov s12  }
0x117: {  	s21 =	sadd.s32 $0x680, s30;
	s10 =	sadd.s32 $0x1480, s30;
	s16 =	sadd.s32 $0x2280, s30;
	v8 =	vmov s17;
	v12 =	vmov s22;
	v16 =	vmov s15  }
0x118: {  	s23 =	smul.f32 s11, s0;
	s19 =	sadd.s32 $0x3000, s30;
	v19 =	vmov s21;
	v23 =	vmov s10;
	v27 =	vmov s16  }
0x119: {  	s22 =	sadd.s32 $0x700, s30;
	s12 =	sadd.s32 $0x1500, s30;
	s15 =	sadd.s32 $0x2200, s30;
	v30 =	vmov s19;
	v5 =	vmov s13;
	v9 =	vmov s18  }
0x11a: {  	s17 =	sadd.s32 $0x2300, s30;
	s21 =	sadd.s32 $0x3080, s30;
	s18 =	smul.f32 s11, s31;
	v13 =	vmov s23;
	v20 =	vmov s22;
	v24 =	vmov s12  }
0x11b: {  	s23 =	sadd.s32 $0x780, s30;
	s13 =	sadd.s32 $0x1580, s30;
	v26 =	vmov s15;
	v28 =	vmov s17;
	v31 =	vmov s21  }
0x11c: {  	s22 =	sadd.s32 $0x3100, s30;
	v21 =	vmov s23;
	v25 =	vmov s13;
	s23 =	sadd.s32 $0x3180, s30;
	v17 =	vmov s18;
	s18 =	sadd.s32 $0x2380, s30  }
0x11d: {  	p3 =	por $0x1, $0x1;
	s16 =	simm.s32 $0x0;
	v32 =	vmov s22;
	v33 =	vmov s23;
	v29 =	vmov s18  }
.LBB2_18:
0x11e: {  	v34 =	vld.idx.msk [tilespmem:v18+s16+$0x0 ss:$0x1], $0xffff  }
0x11f: {  	v35 =	vld.idx.msk [tilespmem:v19+s16+$0x0 ss:$0x1], $0xffff  }
0x120: {  	v36 =	vld.idx.msk [tilespmem:v20+s16+$0x0 ss:$0x1], $0xffff  }
0x121: {  	v37 =	vld.idx.msk [tilespmem:v21+s16+$0x0 ss:$0x1], $0xffff  }
0x122: {  	v39 =	vld.idx.msk [tilespmem:v22+s16+$0x0 ss:$0x1], $0xffff  }
0x123: {  	v41 =	vld.idx.msk [tilespmem:v23+s16+$0x0 ss:$0x1], $0xffff  }
0x124: {  	v44 =	vld.idx.msk [tilespmem:v24+s16+$0x0 ss:$0x1], $0xffff  }
0x125: {  	v50 =	vld.idx.msk [tilespmem:v28+s16+$0x0 ss:$0x1], $0xffff  }
0x126: {  	v38 =	vshll.u32 v34, $0x10;
	v40 =	vshll.u32 v35, $0x10;
	v34 =	vmul.f32 v34, v2  }
0x127: {  	v45 =	vld.idx.msk [tilespmem:v25+s16+$0x0 ss:$0x1], $0xffff;
	v35 =	vmul.f32 v35, v3;
	v42 =	vshll.u32 v36, $0x10;
	v36 =	vmul.f32 v36, v4  }
0x128: {  	v61 =	vld.idx.msk [tilespmem:v27+s16+$0x0 ss:$0x1], $0xffff;
	v43 =	vshll.u32 v37, $0x10;
	v37 =	vmul.f32 v37, v5;
	v59 =	vmul.f32 v39, v6  }
0x129: {  	v52 =	vld.idx.msk [tilespmem:v29+s16+$0x0 ss:$0x1], $0xffff;
	v60 =	vshll.u32 v41, $0x10;
	v48 =	vmul.f32 v44, v8;
	v41 =	vmul.f32 v41, v7  }
0x12a: {  	v47 =	vld.idx.msk [tilespmem:v30+s16+$0x0 ss:$0x1], $0xffff;
	v62 =	vshll.u32 v44, $0x10;
	v44 =	vmul.f32 v50, v12;
	v38 =	vmul.f32 v38, v2  }
0x12b: {  	v55 =	vshll.u32 v39, $0x10;
	v40 =	vmul.f32 v40, v3;
	v53 =	vmul.f32 v42, v4  }
0x12c: {  	v58 =	vld.idx.msk [tilespmem:v26+s16+$0x0 ss:$0x1], $0xffff;
	v49 =	vshll.u32 v45, $0x10;
	v54 =	vmul.f32 v43, v5;
	v57 =	vmul.f32 v55, v6  }
0x12d: {  	v46 =	vshll.u32 v61, $0x10;
	v39 =	vmul.f32 v60, v7;
	v63 =	vmul.f32 v62, v8  }
0x12e: {  	v51 =	vmul.f32 v49, v9;
	v60 =	vshll.u32 v50, $0x10;
	v62 =	vshll.u32 v52, $0x10  }
0x12f: {  	v49 =	vshll.u32 v47, $0x10;
	v34 =	vadd.f32 v35, v34;
	v36 =	vadd.f32 v37, v36  }
0x130: {  	v43 =	vmul.f32 v60, v12;
	v38 =	vadd.f32 v40, v38;
	v56 =	vadd.f32 v54, v53  }
0x131: {  	v53 =	vmul.f32 v45, v9;
	v54 =	vshll.u32 v58, $0x10;
	v34 =	vadd.f32 v59, v34  }
0x132: {  	v36 =	vadd.f32 v48, v36;
	v55 =	vmul.f32 v54, v10;
	v59 =	vmul.f32 v61, v11  }
0x133: {  	v61 =	vld.idx.msk [tilespmem:v31+s16+$0x0 ss:$0x1], $0xffff;
	v38 =	vadd.f32 v57, v38;
	v35 =	vadd.f32 v63, v56;
	v56 =	vmul.f32 v46, v11  }
0x134: {  	v48 =	vld.idx.msk [tilespmem:v33+s16+$0x0 ss:$0x1], $0xffff;
	v57 =	vmul.f32 v58, v10;
	v46 =	vmul.f32 v62, v13;
	v41 =	vadd.f32 v41, v34  }
0x135: {  	v63 =	vmul.f32 v49, v14;
	v36 =	vadd.f32 v53, v36;
	v38 =	vadd.f32 v39, v38  }
0x136: {  	v58 =	vld.idx.msk [tilespmem:v32+s16+$0x0 ss:$0x1], $0xffff;
	v35 =	vadd.f32 v51, v35;
	v34 =	vadd.f32 v56, v55;
	v39 =	vmul.f32 v52, v13  }
0x137: {  	s17 =	sor.u32 $0x10, s16;
	v47 =	vmul.f32 v47, v14;
	v37 =	vadd.f32 v59, v57;
	v43 =	vadd.f32 v46, v43  }
0x138: {  	v53 =	vld.idx.msk [tilespmem:v18+s17+$0x0 ss:$0x1], $0xffff;
	v36 =	vmax.f32 v41, v36;
	v39 =	vadd.f32 v39, v44;
	v34 =	vadd.f32 v63, v34  }
0x139: {  	v55 =	vld.idx.msk [tilespmem:v19+s17+$0x0 ss:$0x1], $0xffff;
	v37 =	vadd.f32 v47, v37;
	v51 =	vshll.u32 v61, $0x10;
	v52 =	vshll.u32 v48, $0x10  }
0x13a: {  	v57 =	vld.idx.msk [tilespmem:v20+s17+$0x0 ss:$0x1], $0xffff;
	v45 =	vmul.f32 v61, v15;
	v56 =	vmul.f32 v48, v17;
	v35 =	vmax.f32 v38, v35  }
0x13b: {  	v49 =	vshll.u32 v58, $0x10;
	v40 =	vmul.f32 v58, v16;
	v44 =	vmul.f32 v51, v15  }
0x13c: {  	v54 =	vmul.f32 v52, v17;
	v58 =	vld.idx.msk [tilespmem:v21+s17+$0x0 ss:$0x1], $0xffff;
	v50 =	vmul.f32 v49, v16;
	v37 =	vadd.f32 v45, v37  }
0x13d: {  	v59 =	vshll.u32 v53, $0x10;
	v62 =	vmul.f32 v53, v2;
	v39 =	vadd.f32 v40, v39  }
0x13e: {  	v40 =	vld.idx.msk [tilespmem:v22+s17+$0x0 ss:$0x1], $0xffff;
	v60 =	vmul.f32 v59, v2;
	v61 =	vshll.u32 v55, $0x10;
	v63 =	vmul.f32 v55, v3  }
0x13f: {  	v52 =	vshll.u32 v57, $0x10;
	v57 =	vmul.f32 v57, v4;
	v59 =	vld.idx.msk [tilespmem:v25+s17+$0x0 ss:$0x1], $0xffff;
	v42 =	vadd.f32 v50, v43  }
0x140: {  	v34 =	vadd.f32 v44, v34;
	v38 =	vmul.f32 v61, v3;
	v55 =	vmul.f32 v52, v4  }
0x141: {  	v61 =	vld.idx.msk [tilespmem:v26+s17+$0x0 ss:$0x1], $0xffff;
	v39 =	vadd.f32 v56, v39;
	v42 =	vadd.f32 v54, v42;
	v53 =	vshll.u32 v58, $0x10  }
0x142: {  	v41 =	vadd.f32 v63, v62;
	v54 =	vld.idx.msk [tilespmem:v24+s17+$0x0 ss:$0x1], $0xffff;
	v43 =	vmul.f32 v58, v5;
	v56 =	vmul.f32 v53, v5  }
0x143: {  	v37 =	vmax.f32 v37, v39;
	v34 =	vmax.f32 v34, v42;
	v58 =	vshll.u32 v40, $0x10  }
0x144: {  	v42 =	vld.idx.msk [tilespmem:v23+s17+$0x0 ss:$0x1], $0xffff;
	v43 =	vadd.f32 v43, v57;
	v40 =	vmul.f32 v40, v6;
	v57 =	vmul.f32 v59, v9  }
0x145: {  	v34 =	vmax.f32 v35, v34;
	v35 =	vadd.f32 v38, v60;
	v38 =	vadd.f32 v56, v55  }
0x146: {  	v60 =	vmul.f32 v58, v6;
	v55 =	vld.idx.msk [tilespmem:v28+s17+$0x0 ss:$0x1], $0xffff;
	v58 =	vshll.u32 v61, $0x10;
	v61 =	vmul.f32 v61, v10  }
0x147: {  	v40 =	vadd.f32 v40, v41;
	v51 =	vshll.u32 v54, $0x10;
	v53 =	vmul.f32 v54, v8  }
0x148: {  	v63 =	vld.idx.msk [tilespmem:v27+s17+$0x0 ss:$0x1], $0xffff;
	v35 =	vadd.f32 v60, v35;
	v54 =	vshll.u32 v59, $0x10;
	v52 =	vmul.f32 v51, v8  }
0x149: {  	v51 =	vld.idx.msk [tilespmem:v30+s17+$0x0 ss:$0x1], $0xffff;
	v62 =	vshll.u32 v42, $0x10;
	v42 =	vmul.f32 v42, v7;
	v56 =	vadd.f32 v53, v43  }
0x14a: {  	v59 =	vmul.f32 v58, v10;
	v43 =	vld.idx.msk [tilespmem:v29+s17+$0x0 ss:$0x1], $0xffff;
	v50 =	vmul.f32 v62, v7;
	v38 =	vadd.f32 v52, v38  }
0x14b: {  	v47 =	vmul.f32 v55, v12;
	v40 =	vadd.f32 v42, v40;
	v41 =	vadd.f32 v57, v56  }
0x14c: {  	v49 =	vld.idx.msk [tilespmem:v31+s17+$0x0 ss:$0x1], $0xffff;
	v56 =	vshll.u32 v55, $0x10;
	v44 =	vadd.f32 v50, v35;
	v35 =	vmul.f32 v54, v9  }
0x14d: {  	v62 =	vld.idx.msk [tilespmem:v32+s17+$0x0 ss:$0x1], $0xffff;
	v50 =	vshll.u32 v63, $0x10;
	v63 =	vmul.f32 v63, v11;
	v48 =	vmul.f32 v56, v12  }
0x14e: {  	v52 =	vld.idx.msk [tilespmem:v33+s17+$0x0 ss:$0x1], $0xffff;
	v60 =	vmul.f32 v50, v11;
	v53 =	vshll.u32 v51, $0x10;
	v51 =	vmul.f32 v51, v14  }
0x14f: {  	v40 =	vmax.f32 v40, v41;
	v38 =	vadd.f32 v35, v38;
	v57 =	vshll.u32 v43, $0x10  }
0x150: {  	s10 =	sor.u32 $0x20, s16;
	v43 =	vmul.f32 v43, v13;
	v35 =	vadd.f32 v63, v61;
	v58 =	vmul.f32 v53, v14  }
0x151: {  	v56 =	vld.idx.msk [tilespmem:v19+s10+$0x0 ss:$0x1], $0xffff;
	v61 =	vshll.u32 v49, $0x10;
	v49 =	vmul.f32 v49, v15;
	v42 =	vadd.f32 v60, v59  }
0x152: {  	v50 =	vmul.f32 v57, v13;
	v59 =	vshll.u32 v62, $0x10;
	v45 =	vmul.f32 v62, v16  }
0x153: {  	v62 =	vshll.u32 v52, $0x10;
	v57 =	vmul.f32 v52, v17;
	v52 =	vld.idx.msk [tilespmem:v20+s10+$0x0 ss:$0x1], $0xffff;
	v43 =	vadd.f32 v43, v47  }
0x154: {  	v46 =	vadd.f32 v51, v35;
	v60 =	vmul.f32 v59, v16;
	v51 =	vld.idx.msk [tilespmem:v18+s10+$0x0 ss:$0x1], $0xffff;
	v47 =	vmul.f32 v61, v15  }
0x155: {  	v63 =	vmul.f32 v62, v17;
	v48 =	vadd.f32 v50, v48;
	v42 =	vadd.f32 v58, v42  }
0x156: {  	v53 =	vshll.u32 v56, $0x10;
	v55 =	vmul.f32 v56, v3;
	v43 =	vadd.f32 v45, v43  }
0x157: {  	v39 =	vmul.f32 v53, v3;
	v35 =	vadd.f32 v60, v48;
	v58 =	vadd.f32 v47, v42;
	v47 =	vld.idx.msk [tilespmem:v21+s10+$0x0 ss:$0x1], $0xffff  }
0x158: {  	v60 =	vmax.f32 v44, v38;
	v42 =	vld.idx.msk [tilespmem:v22+s10+$0x0 ss:$0x1], $0xffff;
	v43 =	vadd.f32 v57, v43;
	v56 =	vshll.u32 v52, $0x10  }
0x159: {  	v44 =	vld.idx.msk [tilespmem:v23+s10+$0x0 ss:$0x1], $0xffff;
	v59 =	vadd.f32 v63, v35;
	v62 =	vshll.u32 v51, $0x10;
	v54 =	vmul.f32 v51, v2  }
0x15a: {  	v35 =	vmax.f32 v36, v37;
	v37 =	vadd.f32 v49, v46;
	v63 =	vmul.f32 v62, v2  }
0x15b: {  	v61 =	vmax.f32 v58, v59;
	v59 =	vmul.f32 v56, v4;
	v41 =	vadd.f32 v55, v54  }
0x15c: {  	v46 =	vld.idx.msk [tilespmem:v26+s10+$0x0 ss:$0x1], $0xffff;
	v37 =	vmax.f32 v37, v43;
	v36 =	vmax.f32 v60, v61;
	v57 =	vshll.u32 v47, $0x10  }
0x15d: {  	v58 =	vld.idx.msk [tilespmem:v24+s10+$0x0 ss:$0x1], $0xffff;
	v38 =	vadd.f32 v39, v63;
	v61 =	vmul.f32 v52, v4;
	v47 =	vmul.f32 v47, v5  }
0x15e: {  	v50 =	vld.idx.msk [tilespmem:v27+s10+$0x0 ss:$0x1], $0xffff;
	v62 =	vshll.u32 v42, $0x10;
	v42 =	vmul.f32 v42, v6;
	v54 =	vshll.u32 v44, $0x10  }
0x15f: {  	v63 =	vld.idx.msk [tilespmem:v25+s10+$0x0 ss:$0x1], $0xffff;
	v44 =	vmul.f32 v44, v7;
	v37 =	vmax.f32 v40, v37;
	v53 =	vmul.f32 v62, v6  }
0x160: {  	v60 =	vmul.f32 v57, v5;
	v55 =	vmul.f32 v54, v7;
	v47 =	vadd.f32 v47, v61  }
0x161: {  	v41 =	vadd.f32 v42, v41;
	v62 =	vshll.u32 v46, $0x10;
	v38 =	vadd.f32 v53, v38  }
0x162: {  	v49 =	vld.idx.msk [tilespmem:v28+s10+$0x0 ss:$0x1], $0xffff;
	v39 =	vadd.f32 v60, v59;
	v56 =	vshll.u32 v58, $0x10;
	v58 =	vmul.f32 v58, v8  }
0x163: {  	v53 =	vld.idx.msk [tilespmem:v30+s10+$0x0 ss:$0x1], $0xffff;
	v41 =	vadd.f32 v44, v41;
	v57 =	vmul.f32 v56, v8;
	v38 =	vadd.f32 v55, v38  }
0x164: {  	v59 =	vshll.u32 v63, $0x10;
	v61 =	vmul.f32 v63, v9;
	v63 =	vshll.u32 v50, $0x10  }
0x165: {  	v51 =	vld.idx.msk [tilespmem:v31+s10+$0x0 ss:$0x1], $0xffff;
	v56 =	vmul.f32 v62, v10;
	v60 =	vadd.f32 v58, v47;
	v45 =	vmul.f32 v59, v9  }
0x166: {  	v47 =	vld.idx.msk [tilespmem:v29+s10+$0x0 ss:$0x1], $0xffff;
	v58 =	vmul.f32 v46, v10;
	v39 =	vadd.f32 v57, v39;
	v57 =	vmul.f32 v63, v11  }
0x167: {  	v59 =	vld.idx.msk [tilespmem:v32+s10+$0x0 ss:$0x1], $0xffff;
	v42 =	vadd.f32 v61, v60;
	v60 =	vmul.f32 v50, v11;
	v61 =	vshll.u32 v49, $0x10  }
0x168: {  	v54 =	vld.idx.msk [tilespmem:v33+s10+$0x0 ss:$0x1], $0xffff;
	v49 =	vmul.f32 v49, v12;
	v55 =	vshll.u32 v53, $0x10;
	v53 =	vmul.f32 v53, v14  }
0x169: {  	v39 =	vadd.f32 v45, v39;
	v44 =	vadd.f32 v57, v56;
	v50 =	vmul.f32 v61, v12  }
0x16a: {  	s11 =	sor.u32 $0x30, s16;
	v63 =	vmul.f32 v55, v14;
	v45 =	vadd.f32 v60, v58;
	v58 =	vshll.u32 v51, $0x10  }
0x16b: {  	v61 =	vld.idx.msk [tilespmem:v19+s11+$0x0 ss:$0x1], $0xffff;
	v51 =	vmul.f32 v51, v15;
	v62 =	vshll.u32 v47, $0x10;
	v47 =	vmul.f32 v47, v13  }
0x16c: {  	v56 =	vshll.u32 v59, $0x10;
	v44 =	vadd.f32 v63, v44;
	v46 =	vmul.f32 v59, v16  }
0x16d: {  	v59 =	vshll.u32 v54, $0x10;
	v52 =	vmul.f32 v62, v13;
	v45 =	vadd.f32 v53, v45;
	v53 =	vld.idx.msk [tilespmem:v18+s11+$0x0 ss:$0x1], $0xffff  }
0x16e: {  	v57 =	vmul.f32 v56, v16;
	v62 =	vmul.f32 v54, v17;
	v54 =	vld.idx.msk [tilespmem:v20+s11+$0x0 ss:$0x1], $0xffff;
	v47 =	vadd.f32 v47, v49  }
0x16f: {  	v60 =	vmul.f32 v59, v17;
	v49 =	vmul.f32 v58, v15;
	v50 =	vadd.f32 v52, v50  }
0x170: {  	v40 =	vadd.f32 v51, v45;
	v59 =	vshll.u32 v61, $0x10;
	v52 =	vld.idx.msk [tilespmem:v23+s11+$0x0 ss:$0x1], $0xffff;
	v46 =	vadd.f32 v46, v47  }
0x171: {  	v61 =	vmul.f32 v61, v3;
	v63 =	vadd.f32 v49, v44;
	v49 =	vld.idx.msk [tilespmem:v24+s11+$0x0 ss:$0x1], $0xffff;
	v48 =	vadd.f32 v57, v50  }
0x172: {  	v43 =	vmul.f32 v59, v3;
	v50 =	vld.idx.msk [tilespmem:v26+s11+$0x0 ss:$0x1], $0xffff;
	v45 =	vadd.f32 v62, v46;
	v57 =	vshll.u32 v53, $0x10  }
0x173: {  	v46 =	vld.idx.msk [tilespmem:v22+s11+$0x0 ss:$0x1], $0xffff;
	v44 =	vmul.f32 v53, v2;
	v55 =	vadd.f32 v60, v48;
	v60 =	vshll.u32 v54, $0x10  }
0x174: {  	v38 =	vmax.f32 v38, v39;
	v48 =	vld.idx.msk [tilespmem:v21+s11+$0x0 ss:$0x1], $0xffff;
	v58 =	vmul.f32 v57, v2;
	v47 =	vmul.f32 v60, v4  }
0x175: {  	v44 =	vadd.f32 v61, v44;
	v61 =	vshll.u32 v52, $0x10;
	v52 =	vmul.f32 v52, v7  }
0x176: {  	v56 =	vmax.f32 v63, v55;
	v63 =	vmul.f32 v54, v4;
	v39 =	vadd.f32 v43, v58  }
0x177: {  	v55 =	vld.idx.msk [tilespmem:v25+s11+$0x0 ss:$0x1], $0xffff;
	v60 =	vshll.u32 v49, $0x10;
	v49 =	vmul.f32 v49, v8;
	v38 =	vmax.f32 v38, v56  }
0x178: {  	v57 =	vshll.u32 v46, $0x10;
	v46 =	vmul.f32 v46, v6;
	[tilespmem:v1+s10+$0x80 ss:$0x1] =	vst.idx.msk $0xffff, v38;
	v38 =	vmul.f32 v50, v10  }
0x179: {  	v53 =	vld.idx.msk [tilespmem:v29+s11+$0x0 ss:$0x1], $0xffff;
	v62 =	vshll.u32 v48, $0x10;
	v58 =	vmul.f32 v48, v5;
	v59 =	vmul.f32 v57, v6  }
0x17a: {  	v41 =	vmax.f32 v41, v42;
	v56 =	vld.idx.msk [tilespmem:v31+s11+$0x0 ss:$0x1], $0xffff;
	v48 =	vmul.f32 v60, v8;
	v51 =	vmul.f32 v62, v5  }
0x17b: {  	v44 =	vadd.f32 v46, v44;
	v46 =	vmul.f32 v61, v7;
	v43 =	vadd.f32 v58, v63;
	v63 =	vld.idx.msk [tilespmem:v28+s11+$0x0 ss:$0x1], $0xffff  }
0x17c: {  	v39 =	vadd.f32 v59, v39;
	v62 =	vshll.u32 v55, $0x10;
	v47 =	vadd.f32 v51, v47;
	v51 =	vld.idx.msk [tilespmem:v27+s11+$0x0 ss:$0x1], $0xffff  }
0x17d: {  	[tilespmem:v1+s17+$0x80 ss:$0x1] =	vst.idx.msk $0xffff, v36;
	v58 =	vmul.f32 v55, v9;
	v59 =	vshll.u32 v50, $0x10;
	v43 =	vadd.f32 v49, v43  }
0x17e: {  	v57 =	vmul.f32 v62, v9;
	v44 =	vadd.f32 v52, v44;
	v52 =	vld.idx.msk [tilespmem:v32+s11+$0x0 ss:$0x1], $0xffff;
	v39 =	vadd.f32 v46, v39  }
0x17f: {  	v62 =	vshll.u32 v53, $0x10;
	v49 =	vld.idx.msk [tilespmem:v30+s11+$0x0 ss:$0x1], $0xffff;
	v47 =	vadd.f32 v48, v47;
	v36 =	vadd.f32 v58, v43  }
0x180: {  	v43 =	vmul.f32 v59, v10;
	v58 =	vshll.u32 v56, $0x10;
	v59 =	vmul.f32 v56, v15  }
0x181: {  	v61 =	vshll.u32 v63, $0x10;
	v54 =	vmul.f32 v63, v12;
	v50 =	vmul.f32 v51, v11  }
0x182: {  	v60 =	vshll.u32 v51, $0x10;
	v48 =	vmul.f32 v61, v12;
	v51 =	vmul.f32 v62, v13  }
0x183: {  	v47 =	vadd.f32 v57, v47;
	v62 =	vld.idx.msk [tilespmem:v33+s11+$0x0 ss:$0x1], $0xffff;
	v57 =	vmul.f32 v52, v16;
	v46 =	vmul.f32 v60, v11  }
0x184: {  	[tilespmem:v1+s16+$0x80 ss:$0x1] =	vst.idx.msk $0xffff, v34;
	v63 =	vshll.u32 v49, $0x10;
	v60 =	vmul.f32 v53, v13;
	v49 =	vmul.f32 v49, v14  }
0x185: {  	v61 =	vmul.f32 v63, v14;
	v38 =	vadd.f32 v50, v38;
	v43 =	vadd.f32 v46, v43  }
0x186: {  	[tilespmem:v1+s16+$0x480 ss:$0x1] =	vst.idx.msk $0xffff, v35;
	v48 =	vadd.f32 v51, v48;
	v63 =	vadd.f32 v60, v54;
	v54 =	vshll.u32 v52, $0x10  }
0x187: {  	v53 =	vadd.f32 v49, v38;
	v38 =	vmul.f32 v54, v16;
	v43 =	vadd.f32 v61, v43  }
0x188: {  	[tilespmem:v1+s16+$0x490 ss:$0x1] =	vst.idx.msk $0xffff, v37;
	v60 =	vadd.f32 v57, v63;
	v61 =	vshll.u32 v62, $0x10;
	v62 =	vmul.f32 v62, v17  }
0x189: {  	v35 =	vmul.f32 v58, v15;
	v38 =	vadd.f32 v38, v48;
	v42 =	vmul.f32 v61, v17  }
0x18a: {  	p4 =	por p3, p3;
	v40 =	vmax.f32 v40, v45;
	v34 =	vadd.f32 v59, v53;
	v37 =	vadd.f32 v62, v60  }
.Ltmp11:
0x18b: {  	v40 =	vmax.f32 v41, v40;
	v35 =	vadd.f32 v35, v43;
	v38 =	vadd.f32 v42, v38;
	(pc) =	sbr.rel @p4 .LBB2_18-.Ltmp11, $4  }
0x18c: {  	[tilespmem:v1+s16+$0x4A0 ss:$0x1] =	vst.idx.msk $0xffff, v40;
	v36 =	vmax.f32 v44, v36;
	v34 =	vmax.f32 v34, v37  }
0x18d: {  	v63 =	vmax.f32 v39, v47;
	v35 =	vmax.f32 v35, v38;
	v34 =	vmax.f32 v36, v34  }
0x18e: {  	v35 =	vmax.f32 v63, v35;
	[tilespmem:v1+s16+$0x4B0 ss:$0x1] =	vst.idx.msk $0xffff, v34  }
0x18f: {  	p3 =	por $0x0, $0x0;
	s16 =	simm.s32 $0x40;
	[tilespmem:v1+s11+$0x80 ss:$0x1] =	vst.idx.msk $0xffff, v35  }
0x190: {  	v2 =	vld [tilespmem:s28+$0xBC08];
	_ =	sdelay $0x4  }
0x191: {  	(v2sf) =	vpush v2, $0x0;
	_ =	sdelay $0x3  }
0x192: {  	(v2sf) =	vpush v2, $0x1;
	_ =	sdelay $0x3  }
0x193: {  	(v2sf) =	vpush v2, $0x2;
	_ =	sdelay $0x3  }
0x194: {  	(v2sf) =	vpush v2, $0x3;
	_ =	sdelay $0x2  }
0x195: {  	s3 =	spop (v2sf)  }
0x196: {  	s8 =	smul.f32 s3, s14  }
0x197: {  	s15 =	smul.f32 s3, s2  }
0x198: {  	s19 =	smul.f32 s3, s0  }
0x199: {  	s6 =	spop (v2sf);
	s3 =	smul.f32 s3, s31  }
0x19a: {  	s10 =	smul.f32 s6, s14  }
0x19b: {  	s16 =	smul.f32 s6, s2  }
0x19c: {  	s21 =	smul.f32 s6, s0  }
0x19d: {  	s9 =	spop (v2sf);
	s6 =	smul.f32 s6, s31  }
0x19e: {  	s12 =	smul.f32 s9, s14  }
0x19f: {  	s17 =	smul.f32 s9, s2  }
0x1a0: {  	s22 =	smul.f32 s9, s0;
	v2 =	vmov s8;
	v6 =	vmov s15  }
0x1a1: {  	s11 =	spop (v2sf);
	s15 =	smul.f32 s9, s31;
	v10 =	vmov s19;
	v14 =	vmov s3;
	v3 =	vmov s10  }
0x1a2: {  	s19 =	sadd.s32 $0x800, s30;
	s9 =	sadd.s32 $0x1600, s30;
	s13 =	smul.f32 s11, s14;
	v7 =	vmov s16;
	v11 =	vmov s21;
	v15 =	vmov s6  }
0x1a3: {  	s18 =	smul.f32 s11, s2;
	v18 =	vmov s19;
	v22 =	vmov s9;
	v4 =	vmov s12  }
0x1a4: {  	s21 =	sadd.s32 $0x880, s30;
	s10 =	sadd.s32 $0x1680, s30;
	s16 =	sadd.s32 $0x2480, s30;
	v8 =	vmov s17;
	v12 =	vmov s22;
	v16 =	vmov s15  }
0x1a5: {  	s23 =	smul.f32 s11, s0;
	s19 =	sadd.s32 $0x3200, s30;
	v19 =	vmov s21;
	v23 =	vmov s10;
	v27 =	vmov s16  }
0x1a6: {  	s22 =	sadd.s32 $0x900, s30;
	s12 =	sadd.s32 $0x1700, s30;
	s15 =	sadd.s32 $0x2400, s30;
	v30 =	vmov s19;
	v5 =	vmov s13;
	v9 =	vmov s18  }
0x1a7: {  	s17 =	sadd.s32 $0x2500, s30;
	s21 =	sadd.s32 $0x3280, s30;
	s18 =	smul.f32 s11, s31;
	v13 =	vmov s23;
	v20 =	vmov s22;
	v24 =	vmov s12  }
0x1a8: {  	s23 =	sadd.s32 $0x980, s30;
	s13 =	sadd.s32 $0x1780, s30;
	v26 =	vmov s15;
	v28 =	vmov s17;
	v31 =	vmov s21  }
0x1a9: {  	s22 =	sadd.s32 $0x3300, s30;
	v21 =	vmov s23;
	v25 =	vmov s13;
	s23 =	sadd.s32 $0x3380, s30;
	v17 =	vmov s18;
	s18 =	sadd.s32 $0x2580, s30  }
0x1aa: {  	p3 =	por $0x1, $0x1;
	s16 =	simm.s32 $0x0;
	v32 =	vmov s22;
	v33 =	vmov s23;
	v29 =	vmov s18  }
.LBB2_20:
0x1ab: {  	v34 =	vld.idx.msk [tilespmem:v18+s16+$0x0 ss:$0x1], $0xffff  }
0x1ac: {  	v35 =	vld.idx.msk [tilespmem:v19+s16+$0x0 ss:$0x1], $0xffff  }
0x1ad: {  	v36 =	vld.idx.msk [tilespmem:v20+s16+$0x0 ss:$0x1], $0xffff  }
0x1ae: {  	v37 =	vld.idx.msk [tilespmem:v21+s16+$0x0 ss:$0x1], $0xffff  }
0x1af: {  	v39 =	vld.idx.msk [tilespmem:v22+s16+$0x0 ss:$0x1], $0xffff  }
0x1b0: {  	v41 =	vld.idx.msk [tilespmem:v23+s16+$0x0 ss:$0x1], $0xffff  }
0x1b1: {  	v44 =	vld.idx.msk [tilespmem:v24+s16+$0x0 ss:$0x1], $0xffff  }
0x1b2: {  	v50 =	vld.idx.msk [tilespmem:v28+s16+$0x0 ss:$0x1], $0xffff  }
0x1b3: {  	v38 =	vshll.u32 v34, $0x10;
	v40 =	vshll.u32 v35, $0x10;
	v34 =	vmul.f32 v34, v2  }
0x1b4: {  	v45 =	vld.idx.msk [tilespmem:v25+s16+$0x0 ss:$0x1], $0xffff;
	v35 =	vmul.f32 v35, v3;
	v42 =	vshll.u32 v36, $0x10;
	v36 =	vmul.f32 v36, v4  }
0x1b5: {  	v61 =	vld.idx.msk [tilespmem:v27+s16+$0x0 ss:$0x1], $0xffff;
	v43 =	vshll.u32 v37, $0x10;
	v37 =	vmul.f32 v37, v5;
	v59 =	vmul.f32 v39, v6  }
0x1b6: {  	v52 =	vld.idx.msk [tilespmem:v29+s16+$0x0 ss:$0x1], $0xffff;
	v60 =	vshll.u32 v41, $0x10;
	v48 =	vmul.f32 v44, v8;
	v41 =	vmul.f32 v41, v7  }
0x1b7: {  	v47 =	vld.idx.msk [tilespmem:v30+s16+$0x0 ss:$0x1], $0xffff;
	v62 =	vshll.u32 v44, $0x10;
	v44 =	vmul.f32 v50, v12;
	v38 =	vmul.f32 v38, v2  }
0x1b8: {  	v55 =	vshll.u32 v39, $0x10;
	v40 =	vmul.f32 v40, v3;
	v53 =	vmul.f32 v42, v4  }
0x1b9: {  	v58 =	vld.idx.msk [tilespmem:v26+s16+$0x0 ss:$0x1], $0xffff;
	v49 =	vshll.u32 v45, $0x10;
	v54 =	vmul.f32 v43, v5;
	v57 =	vmul.f32 v55, v6  }
0x1ba: {  	v46 =	vshll.u32 v61, $0x10;
	v39 =	vmul.f32 v60, v7;
	v63 =	vmul.f32 v62, v8  }
0x1bb: {  	v51 =	vmul.f32 v49, v9;
	v60 =	vshll.u32 v50, $0x10;
	v62 =	vshll.u32 v52, $0x10  }
0x1bc: {  	v49 =	vshll.u32 v47, $0x10;
	v34 =	vadd.f32 v35, v34;
	v36 =	vadd.f32 v37, v36  }
0x1bd: {  	v43 =	vmul.f32 v60, v12;
	v38 =	vadd.f32 v40, v38;
	v56 =	vadd.f32 v54, v53  }
0x1be: {  	v53 =	vmul.f32 v45, v9;
	v54 =	vshll.u32 v58, $0x10;
	v34 =	vadd.f32 v59, v34  }
0x1bf: {  	v36 =	vadd.f32 v48, v36;
	v55 =	vmul.f32 v54, v10;
	v59 =	vmul.f32 v61, v11  }
0x1c0: {  	v61 =	vld.idx.msk [tilespmem:v31+s16+$0x0 ss:$0x1], $0xffff;
	v38 =	vadd.f32 v57, v38;
	v35 =	vadd.f32 v63, v56;
	v56 =	vmul.f32 v46, v11  }
0x1c1: {  	v48 =	vld.idx.msk [tilespmem:v33+s16+$0x0 ss:$0x1], $0xffff;
	v57 =	vmul.f32 v58, v10;
	v46 =	vmul.f32 v62, v13;
	v41 =	vadd.f32 v41, v34  }
0x1c2: {  	v63 =	vmul.f32 v49, v14;
	v36 =	vadd.f32 v53, v36;
	v38 =	vadd.f32 v39, v38  }
0x1c3: {  	v58 =	vld.idx.msk [tilespmem:v32+s16+$0x0 ss:$0x1], $0xffff;
	v35 =	vadd.f32 v51, v35;
	v34 =	vadd.f32 v56, v55;
	v39 =	vmul.f32 v52, v13  }
0x1c4: {  	s17 =	sor.u32 $0x10, s16;
	v47 =	vmul.f32 v47, v14;
	v37 =	vadd.f32 v59, v57;
	v43 =	vadd.f32 v46, v43  }
0x1c5: {  	v53 =	vld.idx.msk [tilespmem:v18+s17+$0x0 ss:$0x1], $0xffff;
	v36 =	vmax.f32 v41, v36;
	v39 =	vadd.f32 v39, v44;
	v34 =	vadd.f32 v63, v34  }
0x1c6: {  	v55 =	vld.idx.msk [tilespmem:v19+s17+$0x0 ss:$0x1], $0xffff;
	v37 =	vadd.f32 v47, v37;
	v51 =	vshll.u32 v61, $0x10;
	v52 =	vshll.u32 v48, $0x10  }
0x1c7: {  	v57 =	vld.idx.msk [tilespmem:v20+s17+$0x0 ss:$0x1], $0xffff;
	v45 =	vmul.f32 v61, v15;
	v56 =	vmul.f32 v48, v17;
	v35 =	vmax.f32 v38, v35  }
0x1c8: {  	v49 =	vshll.u32 v58, $0x10;
	v40 =	vmul.f32 v58, v16;
	v44 =	vmul.f32 v51, v15  }
0x1c9: {  	v54 =	vmul.f32 v52, v17;
	v58 =	vld.idx.msk [tilespmem:v21+s17+$0x0 ss:$0x1], $0xffff;
	v50 =	vmul.f32 v49, v16;
	v37 =	vadd.f32 v45, v37  }
0x1ca: {  	v59 =	vshll.u32 v53, $0x10;
	v62 =	vmul.f32 v53, v2;
	v39 =	vadd.f32 v40, v39  }
0x1cb: {  	v40 =	vld.idx.msk [tilespmem:v22+s17+$0x0 ss:$0x1], $0xffff;
	v60 =	vmul.f32 v59, v2;
	v61 =	vshll.u32 v55, $0x10;
	v63 =	vmul.f32 v55, v3  }
0x1cc: {  	v52 =	vshll.u32 v57, $0x10;
	v57 =	vmul.f32 v57, v4;
	v59 =	vld.idx.msk [tilespmem:v25+s17+$0x0 ss:$0x1], $0xffff;
	v42 =	vadd.f32 v50, v43  }
0x1cd: {  	v34 =	vadd.f32 v44, v34;
	v38 =	vmul.f32 v61, v3;
	v55 =	vmul.f32 v52, v4  }
0x1ce: {  	v61 =	vld.idx.msk [tilespmem:v26+s17+$0x0 ss:$0x1], $0xffff;
	v39 =	vadd.f32 v56, v39;
	v42 =	vadd.f32 v54, v42;
	v53 =	vshll.u32 v58, $0x10  }
0x1cf: {  	v41 =	vadd.f32 v63, v62;
	v54 =	vld.idx.msk [tilespmem:v24+s17+$0x0 ss:$0x1], $0xffff;
	v43 =	vmul.f32 v58, v5;
	v56 =	vmul.f32 v53, v5  }
0x1d0: {  	v37 =	vmax.f32 v37, v39;
	v34 =	vmax.f32 v34, v42;
	v58 =	vshll.u32 v40, $0x10  }
0x1d1: {  	v42 =	vld.idx.msk [tilespmem:v23+s17+$0x0 ss:$0x1], $0xffff;
	v43 =	vadd.f32 v43, v57;
	v40 =	vmul.f32 v40, v6;
	v57 =	vmul.f32 v59, v9  }
0x1d2: {  	v34 =	vmax.f32 v35, v34;
	v35 =	vadd.f32 v38, v60;
	v38 =	vadd.f32 v56, v55  }
0x1d3: {  	v60 =	vmul.f32 v58, v6;
	v55 =	vld.idx.msk [tilespmem:v28+s17+$0x0 ss:$0x1], $0xffff;
	v58 =	vshll.u32 v61, $0x10;
	v61 =	vmul.f32 v61, v10  }
0x1d4: {  	v40 =	vadd.f32 v40, v41;
	v51 =	vshll.u32 v54, $0x10;
	v53 =	vmul.f32 v54, v8  }
0x1d5: {  	v63 =	vld.idx.msk [tilespmem:v27+s17+$0x0 ss:$0x1], $0xffff;
	v35 =	vadd.f32 v60, v35;
	v54 =	vshll.u32 v59, $0x10;
	v52 =	vmul.f32 v51, v8  }
0x1d6: {  	v51 =	vld.idx.msk [tilespmem:v30+s17+$0x0 ss:$0x1], $0xffff;
	v62 =	vshll.u32 v42, $0x10;
	v42 =	vmul.f32 v42, v7;
	v56 =	vadd.f32 v53, v43  }
0x1d7: {  	v59 =	vmul.f32 v58, v10;
	v43 =	vld.idx.msk [tilespmem:v29+s17+$0x0 ss:$0x1], $0xffff;
	v50 =	vmul.f32 v62, v7;
	v38 =	vadd.f32 v52, v38  }
0x1d8: {  	v47 =	vmul.f32 v55, v12;
	v40 =	vadd.f32 v42, v40;
	v41 =	vadd.f32 v57, v56  }
0x1d9: {  	v49 =	vld.idx.msk [tilespmem:v31+s17+$0x0 ss:$0x1], $0xffff;
	v56 =	vshll.u32 v55, $0x10;
	v44 =	vadd.f32 v50, v35;
	v35 =	vmul.f32 v54, v9  }
0x1da: {  	v62 =	vld.idx.msk [tilespmem:v32+s17+$0x0 ss:$0x1], $0xffff;
	v50 =	vshll.u32 v63, $0x10;
	v63 =	vmul.f32 v63, v11;
	v48 =	vmul.f32 v56, v12  }
0x1db: {  	v52 =	vld.idx.msk [tilespmem:v33+s17+$0x0 ss:$0x1], $0xffff;
	v60 =	vmul.f32 v50, v11;
	v53 =	vshll.u32 v51, $0x10;
	v51 =	vmul.f32 v51, v14  }
0x1dc: {  	v40 =	vmax.f32 v40, v41;
	v38 =	vadd.f32 v35, v38;
	v57 =	vshll.u32 v43, $0x10  }
0x1dd: {  	s10 =	sor.u32 $0x20, s16;
	v43 =	vmul.f32 v43, v13;
	v35 =	vadd.f32 v63, v61;
	v58 =	vmul.f32 v53, v14  }
0x1de: {  	v56 =	vld.idx.msk [tilespmem:v19+s10+$0x0 ss:$0x1], $0xffff;
	v61 =	vshll.u32 v49, $0x10;
	v49 =	vmul.f32 v49, v15;
	v42 =	vadd.f32 v60, v59  }
0x1df: {  	v50 =	vmul.f32 v57, v13;
	v59 =	vshll.u32 v62, $0x10;
	v45 =	vmul.f32 v62, v16  }
0x1e0: {  	v62 =	vshll.u32 v52, $0x10;
	v57 =	vmul.f32 v52, v17;
	v52 =	vld.idx.msk [tilespmem:v20+s10+$0x0 ss:$0x1], $0xffff;
	v43 =	vadd.f32 v43, v47  }
0x1e1: {  	v46 =	vadd.f32 v51, v35;
	v60 =	vmul.f32 v59, v16;
	v51 =	vld.idx.msk [tilespmem:v18+s10+$0x0 ss:$0x1], $0xffff;
	v47 =	vmul.f32 v61, v15  }
0x1e2: {  	v63 =	vmul.f32 v62, v17;
	v48 =	vadd.f32 v50, v48;
	v42 =	vadd.f32 v58, v42  }
0x1e3: {  	v53 =	vshll.u32 v56, $0x10;
	v55 =	vmul.f32 v56, v3;
	v43 =	vadd.f32 v45, v43  }
0x1e4: {  	v39 =	vmul.f32 v53, v3;
	v35 =	vadd.f32 v60, v48;
	v58 =	vadd.f32 v47, v42;
	v47 =	vld.idx.msk [tilespmem:v21+s10+$0x0 ss:$0x1], $0xffff  }
0x1e5: {  	v60 =	vmax.f32 v44, v38;
	v42 =	vld.idx.msk [tilespmem:v22+s10+$0x0 ss:$0x1], $0xffff;
	v43 =	vadd.f32 v57, v43;
	v56 =	vshll.u32 v52, $0x10  }
0x1e6: {  	v44 =	vld.idx.msk [tilespmem:v23+s10+$0x0 ss:$0x1], $0xffff;
	v59 =	vadd.f32 v63, v35;
	v62 =	vshll.u32 v51, $0x10;
	v54 =	vmul.f32 v51, v2  }
0x1e7: {  	v35 =	vmax.f32 v36, v37;
	v37 =	vadd.f32 v49, v46;
	v63 =	vmul.f32 v62, v2  }
0x1e8: {  	v61 =	vmax.f32 v58, v59;
	v59 =	vmul.f32 v56, v4;
	v41 =	vadd.f32 v55, v54  }
0x1e9: {  	v46 =	vld.idx.msk [tilespmem:v26+s10+$0x0 ss:$0x1], $0xffff;
	v37 =	vmax.f32 v37, v43;
	v36 =	vmax.f32 v60, v61;
	v57 =	vshll.u32 v47, $0x10  }
0x1ea: {  	v58 =	vld.idx.msk [tilespmem:v24+s10+$0x0 ss:$0x1], $0xffff;
	v38 =	vadd.f32 v39, v63;
	v61 =	vmul.f32 v52, v4;
	v47 =	vmul.f32 v47, v5  }
0x1eb: {  	v50 =	vld.idx.msk [tilespmem:v27+s10+$0x0 ss:$0x1], $0xffff;
	v62 =	vshll.u32 v42, $0x10;
	v42 =	vmul.f32 v42, v6;
	v54 =	vshll.u32 v44, $0x10  }
0x1ec: {  	v63 =	vld.idx.msk [tilespmem:v25+s10+$0x0 ss:$0x1], $0xffff;
	v44 =	vmul.f32 v44, v7;
	v37 =	vmax.f32 v40, v37;
	v53 =	vmul.f32 v62, v6  }
0x1ed: {  	v60 =	vmul.f32 v57, v5;
	v55 =	vmul.f32 v54, v7;
	v47 =	vadd.f32 v47, v61  }
0x1ee: {  	v41 =	vadd.f32 v42, v41;
	v62 =	vshll.u32 v46, $0x10;
	v38 =	vadd.f32 v53, v38  }
0x1ef: {  	v49 =	vld.idx.msk [tilespmem:v28+s10+$0x0 ss:$0x1], $0xffff;
	v39 =	vadd.f32 v60, v59;
	v56 =	vshll.u32 v58, $0x10;
	v58 =	vmul.f32 v58, v8  }
0x1f0: {  	v53 =	vld.idx.msk [tilespmem:v30+s10+$0x0 ss:$0x1], $0xffff;
	v41 =	vadd.f32 v44, v41;
	v57 =	vmul.f32 v56, v8;
	v38 =	vadd.f32 v55, v38  }
0x1f1: {  	v59 =	vshll.u32 v63, $0x10;
	v61 =	vmul.f32 v63, v9;
	v63 =	vshll.u32 v50, $0x10  }
0x1f2: {  	v51 =	vld.idx.msk [tilespmem:v31+s10+$0x0 ss:$0x1], $0xffff;
	v56 =	vmul.f32 v62, v10;
	v60 =	vadd.f32 v58, v47;
	v45 =	vmul.f32 v59, v9  }
0x1f3: {  	v47 =	vld.idx.msk [tilespmem:v29+s10+$0x0 ss:$0x1], $0xffff;
	v58 =	vmul.f32 v46, v10;
	v39 =	vadd.f32 v57, v39;
	v57 =	vmul.f32 v63, v11  }
0x1f4: {  	v59 =	vld.idx.msk [tilespmem:v32+s10+$0x0 ss:$0x1], $0xffff;
	v42 =	vadd.f32 v61, v60;
	v60 =	vmul.f32 v50, v11;
	v61 =	vshll.u32 v49, $0x10  }
0x1f5: {  	v54 =	vld.idx.msk [tilespmem:v33+s10+$0x0 ss:$0x1], $0xffff;
	v49 =	vmul.f32 v49, v12;
	v55 =	vshll.u32 v53, $0x10;
	v53 =	vmul.f32 v53, v14  }
0x1f6: {  	v39 =	vadd.f32 v45, v39;
	v44 =	vadd.f32 v57, v56;
	v50 =	vmul.f32 v61, v12  }
0x1f7: {  	s11 =	sor.u32 $0x30, s16;
	v63 =	vmul.f32 v55, v14;
	v45 =	vadd.f32 v60, v58;
	v58 =	vshll.u32 v51, $0x10  }
0x1f8: {  	v61 =	vld.idx.msk [tilespmem:v19+s11+$0x0 ss:$0x1], $0xffff;
	v51 =	vmul.f32 v51, v15;
	v62 =	vshll.u32 v47, $0x10;
	v47 =	vmul.f32 v47, v13  }
0x1f9: {  	v56 =	vshll.u32 v59, $0x10;
	v44 =	vadd.f32 v63, v44;
	v46 =	vmul.f32 v59, v16  }
0x1fa: {  	v59 =	vshll.u32 v54, $0x10;
	v52 =	vmul.f32 v62, v13;
	v45 =	vadd.f32 v53, v45;
	v53 =	vld.idx.msk [tilespmem:v18+s11+$0x0 ss:$0x1], $0xffff  }
0x1fb: {  	v57 =	vmul.f32 v56, v16;
	v62 =	vmul.f32 v54, v17;
	v54 =	vld.idx.msk [tilespmem:v20+s11+$0x0 ss:$0x1], $0xffff;
	v47 =	vadd.f32 v47, v49  }
0x1fc: {  	v60 =	vmul.f32 v59, v17;
	v49 =	vmul.f32 v58, v15;
	v50 =	vadd.f32 v52, v50  }
0x1fd: {  	v40 =	vadd.f32 v51, v45;
	v59 =	vshll.u32 v61, $0x10;
	v52 =	vld.idx.msk [tilespmem:v23+s11+$0x0 ss:$0x1], $0xffff;
	v46 =	vadd.f32 v46, v47  }
0x1fe: {  	v61 =	vmul.f32 v61, v3;
	v63 =	vadd.f32 v49, v44;
	v49 =	vld.idx.msk [tilespmem:v24+s11+$0x0 ss:$0x1], $0xffff;
	v48 =	vadd.f32 v57, v50  }
0x1ff: {  	v43 =	vmul.f32 v59, v3;
	v50 =	vld.idx.msk [tilespmem:v26+s11+$0x0 ss:$0x1], $0xffff;
	v45 =	vadd.f32 v62, v46;
	v57 =	vshll.u32 v53, $0x10  }
0x200: {  	v46 =	vld.idx.msk [tilespmem:v22+s11+$0x0 ss:$0x1], $0xffff;
	v44 =	vmul.f32 v53, v2;
	v55 =	vadd.f32 v60, v48;
	v60 =	vshll.u32 v54, $0x10  }
0x201: {  	v38 =	vmax.f32 v38, v39;
	v48 =	vld.idx.msk [tilespmem:v21+s11+$0x0 ss:$0x1], $0xffff;
	v58 =	vmul.f32 v57, v2;
	v47 =	vmul.f32 v60, v4  }
0x202: {  	v44 =	vadd.f32 v61, v44;
	v61 =	vshll.u32 v52, $0x10;
	v52 =	vmul.f32 v52, v7  }
0x203: {  	v56 =	vmax.f32 v63, v55;
	v63 =	vmul.f32 v54, v4;
	v39 =	vadd.f32 v43, v58  }
0x204: {  	v55 =	vld.idx.msk [tilespmem:v25+s11+$0x0 ss:$0x1], $0xffff;
	v60 =	vshll.u32 v49, $0x10;
	v49 =	vmul.f32 v49, v8;
	v38 =	vmax.f32 v38, v56  }
0x205: {  	v57 =	vshll.u32 v46, $0x10;
	v46 =	vmul.f32 v46, v6;
	[tilespmem:v1+s10+$0x100 ss:$0x1] =	vst.idx.msk $0xffff, v38;
	v38 =	vmul.f32 v50, v10  }
0x206: {  	v53 =	vld.idx.msk [tilespmem:v29+s11+$0x0 ss:$0x1], $0xffff;
	v62 =	vshll.u32 v48, $0x10;
	v58 =	vmul.f32 v48, v5;
	v59 =	vmul.f32 v57, v6  }
0x207: {  	v41 =	vmax.f32 v41, v42;
	v56 =	vld.idx.msk [tilespmem:v31+s11+$0x0 ss:$0x1], $0xffff;
	v48 =	vmul.f32 v60, v8;
	v51 =	vmul.f32 v62, v5  }
0x208: {  	v44 =	vadd.f32 v46, v44;
	v46 =	vmul.f32 v61, v7;
	v43 =	vadd.f32 v58, v63;
	v63 =	vld.idx.msk [tilespmem:v28+s11+$0x0 ss:$0x1], $0xffff  }
0x209: {  	v39 =	vadd.f32 v59, v39;
	v62 =	vshll.u32 v55, $0x10;
	v47 =	vadd.f32 v51, v47;
	v51 =	vld.idx.msk [tilespmem:v27+s11+$0x0 ss:$0x1], $0xffff  }
0x20a: {  	[tilespmem:v1+s17+$0x100 ss:$0x1] =	vst.idx.msk $0xffff, v36;
	v58 =	vmul.f32 v55, v9;
	v59 =	vshll.u32 v50, $0x10;
	v43 =	vadd.f32 v49, v43  }
0x20b: {  	v57 =	vmul.f32 v62, v9;
	v44 =	vadd.f32 v52, v44;
	v52 =	vld.idx.msk [tilespmem:v32+s11+$0x0 ss:$0x1], $0xffff;
	v39 =	vadd.f32 v46, v39  }
0x20c: {  	v62 =	vshll.u32 v53, $0x10;
	v49 =	vld.idx.msk [tilespmem:v30+s11+$0x0 ss:$0x1], $0xffff;
	v47 =	vadd.f32 v48, v47;
	v36 =	vadd.f32 v58, v43  }
0x20d: {  	v43 =	vmul.f32 v59, v10;
	v58 =	vshll.u32 v56, $0x10;
	v59 =	vmul.f32 v56, v15  }
0x20e: {  	v61 =	vshll.u32 v63, $0x10;
	v54 =	vmul.f32 v63, v12;
	v50 =	vmul.f32 v51, v11  }
0x20f: {  	v60 =	vshll.u32 v51, $0x10;
	v48 =	vmul.f32 v61, v12;
	v51 =	vmul.f32 v62, v13  }
0x210: {  	v47 =	vadd.f32 v57, v47;
	v62 =	vld.idx.msk [tilespmem:v33+s11+$0x0 ss:$0x1], $0xffff;
	v57 =	vmul.f32 v52, v16;
	v46 =	vmul.f32 v60, v11  }
0x211: {  	[tilespmem:v1+s16+$0x100 ss:$0x1] =	vst.idx.msk $0xffff, v34;
	v63 =	vshll.u32 v49, $0x10;
	v60 =	vmul.f32 v53, v13;
	v49 =	vmul.f32 v49, v14  }
0x212: {  	v61 =	vmul.f32 v63, v14;
	v38 =	vadd.f32 v50, v38;
	v43 =	vadd.f32 v46, v43  }
0x213: {  	[tilespmem:v1+s16+$0x500 ss:$0x1] =	vst.idx.msk $0xffff, v35;
	v48 =	vadd.f32 v51, v48;
	v63 =	vadd.f32 v60, v54;
	v54 =	vshll.u32 v52, $0x10  }
0x214: {  	v53 =	vadd.f32 v49, v38;
	v38 =	vmul.f32 v54, v16;
	v43 =	vadd.f32 v61, v43  }
0x215: {  	[tilespmem:v1+s16+$0x510 ss:$0x1] =	vst.idx.msk $0xffff, v37;
	v60 =	vadd.f32 v57, v63;
	v61 =	vshll.u32 v62, $0x10;
	v62 =	vmul.f32 v62, v17  }
0x216: {  	v35 =	vmul.f32 v58, v15;
	v38 =	vadd.f32 v38, v48;
	v42 =	vmul.f32 v61, v17  }
0x217: {  	p4 =	por p3, p3;
	v40 =	vmax.f32 v40, v45;
	v34 =	vadd.f32 v59, v53;
	v37 =	vadd.f32 v62, v60  }
.Ltmp12:
0x218: {  	v40 =	vmax.f32 v41, v40;
	v35 =	vadd.f32 v35, v43;
	v38 =	vadd.f32 v42, v38;
	(pc) =	sbr.rel @p4 .LBB2_20-.Ltmp12, $4  }
0x219: {  	[tilespmem:v1+s16+$0x520 ss:$0x1] =	vst.idx.msk $0xffff, v40;
	v36 =	vmax.f32 v44, v36;
	v34 =	vmax.f32 v34, v37  }
0x21a: {  	v63 =	vmax.f32 v39, v47;
	v35 =	vmax.f32 v35, v38;
	v34 =	vmax.f32 v36, v34  }
0x21b: {  	v35 =	vmax.f32 v63, v35;
	[tilespmem:v1+s16+$0x530 ss:$0x1] =	vst.idx.msk $0xffff, v34  }
0x21c: {  	p3 =	por $0x0, $0x0;
	s16 =	simm.s32 $0x40;
	[tilespmem:v1+s11+$0x100 ss:$0x1] =	vst.idx.msk $0xffff, v35  }
0x21d: {  	v2 =	vld [tilespmem:s28+$0xBC0C];
	_ =	sdelay $0x4  }
0x21e: {  	(v2sf) =	vpush v2, $0x0;
	_ =	sdelay $0x3  }
0x21f: {  	(v2sf) =	vpush v2, $0x1;
	_ =	sdelay $0x3  }
0x220: {  	(v2sf) =	vpush v2, $0x2;
	_ =	sdelay $0x3  }
0x221: {  	(v2sf) =	vpush v2, $0x3;
	_ =	sdelay $0x2  }
0x222: {  	s3 =	spop (v2sf)  }
0x223: {  	s8 =	smul.f32 s3, s14  }
0x224: {  	s15 =	smul.f32 s3, s2  }
0x225: {  	s19 =	smul.f32 s3, s0  }
0x226: {  	s6 =	spop (v2sf);
	s3 =	smul.f32 s3, s31  }
0x227: {  	s10 =	smul.f32 s6, s14  }
0x228: {  	s16 =	smul.f32 s6, s2  }
0x229: {  	s21 =	smul.f32 s6, s0  }
0x22a: {  	s9 =	spop (v2sf);
	s6 =	smul.f32 s6, s31  }
0x22b: {  	s12 =	smul.f32 s9, s14  }
0x22c: {  	s17 =	smul.f32 s9, s2  }
0x22d: {  	s22 =	smul.f32 s9, s0;
	v2 =	vmov s8;
	v6 =	vmov s15  }
0x22e: {  	s11 =	spop (v2sf);
	s15 =	smul.f32 s9, s31;
	v10 =	vmov s19;
	v14 =	vmov s3;
	v3 =	vmov s10  }
0x22f: {  	s19 =	sadd.s32 $0xA00, s30;
	s9 =	sadd.s32 $0x1800, s30;
	s13 =	smul.f32 s11, s14;
	v7 =	vmov s16;
	v11 =	vmov s21;
	v15 =	vmov s6  }
0x230: {  	s18 =	smul.f32 s11, s2;
	v18 =	vmov s19;
	v22 =	vmov s9;
	v4 =	vmov s12  }
0x231: {  	s21 =	sadd.s32 $0xA80, s30;
	s10 =	sadd.s32 $0x1880, s30;
	s16 =	sadd.s32 $0x2680, s30;
	v8 =	vmov s17;
	v12 =	vmov s22;
	v16 =	vmov s15  }
0x232: {  	s23 =	smul.f32 s11, s0;
	s19 =	sadd.s32 $0x3400, s30;
	v19 =	vmov s21;
	v23 =	vmov s10;
	v27 =	vmov s16  }
0x233: {  	s22 =	sadd.s32 $0xB00, s30;
	s12 =	sadd.s32 $0x1900, s30;
	s15 =	sadd.s32 $0x2600, s30;
	v30 =	vmov s19;
	v5 =	vmov s13;
	v9 =	vmov s18  }
0x234: {  	s17 =	sadd.s32 $0x2700, s30;
	s21 =	sadd.s32 $0x3480, s30;
	s18 =	smul.f32 s11, s31;
	v13 =	vmov s23;
	v20 =	vmov s22;
	v24 =	vmov s12  }
0x235: {  	s23 =	sadd.s32 $0xB80, s30;
	s13 =	sadd.s32 $0x1980, s30;
	v26 =	vmov s15;
	v28 =	vmov s17;
	v31 =	vmov s21  }
0x236: {  	s22 =	sadd.s32 $0x3500, s30;
	v21 =	vmov s23;
	v25 =	vmov s13;
	s23 =	sadd.s32 $0x3580, s30;
	v17 =	vmov s18;
	s18 =	sadd.s32 $0x2780, s30  }
0x237: {  	p3 =	por $0x1, $0x1;
	s16 =	simm.s32 $0x0;
	v32 =	vmov s22;
	v33 =	vmov s23;
	v29 =	vmov s18  }
.LBB2_22:
0x238: {  	v34 =	vld.idx.msk [tilespmem:v18+s16+$0x0 ss:$0x1], $0xffff  }
0x239: {  	v35 =	vld.idx.msk [tilespmem:v19+s16+$0x0 ss:$0x1], $0xffff  }
0x23a: {  	v36 =	vld.idx.msk [tilespmem:v20+s16+$0x0 ss:$0x1], $0xffff  }
0x23b: {  	v37 =	vld.idx.msk [tilespmem:v21+s16+$0x0 ss:$0x1], $0xffff  }
0x23c: {  	v39 =	vld.idx.msk [tilespmem:v22+s16+$0x0 ss:$0x1], $0xffff  }
0x23d: {  	v41 =	vld.idx.msk [tilespmem:v23+s16+$0x0 ss:$0x1], $0xffff  }
0x23e: {  	v44 =	vld.idx.msk [tilespmem:v24+s16+$0x0 ss:$0x1], $0xffff  }
0x23f: {  	v50 =	vld.idx.msk [tilespmem:v28+s16+$0x0 ss:$0x1], $0xffff  }
0x240: {  	v38 =	vshll.u32 v34, $0x10;
	v40 =	vshll.u32 v35, $0x10;
	v34 =	vmul.f32 v34, v2  }
0x241: {  	v45 =	vld.idx.msk [tilespmem:v25+s16+$0x0 ss:$0x1], $0xffff;
	v35 =	vmul.f32 v35, v3;
	v42 =	vshll.u32 v36, $0x10;
	v36 =	vmul.f32 v36, v4  }
0x242: {  	v61 =	vld.idx.msk [tilespmem:v27+s16+$0x0 ss:$0x1], $0xffff;
	v43 =	vshll.u32 v37, $0x10;
	v37 =	vmul.f32 v37, v5;
	v59 =	vmul.f32 v39, v6  }
0x243: {  	v52 =	vld.idx.msk [tilespmem:v29+s16+$0x0 ss:$0x1], $0xffff;
	v60 =	vshll.u32 v41, $0x10;
	v48 =	vmul.f32 v44, v8;
	v41 =	vmul.f32 v41, v7  }
0x244: {  	v47 =	vld.idx.msk [tilespmem:v30+s16+$0x0 ss:$0x1], $0xffff;
	v62 =	vshll.u32 v44, $0x10;
	v44 =	vmul.f32 v50, v12;
	v38 =	vmul.f32 v38, v2  }
0x245: {  	v55 =	vshll.u32 v39, $0x10;
	v40 =	vmul.f32 v40, v3;
	v53 =	vmul.f32 v42, v4  }
0x246: {  	v58 =	vld.idx.msk [tilespmem:v26+s16+$0x0 ss:$0x1], $0xffff;
	v49 =	vshll.u32 v45, $0x10;
	v54 =	vmul.f32 v43, v5;
	v57 =	vmul.f32 v55, v6  }
0x247: {  	v46 =	vshll.u32 v61, $0x10;
	v39 =	vmul.f32 v60, v7;
	v63 =	vmul.f32 v62, v8  }
0x248: {  	v51 =	vmul.f32 v49, v9;
	v60 =	vshll.u32 v50, $0x10;
	v62 =	vshll.u32 v52, $0x10  }
0x249: {  	v49 =	vshll.u32 v47, $0x10;
	v34 =	vadd.f32 v35, v34;
	v36 =	vadd.f32 v37, v36  }
0x24a: {  	v43 =	vmul.f32 v60, v12;
	v38 =	vadd.f32 v40, v38;
	v56 =	vadd.f32 v54, v53  }
0x24b: {  	v53 =	vmul.f32 v45, v9;
	v54 =	vshll.u32 v58, $0x10;
	v34 =	vadd.f32 v59, v34  }
0x24c: {  	v36 =	vadd.f32 v48, v36;
	v55 =	vmul.f32 v54, v10;
	v59 =	vmul.f32 v61, v11  }
0x24d: {  	v61 =	vld.idx.msk [tilespmem:v31+s16+$0x0 ss:$0x1], $0xffff;
	v38 =	vadd.f32 v57, v38;
	v35 =	vadd.f32 v63, v56;
	v56 =	vmul.f32 v46, v11  }
0x24e: {  	v48 =	vld.idx.msk [tilespmem:v33+s16+$0x0 ss:$0x1], $0xffff;
	v57 =	vmul.f32 v58, v10;
	v46 =	vmul.f32 v62, v13;
	v41 =	vadd.f32 v41, v34  }
0x24f: {  	v63 =	vmul.f32 v49, v14;
	v36 =	vadd.f32 v53, v36;
	v38 =	vadd.f32 v39, v38  }
0x250: {  	v58 =	vld.idx.msk [tilespmem:v32+s16+$0x0 ss:$0x1], $0xffff;
	v35 =	vadd.f32 v51, v35;
	v34 =	vadd.f32 v56, v55;
	v39 =	vmul.f32 v52, v13  }
0x251: {  	s17 =	sor.u32 $0x10, s16;
	v47 =	vmul.f32 v47, v14;
	v37 =	vadd.f32 v59, v57;
	v43 =	vadd.f32 v46, v43  }
0x252: {  	v53 =	vld.idx.msk [tilespmem:v18+s17+$0x0 ss:$0x1], $0xffff;
	v36 =	vmax.f32 v41, v36;
	v39 =	vadd.f32 v39, v44;
	v34 =	vadd.f32 v63, v34  }
0x253: {  	v55 =	vld.idx.msk [tilespmem:v19+s17+$0x0 ss:$0x1], $0xffff;
	v37 =	vadd.f32 v47, v37;
	v51 =	vshll.u32 v61, $0x10;
	v52 =	vshll.u32 v48, $0x10  }
0x254: {  	v57 =	vld.idx.msk [tilespmem:v20+s17+$0x0 ss:$0x1], $0xffff;
	v45 =	vmul.f32 v61, v15;
	v56 =	vmul.f32 v48, v17;
	v35 =	vmax.f32 v38, v35  }
0x255: {  	v49 =	vshll.u32 v58, $0x10;
	v40 =	vmul.f32 v58, v16;
	v44 =	vmul.f32 v51, v15  }
0x256: {  	v54 =	vmul.f32 v52, v17;
	v58 =	vld.idx.msk [tilespmem:v21+s17+$0x0 ss:$0x1], $0xffff;
	v50 =	vmul.f32 v49, v16;
	v37 =	vadd.f32 v45, v37  }
0x257: {  	v59 =	vshll.u32 v53, $0x10;
	v62 =	vmul.f32 v53, v2;
	v39 =	vadd.f32 v40, v39  }
0x258: {  	v40 =	vld.idx.msk [tilespmem:v22+s17+$0x0 ss:$0x1], $0xffff;
	v60 =	vmul.f32 v59, v2;
	v61 =	vshll.u32 v55, $0x10;
	v63 =	vmul.f32 v55, v3  }
0x259: {  	v52 =	vshll.u32 v57, $0x10;
	v57 =	vmul.f32 v57, v4;
	v59 =	vld.idx.msk [tilespmem:v25+s17+$0x0 ss:$0x1], $0xffff;
	v42 =	vadd.f32 v50, v43  }
0x25a: {  	v34 =	vadd.f32 v44, v34;
	v38 =	vmul.f32 v61, v3;
	v55 =	vmul.f32 v52, v4  }
0x25b: {  	v61 =	vld.idx.msk [tilespmem:v26+s17+$0x0 ss:$0x1], $0xffff;
	v39 =	vadd.f32 v56, v39;
	v42 =	vadd.f32 v54, v42;
	v53 =	vshll.u32 v58, $0x10  }
0x25c: {  	v41 =	vadd.f32 v63, v62;
	v54 =	vld.idx.msk [tilespmem:v24+s17+$0x0 ss:$0x1], $0xffff;
	v43 =	vmul.f32 v58, v5;
	v56 =	vmul.f32 v53, v5  }
0x25d: {  	v37 =	vmax.f32 v37, v39;
	v34 =	vmax.f32 v34, v42;
	v58 =	vshll.u32 v40, $0x10  }
0x25e: {  	v42 =	vld.idx.msk [tilespmem:v23+s17+$0x0 ss:$0x1], $0xffff;
	v43 =	vadd.f32 v43, v57;
	v40 =	vmul.f32 v40, v6;
	v57 =	vmul.f32 v59, v9  }
0x25f: {  	v34 =	vmax.f32 v35, v34;
	v35 =	vadd.f32 v38, v60;
	v38 =	vadd.f32 v56, v55  }
0x260: {  	v60 =	vmul.f32 v58, v6;
	v55 =	vld.idx.msk [tilespmem:v28+s17+$0x0 ss:$0x1], $0xffff;
	v58 =	vshll.u32 v61, $0x10;
	v61 =	vmul.f32 v61, v10  }
0x261: {  	v40 =	vadd.f32 v40, v41;
	v51 =	vshll.u32 v54, $0x10;
	v53 =	vmul.f32 v54, v8  }
0x262: {  	v63 =	vld.idx.msk [tilespmem:v27+s17+$0x0 ss:$0x1], $0xffff;
	v35 =	vadd.f32 v60, v35;
	v54 =	vshll.u32 v59, $0x10;
	v52 =	vmul.f32 v51, v8  }
0x263: {  	v51 =	vld.idx.msk [tilespmem:v30+s17+$0x0 ss:$0x1], $0xffff;
	v62 =	vshll.u32 v42, $0x10;
	v42 =	vmul.f32 v42, v7;
	v56 =	vadd.f32 v53, v43  }
0x264: {  	v59 =	vmul.f32 v58, v10;
	v43 =	vld.idx.msk [tilespmem:v29+s17+$0x0 ss:$0x1], $0xffff;
	v50 =	vmul.f32 v62, v7;
	v38 =	vadd.f32 v52, v38  }
0x265: {  	v47 =	vmul.f32 v55, v12;
	v40 =	vadd.f32 v42, v40;
	v41 =	vadd.f32 v57, v56  }
0x266: {  	v49 =	vld.idx.msk [tilespmem:v31+s17+$0x0 ss:$0x1], $0xffff;
	v56 =	vshll.u32 v55, $0x10;
	v44 =	vadd.f32 v50, v35;
	v35 =	vmul.f32 v54, v9  }
0x267: {  	v62 =	vld.idx.msk [tilespmem:v32+s17+$0x0 ss:$0x1], $0xffff;
	v50 =	vshll.u32 v63, $0x10;
	v63 =	vmul.f32 v63, v11;
	v48 =	vmul.f32 v56, v12  }
0x268: {  	v52 =	vld.idx.msk [tilespmem:v33+s17+$0x0 ss:$0x1], $0xffff;
	v60 =	vmul.f32 v50, v11;
	v53 =	vshll.u32 v51, $0x10;
	v51 =	vmul.f32 v51, v14  }
0x269: {  	v40 =	vmax.f32 v40, v41;
	v38 =	vadd.f32 v35, v38;
	v57 =	vshll.u32 v43, $0x10  }
0x26a: {  	s10 =	sor.u32 $0x20, s16;
	v43 =	vmul.f32 v43, v13;
	v35 =	vadd.f32 v63, v61;
	v58 =	vmul.f32 v53, v14  }
0x26b: {  	v56 =	vld.idx.msk [tilespmem:v19+s10+$0x0 ss:$0x1], $0xffff;
	v61 =	vshll.u32 v49, $0x10;
	v49 =	vmul.f32 v49, v15;
	v42 =	vadd.f32 v60, v59  }
0x26c: {  	v50 =	vmul.f32 v57, v13;
	v59 =	vshll.u32 v62, $0x10;
	v45 =	vmul.f32 v62, v16  }
0x26d: {  	v62 =	vshll.u32 v52, $0x10;
	v57 =	vmul.f32 v52, v17;
	v52 =	vld.idx.msk [tilespmem:v20+s10+$0x0 ss:$0x1], $0xffff;
	v43 =	vadd.f32 v43, v47  }
0x26e: {  	v46 =	vadd.f32 v51, v35;
	v60 =	vmul.f32 v59, v16;
	v51 =	vld.idx.msk [tilespmem:v18+s10+$0x0 ss:$0x1], $0xffff;
	v47 =	vmul.f32 v61, v15  }
0x26f: {  	v63 =	vmul.f32 v62, v17;
	v48 =	vadd.f32 v50, v48;
	v42 =	vadd.f32 v58, v42  }
0x270: {  	v53 =	vshll.u32 v56, $0x10;
	v55 =	vmul.f32 v56, v3;
	v43 =	vadd.f32 v45, v43  }
0x271: {  	v39 =	vmul.f32 v53, v3;
	v35 =	vadd.f32 v60, v48;
	v58 =	vadd.f32 v47, v42;
	v47 =	vld.idx.msk [tilespmem:v21+s10+$0x0 ss:$0x1], $0xffff  }
0x272: {  	v60 =	vmax.f32 v44, v38;
	v42 =	vld.idx.msk [tilespmem:v22+s10+$0x0 ss:$0x1], $0xffff;
	v43 =	vadd.f32 v57, v43;
	v56 =	vshll.u32 v52, $0x10  }
0x273: {  	v44 =	vld.idx.msk [tilespmem:v23+s10+$0x0 ss:$0x1], $0xffff;
	v59 =	vadd.f32 v63, v35;
	v62 =	vshll.u32 v51, $0x10;
	v54 =	vmul.f32 v51, v2  }
0x274: {  	v35 =	vmax.f32 v36, v37;
	v37 =	vadd.f32 v49, v46;
	v63 =	vmul.f32 v62, v2  }
0x275: {  	v61 =	vmax.f32 v58, v59;
	v59 =	vmul.f32 v56, v4;
	v41 =	vadd.f32 v55, v54  }
0x276: {  	v46 =	vld.idx.msk [tilespmem:v26+s10+$0x0 ss:$0x1], $0xffff;
	v37 =	vmax.f32 v37, v43;
	v36 =	vmax.f32 v60, v61;
	v57 =	vshll.u32 v47, $0x10  }
0x277: {  	v58 =	vld.idx.msk [tilespmem:v24+s10+$0x0 ss:$0x1], $0xffff;
	v38 =	vadd.f32 v39, v63;
	v61 =	vmul.f32 v52, v4;
	v47 =	vmul.f32 v47, v5  }
0x278: {  	v50 =	vld.idx.msk [tilespmem:v27+s10+$0x0 ss:$0x1], $0xffff;
	v62 =	vshll.u32 v42, $0x10;
	v42 =	vmul.f32 v42, v6;
	v54 =	vshll.u32 v44, $0x10  }
0x279: {  	v63 =	vld.idx.msk [tilespmem:v25+s10+$0x0 ss:$0x1], $0xffff;
	v44 =	vmul.f32 v44, v7;
	v37 =	vmax.f32 v40, v37;
	v53 =	vmul.f32 v62, v6  }
0x27a: {  	v60 =	vmul.f32 v57, v5;
	v55 =	vmul.f32 v54, v7;
	v47 =	vadd.f32 v47, v61  }
0x27b: {  	v41 =	vadd.f32 v42, v41;
	v62 =	vshll.u32 v46, $0x10;
	v38 =	vadd.f32 v53, v38  }
0x27c: {  	v49 =	vld.idx.msk [tilespmem:v28+s10+$0x0 ss:$0x1], $0xffff;
	v39 =	vadd.f32 v60, v59;
	v56 =	vshll.u32 v58, $0x10;
	v58 =	vmul.f32 v58, v8  }
0x27d: {  	v53 =	vld.idx.msk [tilespmem:v30+s10+$0x0 ss:$0x1], $0xffff;
	v41 =	vadd.f32 v44, v41;
	v57 =	vmul.f32 v56, v8;
	v38 =	vadd.f32 v55, v38  }
0x27e: {  	v59 =	vshll.u32 v63, $0x10;
	v61 =	vmul.f32 v63, v9;
	v63 =	vshll.u32 v50, $0x10  }
0x27f: {  	v51 =	vld.idx.msk [tilespmem:v31+s10+$0x0 ss:$0x1], $0xffff;
	v56 =	vmul.f32 v62, v10;
	v60 =	vadd.f32 v58, v47;
	v45 =	vmul.f32 v59, v9  }
0x280: {  	v47 =	vld.idx.msk [tilespmem:v29+s10+$0x0 ss:$0x1], $0xffff;
	v58 =	vmul.f32 v46, v10;
	v39 =	vadd.f32 v57, v39;
	v57 =	vmul.f32 v63, v11  }
0x281: {  	v59 =	vld.idx.msk [tilespmem:v32+s10+$0x0 ss:$0x1], $0xffff;
	v42 =	vadd.f32 v61, v60;
	v60 =	vmul.f32 v50, v11;
	v61 =	vshll.u32 v49, $0x10  }
0x282: {  	v54 =	vld.idx.msk [tilespmem:v33+s10+$0x0 ss:$0x1], $0xffff;
	v49 =	vmul.f32 v49, v12;
	v55 =	vshll.u32 v53, $0x10;
	v53 =	vmul.f32 v53, v14  }
0x283: {  	v39 =	vadd.f32 v45, v39;
	v44 =	vadd.f32 v57, v56;
	v50 =	vmul.f32 v61, v12  }
0x284: {  	s11 =	sor.u32 $0x30, s16;
	v63 =	vmul.f32 v55, v14;
	v45 =	vadd.f32 v60, v58;
	v58 =	vshll.u32 v51, $0x10  }
0x285: {  	v61 =	vld.idx.msk [tilespmem:v19+s11+$0x0 ss:$0x1], $0xffff;
	v51 =	vmul.f32 v51, v15;
	v62 =	vshll.u32 v47, $0x10;
	v47 =	vmul.f32 v47, v13  }
0x286: {  	v56 =	vshll.u32 v59, $0x10;
	v44 =	vadd.f32 v63, v44;
	v46 =	vmul.f32 v59, v16  }
0x287: {  	v59 =	vshll.u32 v54, $0x10;
	v52 =	vmul.f32 v62, v13;
	v45 =	vadd.f32 v53, v45;
	v53 =	vld.idx.msk [tilespmem:v18+s11+$0x0 ss:$0x1], $0xffff  }
0x288: {  	v57 =	vmul.f32 v56, v16;
	v62 =	vmul.f32 v54, v17;
	v54 =	vld.idx.msk [tilespmem:v20+s11+$0x0 ss:$0x1], $0xffff;
	v47 =	vadd.f32 v47, v49  }
0x289: {  	v60 =	vmul.f32 v59, v17;
	v49 =	vmul.f32 v58, v15;
	v50 =	vadd.f32 v52, v50  }
0x28a: {  	v40 =	vadd.f32 v51, v45;
	v59 =	vshll.u32 v61, $0x10;
	v52 =	vld.idx.msk [tilespmem:v23+s11+$0x0 ss:$0x1], $0xffff;
	v46 =	vadd.f32 v46, v47  }
0x28b: {  	v61 =	vmul.f32 v61, v3;
	v63 =	vadd.f32 v49, v44;
	v49 =	vld.idx.msk [tilespmem:v24+s11+$0x0 ss:$0x1], $0xffff;
	v48 =	vadd.f32 v57, v50  }
0x28c: {  	v43 =	vmul.f32 v59, v3;
	v50 =	vld.idx.msk [tilespmem:v26+s11+$0x0 ss:$0x1], $0xffff;
	v45 =	vadd.f32 v62, v46;
	v57 =	vshll.u32 v53, $0x10  }
0x28d: {  	v46 =	vld.idx.msk [tilespmem:v22+s11+$0x0 ss:$0x1], $0xffff;
	v44 =	vmul.f32 v53, v2;
	v55 =	vadd.f32 v60, v48;
	v60 =	vshll.u32 v54, $0x10  }
0x28e: {  	v38 =	vmax.f32 v38, v39;
	v48 =	vld.idx.msk [tilespmem:v21+s11+$0x0 ss:$0x1], $0xffff;
	v58 =	vmul.f32 v57, v2;
	v47 =	vmul.f32 v60, v4  }
0x28f: {  	v44 =	vadd.f32 v61, v44;
	v61 =	vshll.u32 v52, $0x10;
	v52 =	vmul.f32 v52, v7  }
0x290: {  	v56 =	vmax.f32 v63, v55;
	v63 =	vmul.f32 v54, v4;
	v39 =	vadd.f32 v43, v58  }
0x291: {  	v55 =	vld.idx.msk [tilespmem:v25+s11+$0x0 ss:$0x1], $0xffff;
	v60 =	vshll.u32 v49, $0x10;
	v49 =	vmul.f32 v49, v8;
	v38 =	vmax.f32 v38, v56  }
0x292: {  	v57 =	vshll.u32 v46, $0x10;
	v46 =	vmul.f32 v46, v6;
	[tilespmem:v1+s10+$0x180 ss:$0x1] =	vst.idx.msk $0xffff, v38;
	v38 =	vmul.f32 v50, v10  }
0x293: {  	v53 =	vld.idx.msk [tilespmem:v29+s11+$0x0 ss:$0x1], $0xffff;
	v62 =	vshll.u32 v48, $0x10;
	v58 =	vmul.f32 v48, v5;
	v59 =	vmul.f32 v57, v6  }
0x294: {  	v41 =	vmax.f32 v41, v42;
	v56 =	vld.idx.msk [tilespmem:v31+s11+$0x0 ss:$0x1], $0xffff;
	v48 =	vmul.f32 v60, v8;
	v51 =	vmul.f32 v62, v5  }
0x295: {  	v44 =	vadd.f32 v46, v44;
	v46 =	vmul.f32 v61, v7;
	v43 =	vadd.f32 v58, v63;
	v63 =	vld.idx.msk [tilespmem:v28+s11+$0x0 ss:$0x1], $0xffff  }
0x296: {  	v39 =	vadd.f32 v59, v39;
	v62 =	vshll.u32 v55, $0x10;
	v47 =	vadd.f32 v51, v47;
	v51 =	vld.idx.msk [tilespmem:v27+s11+$0x0 ss:$0x1], $0xffff  }
0x297: {  	[tilespmem:v1+s17+$0x180 ss:$0x1] =	vst.idx.msk $0xffff, v36;
	v58 =	vmul.f32 v55, v9;
	v59 =	vshll.u32 v50, $0x10;
	v43 =	vadd.f32 v49, v43  }
0x298: {  	v57 =	vmul.f32 v62, v9;
	v44 =	vadd.f32 v52, v44;
	v52 =	vld.idx.msk [tilespmem:v32+s11+$0x0 ss:$0x1], $0xffff;
	v39 =	vadd.f32 v46, v39  }
0x299: {  	v62 =	vshll.u32 v53, $0x10;
	v49 =	vld.idx.msk [tilespmem:v30+s11+$0x0 ss:$0x1], $0xffff;
	v47 =	vadd.f32 v48, v47;
	v36 =	vadd.f32 v58, v43  }
0x29a: {  	v43 =	vmul.f32 v59, v10;
	v58 =	vshll.u32 v56, $0x10;
	v59 =	vmul.f32 v56, v15  }
0x29b: {  	v61 =	vshll.u32 v63, $0x10;
	v54 =	vmul.f32 v63, v12;
	v50 =	vmul.f32 v51, v11  }
0x29c: {  	v60 =	vshll.u32 v51, $0x10;
	v48 =	vmul.f32 v61, v12;
	v51 =	vmul.f32 v62, v13  }
0x29d: {  	v47 =	vadd.f32 v57, v47;
	v62 =	vld.idx.msk [tilespmem:v33+s11+$0x0 ss:$0x1], $0xffff;
	v57 =	vmul.f32 v52, v16;
	v46 =	vmul.f32 v60, v11  }
0x29e: {  	[tilespmem:v1+s16+$0x180 ss:$0x1] =	vst.idx.msk $0xffff, v34;
	v63 =	vshll.u32 v49, $0x10;
	v60 =	vmul.f32 v53, v13;
	v49 =	vmul.f32 v49, v14  }
0x29f: {  	v61 =	vmul.f32 v63, v14;
	v38 =	vadd.f32 v50, v38;
	v43 =	vadd.f32 v46, v43  }
0x2a0: {  	[tilespmem:v1+s16+$0x580 ss:$0x1] =	vst.idx.msk $0xffff, v35;
	v48 =	vadd.f32 v51, v48;
	v63 =	vadd.f32 v60, v54;
	v54 =	vshll.u32 v52, $0x10  }
0x2a1: {  	v53 =	vadd.f32 v49, v38;
	v38 =	vmul.f32 v54, v16;
	v43 =	vadd.f32 v61, v43  }
0x2a2: {  	[tilespmem:v1+s16+$0x590 ss:$0x1] =	vst.idx.msk $0xffff, v37;
	v60 =	vadd.f32 v57, v63;
	v61 =	vshll.u32 v62, $0x10;
	v62 =	vmul.f32 v62, v17  }
0x2a3: {  	v35 =	vmul.f32 v58, v15;
	v38 =	vadd.f32 v38, v48;
	v42 =	vmul.f32 v61, v17  }
0x2a4: {  	p4 =	por p3, p3;
	v40 =	vmax.f32 v40, v45;
	v34 =	vadd.f32 v59, v53;
	v37 =	vadd.f32 v62, v60  }
.Ltmp13:
0x2a5: {  	v40 =	vmax.f32 v41, v40;
	v35 =	vadd.f32 v35, v43;
	v38 =	vadd.f32 v42, v38;
	(pc) =	sbr.rel @p4 .LBB2_22-.Ltmp13, $4  }
0x2a6: {  	[tilespmem:v1+s16+$0x5A0 ss:$0x1] =	vst.idx.msk $0xffff, v40;
	v36 =	vmax.f32 v44, v36;
	v34 =	vmax.f32 v34, v37  }
0x2a7: {  	v63 =	vmax.f32 v39, v47;
	v35 =	vmax.f32 v35, v38;
	v34 =	vmax.f32 v36, v34  }
0x2a8: {  	v35 =	vmax.f32 v63, v35;
	[tilespmem:v1+s16+$0x5B0 ss:$0x1] =	vst.idx.msk $0xffff, v34  }
0x2a9: {  	p3 =	por $0x0, $0x0;
	s16 =	simm.s32 $0x40;
	[tilespmem:v1+s11+$0x180 ss:$0x1] =	vst.idx.msk $0xffff, v35  }
0x2aa: {  	v2 =	vld [tilespmem:s28+$0xBC10];
	_ =	sdelay $0x4  }
0x2ab: {  	(v2sf) =	vpush v2, $0x0;
	_ =	sdelay $0x3  }
0x2ac: {  	(v2sf) =	vpush v2, $0x1;
	_ =	sdelay $0x3  }
0x2ad: {  	(v2sf) =	vpush v2, $0x2;
	_ =	sdelay $0x3  }
0x2ae: {  	(v2sf) =	vpush v2, $0x3;
	_ =	sdelay $0x2  }
0x2af: {  	s3 =	spop (v2sf)  }
0x2b0: {  	s8 =	smul.f32 s3, s14  }
0x2b1: {  	s15 =	smul.f32 s3, s2  }
0x2b2: {  	s19 =	smul.f32 s3, s0  }
0x2b3: {  	s6 =	spop (v2sf);
	s3 =	smul.f32 s3, s31  }
0x2b4: {  	s10 =	smul.f32 s6, s14  }
0x2b5: {  	s16 =	smul.f32 s6, s2  }
0x2b6: {  	s21 =	smul.f32 s6, s0  }
0x2b7: {  	s9 =	spop (v2sf);
	s6 =	smul.f32 s6, s31  }
0x2b8: {  	s12 =	smul.f32 s9, s14  }
0x2b9: {  	s17 =	smul.f32 s9, s2  }
0x2ba: {  	s22 =	smul.f32 s9, s0;
	v2 =	vmov s8;
	v6 =	vmov s15  }
0x2bb: {  	s11 =	spop (v2sf);
	s15 =	smul.f32 s9, s31;
	v10 =	vmov s19;
	v14 =	vmov s3;
	v3 =	vmov s10  }
0x2bc: {  	s19 =	sadd.s32 $0xC00, s30;
	s9 =	sadd.s32 $0x1A00, s30;
	s13 =	smul.f32 s11, s14;
	v7 =	vmov s16;
	v11 =	vmov s21;
	v15 =	vmov s6  }
0x2bd: {  	s18 =	smul.f32 s11, s2;
	v18 =	vmov s19;
	v22 =	vmov s9;
	v4 =	vmov s12  }
0x2be: {  	s21 =	sadd.s32 $0xC80, s30;
	s10 =	sadd.s32 $0x1A80, s30;
	s16 =	sadd.s32 $0x2880, s30;
	v8 =	vmov s17;
	v12 =	vmov s22;
	v16 =	vmov s15  }
0x2bf: {  	s23 =	smul.f32 s11, s0;
	s19 =	sadd.s32 $0x3600, s30;
	v19 =	vmov s21;
	v23 =	vmov s10;
	v27 =	vmov s16  }
0x2c0: {  	s22 =	sadd.s32 $0xD00, s30;
	s12 =	sadd.s32 $0x1B00, s30;
	s15 =	sadd.s32 $0x2800, s30;
	v30 =	vmov s19;
	v5 =	vmov s13;
	v9 =	vmov s18  }
0x2c1: {  	s17 =	sadd.s32 $0x2900, s30;
	s21 =	sadd.s32 $0x3680, s30;
	s18 =	smul.f32 s11, s31;
	v13 =	vmov s23;
	v20 =	vmov s22;
	v24 =	vmov s12  }
0x2c2: {  	s23 =	sadd.s32 $0xD80, s30;
	s13 =	sadd.s32 $0x1B80, s30;
	v26 =	vmov s15;
	v28 =	vmov s17;
	v31 =	vmov s21  }
0x2c3: {  	s22 =	sadd.s32 $0x3700, s30;
	v21 =	vmov s23;
	v25 =	vmov s13;
	s23 =	sadd.s32 $0x3780, s30;
	v17 =	vmov s18;
	s18 =	sadd.s32 $0x2980, s30  }
0x2c4: {  	p3 =	por $0x1, $0x1;
	s16 =	simm.s32 $0x0;
	v32 =	vmov s22;
	v33 =	vmov s23;
	v29 =	vmov s18  }
.LBB2_24:
0x2c5: {  	v34 =	vld.idx.msk [tilespmem:v18+s16+$0x0 ss:$0x1], $0xffff  }
0x2c6: {  	v35 =	vld.idx.msk [tilespmem:v19+s16+$0x0 ss:$0x1], $0xffff  }
0x2c7: {  	v36 =	vld.idx.msk [tilespmem:v20+s16+$0x0 ss:$0x1], $0xffff  }
0x2c8: {  	v37 =	vld.idx.msk [tilespmem:v21+s16+$0x0 ss:$0x1], $0xffff  }
0x2c9: {  	v39 =	vld.idx.msk [tilespmem:v22+s16+$0x0 ss:$0x1], $0xffff  }
0x2ca: {  	v41 =	vld.idx.msk [tilespmem:v23+s16+$0x0 ss:$0x1], $0xffff  }
0x2cb: {  	v44 =	vld.idx.msk [tilespmem:v24+s16+$0x0 ss:$0x1], $0xffff  }
0x2cc: {  	v50 =	vld.idx.msk [tilespmem:v28+s16+$0x0 ss:$0x1], $0xffff  }
0x2cd: {  	v38 =	vshll.u32 v34, $0x10;
	v40 =	vshll.u32 v35, $0x10;
	v34 =	vmul.f32 v34, v2  }
0x2ce: {  	v45 =	vld.idx.msk [tilespmem:v25+s16+$0x0 ss:$0x1], $0xffff;
	v35 =	vmul.f32 v35, v3;
	v42 =	vshll.u32 v36, $0x10;
	v36 =	vmul.f32 v36, v4  }
0x2cf: {  	v61 =	vld.idx.msk [tilespmem:v27+s16+$0x0 ss:$0x1], $0xffff;
	v43 =	vshll.u32 v37, $0x10;
	v37 =	vmul.f32 v37, v5;
	v59 =	vmul.f32 v39, v6  }
0x2d0: {  	v52 =	vld.idx.msk [tilespmem:v29+s16+$0x0 ss:$0x1], $0xffff;
	v60 =	vshll.u32 v41, $0x10;
	v48 =	vmul.f32 v44, v8;
	v41 =	vmul.f32 v41, v7  }
0x2d1: {  	v47 =	vld.idx.msk [tilespmem:v30+s16+$0x0 ss:$0x1], $0xffff;
	v62 =	vshll.u32 v44, $0x10;
	v44 =	vmul.f32 v50, v12;
	v38 =	vmul.f32 v38, v2  }
0x2d2: {  	v55 =	vshll.u32 v39, $0x10;
	v40 =	vmul.f32 v40, v3;
	v53 =	vmul.f32 v42, v4  }
0x2d3: {  	v58 =	vld.idx.msk [tilespmem:v26+s16+$0x0 ss:$0x1], $0xffff;
	v49 =	vshll.u32 v45, $0x10;
	v54 =	vmul.f32 v43, v5;
	v57 =	vmul.f32 v55, v6  }
0x2d4: {  	v46 =	vshll.u32 v61, $0x10;
	v39 =	vmul.f32 v60, v7;
	v63 =	vmul.f32 v62, v8  }
0x2d5: {  	v51 =	vmul.f32 v49, v9;
	v60 =	vshll.u32 v50, $0x10;
	v62 =	vshll.u32 v52, $0x10  }
0x2d6: {  	v49 =	vshll.u32 v47, $0x10;
	v34 =	vadd.f32 v35, v34;
	v36 =	vadd.f32 v37, v36  }
0x2d7: {  	v43 =	vmul.f32 v60, v12;
	v38 =	vadd.f32 v40, v38;
	v56 =	vadd.f32 v54, v53  }
0x2d8: {  	v53 =	vmul.f32 v45, v9;
	v54 =	vshll.u32 v58, $0x10;
	v34 =	vadd.f32 v59, v34  }
0x2d9: {  	v36 =	vadd.f32 v48, v36;
	v55 =	vmul.f32 v54, v10;
	v59 =	vmul.f32 v61, v11  }
0x2da: {  	v61 =	vld.idx.msk [tilespmem:v31+s16+$0x0 ss:$0x1], $0xffff;
	v38 =	vadd.f32 v57, v38;
	v35 =	vadd.f32 v63, v56;
	v56 =	vmul.f32 v46, v11  }
0x2db: {  	v48 =	vld.idx.msk [tilespmem:v33+s16+$0x0 ss:$0x1], $0xffff;
	v57 =	vmul.f32 v58, v10;
	v46 =	vmul.f32 v62, v13;
	v41 =	vadd.f32 v41, v34  }
0x2dc: {  	v63 =	vmul.f32 v49, v14;
	v36 =	vadd.f32 v53, v36;
	v38 =	vadd.f32 v39, v38  }
0x2dd: {  	v58 =	vld.idx.msk [tilespmem:v32+s16+$0x0 ss:$0x1], $0xffff;
	v35 =	vadd.f32 v51, v35;
	v34 =	vadd.f32 v56, v55;
	v39 =	vmul.f32 v52, v13  }
0x2de: {  	s17 =	sor.u32 $0x10, s16;
	v47 =	vmul.f32 v47, v14;
	v37 =	vadd.f32 v59, v57;
	v43 =	vadd.f32 v46, v43  }
0x2df: {  	v53 =	vld.idx.msk [tilespmem:v18+s17+$0x0 ss:$0x1], $0xffff;
	v36 =	vmax.f32 v41, v36;
	v39 =	vadd.f32 v39, v44;
	v34 =	vadd.f32 v63, v34  }
0x2e0: {  	v55 =	vld.idx.msk [tilespmem:v19+s17+$0x0 ss:$0x1], $0xffff;
	v37 =	vadd.f32 v47, v37;
	v51 =	vshll.u32 v61, $0x10;
	v52 =	vshll.u32 v48, $0x10  }
0x2e1: {  	v57 =	vld.idx.msk [tilespmem:v20+s17+$0x0 ss:$0x1], $0xffff;
	v45 =	vmul.f32 v61, v15;
	v56 =	vmul.f32 v48, v17;
	v35 =	vmax.f32 v38, v35  }
0x2e2: {  	v49 =	vshll.u32 v58, $0x10;
	v40 =	vmul.f32 v58, v16;
	v44 =	vmul.f32 v51, v15  }
0x2e3: {  	v54 =	vmul.f32 v52, v17;
	v58 =	vld.idx.msk [tilespmem:v21+s17+$0x0 ss:$0x1], $0xffff;
	v50 =	vmul.f32 v49, v16;
	v37 =	vadd.f32 v45, v37  }
0x2e4: {  	v59 =	vshll.u32 v53, $0x10;
	v62 =	vmul.f32 v53, v2;
	v39 =	vadd.f32 v40, v39  }
0x2e5: {  	v40 =	vld.idx.msk [tilespmem:v22+s17+$0x0 ss:$0x1], $0xffff;
	v60 =	vmul.f32 v59, v2;
	v61 =	vshll.u32 v55, $0x10;
	v63 =	vmul.f32 v55, v3  }
0x2e6: {  	v52 =	vshll.u32 v57, $0x10;
	v57 =	vmul.f32 v57, v4;
	v59 =	vld.idx.msk [tilespmem:v25+s17+$0x0 ss:$0x1], $0xffff;
	v42 =	vadd.f32 v50, v43  }
0x2e7: {  	v34 =	vadd.f32 v44, v34;
	v38 =	vmul.f32 v61, v3;
	v55 =	vmul.f32 v52, v4  }
0x2e8: {  	v61 =	vld.idx.msk [tilespmem:v26+s17+$0x0 ss:$0x1], $0xffff;
	v39 =	vadd.f32 v56, v39;
	v42 =	vadd.f32 v54, v42;
	v53 =	vshll.u32 v58, $0x10  }
0x2e9: {  	v41 =	vadd.f32 v63, v62;
	v54 =	vld.idx.msk [tilespmem:v24+s17+$0x0 ss:$0x1], $0xffff;
	v43 =	vmul.f32 v58, v5;
	v56 =	vmul.f32 v53, v5  }
0x2ea: {  	v37 =	vmax.f32 v37, v39;
	v34 =	vmax.f32 v34, v42;
	v58 =	vshll.u32 v40, $0x10  }
0x2eb: {  	v42 =	vld.idx.msk [tilespmem:v23+s17+$0x0 ss:$0x1], $0xffff;
	v43 =	vadd.f32 v43, v57;
	v40 =	vmul.f32 v40, v6;
	v57 =	vmul.f32 v59, v9  }
0x2ec: {  	v34 =	vmax.f32 v35, v34;
	v35 =	vadd.f32 v38, v60;
	v38 =	vadd.f32 v56, v55  }
0x2ed: {  	v60 =	vmul.f32 v58, v6;
	v55 =	vld.idx.msk [tilespmem:v28+s17+$0x0 ss:$0x1], $0xffff;
	v58 =	vshll.u32 v61, $0x10;
	v61 =	vmul.f32 v61, v10  }
0x2ee: {  	v40 =	vadd.f32 v40, v41;
	v51 =	vshll.u32 v54, $0x10;
	v53 =	vmul.f32 v54, v8  }
0x2ef: {  	v63 =	vld.idx.msk [tilespmem:v27+s17+$0x0 ss:$0x1], $0xffff;
	v35 =	vadd.f32 v60, v35;
	v54 =	vshll.u32 v59, $0x10;
	v52 =	vmul.f32 v51, v8  }
0x2f0: {  	v51 =	vld.idx.msk [tilespmem:v30+s17+$0x0 ss:$0x1], $0xffff;
	v62 =	vshll.u32 v42, $0x10;
	v42 =	vmul.f32 v42, v7;
	v56 =	vadd.f32 v53, v43  }
0x2f1: {  	v59 =	vmul.f32 v58, v10;
	v43 =	vld.idx.msk [tilespmem:v29+s17+$0x0 ss:$0x1], $0xffff;
	v50 =	vmul.f32 v62, v7;
	v38 =	vadd.f32 v52, v38  }
0x2f2: {  	v47 =	vmul.f32 v55, v12;
	v40 =	vadd.f32 v42, v40;
	v41 =	vadd.f32 v57, v56  }
0x2f3: {  	v49 =	vld.idx.msk [tilespmem:v31+s17+$0x0 ss:$0x1], $0xffff;
	v56 =	vshll.u32 v55, $0x10;
	v44 =	vadd.f32 v50, v35;
	v35 =	vmul.f32 v54, v9  }
0x2f4: {  	v62 =	vld.idx.msk [tilespmem:v32+s17+$0x0 ss:$0x1], $0xffff;
	v50 =	vshll.u32 v63, $0x10;
	v63 =	vmul.f32 v63, v11;
	v48 =	vmul.f32 v56, v12  }
0x2f5: {  	v52 =	vld.idx.msk [tilespmem:v33+s17+$0x0 ss:$0x1], $0xffff;
	v60 =	vmul.f32 v50, v11;
	v53 =	vshll.u32 v51, $0x10;
	v51 =	vmul.f32 v51, v14  }
0x2f6: {  	v40 =	vmax.f32 v40, v41;
	v38 =	vadd.f32 v35, v38;
	v57 =	vshll.u32 v43, $0x10  }
0x2f7: {  	s10 =	sor.u32 $0x20, s16;
	v43 =	vmul.f32 v43, v13;
	v35 =	vadd.f32 v63, v61;
	v58 =	vmul.f32 v53, v14  }
0x2f8: {  	v56 =	vld.idx.msk [tilespmem:v19+s10+$0x0 ss:$0x1], $0xffff;
	v61 =	vshll.u32 v49, $0x10;
	v49 =	vmul.f32 v49, v15;
	v42 =	vadd.f32 v60, v59  }
0x2f9: {  	v50 =	vmul.f32 v57, v13;
	v59 =	vshll.u32 v62, $0x10;
	v45 =	vmul.f32 v62, v16  }
0x2fa: {  	v62 =	vshll.u32 v52, $0x10;
	v57 =	vmul.f32 v52, v17;
	v52 =	vld.idx.msk [tilespmem:v20+s10+$0x0 ss:$0x1], $0xffff;
	v43 =	vadd.f32 v43, v47  }
0x2fb: {  	v46 =	vadd.f32 v51, v35;
	v60 =	vmul.f32 v59, v16;
	v51 =	vld.idx.msk [tilespmem:v18+s10+$0x0 ss:$0x1], $0xffff;
	v47 =	vmul.f32 v61, v15  }
0x2fc: {  	v63 =	vmul.f32 v62, v17;
	v48 =	vadd.f32 v50, v48;
	v42 =	vadd.f32 v58, v42  }
0x2fd: {  	v53 =	vshll.u32 v56, $0x10;
	v55 =	vmul.f32 v56, v3;
	v43 =	vadd.f32 v45, v43  }
0x2fe: {  	v39 =	vmul.f32 v53, v3;
	v35 =	vadd.f32 v60, v48;
	v58 =	vadd.f32 v47, v42;
	v47 =	vld.idx.msk [tilespmem:v21+s10+$0x0 ss:$0x1], $0xffff  }
0x2ff: {  	v60 =	vmax.f32 v44, v38;
	v42 =	vld.idx.msk [tilespmem:v22+s10+$0x0 ss:$0x1], $0xffff;
	v43 =	vadd.f32 v57, v43;
	v56 =	vshll.u32 v52, $0x10  }
0x300: {  	v44 =	vld.idx.msk [tilespmem:v23+s10+$0x0 ss:$0x1], $0xffff;
	v59 =	vadd.f32 v63, v35;
	v62 =	vshll.u32 v51, $0x10;
	v54 =	vmul.f32 v51, v2  }
0x301: {  	v35 =	vmax.f32 v36, v37;
	v37 =	vadd.f32 v49, v46;
	v63 =	vmul.f32 v62, v2  }
0x302: {  	v61 =	vmax.f32 v58, v59;
	v59 =	vmul.f32 v56, v4;
	v41 =	vadd.f32 v55, v54  }
0x303: {  	v46 =	vld.idx.msk [tilespmem:v26+s10+$0x0 ss:$0x1], $0xffff;
	v37 =	vmax.f32 v37, v43;
	v36 =	vmax.f32 v60, v61;
	v57 =	vshll.u32 v47, $0x10  }
0x304: {  	v58 =	vld.idx.msk [tilespmem:v24+s10+$0x0 ss:$0x1], $0xffff;
	v38 =	vadd.f32 v39, v63;
	v61 =	vmul.f32 v52, v4;
	v47 =	vmul.f32 v47, v5  }
0x305: {  	v50 =	vld.idx.msk [tilespmem:v27+s10+$0x0 ss:$0x1], $0xffff;
	v62 =	vshll.u32 v42, $0x10;
	v42 =	vmul.f32 v42, v6;
	v54 =	vshll.u32 v44, $0x10  }
0x306: {  	v63 =	vld.idx.msk [tilespmem:v25+s10+$0x0 ss:$0x1], $0xffff;
	v44 =	vmul.f32 v44, v7;
	v37 =	vmax.f32 v40, v37;
	v53 =	vmul.f32 v62, v6  }
0x307: {  	v60 =	vmul.f32 v57, v5;
	v55 =	vmul.f32 v54, v7;
	v47 =	vadd.f32 v47, v61  }
0x308: {  	v41 =	vadd.f32 v42, v41;
	v62 =	vshll.u32 v46, $0x10;
	v38 =	vadd.f32 v53, v38  }
0x309: {  	v49 =	vld.idx.msk [tilespmem:v28+s10+$0x0 ss:$0x1], $0xffff;
	v39 =	vadd.f32 v60, v59;
	v56 =	vshll.u32 v58, $0x10;
	v58 =	vmul.f32 v58, v8  }
0x30a: {  	v53 =	vld.idx.msk [tilespmem:v30+s10+$0x0 ss:$0x1], $0xffff;
	v41 =	vadd.f32 v44, v41;
	v57 =	vmul.f32 v56, v8;
	v38 =	vadd.f32 v55, v38  }
0x30b: {  	v59 =	vshll.u32 v63, $0x10;
	v61 =	vmul.f32 v63, v9;
	v63 =	vshll.u32 v50, $0x10  }
0x30c: {  	v51 =	vld.idx.msk [tilespmem:v31+s10+$0x0 ss:$0x1], $0xffff;
	v56 =	vmul.f32 v62, v10;
	v60 =	vadd.f32 v58, v47;
	v45 =	vmul.f32 v59, v9  }
0x30d: {  	v47 =	vld.idx.msk [tilespmem:v29+s10+$0x0 ss:$0x1], $0xffff;
	v58 =	vmul.f32 v46, v10;
	v39 =	vadd.f32 v57, v39;
	v57 =	vmul.f32 v63, v11  }
0x30e: {  	v59 =	vld.idx.msk [tilespmem:v32+s10+$0x0 ss:$0x1], $0xffff;
	v42 =	vadd.f32 v61, v60;
	v60 =	vmul.f32 v50, v11;
	v61 =	vshll.u32 v49, $0x10  }
0x30f: {  	v54 =	vld.idx.msk [tilespmem:v33+s10+$0x0 ss:$0x1], $0xffff;
	v49 =	vmul.f32 v49, v12;
	v55 =	vshll.u32 v53, $0x10;
	v53 =	vmul.f32 v53, v14  }
0x310: {  	v39 =	vadd.f32 v45, v39;
	v44 =	vadd.f32 v57, v56;
	v50 =	vmul.f32 v61, v12  }
0x311: {  	s11 =	sor.u32 $0x30, s16;
	v63 =	vmul.f32 v55, v14;
	v45 =	vadd.f32 v60, v58;
	v58 =	vshll.u32 v51, $0x10  }
0x312: {  	v61 =	vld.idx.msk [tilespmem:v19+s11+$0x0 ss:$0x1], $0xffff;
	v51 =	vmul.f32 v51, v15;
	v62 =	vshll.u32 v47, $0x10;
	v47 =	vmul.f32 v47, v13  }
0x313: {  	v56 =	vshll.u32 v59, $0x10;
	v44 =	vadd.f32 v63, v44;
	v46 =	vmul.f32 v59, v16  }
0x314: {  	v59 =	vshll.u32 v54, $0x10;
	v52 =	vmul.f32 v62, v13;
	v45 =	vadd.f32 v53, v45;
	v53 =	vld.idx.msk [tilespmem:v18+s11+$0x0 ss:$0x1], $0xffff  }
0x315: {  	v57 =	vmul.f32 v56, v16;
	v62 =	vmul.f32 v54, v17;
	v54 =	vld.idx.msk [tilespmem:v20+s11+$0x0 ss:$0x1], $0xffff;
	v47 =	vadd.f32 v47, v49  }
0x316: {  	v60 =	vmul.f32 v59, v17;
	v49 =	vmul.f32 v58, v15;
	v50 =	vadd.f32 v52, v50  }
0x317: {  	v40 =	vadd.f32 v51, v45;
	v59 =	vshll.u32 v61, $0x10;
	v52 =	vld.idx.msk [tilespmem:v23+s11+$0x0 ss:$0x1], $0xffff;
	v46 =	vadd.f32 v46, v47  }
0x318: {  	v61 =	vmul.f32 v61, v3;
	v63 =	vadd.f32 v49, v44;
	v49 =	vld.idx.msk [tilespmem:v24+s11+$0x0 ss:$0x1], $0xffff;
	v48 =	vadd.f32 v57, v50  }
0x319: {  	v43 =	vmul.f32 v59, v3;
	v50 =	vld.idx.msk [tilespmem:v26+s11+$0x0 ss:$0x1], $0xffff;
	v45 =	vadd.f32 v62, v46;
	v57 =	vshll.u32 v53, $0x10  }
0x31a: {  	v46 =	vld.idx.msk [tilespmem:v22+s11+$0x0 ss:$0x1], $0xffff;
	v44 =	vmul.f32 v53, v2;
	v55 =	vadd.f32 v60, v48;
	v60 =	vshll.u32 v54, $0x10  }
0x31b: {  	v38 =	vmax.f32 v38, v39;
	v48 =	vld.idx.msk [tilespmem:v21+s11+$0x0 ss:$0x1], $0xffff;
	v58 =	vmul.f32 v57, v2;
	v47 =	vmul.f32 v60, v4  }
0x31c: {  	v44 =	vadd.f32 v61, v44;
	v61 =	vshll.u32 v52, $0x10;
	v52 =	vmul.f32 v52, v7  }
0x31d: {  	v56 =	vmax.f32 v63, v55;
	v63 =	vmul.f32 v54, v4;
	v39 =	vadd.f32 v43, v58  }
0x31e: {  	v55 =	vld.idx.msk [tilespmem:v25+s11+$0x0 ss:$0x1], $0xffff;
	v60 =	vshll.u32 v49, $0x10;
	v49 =	vmul.f32 v49, v8;
	v38 =	vmax.f32 v38, v56  }
0x31f: {  	v57 =	vshll.u32 v46, $0x10;
	v46 =	vmul.f32 v46, v6;
	[tilespmem:v1+s10+$0x200 ss:$0x1] =	vst.idx.msk $0xffff, v38;
	v38 =	vmul.f32 v50, v10  }
0x320: {  	v53 =	vld.idx.msk [tilespmem:v29+s11+$0x0 ss:$0x1], $0xffff;
	v62 =	vshll.u32 v48, $0x10;
	v58 =	vmul.f32 v48, v5;
	v59 =	vmul.f32 v57, v6  }
0x321: {  	v41 =	vmax.f32 v41, v42;
	v56 =	vld.idx.msk [tilespmem:v31+s11+$0x0 ss:$0x1], $0xffff;
	v48 =	vmul.f32 v60, v8;
	v51 =	vmul.f32 v62, v5  }
0x322: {  	v44 =	vadd.f32 v46, v44;
	v46 =	vmul.f32 v61, v7;
	v43 =	vadd.f32 v58, v63;
	v63 =	vld.idx.msk [tilespmem:v28+s11+$0x0 ss:$0x1], $0xffff  }
0x323: {  	v39 =	vadd.f32 v59, v39;
	v62 =	vshll.u32 v55, $0x10;
	v47 =	vadd.f32 v51, v47;
	v51 =	vld.idx.msk [tilespmem:v27+s11+$0x0 ss:$0x1], $0xffff  }
0x324: {  	[tilespmem:v1+s17+$0x200 ss:$0x1] =	vst.idx.msk $0xffff, v36;
	v58 =	vmul.f32 v55, v9;
	v59 =	vshll.u32 v50, $0x10;
	v43 =	vadd.f32 v49, v43  }
0x325: {  	v57 =	vmul.f32 v62, v9;
	v44 =	vadd.f32 v52, v44;
	v52 =	vld.idx.msk [tilespmem:v32+s11+$0x0 ss:$0x1], $0xffff;
	v39 =	vadd.f32 v46, v39  }
0x326: {  	v62 =	vshll.u32 v53, $0x10;
	v49 =	vld.idx.msk [tilespmem:v30+s11+$0x0 ss:$0x1], $0xffff;
	v47 =	vadd.f32 v48, v47;
	v36 =	vadd.f32 v58, v43  }
0x327: {  	v43 =	vmul.f32 v59, v10;
	v58 =	vshll.u32 v56, $0x10;
	v59 =	vmul.f32 v56, v15  }
0x328: {  	v61 =	vshll.u32 v63, $0x10;
	v54 =	vmul.f32 v63, v12;
	v50 =	vmul.f32 v51, v11  }
0x329: {  	v60 =	vshll.u32 v51, $0x10;
	v48 =	vmul.f32 v61, v12;
	v51 =	vmul.f32 v62, v13  }
0x32a: {  	v47 =	vadd.f32 v57, v47;
	v62 =	vld.idx.msk [tilespmem:v33+s11+$0x0 ss:$0x1], $0xffff;
	v57 =	vmul.f32 v52, v16;
	v46 =	vmul.f32 v60, v11  }
0x32b: {  	[tilespmem:v1+s16+$0x200 ss:$0x1] =	vst.idx.msk $0xffff, v34;
	v63 =	vshll.u32 v49, $0x10;
	v60 =	vmul.f32 v53, v13;
	v49 =	vmul.f32 v49, v14  }
0x32c: {  	v61 =	vmul.f32 v63, v14;
	v38 =	vadd.f32 v50, v38;
	v43 =	vadd.f32 v46, v43  }
0x32d: {  	[tilespmem:v1+s16+$0x600 ss:$0x1] =	vst.idx.msk $0xffff, v35;
	v48 =	vadd.f32 v51, v48;
	v63 =	vadd.f32 v60, v54;
	v54 =	vshll.u32 v52, $0x10  }
0x32e: {  	v53 =	vadd.f32 v49, v38;
	v38 =	vmul.f32 v54, v16;
	v43 =	vadd.f32 v61, v43  }
0x32f: {  	[tilespmem:v1+s16+$0x610 ss:$0x1] =	vst.idx.msk $0xffff, v37;
	v60 =	vadd.f32 v57, v63;
	v61 =	vshll.u32 v62, $0x10;
	v62 =	vmul.f32 v62, v17  }
0x330: {  	v35 =	vmul.f32 v58, v15;
	v38 =	vadd.f32 v38, v48;
	v42 =	vmul.f32 v61, v17  }
0x331: {  	p4 =	por p3, p3;
	v40 =	vmax.f32 v40, v45;
	v34 =	vadd.f32 v59, v53;
	v37 =	vadd.f32 v62, v60  }
.Ltmp14:
0x332: {  	v40 =	vmax.f32 v41, v40;
	v35 =	vadd.f32 v35, v43;
	v38 =	vadd.f32 v42, v38;
	(pc) =	sbr.rel @p4 .LBB2_24-.Ltmp14, $4  }
0x333: {  	[tilespmem:v1+s16+$0x620 ss:$0x1] =	vst.idx.msk $0xffff, v40;
	v36 =	vmax.f32 v44, v36;
	v34 =	vmax.f32 v34, v37  }
0x334: {  	v63 =	vmax.f32 v39, v47;
	v35 =	vmax.f32 v35, v38;
	v34 =	vmax.f32 v36, v34  }
0x335: {  	v35 =	vmax.f32 v63, v35;
	[tilespmem:v1+s16+$0x630 ss:$0x1] =	vst.idx.msk $0xffff, v34  }
0x336: {  	p3 =	por $0x0, $0x0;
	s16 =	simm.s32 $0x40;
	[tilespmem:v1+s11+$0x200 ss:$0x1] =	vst.idx.msk $0xffff, v35  }
0x337: {  	v2 =	vld [tilespmem:s28+$0xBC14];
	_ =	sdelay $0x4  }
0x338: {  	(v2sf) =	vpush v2, $0x0;
	_ =	sdelay $0x3  }
0x339: {  	(v2sf) =	vpush v2, $0x1;
	_ =	sdelay $0x3  }
0x33a: {  	(v2sf) =	vpush v2, $0x2;
	_ =	sdelay $0x3  }
0x33b: {  	(v2sf) =	vpush v2, $0x3;
	_ =	sdelay $0x2  }
0x33c: {  	s3 =	spop (v2sf)  }
0x33d: {  	s8 =	smul.f32 s3, s14  }
0x33e: {  	s15 =	smul.f32 s3, s2  }
0x33f: {  	s19 =	smul.f32 s3, s0  }
0x340: {  	s6 =	spop (v2sf);
	s3 =	smul.f32 s3, s31  }
0x341: {  	s10 =	smul.f32 s6, s14  }
0x342: {  	s16 =	smul.f32 s6, s2  }
0x343: {  	s21 =	smul.f32 s6, s0  }
0x344: {  	s9 =	spop (v2sf);
	s6 =	smul.f32 s6, s31  }
0x345: {  	s12 =	smul.f32 s9, s14  }
0x346: {  	s17 =	smul.f32 s9, s2  }
0x347: {  	s22 =	smul.f32 s9, s0;
	v2 =	vmov s8;
	v6 =	vmov s15  }
0x348: {  	s11 =	spop (v2sf);
	s15 =	smul.f32 s9, s31;
	v10 =	vmov s19;
	v14 =	vmov s3;
	v3 =	vmov s10  }
0x349: {  	s19 =	sadd.s32 $0xE00, s30;
	s9 =	sadd.s32 $0x1C00, s30;
	s13 =	smul.f32 s11, s14;
	v7 =	vmov s16;
	v11 =	vmov s21;
	v15 =	vmov s6  }
0x34a: {  	s18 =	smul.f32 s11, s2;
	v18 =	vmov s19;
	v22 =	vmov s9;
	v4 =	vmov s12  }
0x34b: {  	s21 =	sadd.s32 $0xE80, s30;
	s10 =	sadd.s32 $0x1C80, s30;
	s16 =	sadd.s32 $0x2A80, s30;
	v8 =	vmov s17;
	v12 =	vmov s22;
	v16 =	vmov s15  }
0x34c: {  	s23 =	smul.f32 s11, s0;
	s19 =	sadd.s32 $0x3800, s30;
	v19 =	vmov s21;
	v23 =	vmov s10;
	v27 =	vmov s16  }
0x34d: {  	s22 =	sadd.s32 $0xF00, s30;
	s12 =	sadd.s32 $0x1D00, s30;
	s15 =	sadd.s32 $0x2A00, s30;
	v30 =	vmov s19;
	v5 =	vmov s13;
	v9 =	vmov s18  }
0x34e: {  	s17 =	sadd.s32 $0x2B00, s30;
	s21 =	sadd.s32 $0x3880, s30;
	s18 =	smul.f32 s11, s31;
	v13 =	vmov s23;
	v20 =	vmov s22;
	v24 =	vmov s12  }
0x34f: {  	s23 =	sadd.s32 $0xF80, s30;
	s13 =	sadd.s32 $0x1D80, s30;
	v26 =	vmov s15;
	v28 =	vmov s17;
	v31 =	vmov s21  }
0x350: {  	s22 =	sadd.s32 $0x3900, s30;
	v21 =	vmov s23;
	v25 =	vmov s13;
	s23 =	sadd.s32 $0x3980, s30;
	v17 =	vmov s18;
	s18 =	sadd.s32 $0x2B80, s30  }
0x351: {  	p3 =	por $0x1, $0x1;
	s16 =	simm.s32 $0x0;
	v32 =	vmov s22;
	v33 =	vmov s23;
	v29 =	vmov s18  }
.LBB2_26:
0x352: {  	v34 =	vld.idx.msk [tilespmem:v18+s16+$0x0 ss:$0x1], $0xffff  }
0x353: {  	v35 =	vld.idx.msk [tilespmem:v19+s16+$0x0 ss:$0x1], $0xffff  }
0x354: {  	v36 =	vld.idx.msk [tilespmem:v20+s16+$0x0 ss:$0x1], $0xffff  }
0x355: {  	v37 =	vld.idx.msk [tilespmem:v21+s16+$0x0 ss:$0x1], $0xffff  }
0x356: {  	v39 =	vld.idx.msk [tilespmem:v22+s16+$0x0 ss:$0x1], $0xffff  }
0x357: {  	v41 =	vld.idx.msk [tilespmem:v23+s16+$0x0 ss:$0x1], $0xffff  }
0x358: {  	v44 =	vld.idx.msk [tilespmem:v24+s16+$0x0 ss:$0x1], $0xffff  }
0x359: {  	v50 =	vld.idx.msk [tilespmem:v28+s16+$0x0 ss:$0x1], $0xffff  }
0x35a: {  	v38 =	vshll.u32 v34, $0x10;
	v40 =	vshll.u32 v35, $0x10;
	v34 =	vmul.f32 v34, v2  }
0x35b: {  	v45 =	vld.idx.msk [tilespmem:v25+s16+$0x0 ss:$0x1], $0xffff;
	v35 =	vmul.f32 v35, v3;
	v42 =	vshll.u32 v36, $0x10;
	v36 =	vmul.f32 v36, v4  }
0x35c: {  	v61 =	vld.idx.msk [tilespmem:v27+s16+$0x0 ss:$0x1], $0xffff;
	v43 =	vshll.u32 v37, $0x10;
	v37 =	vmul.f32 v37, v5;
	v59 =	vmul.f32 v39, v6  }
0x35d: {  	v52 =	vld.idx.msk [tilespmem:v29+s16+$0x0 ss:$0x1], $0xffff;
	v60 =	vshll.u32 v41, $0x10;
	v48 =	vmul.f32 v44, v8;
	v41 =	vmul.f32 v41, v7  }
0x35e: {  	v47 =	vld.idx.msk [tilespmem:v30+s16+$0x0 ss:$0x1], $0xffff;
	v62 =	vshll.u32 v44, $0x10;
	v44 =	vmul.f32 v50, v12;
	v38 =	vmul.f32 v38, v2  }
0x35f: {  	v55 =	vshll.u32 v39, $0x10;
	v40 =	vmul.f32 v40, v3;
	v53 =	vmul.f32 v42, v4  }
0x360: {  	v58 =	vld.idx.msk [tilespmem:v26+s16+$0x0 ss:$0x1], $0xffff;
	v49 =	vshll.u32 v45, $0x10;
	v54 =	vmul.f32 v43, v5;
	v57 =	vmul.f32 v55, v6  }
0x361: {  	v46 =	vshll.u32 v61, $0x10;
	v39 =	vmul.f32 v60, v7;
	v63 =	vmul.f32 v62, v8  }
0x362: {  	v51 =	vmul.f32 v49, v9;
	v60 =	vshll.u32 v50, $0x10;
	v62 =	vshll.u32 v52, $0x10  }
0x363: {  	v49 =	vshll.u32 v47, $0x10;
	v34 =	vadd.f32 v35, v34;
	v36 =	vadd.f32 v37, v36  }
0x364: {  	v43 =	vmul.f32 v60, v12;
	v38 =	vadd.f32 v40, v38;
	v56 =	vadd.f32 v54, v53  }
0x365: {  	v53 =	vmul.f32 v45, v9;
	v54 =	vshll.u32 v58, $0x10;
	v34 =	vadd.f32 v59, v34  }
0x366: {  	v36 =	vadd.f32 v48, v36;
	v55 =	vmul.f32 v54, v10;
	v59 =	vmul.f32 v61, v11  }
0x367: {  	v61 =	vld.idx.msk [tilespmem:v31+s16+$0x0 ss:$0x1], $0xffff;
	v38 =	vadd.f32 v57, v38;
	v35 =	vadd.f32 v63, v56;
	v56 =	vmul.f32 v46, v11  }
0x368: {  	v48 =	vld.idx.msk [tilespmem:v33+s16+$0x0 ss:$0x1], $0xffff;
	v57 =	vmul.f32 v58, v10;
	v46 =	vmul.f32 v62, v13;
	v41 =	vadd.f32 v41, v34  }
0x369: {  	v63 =	vmul.f32 v49, v14;
	v36 =	vadd.f32 v53, v36;
	v38 =	vadd.f32 v39, v38  }
0x36a: {  	v58 =	vld.idx.msk [tilespmem:v32+s16+$0x0 ss:$0x1], $0xffff;
	v35 =	vadd.f32 v51, v35;
	v34 =	vadd.f32 v56, v55;
	v39 =	vmul.f32 v52, v13  }
0x36b: {  	s17 =	sor.u32 $0x10, s16;
	v47 =	vmul.f32 v47, v14;
	v37 =	vadd.f32 v59, v57;
	v43 =	vadd.f32 v46, v43  }
0x36c: {  	v53 =	vld.idx.msk [tilespmem:v18+s17+$0x0 ss:$0x1], $0xffff;
	v36 =	vmax.f32 v41, v36;
	v39 =	vadd.f32 v39, v44;
	v34 =	vadd.f32 v63, v34  }
0x36d: {  	v55 =	vld.idx.msk [tilespmem:v19+s17+$0x0 ss:$0x1], $0xffff;
	v37 =	vadd.f32 v47, v37;
	v51 =	vshll.u32 v61, $0x10;
	v52 =	vshll.u32 v48, $0x10  }
0x36e: {  	v57 =	vld.idx.msk [tilespmem:v20+s17+$0x0 ss:$0x1], $0xffff;
	v45 =	vmul.f32 v61, v15;
	v56 =	vmul.f32 v48, v17;
	v35 =	vmax.f32 v38, v35  }
0x36f: {  	v49 =	vshll.u32 v58, $0x10;
	v40 =	vmul.f32 v58, v16;
	v44 =	vmul.f32 v51, v15  }
0x370: {  	v54 =	vmul.f32 v52, v17;
	v58 =	vld.idx.msk [tilespmem:v21+s17+$0x0 ss:$0x1], $0xffff;
	v50 =	vmul.f32 v49, v16;
	v37 =	vadd.f32 v45, v37  }
0x371: {  	v59 =	vshll.u32 v53, $0x10;
	v62 =	vmul.f32 v53, v2;
	v39 =	vadd.f32 v40, v39  }
0x372: {  	v40 =	vld.idx.msk [tilespmem:v22+s17+$0x0 ss:$0x1], $0xffff;
	v60 =	vmul.f32 v59, v2;
	v61 =	vshll.u32 v55, $0x10;
	v63 =	vmul.f32 v55, v3  }
0x373: {  	v52 =	vshll.u32 v57, $0x10;
	v57 =	vmul.f32 v57, v4;
	v59 =	vld.idx.msk [tilespmem:v25+s17+$0x0 ss:$0x1], $0xffff;
	v42 =	vadd.f32 v50, v43  }
0x374: {  	v34 =	vadd.f32 v44, v34;
	v38 =	vmul.f32 v61, v3;
	v55 =	vmul.f32 v52, v4  }
0x375: {  	v61 =	vld.idx.msk [tilespmem:v26+s17+$0x0 ss:$0x1], $0xffff;
	v39 =	vadd.f32 v56, v39;
	v42 =	vadd.f32 v54, v42;
	v53 =	vshll.u32 v58, $0x10  }
0x376: {  	v41 =	vadd.f32 v63, v62;
	v54 =	vld.idx.msk [tilespmem:v24+s17+$0x0 ss:$0x1], $0xffff;
	v43 =	vmul.f32 v58, v5;
	v56 =	vmul.f32 v53, v5  }
0x377: {  	v37 =	vmax.f32 v37, v39;
	v34 =	vmax.f32 v34, v42;
	v58 =	vshll.u32 v40, $0x10  }
0x378: {  	v42 =	vld.idx.msk [tilespmem:v23+s17+$0x0 ss:$0x1], $0xffff;
	v43 =	vadd.f32 v43, v57;
	v40 =	vmul.f32 v40, v6;
	v57 =	vmul.f32 v59, v9  }
0x379: {  	v34 =	vmax.f32 v35, v34;
	v35 =	vadd.f32 v38, v60;
	v38 =	vadd.f32 v56, v55  }
0x37a: {  	v60 =	vmul.f32 v58, v6;
	v55 =	vld.idx.msk [tilespmem:v28+s17+$0x0 ss:$0x1], $0xffff;
	v58 =	vshll.u32 v61, $0x10;
	v61 =	vmul.f32 v61, v10  }
0x37b: {  	v40 =	vadd.f32 v40, v41;
	v51 =	vshll.u32 v54, $0x10;
	v53 =	vmul.f32 v54, v8  }
0x37c: {  	v63 =	vld.idx.msk [tilespmem:v27+s17+$0x0 ss:$0x1], $0xffff;
	v35 =	vadd.f32 v60, v35;
	v54 =	vshll.u32 v59, $0x10;
	v52 =	vmul.f32 v51, v8  }
0x37d: {  	v51 =	vld.idx.msk [tilespmem:v30+s17+$0x0 ss:$0x1], $0xffff;
	v62 =	vshll.u32 v42, $0x10;
	v42 =	vmul.f32 v42, v7;
	v56 =	vadd.f32 v53, v43  }
0x37e: {  	v59 =	vmul.f32 v58, v10;
	v43 =	vld.idx.msk [tilespmem:v29+s17+$0x0 ss:$0x1], $0xffff;
	v50 =	vmul.f32 v62, v7;
	v38 =	vadd.f32 v52, v38  }
0x37f: {  	v47 =	vmul.f32 v55, v12;
	v40 =	vadd.f32 v42, v40;
	v41 =	vadd.f32 v57, v56  }
0x380: {  	v49 =	vld.idx.msk [tilespmem:v31+s17+$0x0 ss:$0x1], $0xffff;
	v56 =	vshll.u32 v55, $0x10;
	v44 =	vadd.f32 v50, v35;
	v35 =	vmul.f32 v54, v9  }
0x381: {  	v62 =	vld.idx.msk [tilespmem:v32+s17+$0x0 ss:$0x1], $0xffff;
	v50 =	vshll.u32 v63, $0x10;
	v63 =	vmul.f32 v63, v11;
	v48 =	vmul.f32 v56, v12  }
0x382: {  	v52 =	vld.idx.msk [tilespmem:v33+s17+$0x0 ss:$0x1], $0xffff;
	v60 =	vmul.f32 v50, v11;
	v53 =	vshll.u32 v51, $0x10;
	v51 =	vmul.f32 v51, v14  }
0x383: {  	v40 =	vmax.f32 v40, v41;
	v38 =	vadd.f32 v35, v38;
	v57 =	vshll.u32 v43, $0x10  }
0x384: {  	s10 =	sor.u32 $0x20, s16;
	v43 =	vmul.f32 v43, v13;
	v35 =	vadd.f32 v63, v61;
	v58 =	vmul.f32 v53, v14  }
0x385: {  	v56 =	vld.idx.msk [tilespmem:v19+s10+$0x0 ss:$0x1], $0xffff;
	v61 =	vshll.u32 v49, $0x10;
	v49 =	vmul.f32 v49, v15;
	v42 =	vadd.f32 v60, v59  }
0x386: {  	v50 =	vmul.f32 v57, v13;
	v59 =	vshll.u32 v62, $0x10;
	v45 =	vmul.f32 v62, v16  }
0x387: {  	v62 =	vshll.u32 v52, $0x10;
	v57 =	vmul.f32 v52, v17;
	v52 =	vld.idx.msk [tilespmem:v20+s10+$0x0 ss:$0x1], $0xffff;
	v43 =	vadd.f32 v43, v47  }
0x388: {  	v46 =	vadd.f32 v51, v35;
	v60 =	vmul.f32 v59, v16;
	v51 =	vld.idx.msk [tilespmem:v18+s10+$0x0 ss:$0x1], $0xffff;
	v47 =	vmul.f32 v61, v15  }
0x389: {  	v63 =	vmul.f32 v62, v17;
	v48 =	vadd.f32 v50, v48;
	v42 =	vadd.f32 v58, v42  }
0x38a: {  	v53 =	vshll.u32 v56, $0x10;
	v55 =	vmul.f32 v56, v3;
	v43 =	vadd.f32 v45, v43  }
0x38b: {  	v39 =	vmul.f32 v53, v3;
	v35 =	vadd.f32 v60, v48;
	v58 =	vadd.f32 v47, v42;
	v47 =	vld.idx.msk [tilespmem:v21+s10+$0x0 ss:$0x1], $0xffff  }
0x38c: {  	v60 =	vmax.f32 v44, v38;
	v42 =	vld.idx.msk [tilespmem:v22+s10+$0x0 ss:$0x1], $0xffff;
	v43 =	vadd.f32 v57, v43;
	v56 =	vshll.u32 v52, $0x10  }
0x38d: {  	v44 =	vld.idx.msk [tilespmem:v23+s10+$0x0 ss:$0x1], $0xffff;
	v59 =	vadd.f32 v63, v35;
	v62 =	vshll.u32 v51, $0x10;
	v54 =	vmul.f32 v51, v2  }
0x38e: {  	v35 =	vmax.f32 v36, v37;
	v37 =	vadd.f32 v49, v46;
	v63 =	vmul.f32 v62, v2  }
0x38f: {  	v61 =	vmax.f32 v58, v59;
	v59 =	vmul.f32 v56, v4;
	v41 =	vadd.f32 v55, v54  }
0x390: {  	v46 =	vld.idx.msk [tilespmem:v26+s10+$0x0 ss:$0x1], $0xffff;
	v37 =	vmax.f32 v37, v43;
	v36 =	vmax.f32 v60, v61;
	v57 =	vshll.u32 v47, $0x10  }
0x391: {  	v58 =	vld.idx.msk [tilespmem:v24+s10+$0x0 ss:$0x1], $0xffff;
	v38 =	vadd.f32 v39, v63;
	v61 =	vmul.f32 v52, v4;
	v47 =	vmul.f32 v47, v5  }
0x392: {  	v50 =	vld.idx.msk [tilespmem:v27+s10+$0x0 ss:$0x1], $0xffff;
	v62 =	vshll.u32 v42, $0x10;
	v42 =	vmul.f32 v42, v6;
	v54 =	vshll.u32 v44, $0x10  }
0x393: {  	v63 =	vld.idx.msk [tilespmem:v25+s10+$0x0 ss:$0x1], $0xffff;
	v44 =	vmul.f32 v44, v7;
	v37 =	vmax.f32 v40, v37;
	v53 =	vmul.f32 v62, v6  }
0x394: {  	v60 =	vmul.f32 v57, v5;
	v55 =	vmul.f32 v54, v7;
	v47 =	vadd.f32 v47, v61  }
0x395: {  	v41 =	vadd.f32 v42, v41;
	v62 =	vshll.u32 v46, $0x10;
	v38 =	vadd.f32 v53, v38  }
0x396: {  	v49 =	vld.idx.msk [tilespmem:v28+s10+$0x0 ss:$0x1], $0xffff;
	v39 =	vadd.f32 v60, v59;
	v56 =	vshll.u32 v58, $0x10;
	v58 =	vmul.f32 v58, v8  }
0x397: {  	v53 =	vld.idx.msk [tilespmem:v30+s10+$0x0 ss:$0x1], $0xffff;
	v41 =	vadd.f32 v44, v41;
	v57 =	vmul.f32 v56, v8;
	v38 =	vadd.f32 v55, v38  }
0x398: {  	v59 =	vshll.u32 v63, $0x10;
	v61 =	vmul.f32 v63, v9;
	v63 =	vshll.u32 v50, $0x10  }
0x399: {  	v51 =	vld.idx.msk [tilespmem:v31+s10+$0x0 ss:$0x1], $0xffff;
	v56 =	vmul.f32 v62, v10;
	v60 =	vadd.f32 v58, v47;
	v45 =	vmul.f32 v59, v9  }
0x39a: {  	v47 =	vld.idx.msk [tilespmem:v29+s10+$0x0 ss:$0x1], $0xffff;
	v58 =	vmul.f32 v46, v10;
	v39 =	vadd.f32 v57, v39;
	v57 =	vmul.f32 v63, v11  }
0x39b: {  	v59 =	vld.idx.msk [tilespmem:v32+s10+$0x0 ss:$0x1], $0xffff;
	v42 =	vadd.f32 v61, v60;
	v60 =	vmul.f32 v50, v11;
	v61 =	vshll.u32 v49, $0x10  }
0x39c: {  	v54 =	vld.idx.msk [tilespmem:v33+s10+$0x0 ss:$0x1], $0xffff;
	v49 =	vmul.f32 v49, v12;
	v55 =	vshll.u32 v53, $0x10;
	v53 =	vmul.f32 v53, v14  }
0x39d: {  	v39 =	vadd.f32 v45, v39;
	v44 =	vadd.f32 v57, v56;
	v50 =	vmul.f32 v61, v12  }
0x39e: {  	s11 =	sor.u32 $0x30, s16;
	v63 =	vmul.f32 v55, v14;
	v45 =	vadd.f32 v60, v58;
	v58 =	vshll.u32 v51, $0x10  }
0x39f: {  	v61 =	vld.idx.msk [tilespmem:v19+s11+$0x0 ss:$0x1], $0xffff;
	v51 =	vmul.f32 v51, v15;
	v62 =	vshll.u32 v47, $0x10;
	v47 =	vmul.f32 v47, v13  }
0x3a0: {  	v56 =	vshll.u32 v59, $0x10;
	v44 =	vadd.f32 v63, v44;
	v46 =	vmul.f32 v59, v16  }
0x3a1: {  	v59 =	vshll.u32 v54, $0x10;
	v52 =	vmul.f32 v62, v13;
	v45 =	vadd.f32 v53, v45;
	v53 =	vld.idx.msk [tilespmem:v18+s11+$0x0 ss:$0x1], $0xffff  }
0x3a2: {  	v57 =	vmul.f32 v56, v16;
	v62 =	vmul.f32 v54, v17;
	v54 =	vld.idx.msk [tilespmem:v20+s11+$0x0 ss:$0x1], $0xffff;
	v47 =	vadd.f32 v47, v49  }
0x3a3: {  	v60 =	vmul.f32 v59, v17;
	v49 =	vmul.f32 v58, v15;
	v50 =	vadd.f32 v52, v50  }
0x3a4: {  	v40 =	vadd.f32 v51, v45;
	v59 =	vshll.u32 v61, $0x10;
	v52 =	vld.idx.msk [tilespmem:v23+s11+$0x0 ss:$0x1], $0xffff;
	v46 =	vadd.f32 v46, v47  }
0x3a5: {  	v61 =	vmul.f32 v61, v3;
	v63 =	vadd.f32 v49, v44;
	v49 =	vld.idx.msk [tilespmem:v24+s11+$0x0 ss:$0x1], $0xffff;
	v48 =	vadd.f32 v57, v50  }
0x3a6: {  	v43 =	vmul.f32 v59, v3;
	v50 =	vld.idx.msk [tilespmem:v26+s11+$0x0 ss:$0x1], $0xffff;
	v45 =	vadd.f32 v62, v46;
	v57 =	vshll.u32 v53, $0x10  }
0x3a7: {  	v46 =	vld.idx.msk [tilespmem:v22+s11+$0x0 ss:$0x1], $0xffff;
	v44 =	vmul.f32 v53, v2;
	v55 =	vadd.f32 v60, v48;
	v60 =	vshll.u32 v54, $0x10  }
0x3a8: {  	v38 =	vmax.f32 v38, v39;
	v48 =	vld.idx.msk [tilespmem:v21+s11+$0x0 ss:$0x1], $0xffff;
	v58 =	vmul.f32 v57, v2;
	v47 =	vmul.f32 v60, v4  }
0x3a9: {  	v44 =	vadd.f32 v61, v44;
	v61 =	vshll.u32 v52, $0x10;
	v52 =	vmul.f32 v52, v7  }
0x3aa: {  	v56 =	vmax.f32 v63, v55;
	v63 =	vmul.f32 v54, v4;
	v39 =	vadd.f32 v43, v58  }
0x3ab: {  	v55 =	vld.idx.msk [tilespmem:v25+s11+$0x0 ss:$0x1], $0xffff;
	v60 =	vshll.u32 v49, $0x10;
	v49 =	vmul.f32 v49, v8;
	v38 =	vmax.f32 v38, v56  }
0x3ac: {  	v57 =	vshll.u32 v46, $0x10;
	v46 =	vmul.f32 v46, v6;
	[tilespmem:v1+s10+$0x280 ss:$0x1] =	vst.idx.msk $0xffff, v38;
	v38 =	vmul.f32 v50, v10  }
0x3ad: {  	v53 =	vld.idx.msk [tilespmem:v29+s11+$0x0 ss:$0x1], $0xffff;
	v62 =	vshll.u32 v48, $0x10;
	v58 =	vmul.f32 v48, v5;
	v59 =	vmul.f32 v57, v6  }
0x3ae: {  	v41 =	vmax.f32 v41, v42;
	v56 =	vld.idx.msk [tilespmem:v31+s11+$0x0 ss:$0x1], $0xffff;
	v48 =	vmul.f32 v60, v8;
	v51 =	vmul.f32 v62, v5  }
0x3af: {  	v44 =	vadd.f32 v46, v44;
	v46 =	vmul.f32 v61, v7;
	v43 =	vadd.f32 v58, v63;
	v63 =	vld.idx.msk [tilespmem:v28+s11+$0x0 ss:$0x1], $0xffff  }
0x3b0: {  	v39 =	vadd.f32 v59, v39;
	v62 =	vshll.u32 v55, $0x10;
	v47 =	vadd.f32 v51, v47;
	v51 =	vld.idx.msk [tilespmem:v27+s11+$0x0 ss:$0x1], $0xffff  }
0x3b1: {  	[tilespmem:v1+s17+$0x280 ss:$0x1] =	vst.idx.msk $0xffff, v36;
	v58 =	vmul.f32 v55, v9;
	v59 =	vshll.u32 v50, $0x10;
	v43 =	vadd.f32 v49, v43  }
0x3b2: {  	v57 =	vmul.f32 v62, v9;
	v44 =	vadd.f32 v52, v44;
	v52 =	vld.idx.msk [tilespmem:v32+s11+$0x0 ss:$0x1], $0xffff;
	v39 =	vadd.f32 v46, v39  }
0x3b3: {  	v62 =	vshll.u32 v53, $0x10;
	v49 =	vld.idx.msk [tilespmem:v30+s11+$0x0 ss:$0x1], $0xffff;
	v47 =	vadd.f32 v48, v47;
	v36 =	vadd.f32 v58, v43  }
0x3b4: {  	v43 =	vmul.f32 v59, v10;
	v58 =	vshll.u32 v56, $0x10;
	v59 =	vmul.f32 v56, v15  }
0x3b5: {  	v61 =	vshll.u32 v63, $0x10;
	v54 =	vmul.f32 v63, v12;
	v50 =	vmul.f32 v51, v11  }
0x3b6: {  	v60 =	vshll.u32 v51, $0x10;
	v48 =	vmul.f32 v61, v12;
	v51 =	vmul.f32 v62, v13  }
0x3b7: {  	v47 =	vadd.f32 v57, v47;
	v62 =	vld.idx.msk [tilespmem:v33+s11+$0x0 ss:$0x1], $0xffff;
	v57 =	vmul.f32 v52, v16;
	v46 =	vmul.f32 v60, v11  }
0x3b8: {  	[tilespmem:v1+s16+$0x280 ss:$0x1] =	vst.idx.msk $0xffff, v34;
	v63 =	vshll.u32 v49, $0x10;
	v60 =	vmul.f32 v53, v13;
	v49 =	vmul.f32 v49, v14  }
0x3b9: {  	v61 =	vmul.f32 v63, v14;
	v38 =	vadd.f32 v50, v38;
	v43 =	vadd.f32 v46, v43  }
0x3ba: {  	[tilespmem:v1+s16+$0x680 ss:$0x1] =	vst.idx.msk $0xffff, v35;
	v48 =	vadd.f32 v51, v48;
	v63 =	vadd.f32 v60, v54;
	v54 =	vshll.u32 v52, $0x10  }
0x3bb: {  	v53 =	vadd.f32 v49, v38;
	v38 =	vmul.f32 v54, v16;
	v43 =	vadd.f32 v61, v43  }
0x3bc: {  	[tilespmem:v1+s16+$0x690 ss:$0x1] =	vst.idx.msk $0xffff, v37;
	v60 =	vadd.f32 v57, v63;
	v61 =	vshll.u32 v62, $0x10;
	v62 =	vmul.f32 v62, v17  }
0x3bd: {  	v35 =	vmul.f32 v58, v15;
	v38 =	vadd.f32 v38, v48;
	v42 =	vmul.f32 v61, v17  }
0x3be: {  	p4 =	por p3, p3;
	v40 =	vmax.f32 v40, v45;
	v34 =	vadd.f32 v59, v53;
	v37 =	vadd.f32 v62, v60  }
.Ltmp15:
0x3bf: {  	v40 =	vmax.f32 v41, v40;
	v35 =	vadd.f32 v35, v43;
	v38 =	vadd.f32 v42, v38;
	(pc) =	sbr.rel @p4 .LBB2_26-.Ltmp15, $4  }
0x3c0: {  	[tilespmem:v1+s16+$0x6A0 ss:$0x1] =	vst.idx.msk $0xffff, v40;
	v36 =	vmax.f32 v44, v36;
	v34 =	vmax.f32 v34, v37  }
0x3c1: {  	v63 =	vmax.f32 v39, v47;
	v35 =	vmax.f32 v35, v38;
	v34 =	vmax.f32 v36, v34  }
0x3c2: {  	v35 =	vmax.f32 v63, v35;
	[tilespmem:v1+s16+$0x6B0 ss:$0x1] =	vst.idx.msk $0xffff, v34  }
0x3c3: {  	p3 =	por $0x0, $0x0;
	s16 =	simm.s32 $0x40;
	[tilespmem:v1+s11+$0x280 ss:$0x1] =	vst.idx.msk $0xffff, v35  }
0x3c4: {  	v2 =	vld [tilespmem:s28+$0xBC18];
	_ =	sdelay $0x4  }
0x3c5: {  	(v2sf) =	vpush v2, $0x0;
	_ =	sdelay $0x3  }
0x3c6: {  	(v2sf) =	vpush v2, $0x1;
	_ =	sdelay $0x3  }
0x3c7: {  	(v2sf) =	vpush v2, $0x2;
	_ =	sdelay $0x3  }
0x3c8: {  	(v2sf) =	vpush v2, $0x3;
	_ =	sdelay $0x2  }
0x3c9: {  	s3 =	spop (v2sf)  }
0x3ca: {  	s8 =	smul.f32 s3, s14  }
0x3cb: {  	s22 =	smul.f32 s3, s2  }
0x3cc: {  	s17 =	smul.f32 s3, s0  }
0x3cd: {  	s6 =	spop (v2sf);
	s3 =	smul.f32 s3, s31  }
0x3ce: {  	s10 =	smul.f32 s6, s14  }
0x3cf: {  	s15 =	smul.f32 s6, s2  }
0x3d0: {  	s18 =	smul.f32 s6, s0  }
0x3d1: {  	s9 =	spop (v2sf);
	s6 =	smul.f32 s6, s31  }
0x3d2: {  	s12 =	smul.f32 s9, s14  }
0x3d3: {  	s16 =	smul.f32 s9, s2  }
0x3d4: {  	s19 =	smul.f32 s9, s0  }
0x3d5: {  	s11 =	spop (v2sf);
	v2 =	vmov s8;
	v6 =	vmov s22;
	s22 =	smul.f32 s9, s31  }
0x3d6: {  	v10 =	vmov s17;
	v14 =	vmov s3;
	s13 =	smul.f32 s11, s14;
	v3 =	vmov s10  }
0x3d7: {  	s17 =	sadd.s32 $0x2C80, s30;
	s23 =	smul.f32 s11, s2;
	v7 =	vmov s15;
	v11 =	vmov s18;
	v15 =	vmov s6  }
0x3d8: {  	s21 =	smul.f32 s11, s0;
	s6 =	sadd.s32 $0x1080, s30;
	v27 =	vmov s17;
	v4 =	vmov s12;
	v8 =	vmov s16  }
0x3d9: {  	s10 =	sadd.s32 $0x1100, s30;
	s14 =	sadd.s32 $0x1F00, s30;
	s15 =	sadd.s32 $0x1F80, s30;
	v12 =	vmov s19;
	v16 =	vmov s22;
	v19 =	vmov s6  }
0x3da: {  	s18 =	sadd.s32 $0x2D00, s30;
	v20 =	vmov s10;
	v24 =	vmov s14;
	v9 =	vmov s23;
	s23 =	smul.f32 s11, s31;
	s31 =	sadd.s32 $0x1000, s30  }
0x3db: {  	s12 =	sadd.s32 $0x1E00, s30;
	v25 =	vmov s15;
	v28 =	vmov s18;
	v18 =	vmov s31  }
0x3dc: {  	s16 =	sadd.s32 $0x2C00, s30;
	s19 =	sadd.s32 $0x2D80, s30;
	s22 =	sadd.s32 $0x3A80, s30;
	v5 =	vmov s13;
	v13 =	vmov s21;
	v22 =	vmov s12  }
0x3dd: {  	s11 =	sadd.s32 $0x1180, s30;
	s13 =	sadd.s32 $0x1E80, s30;
	v26 =	vmov s16;
	v29 =	vmov s19;
	v31 =	vmov s22  }
0x3de: {  	s21 =	sadd.s32 $0x3A00, s30;
	v21 =	vmov s11;
	v23 =	vmov s13;
	s31 =	sadd.s32 $0x3B80, s30;
	v17 =	vmov s23;
	s23 =	sadd.s32 $0x3B00, s30  }
0x3df: {  	p3 =	por $0x1, $0x1;
	s0 =	simm.s32 $0x0;
	v30 =	vmov s21;
	v33 =	vmov s31;
	v32 =	vmov s23  }
.LBB2_28:
0x3e0: {  	v34 =	vld.idx.msk [tilespmem:v18+s0+$0x0 ss:$0x1], $0xffff  }
0x3e1: {  	v35 =	vld.idx.msk [tilespmem:v19+s0+$0x0 ss:$0x1], $0xffff  }
0x3e2: {  	v36 =	vld.idx.msk [tilespmem:v20+s0+$0x0 ss:$0x1], $0xffff  }
0x3e3: {  	v37 =	vld.idx.msk [tilespmem:v21+s0+$0x0 ss:$0x1], $0xffff  }
0x3e4: {  	v39 =	vld.idx.msk [tilespmem:v22+s0+$0x0 ss:$0x1], $0xffff  }
0x3e5: {  	v41 =	vld.idx.msk [tilespmem:v23+s0+$0x0 ss:$0x1], $0xffff  }
0x3e6: {  	v44 =	vld.idx.msk [tilespmem:v24+s0+$0x0 ss:$0x1], $0xffff  }
0x3e7: {  	v50 =	vld.idx.msk [tilespmem:v28+s0+$0x0 ss:$0x1], $0xffff  }
0x3e8: {  	v38 =	vshll.u32 v34, $0x10;
	v40 =	vshll.u32 v35, $0x10;
	v34 =	vmul.f32 v34, v2  }
0x3e9: {  	v45 =	vld.idx.msk [tilespmem:v25+s0+$0x0 ss:$0x1], $0xffff;
	v35 =	vmul.f32 v35, v3;
	v42 =	vshll.u32 v36, $0x10;
	v36 =	vmul.f32 v36, v4  }
0x3ea: {  	v61 =	vld.idx.msk [tilespmem:v27+s0+$0x0 ss:$0x1], $0xffff;
	v43 =	vshll.u32 v37, $0x10;
	v37 =	vmul.f32 v37, v5;
	v59 =	vmul.f32 v39, v6  }
0x3eb: {  	v52 =	vld.idx.msk [tilespmem:v29+s0+$0x0 ss:$0x1], $0xffff;
	v60 =	vshll.u32 v41, $0x10;
	v48 =	vmul.f32 v44, v8;
	v41 =	vmul.f32 v41, v7  }
0x3ec: {  	v47 =	vld.idx.msk [tilespmem:v30+s0+$0x0 ss:$0x1], $0xffff;
	v62 =	vshll.u32 v44, $0x10;
	v44 =	vmul.f32 v50, v12;
	v38 =	vmul.f32 v38, v2  }
0x3ed: {  	v55 =	vshll.u32 v39, $0x10;
	v40 =	vmul.f32 v40, v3;
	v53 =	vmul.f32 v42, v4  }
0x3ee: {  	v58 =	vld.idx.msk [tilespmem:v26+s0+$0x0 ss:$0x1], $0xffff;
	v49 =	vshll.u32 v45, $0x10;
	v54 =	vmul.f32 v43, v5;
	v57 =	vmul.f32 v55, v6  }
0x3ef: {  	v46 =	vshll.u32 v61, $0x10;
	v39 =	vmul.f32 v60, v7;
	v63 =	vmul.f32 v62, v8  }
0x3f0: {  	v51 =	vmul.f32 v49, v9;
	v60 =	vshll.u32 v50, $0x10;
	v62 =	vshll.u32 v52, $0x10  }
0x3f1: {  	v49 =	vshll.u32 v47, $0x10;
	v34 =	vadd.f32 v35, v34;
	v36 =	vadd.f32 v37, v36  }
0x3f2: {  	v43 =	vmul.f32 v60, v12;
	v38 =	vadd.f32 v40, v38;
	v56 =	vadd.f32 v54, v53  }
0x3f3: {  	v53 =	vmul.f32 v45, v9;
	v54 =	vshll.u32 v58, $0x10;
	v34 =	vadd.f32 v59, v34  }
0x3f4: {  	v36 =	vadd.f32 v48, v36;
	v55 =	vmul.f32 v54, v10;
	v59 =	vmul.f32 v61, v11  }
0x3f5: {  	v61 =	vld.idx.msk [tilespmem:v31+s0+$0x0 ss:$0x1], $0xffff;
	v38 =	vadd.f32 v57, v38;
	v35 =	vadd.f32 v63, v56;
	v56 =	vmul.f32 v46, v11  }
0x3f6: {  	v48 =	vld.idx.msk [tilespmem:v33+s0+$0x0 ss:$0x1], $0xffff;
	v57 =	vmul.f32 v58, v10;
	v46 =	vmul.f32 v62, v13;
	v41 =	vadd.f32 v41, v34  }
0x3f7: {  	v63 =	vmul.f32 v49, v14;
	v36 =	vadd.f32 v53, v36;
	v38 =	vadd.f32 v39, v38  }
0x3f8: {  	v58 =	vld.idx.msk [tilespmem:v32+s0+$0x0 ss:$0x1], $0xffff;
	v35 =	vadd.f32 v51, v35;
	v34 =	vadd.f32 v56, v55;
	v39 =	vmul.f32 v52, v13  }
0x3f9: {  	s2 =	sor.u32 $0x10, s0;
	v47 =	vmul.f32 v47, v14;
	v37 =	vadd.f32 v59, v57;
	v43 =	vadd.f32 v46, v43  }
0x3fa: {  	v53 =	vld.idx.msk [tilespmem:v18+s2+$0x0 ss:$0x1], $0xffff;
	v36 =	vmax.f32 v41, v36;
	v39 =	vadd.f32 v39, v44;
	v34 =	vadd.f32 v63, v34  }
0x3fb: {  	v55 =	vld.idx.msk [tilespmem:v19+s2+$0x0 ss:$0x1], $0xffff;
	v37 =	vadd.f32 v47, v37;
	v51 =	vshll.u32 v61, $0x10;
	v52 =	vshll.u32 v48, $0x10  }
0x3fc: {  	v57 =	vld.idx.msk [tilespmem:v20+s2+$0x0 ss:$0x1], $0xffff;
	v45 =	vmul.f32 v61, v15;
	v56 =	vmul.f32 v48, v17;
	v35 =	vmax.f32 v38, v35  }
0x3fd: {  	v49 =	vshll.u32 v58, $0x10;
	v40 =	vmul.f32 v58, v16;
	v44 =	vmul.f32 v51, v15  }
0x3fe: {  	v54 =	vmul.f32 v52, v17;
	v58 =	vld.idx.msk [tilespmem:v21+s2+$0x0 ss:$0x1], $0xffff;
	v50 =	vmul.f32 v49, v16;
	v37 =	vadd.f32 v45, v37  }
0x3ff: {  	v59 =	vshll.u32 v53, $0x10;
	v62 =	vmul.f32 v53, v2;
	v39 =	vadd.f32 v40, v39  }
0x400: {  	v40 =	vld.idx.msk [tilespmem:v22+s2+$0x0 ss:$0x1], $0xffff;
	v60 =	vmul.f32 v59, v2;
	v61 =	vshll.u32 v55, $0x10;
	v63 =	vmul.f32 v55, v3  }
0x401: {  	v52 =	vshll.u32 v57, $0x10;
	v57 =	vmul.f32 v57, v4;
	v59 =	vld.idx.msk [tilespmem:v25+s2+$0x0 ss:$0x1], $0xffff;
	v42 =	vadd.f32 v50, v43  }
0x402: {  	v34 =	vadd.f32 v44, v34;
	v38 =	vmul.f32 v61, v3;
	v55 =	vmul.f32 v52, v4  }
0x403: {  	v61 =	vld.idx.msk [tilespmem:v26+s2+$0x0 ss:$0x1], $0xffff;
	v39 =	vadd.f32 v56, v39;
	v42 =	vadd.f32 v54, v42;
	v53 =	vshll.u32 v58, $0x10  }
0x404: {  	v41 =	vadd.f32 v63, v62;
	v54 =	vld.idx.msk [tilespmem:v24+s2+$0x0 ss:$0x1], $0xffff;
	v43 =	vmul.f32 v58, v5;
	v56 =	vmul.f32 v53, v5  }
0x405: {  	v37 =	vmax.f32 v37, v39;
	v34 =	vmax.f32 v34, v42;
	v58 =	vshll.u32 v40, $0x10  }
0x406: {  	v42 =	vld.idx.msk [tilespmem:v23+s2+$0x0 ss:$0x1], $0xffff;
	v43 =	vadd.f32 v43, v57;
	v40 =	vmul.f32 v40, v6;
	v57 =	vmul.f32 v59, v9  }
0x407: {  	v34 =	vmax.f32 v35, v34;
	v35 =	vadd.f32 v38, v60;
	v38 =	vadd.f32 v56, v55  }
0x408: {  	v60 =	vmul.f32 v58, v6;
	v55 =	vld.idx.msk [tilespmem:v28+s2+$0x0 ss:$0x1], $0xffff;
	v58 =	vshll.u32 v61, $0x10;
	v61 =	vmul.f32 v61, v10  }
0x409: {  	v40 =	vadd.f32 v40, v41;
	v51 =	vshll.u32 v54, $0x10;
	v53 =	vmul.f32 v54, v8  }
0x40a: {  	v63 =	vld.idx.msk [tilespmem:v27+s2+$0x0 ss:$0x1], $0xffff;
	v35 =	vadd.f32 v60, v35;
	v54 =	vshll.u32 v59, $0x10;
	v52 =	vmul.f32 v51, v8  }
0x40b: {  	v51 =	vld.idx.msk [tilespmem:v30+s2+$0x0 ss:$0x1], $0xffff;
	v62 =	vshll.u32 v42, $0x10;
	v42 =	vmul.f32 v42, v7;
	v56 =	vadd.f32 v53, v43  }
0x40c: {  	v59 =	vmul.f32 v58, v10;
	v43 =	vld.idx.msk [tilespmem:v29+s2+$0x0 ss:$0x1], $0xffff;
	v50 =	vmul.f32 v62, v7;
	v38 =	vadd.f32 v52, v38  }
0x40d: {  	v47 =	vmul.f32 v55, v12;
	v40 =	vadd.f32 v42, v40;
	v41 =	vadd.f32 v57, v56  }
0x40e: {  	v49 =	vld.idx.msk [tilespmem:v31+s2+$0x0 ss:$0x1], $0xffff;
	v56 =	vshll.u32 v55, $0x10;
	v44 =	vadd.f32 v50, v35;
	v35 =	vmul.f32 v54, v9  }
0x40f: {  	v62 =	vld.idx.msk [tilespmem:v32+s2+$0x0 ss:$0x1], $0xffff;
	v50 =	vshll.u32 v63, $0x10;
	v63 =	vmul.f32 v63, v11;
	v48 =	vmul.f32 v56, v12  }
0x410: {  	v52 =	vld.idx.msk [tilespmem:v33+s2+$0x0 ss:$0x1], $0xffff;
	v60 =	vmul.f32 v50, v11;
	v53 =	vshll.u32 v51, $0x10;
	v51 =	vmul.f32 v51, v14  }
0x411: {  	v40 =	vmax.f32 v40, v41;
	v38 =	vadd.f32 v35, v38;
	v57 =	vshll.u32 v43, $0x10  }
0x412: {  	s10 =	sor.u32 $0x20, s0;
	v43 =	vmul.f32 v43, v13;
	v35 =	vadd.f32 v63, v61;
	v58 =	vmul.f32 v53, v14  }
0x413: {  	v56 =	vld.idx.msk [tilespmem:v19+s10+$0x0 ss:$0x1], $0xffff;
	v61 =	vshll.u32 v49, $0x10;
	v49 =	vmul.f32 v49, v15;
	v42 =	vadd.f32 v60, v59  }
0x414: {  	v50 =	vmul.f32 v57, v13;
	v59 =	vshll.u32 v62, $0x10;
	v45 =	vmul.f32 v62, v16  }
0x415: {  	v62 =	vshll.u32 v52, $0x10;
	v57 =	vmul.f32 v52, v17;
	v52 =	vld.idx.msk [tilespmem:v20+s10+$0x0 ss:$0x1], $0xffff;
	v43 =	vadd.f32 v43, v47  }
0x416: {  	v46 =	vadd.f32 v51, v35;
	v60 =	vmul.f32 v59, v16;
	v51 =	vld.idx.msk [tilespmem:v18+s10+$0x0 ss:$0x1], $0xffff;
	v47 =	vmul.f32 v61, v15  }
0x417: {  	v63 =	vmul.f32 v62, v17;
	v48 =	vadd.f32 v50, v48;
	v42 =	vadd.f32 v58, v42  }
0x418: {  	v53 =	vshll.u32 v56, $0x10;
	v55 =	vmul.f32 v56, v3;
	v43 =	vadd.f32 v45, v43  }
0x419: {  	v39 =	vmul.f32 v53, v3;
	v35 =	vadd.f32 v60, v48;
	v58 =	vadd.f32 v47, v42;
	v47 =	vld.idx.msk [tilespmem:v21+s10+$0x0 ss:$0x1], $0xffff  }
0x41a: {  	v60 =	vmax.f32 v44, v38;
	v42 =	vld.idx.msk [tilespmem:v22+s10+$0x0 ss:$0x1], $0xffff;
	v43 =	vadd.f32 v57, v43;
	v56 =	vshll.u32 v52, $0x10  }
0x41b: {  	v44 =	vld.idx.msk [tilespmem:v23+s10+$0x0 ss:$0x1], $0xffff;
	v59 =	vadd.f32 v63, v35;
	v62 =	vshll.u32 v51, $0x10;
	v54 =	vmul.f32 v51, v2  }
0x41c: {  	v35 =	vmax.f32 v36, v37;
	v37 =	vadd.f32 v49, v46;
	v63 =	vmul.f32 v62, v2  }
0x41d: {  	v61 =	vmax.f32 v58, v59;
	v59 =	vmul.f32 v56, v4;
	v41 =	vadd.f32 v55, v54  }
0x41e: {  	v46 =	vld.idx.msk [tilespmem:v26+s10+$0x0 ss:$0x1], $0xffff;
	v37 =	vmax.f32 v37, v43;
	v36 =	vmax.f32 v60, v61;
	v57 =	vshll.u32 v47, $0x10  }
0x41f: {  	v58 =	vld.idx.msk [tilespmem:v24+s10+$0x0 ss:$0x1], $0xffff;
	v38 =	vadd.f32 v39, v63;
	v61 =	vmul.f32 v52, v4;
	v47 =	vmul.f32 v47, v5  }
0x420: {  	v50 =	vld.idx.msk [tilespmem:v27+s10+$0x0 ss:$0x1], $0xffff;
	v62 =	vshll.u32 v42, $0x10;
	v42 =	vmul.f32 v42, v6;
	v54 =	vshll.u32 v44, $0x10  }
0x421: {  	v63 =	vld.idx.msk [tilespmem:v25+s10+$0x0 ss:$0x1], $0xffff;
	v44 =	vmul.f32 v44, v7;
	v37 =	vmax.f32 v40, v37;
	v53 =	vmul.f32 v62, v6  }
0x422: {  	v60 =	vmul.f32 v57, v5;
	v55 =	vmul.f32 v54, v7;
	v47 =	vadd.f32 v47, v61  }
0x423: {  	v41 =	vadd.f32 v42, v41;
	v62 =	vshll.u32 v46, $0x10;
	v38 =	vadd.f32 v53, v38  }
0x424: {  	v49 =	vld.idx.msk [tilespmem:v28+s10+$0x0 ss:$0x1], $0xffff;
	v39 =	vadd.f32 v60, v59;
	v56 =	vshll.u32 v58, $0x10;
	v58 =	vmul.f32 v58, v8  }
0x425: {  	v53 =	vld.idx.msk [tilespmem:v30+s10+$0x0 ss:$0x1], $0xffff;
	v41 =	vadd.f32 v44, v41;
	v57 =	vmul.f32 v56, v8;
	v38 =	vadd.f32 v55, v38  }
0x426: {  	v59 =	vshll.u32 v63, $0x10;
	v61 =	vmul.f32 v63, v9;
	v63 =	vshll.u32 v50, $0x10  }
0x427: {  	v51 =	vld.idx.msk [tilespmem:v31+s10+$0x0 ss:$0x1], $0xffff;
	v56 =	vmul.f32 v62, v10;
	v60 =	vadd.f32 v58, v47;
	v45 =	vmul.f32 v59, v9  }
0x428: {  	v47 =	vld.idx.msk [tilespmem:v29+s10+$0x0 ss:$0x1], $0xffff;
	v58 =	vmul.f32 v46, v10;
	v39 =	vadd.f32 v57, v39;
	v57 =	vmul.f32 v63, v11  }
0x429: {  	v59 =	vld.idx.msk [tilespmem:v32+s10+$0x0 ss:$0x1], $0xffff;
	v42 =	vadd.f32 v61, v60;
	v60 =	vmul.f32 v50, v11;
	v61 =	vshll.u32 v49, $0x10  }
0x42a: {  	v54 =	vld.idx.msk [tilespmem:v33+s10+$0x0 ss:$0x1], $0xffff;
	v49 =	vmul.f32 v49, v12;
	v55 =	vshll.u32 v53, $0x10;
	v53 =	vmul.f32 v53, v14  }
0x42b: {  	v39 =	vadd.f32 v45, v39;
	v44 =	vadd.f32 v57, v56;
	v50 =	vmul.f32 v61, v12  }
0x42c: {  	s11 =	sor.u32 $0x30, s0;
	v63 =	vmul.f32 v55, v14;
	v45 =	vadd.f32 v60, v58;
	v58 =	vshll.u32 v51, $0x10  }
0x42d: {  	v61 =	vld.idx.msk [tilespmem:v19+s11+$0x0 ss:$0x1], $0xffff;
	v51 =	vmul.f32 v51, v15;
	v62 =	vshll.u32 v47, $0x10;
	v47 =	vmul.f32 v47, v13  }
0x42e: {  	v56 =	vshll.u32 v59, $0x10;
	v44 =	vadd.f32 v63, v44;
	v46 =	vmul.f32 v59, v16  }
0x42f: {  	v59 =	vshll.u32 v54, $0x10;
	v52 =	vmul.f32 v62, v13;
	v45 =	vadd.f32 v53, v45;
	v53 =	vld.idx.msk [tilespmem:v18+s11+$0x0 ss:$0x1], $0xffff  }
0x430: {  	v57 =	vmul.f32 v56, v16;
	v62 =	vmul.f32 v54, v17;
	v54 =	vld.idx.msk [tilespmem:v20+s11+$0x0 ss:$0x1], $0xffff;
	v47 =	vadd.f32 v47, v49  }
0x431: {  	v60 =	vmul.f32 v59, v17;
	v49 =	vmul.f32 v58, v15;
	v50 =	vadd.f32 v52, v50  }
0x432: {  	v40 =	vadd.f32 v51, v45;
	v59 =	vshll.u32 v61, $0x10;
	v52 =	vld.idx.msk [tilespmem:v23+s11+$0x0 ss:$0x1], $0xffff;
	v46 =	vadd.f32 v46, v47  }
0x433: {  	v61 =	vmul.f32 v61, v3;
	v63 =	vadd.f32 v49, v44;
	v49 =	vld.idx.msk [tilespmem:v24+s11+$0x0 ss:$0x1], $0xffff;
	v48 =	vadd.f32 v57, v50  }
0x434: {  	v43 =	vmul.f32 v59, v3;
	v50 =	vld.idx.msk [tilespmem:v26+s11+$0x0 ss:$0x1], $0xffff;
	v45 =	vadd.f32 v62, v46;
	v57 =	vshll.u32 v53, $0x10  }
0x435: {  	v46 =	vld.idx.msk [tilespmem:v22+s11+$0x0 ss:$0x1], $0xffff;
	v44 =	vmul.f32 v53, v2;
	v55 =	vadd.f32 v60, v48;
	v60 =	vshll.u32 v54, $0x10  }
0x436: {  	v38 =	vmax.f32 v38, v39;
	v48 =	vld.idx.msk [tilespmem:v21+s11+$0x0 ss:$0x1], $0xffff;
	v58 =	vmul.f32 v57, v2;
	v47 =	vmul.f32 v60, v4  }
0x437: {  	v44 =	vadd.f32 v61, v44;
	v61 =	vshll.u32 v52, $0x10;
	v52 =	vmul.f32 v52, v7  }
0x438: {  	v56 =	vmax.f32 v63, v55;
	v63 =	vmul.f32 v54, v4;
	v39 =	vadd.f32 v43, v58  }
0x439: {  	v55 =	vld.idx.msk [tilespmem:v25+s11+$0x0 ss:$0x1], $0xffff;
	v60 =	vshll.u32 v49, $0x10;
	v49 =	vmul.f32 v49, v8;
	v38 =	vmax.f32 v38, v56  }
0x43a: {  	v57 =	vshll.u32 v46, $0x10;
	v46 =	vmul.f32 v46, v6;
	[tilespmem:v1+s10+$0x300 ss:$0x1] =	vst.idx.msk $0xffff, v38;
	v38 =	vmul.f32 v50, v10  }
0x43b: {  	v53 =	vld.idx.msk [tilespmem:v29+s11+$0x0 ss:$0x1], $0xffff;
	v62 =	vshll.u32 v48, $0x10;
	v58 =	vmul.f32 v48, v5;
	v59 =	vmul.f32 v57, v6  }
0x43c: {  	v41 =	vmax.f32 v41, v42;
	v56 =	vld.idx.msk [tilespmem:v31+s11+$0x0 ss:$0x1], $0xffff;
	v48 =	vmul.f32 v60, v8;
	v51 =	vmul.f32 v62, v5  }
0x43d: {  	v44 =	vadd.f32 v46, v44;
	v46 =	vmul.f32 v61, v7;
	v43 =	vadd.f32 v58, v63;
	v63 =	vld.idx.msk [tilespmem:v28+s11+$0x0 ss:$0x1], $0xffff  }
0x43e: {  	v39 =	vadd.f32 v59, v39;
	v62 =	vshll.u32 v55, $0x10;
	v47 =	vadd.f32 v51, v47;
	v51 =	vld.idx.msk [tilespmem:v27+s11+$0x0 ss:$0x1], $0xffff  }
0x43f: {  	[tilespmem:v1+s2+$0x300 ss:$0x1] =	vst.idx.msk $0xffff, v36;
	v58 =	vmul.f32 v55, v9;
	v59 =	vshll.u32 v50, $0x10;
	v43 =	vadd.f32 v49, v43  }
0x440: {  	v57 =	vmul.f32 v62, v9;
	v44 =	vadd.f32 v52, v44;
	v52 =	vld.idx.msk [tilespmem:v32+s11+$0x0 ss:$0x1], $0xffff;
	v39 =	vadd.f32 v46, v39  }
0x441: {  	v62 =	vshll.u32 v53, $0x10;
	v49 =	vld.idx.msk [tilespmem:v30+s11+$0x0 ss:$0x1], $0xffff;
	v47 =	vadd.f32 v48, v47;
	v36 =	vadd.f32 v58, v43  }
0x442: {  	v43 =	vmul.f32 v59, v10;
	v58 =	vshll.u32 v56, $0x10;
	v59 =	vmul.f32 v56, v15  }
0x443: {  	v61 =	vshll.u32 v63, $0x10;
	v54 =	vmul.f32 v63, v12;
	v50 =	vmul.f32 v51, v11  }
0x444: {  	v60 =	vshll.u32 v51, $0x10;
	v48 =	vmul.f32 v61, v12;
	v51 =	vmul.f32 v62, v13  }
0x445: {  	v47 =	vadd.f32 v57, v47;
	v62 =	vld.idx.msk [tilespmem:v33+s11+$0x0 ss:$0x1], $0xffff;
	v57 =	vmul.f32 v52, v16;
	v46 =	vmul.f32 v60, v11  }
0x446: {  	[tilespmem:v1+s0+$0x300 ss:$0x1] =	vst.idx.msk $0xffff, v34;
	v63 =	vshll.u32 v49, $0x10;
	v60 =	vmul.f32 v53, v13;
	v49 =	vmul.f32 v49, v14  }
0x447: {  	v61 =	vmul.f32 v63, v14;
	v38 =	vadd.f32 v50, v38;
	v43 =	vadd.f32 v46, v43  }
0x448: {  	[tilespmem:v1+s0+$0x700 ss:$0x1] =	vst.idx.msk $0xffff, v35;
	v48 =	vadd.f32 v51, v48;
	v63 =	vadd.f32 v60, v54;
	v54 =	vshll.u32 v52, $0x10  }
0x449: {  	v53 =	vadd.f32 v49, v38;
	v38 =	vmul.f32 v54, v16;
	v43 =	vadd.f32 v61, v43  }
0x44a: {  	[tilespmem:v1+s0+$0x710 ss:$0x1] =	vst.idx.msk $0xffff, v37;
	v60 =	vadd.f32 v57, v63;
	v61 =	vshll.u32 v62, $0x10;
	v62 =	vmul.f32 v62, v17  }
0x44b: {  	v35 =	vmul.f32 v58, v15;
	v38 =	vadd.f32 v38, v48;
	v42 =	vmul.f32 v61, v17  }
0x44c: {  	p4 =	por p3, p3;
	v40 =	vmax.f32 v40, v45;
	v34 =	vadd.f32 v59, v53;
	v37 =	vadd.f32 v62, v60  }
.Ltmp16:
0x44d: {  	v40 =	vmax.f32 v41, v40;
	v35 =	vadd.f32 v35, v43;
	v38 =	vadd.f32 v42, v38;
	(pc) =	sbr.rel @p4 .LBB2_28-.Ltmp16, $4  }
0x44e: {  	[tilespmem:v1+s0+$0x720 ss:$0x1] =	vst.idx.msk $0xffff, v40;
	v36 =	vmax.f32 v44, v36;
	v34 =	vmax.f32 v34, v37  }
0x44f: {  	v63 =	vmax.f32 v39, v47;
	v35 =	vmax.f32 v35, v38;
	v34 =	vmax.f32 v36, v34  }
0x450: {  	v35 =	vmax.f32 v63, v35;
	[tilespmem:v1+s0+$0x730 ss:$0x1] =	vst.idx.msk $0xffff, v34  }
0x451: {  	p3 =	por $0x0, $0x0;
	s0 =	simm.s32 $0x40;
	[tilespmem:v1+s11+$0x300 ss:$0x1] =	vst.idx.msk $0xffff, v35  }
0x452: {  	s29 =	sadd.s32 $0x1, s29  }
0x453: {  	p3 =	sne.s32 s29, $0x7  }
.Ltmp17:
0x454: {  	_ = 	snop;
	(pc) =	sbr.rel @p3 .LBB2_15-.Ltmp17, $1  }
0x455: {  	_ =	sdelay $0x3  }
0x456: {  	s24 =	sadd.s32 $0x1, s24  }
0x457: {  	s0 =	smul.u32 $0x700, s25;
	p0 =	sne.s32 s24, $0x20  }
.Ltmp18:
0x458: {  	_ = 	snop;
	(pc) =	sbr.rel @p0 .LBB2_2-.Ltmp18, $4  }
.Ltmp19:
0x459: {  	_ = 	snop;
	(pc) =	sbr.rel @!p0 .LBB2_31-.Ltmp19, $4  }
0x45a: {  	s2 =	rddreg [dreg:$0x5]  }
0x45b: {  	s8 =	simm.s32 $0x0;
	s31 =	simm.s32 $0x7400;
	s0 =	sadd.s32 s2, s0  }
0x45c: {  	[hbm4b:s0+s8] =	stream.linear.scatter [tilespmem:s31], [sflag:$0x2], $0x3800, $0x38;
	[tilespmem:$0xCC80] =	vst v63  }
0x45d: {  	_ = 	snop  }
.LBB2_6:
.Ltmp20:
0x45e: {  	(pc) =	sbr.rel .LBB2_14-.Ltmp20, $2  }
0x45f: {  	_ =	sdelay $0x2  }
0x460: {  	p1 =	por $0x0, $0x0;
	p2 =	por $0x0, $0x0  }
.LBB2_9:
.Ltmp21:
0x461: {  	(pc) =	sbr.rel .LBB2_14-.Ltmp21, $2  }
0x462: {  	_ =	sdelay $0x2  }
0x463: {  	p1 =	por $0x0, $0x0;
	p2 =	por $0x0, $0x0  }
.LBB2_32:
0x464: {  	_ =	sfence.sel $0x180000  }
0x465: {  	[bflag:$0x0] =	sbarrier.arrive $0xFFFF  }
0x466: {  	_ =	strace $0x90000047  }
0x467: {  	s0 =	stileid.u32;
	[bflag:$0x2] =	sbarrier.arrive $0xFFFF  }
0x468: {  	p0 =	sne.s32 s0, $0x0;
	s0 =	rddreg [dreg:$0x2]  }
0x469: {  	s0 =	sadd.s32 @!p0 $0x100000, s0  }
0x46a: {  	[sflag:s0] =	ssyncadd.tile.s32 @!p0 $0x1;
	_ =	shalt  }
.Lfunc_end2:
_tile_overlayer_lowered:
.L_overlay_start_2:
0x46b: {  	(tag) =	ssettag $0x2  }
0x46c: {  	s0 =	rddreg [dreg:$0x0];
	s2 =	stileid.u32  }
0x46d: {  	s1 =	rddreg [dreg:$0x1];
	p0 =	sne.s32 s2, $0x0  }
0x46e: {  	s3 =	rddreg [dreg:$0x2];
	[bflag:$0x3] =	sbarrier.arrive $0xFFFF;
	s2 =	simm.s32 @!p0 $0x1C03  }
0x46f: {  	[timem:s3], [sflag:s2] =	dma.local @!p0 [hbm:s0], s1  }
0x470: {  	s0 =	simm.s32 @!p0 $0x3  }
0x471: {  	_ =	swait.ge @!p0 [sflag:s0], s1  }
0x472: {  	s1 =	ssub.s32 @!p0 $0x0, s1;
	[sflag:s0] =	ssyncset.done @!p0 $0x0  }
0x473: {  	[sflag:s0] =	ssyncadd.s32 @!p0 s1  }
0x474: {  	[bflag:$0x3] =	sbarrier.arrive $0xFFFF  }
0x475: {  	_ =	shalt  }

</sc_bundles>
